<compile_context>
chip_gen: v7x
topology: tpu7x:2x2x1
jax: 0.10.2.dev20260603
libtpu: 0.0.44.dev20260713+nightly
codegen_flags: <defaults>
</compile_context>

<pallas_src>
import functools
import jax
import jax.numpy as jnp
from jax import lax
from jax.experimental import pallas as pl
from jax.experimental.pallas import tpu as pltpu
from jax.experimental.pallas import tpu_sc as plsc

N_NODES = 10000
N_EDGES = 320000
D = 128

NC = 2
NS = 16
NW = NC * NS
L = 16

EPW = N_EDGES // NW
K2_CH = 80
NPW = 320
NPAD = NW * NPW
K4_CE = 4000
UNR = 1
IDN = 128
GB = IDN - UNR * L
TRASH = NPW

_mesh = plsc.VectorSubcoreMesh(core_axis_name="c", subcore_axis_name="s")
_sc_params = pltpu.CompilerParams(needs_layout_passes=False)



def _k1_body(x_ref, wd_ref, wb_ref, b1_ref, a_ref, b_ref):
    xa = x_ref[...]
    a_ref[...] = (jnp.dot(xa, wd_ref[...], preferred_element_type=jnp.float32)
                  + b1_ref[...])
    b_ref[...] = jnp.dot(xa, wb_ref[...], preferred_element_type=jnp.float32)


def _k1(x, Wd, Wb, b1row):
    grid = 10
    blk = N_NODES // grid
    return pl.pallas_call(
        _k1_body,
        grid=(grid,),
        in_specs=[
            pl.BlockSpec((blk, D), lambda i: (i, 0)),
            pl.BlockSpec((D, D), lambda i: (0, 0)),
            pl.BlockSpec((D, D), lambda i: (0, 0)),
            pl.BlockSpec((1, D), lambda i: (0, 0)),
        ],
        out_specs=[
            pl.BlockSpec((blk, D), lambda i: (i, 0)),
            pl.BlockSpec((blk, D), lambda i: (i, 0)),
        ],
        out_shape=[
            jax.ShapeDtypeStruct((N_NODES, D), jnp.float32),
            jax.ShapeDtypeStruct((N_NODES, D), jnp.float32),
        ],
    )(x, Wd, Wb, b1row)



@functools.partial(
    pl.kernel,
    out_type=jax.ShapeDtypeStruct((N_EDGES, D), jnp.float32),
    mesh=_mesh,
    compiler_params=_sc_params,
    scratch_types=[
        pltpu.VMEM((EPW,), jnp.int32),
        pltpu.VMEM((EPW,), jnp.int32),
        pltpu.VMEM((K2_CH, D), jnp.float32),
        pltpu.VMEM((K2_CH, D), jnp.float32),
        pltpu.VMEM((K2_CH, D), jnp.float32),
        pltpu.VMEM((K2_CH, D), jnp.float32),
        pltpu.SemaphoreType.DMA,
        pltpu.SemaphoreType.DMA,
        pltpu.SemaphoreType.DMA,
        pltpu.SemaphoreType.DMA,
    ],
)
def _k2(a_hbm, b_hbm, dst_hbm, src_hbm, out_hbm, dsti, srci,
        ga0, gb0, ga1, gb1, sa0, sb0, sa1, sb1):
    wid = lax.axis_index("s") * NC + lax.axis_index("c")
    base = wid * EPW
    pltpu.sync_copy(dst_hbm.at[pl.ds(base, EPW)], dsti)
    pltpu.sync_copy(src_hbm.at[pl.ds(base, EPW)], srci)

    def add_and_store(ga, gb, ci):
        def addrow(r, c2):
            for j in range(D // L):
                sl = pl.ds(j * L, L)
                ga[r, sl] = ga[r, sl] + gb[r, sl]
            return c2

        lax.fori_loop(0, K2_CH, addrow, 0)
        pltpu.sync_copy(ga, out_hbm.at[pl.ds(base + ci * K2_CH, K2_CH)])

    def pair(c2, carry):
        ci0 = c2 * 2
        ci1 = ci0 + 1
        ca0 = pltpu.async_copy(
            a_hbm.at[dsti.at[pl.ds(ci0 * K2_CH, K2_CH)]], ga0, sa0)
        cb0 = pltpu.async_copy(
            b_hbm.at[srci.at[pl.ds(ci0 * K2_CH, K2_CH)]], gb0, sb0)
        ca1 = pltpu.async_copy(
            a_hbm.at[dsti.at[pl.ds(ci1 * K2_CH, K2_CH)]], ga1, sa1)
        cb1 = pltpu.async_copy(
            b_hbm.at[srci.at[pl.ds(ci1 * K2_CH, K2_CH)]], gb1, sb1)
        ca0.wait()
        cb0.wait()
        add_and_store(ga0, gb0, ci0)
        ca1.wait()
        cb1.wait()
        add_and_store(ga1, gb1, ci1)
        return carry

    NCH = EPW // K2_CH
    lax.fori_loop(0, NCH // 2, pair, 0)
    ci_t = NCH - 1
    ca = pltpu.async_copy(
        a_hbm.at[dsti.at[pl.ds(ci_t * K2_CH, K2_CH)]], ga0, sa0)
    cb = pltpu.async_copy(
        b_hbm.at[srci.at[pl.ds(ci_t * K2_CH, K2_CH)]], gb0, sb0)
    ca.wait()
    cb.wait()
    add_and_store(ga0, gb0, ci_t)



def _k3_body(h_ref, w2t_ref, b2_ref, o_ref):
    h = h_ref[...]
    h = h * jnp.tanh(jax.nn.softplus(h))
    o_ref[...] = (jnp.dot(h, w2t_ref[...], preferred_element_type=jnp.float32)
                  + b2_ref[...])


def _k3(h1, W2t, b2row):
    grid = 100
    blk = N_EDGES // grid
    return pl.pallas_call(
        _k3_body,
        grid=(grid,),
        in_specs=[
            pl.BlockSpec((blk, D), lambda i: (i, 0)),
            pl.BlockSpec((D, D), lambda i: (0, 0)),
            pl.BlockSpec((1, D), lambda i: (0, 0)),
        ],
        out_specs=pl.BlockSpec((blk, D), lambda i: (i, 0)),
        out_shape=jax.ShapeDtypeStruct((N_EDGES, D), jnp.float32),
    )(h1, W2t, b2row)



@functools.partial(
    pl.kernel,
    out_type=jax.ShapeDtypeStruct((NPAD, D), jnp.float32),
    mesh=_mesh,
    compiler_params=_sc_params,
    scratch_types=[
        pltpu.VMEM((K4_CE,), jnp.int32),
        pltpu.VMEM((IDN,), jnp.int32),
        pltpu.VMEM((IDN,), jnp.int32),
        pltpu.VMEM((IDN, D), jnp.float32),
        pltpu.VMEM((NPW + 8, D), jnp.float32),
        pltpu.SemaphoreType.DMA,
    ],
)
def _k4(h2_hbm, dst_hbm, out_hbm, dstbuf, idbuf, ldbuf, rows, acc, sem):
    wid = lax.axis_index("s") * NC + lax.axis_index("c")
    lo = wid * NPW
    neg = jnp.full((L,), -jnp.inf, dtype=jnp.float32)
    trash_v = jnp.full((L,), TRASH, dtype=jnp.int32)
    iota = lax.iota(jnp.int32, L)
    ones = jnp.full((L,), 1, jnp.int32)
    zeros = jnp.zeros((L,), jnp.int32)
    npw_v = jnp.full((L,), NPW, jnp.int32)
    lov = jnp.full((L,), lo, jnp.int32)

    def initacc(r, c):
        for j in range(D // L):
            acc[r, pl.ds(j * L, L)] = neg
        return c

    lax.fori_loop(0, NPW + 8, initacc, 0)
    for k in range(IDN // L):
        idbuf[pl.ds(k * L, L)] = zeros
        ldbuf[pl.ds(k * L, L)] = trash_v

    def flush():
        pltpu.async_copy(h2_hbm.at[idbuf], rows, sem).wait()

        def maxgroup(g, c):
            base = g * L
            ldv = ldbuf[pl.ds(base, L)]
            for lane in range(L):
                ld = ldv[lane]
                for j in range(D // L):
                    sl = pl.ds(j * L, L)
                    acc[ld, sl] = jnp.maximum(acc[ld, sl],
                                              rows[base + lane, sl])
            return c

        lax.fori_loop(0, IDN // L, maxgroup, 0)

    def chunk(ci, off):
        pltpu.sync_copy(dst_hbm.at[pl.ds(ci * K4_CE, K4_CE)], dstbuf)

        def step(i, off2):
            offu = off2
            for u in range(UNR):
                vbase = (i * UNR + u) * L
                dv = dstbuf[pl.ds(vbase, L)]
                ld = dv - lov
                m = (ld >= zeros) & (ld < npw_v)
                mi = jnp.where(m, ones, zeros)
                cs = plsc.cumsum(mi)
                pos = cs + jnp.full((L,), offu - 1, jnp.int32)
                eid = jnp.full((L,), ci * K4_CE + vbase, jnp.int32) + iota
                plsc.store_scatter(idbuf, [pos], eid, mask=m)
                plsc.store_scatter(ldbuf, [pos], ld, mask=m)
                offu = offu + cs[L - 1]
            do_flush = offu >= GB

            @pl.when(do_flush)
            def _():
                flush()

            return jnp.where(do_flush, 0, offu)

        return lax.fori_loop(0, K4_CE // (UNR * L), step, off)

    off = lax.fori_loop(0, N_EDGES // K4_CE, chunk, jnp.int32(0))

    @pl.when(off > 0)
    def _():
        flush()

    pltpu.sync_copy(acc.at[pl.ds(0, NPW)], out_hbm.at[pl.ds(lo, NPW)])



def _k5_body(agg_ref, g_ref, b_ref, o_ref):
    a = agg_ref[...]
    rows = lax.broadcasted_iota(jnp.int32, (NPAD, 1), 0)
    valid = rows < N_NODES
    a = jnp.where(jnp.isfinite(a), a, 0.0)
    a = jnp.where(valid, a, 0.0)
    inv_n = 1.0 / N_NODES
    mean = jnp.sum(a, axis=0, keepdims=True) * inv_n
    d = jnp.where(valid, a - mean, 0.0)
    var = jnp.sum(d * d, axis=0, keepdims=True) * inv_n
    scale = g_ref[...] * lax.rsqrt(var + 1e-5)
    o_ref[...] = (a[0:N_NODES] - mean) * scale + b_ref[...]


def _k5(aggp, grow, brow):
    return pl.pallas_call(
        _k5_body,
        out_shape=jax.ShapeDtypeStruct((N_NODES, D), jnp.float32),
    )(aggp, grow, brow)



@jax.jit
def kernel(x, edge_index, edge_attr, W1, b1, W2, b2, gamma, beta):
    W1a = W1[:, :D]
    W1b = W1[:, D:]
    Wd = (W1a - W1b).T
    Wb = W1b.T
    src = edge_index[0]
    dst = edge_index[1]
    A, B = _k1(x, Wd, Wb, b1[None, :])
    h1 = _k2(A, B, dst, src)
    h2 = _k3(h1, W2.T, b2[None, :])
    aggp = _k4(h2, dst)
    out = _k5(aggp, gamma[None, :], beta[None, :])
    return (out, edge_index, edge_attr)

# --- scband reference (transcript-rebuilt; emitter-appended) ---
"""Pipeline reference for scband-net-2327872274909 (READ-ONLY COPY).

The authoritative reference and input builder live on the scoring server;
editing this copy changes nothing except your own understanding.
"""

import jax, jax.numpy as jnp
import numpy as np

N_NODES = 10000
N_EDGES = 320000
D_IN = 128
D_OUT = 128
D_EDGE = 4


def mish(x):
    return x * jnp.tanh(jax.nn.softplus(x))


def setup_inputs(seed: int = 0) -> dict:
    key = jax.random.key(seed)
    ks = jax.random.split(key, 10)
    x = jax.random.normal(ks[0], (N_NODES, D_IN), dtype=jnp.float32)
    edge_index = jax.random.randint(ks[1], (2, N_EDGES), 0, N_NODES, dtype=jnp.int64 if jax.config.read('jax_enable_x64') else jnp.int32).astype(jnp.int32)
    edge_attr = jax.random.normal(ks[2], (N_EDGES, D_EDGE), dtype=jnp.float32)
    # EdgeConv MLP: Linear(2*in_c, out_c) -> Mish -> Linear(out_c, out_c)
    s1 = 1.0 / np.sqrt(2 * D_IN)
    s2 = 1.0 / np.sqrt(D_OUT)
    W1 = jax.random.uniform(ks[3], (D_OUT, 2 * D_IN), minval=-s1, maxval=s1, dtype=jnp.float32)
    b1 = jax.random.uniform(ks[4], (D_OUT,), minval=-s1, maxval=s1, dtype=jnp.float32)
    W2 = jax.random.uniform(ks[5], (D_OUT, D_OUT), minval=-s2, maxval=s2, dtype=jnp.float32)
    b2 = jax.random.uniform(ks[6], (D_OUT,), minval=-s2, maxval=s2, dtype=jnp.float32)
    gamma = jnp.ones((D_OUT,), dtype=jnp.float32)
    beta = jnp.zeros((D_OUT,), dtype=jnp.float32)
    return {"x": x, "edge_index": edge_index, "edge_attr": edge_attr,
            "W1": W1, "b1": b1, "W2": W2, "b2": b2,
            "gamma": gamma, "beta": beta}


def reference(x, edge_index, edge_attr, W1, b1, W2, b2, gamma, beta):
    # Net(model='edgeconv') == myNNConv layer: EdgeConv(mlp) + BatchNorm1d (training stats).
    # EdgeConv message: mlp(cat([x_i, x_j - x_i])), aggregation: max over incoming edges.
    src = edge_index[0]
    dst = edge_index[1]
    x_dst = jnp.take(x, dst, axis=0)          # gather x_i  [E, D_IN]
    x_src = jnp.take(x, src, axis=0)          # gather x_j  [E, D_IN]
    h = jnp.concatenate([x_dst, x_src - x_dst], axis=-1)  # [E, 2*D_IN]
    h = h @ W1.T + b1
    h = mish(h)
    h = h @ W2.T + b2                          # [E, D_OUT]
    agg = jax.ops.segment_max(h, dst, num_segments=N_NODES)  # scatter-max
    agg = jnp.where(jnp.isfinite(agg), agg, 0.0)  # empty segments -> 0
    # BatchNorm1d over nodes (training-mode batch statistics)
    mean = jnp.mean(agg, axis=0)
    var = jnp.var(agg, axis=0)
    out = gamma * (agg - mean) * jax.lax.rsqrt(var + 1e-5) + beta
    return (out, edge_index, edge_attr)

if __name__ == "__main__":
    import jax
    _d = setup_inputs()
    print(jax.jit(kernel)(*tuple(_d.values())))

</pallas_src>

<mosaic_0001>
#map = affine_map<(d0, d1) -> (0, 0)>
#map1 = affine_map<(d0, d1) -> (0)>
module attributes {stable_mosaic.version = 14 : i64} {
  func.func @_k4(%arg0: i32, %arg1: i32, %arg2: memref<320000x128xf32, #tpu.memory_space<hbm>>, %arg3: memref<320000xi32, #tpu.memory_space<hbm>>, %arg4: memref<10240x128xf32, #tpu.memory_space<hbm>>, %arg5: memref<4000xi32, #tpu.memory_space<vmem>>, %arg6: memref<128xi32, #tpu.memory_space<vmem>>, %arg7: memref<128xi32, #tpu.memory_space<vmem>>, %arg8: memref<128x128xf32, #tpu.memory_space<vmem>>, %arg9: memref<328x128xf32, #tpu.memory_space<vmem>>, %arg10: memref<!tpu.dma_semaphore, #tpu.memory_space<semaphore_mem>>) attributes {dimension_semantics = [#tpu.dimension_semantics<core_parallel>, #tpu.dimension_semantics<subcore_parallel>], iteration_bounds = array<i64: 2, 16>, scalar_prefetch = 0 : i64, scratch_operands = 6 : i64, tpu.core_type = #tpu.core_type<sc_vector_subcore>, window_params = [{transform_indices = #map}, {transform_indices = #map1}, {transform_indices = #map}]} {
    %mul3A = arith.constant 2 : i32
    %mul3A_0 = arith.muli %arg1, %mul3A : i32
    %add3A = arith.addi %mul3A_0, %arg0 : i32
    %mul3A_1 = arith.constant 320 : i32
    %mul3A_2 = arith.muli %add3A, %mul3A_1 : i32
    %broadcast_in_dim3A = arith.constant 0xFF800000 : f32
    %broadcast_in_dim3A_3 = vector.broadcast %broadcast_in_dim3A : f32 to vector<16xf32>
    %broadcast_in_dim3A_4 = arith.constant 320 : i32
    %broadcast_in_dim3A_5 = vector.broadcast %broadcast_in_dim3A_4 : i32 to vector<16xi32>
    %iota3A = tpu.iota {dimensions = array<i32: 0>} : vector<16xi32>
    %broadcast_in_dim3A_6 = arith.constant 1 : i32
    %broadcast_in_dim3A_7 = vector.broadcast %broadcast_in_dim3A_6 : i32 to vector<16xi32>
    %broadcast_in_dim3A_8 = arith.constant 0 : i32
    %broadcast_in_dim3A_9 = vector.broadcast %broadcast_in_dim3A_8 : i32 to vector<16xi32>
    %broadcast_in_dim3A_10 = arith.constant 320 : i32
    %broadcast_in_dim3A_11 = vector.broadcast %broadcast_in_dim3A_10 : i32 to vector<16xi32>
    %broadcast_in_dim3A_12 = vector.broadcast %mul3A_2 : i32 to vector<16xi32>
    %scan3A = arith.constant 0 : i32
    %scan3A_13 = arith.constant 0 : i32
    %scan3A_14 = arith.constant 328 : i32
    %scan3A_15 = arith.addi %scan3A_13, %scan3A_14 : i32
    %scan3A_16 = arith.constant 1 : i32
    scf.for %scan3A_58 = %scan3A_13 to %scan3A_15 step %scan3A_16  : i32 {
      %swap3A_59 = arith.index_cast %scan3A_58 : i32 to index
      %swap3A_60 = arith.constant 0 : index
      %swap3A_61 = tpu.vector_load %arg9[%swap3A_59, %swap3A_60] {strides = array<i32>} : memref<328x128xf32, #tpu.memory_space<vmem>>, vector<16xf32>,
      tpu.vector_store %arg9[%swap3A_59, %swap3A_60], %broadcast_in_dim3A_3 {strides = array<i32>} : memref<328x128xf32, #tpu.memory_space<vmem>>, vector<16xf32>,
      %swap3A_62 = arith.index_cast %scan3A_58 : i32 to index
      %swap3A_63 = arith.constant 16 : index
      %swap3A_64 = tpu.vector_load %arg9[%swap3A_62, %swap3A_63] {strides = array<i32>} : memref<328x128xf32, #tpu.memory_space<vmem>>, vector<16xf32>,
      tpu.vector_store %arg9[%swap3A_62, %swap3A_63], %broadcast_in_dim3A_3 {strides = array<i32>} : memref<328x128xf32, #tpu.memory_space<vmem>>, vector<16xf32>,
      %swap3A_65 = arith.index_cast %scan3A_58 : i32 to index
      %swap3A_66 = arith.constant 32 : index
      %swap3A_67 = tpu.vector_load %arg9[%swap3A_65, %swap3A_66] {strides = array<i32>} : memref<328x128xf32, #tpu.memory_space<vmem>>, vector<16xf32>,
      tpu.vector_store %arg9[%swap3A_65, %swap3A_66], %broadcast_in_dim3A_3 {strides = array<i32>} : memref<328x128xf32, #tpu.memory_space<vmem>>, vector<16xf32>,
      %swap3A_68 = arith.index_cast %scan3A_58 : i32 to index
      %swap3A_69 = arith.constant 48 : index
      %swap3A_70 = tpu.vector_load %arg9[%swap3A_68, %swap3A_69] {strides = array<i32>} : memref<328x128xf32, #tpu.memory_space<vmem>>, vector<16xf32>,
      tpu.vector_store %arg9[%swap3A_68, %swap3A_69], %broadcast_in_dim3A_3 {strides = array<i32>} : memref<328x128xf32, #tpu.memory_space<vmem>>, vector<16xf32>,
      %swap3A_71 = arith.index_cast %scan3A_58 : i32 to index
      %swap3A_72 = arith.constant 64 : index
      %swap3A_73 = tpu.vector_load %arg9[%swap3A_71, %swap3A_72] {strides = array<i32>} : memref<328x128xf32, #tpu.memory_space<vmem>>, vector<16xf32>,
      tpu.vector_store %arg9[%swap3A_71, %swap3A_72], %broadcast_in_dim3A_3 {strides = array<i32>} : memref<328x128xf32, #tpu.memory_space<vmem>>, vector<16xf32>,
      %swap3A_74 = arith.index_cast %scan3A_58 : i32 to index
      %swap3A_75 = arith.constant 80 : index
      %swap3A_76 = tpu.vector_load %arg9[%swap3A_74, %swap3A_75] {strides = array<i32>} : memref<328x128xf32, #tpu.memory_space<vmem>>, vector<16xf32>,
      tpu.vector_store %arg9[%swap3A_74, %swap3A_75], %broadcast_in_dim3A_3 {strides = array<i32>} : memref<328x128xf32, #tpu.memory_space<vmem>>, vector<16xf32>,
      %swap3A_77 = arith.index_cast %scan3A_58 : i32 to index
      %swap3A_78 = arith.constant 96 : index
      %swap3A_79 = tpu.vector_load %arg9[%swap3A_77, %swap3A_78] {strides = array<i32>} : memref<328x128xf32, #tpu.memory_space<vmem>>, vector<16xf32>,
      tpu.vector_store %arg9[%swap3A_77, %swap3A_78], %broadcast_in_dim3A_3 {strides = array<i32>} : memref<328x128xf32, #tpu.memory_space<vmem>>, vector<16xf32>,
      %swap3A_80 = arith.index_cast %scan3A_58 : i32 to index
      %swap3A_81 = arith.constant 112 : index
      %swap3A_82 = tpu.vector_load %arg9[%swap3A_80, %swap3A_81] {strides = array<i32>} : memref<328x128xf32, #tpu.memory_space<vmem>>, vector<16xf32>,
      tpu.vector_store %arg9[%swap3A_80, %swap3A_81], %broadcast_in_dim3A_3 {strides = array<i32>} : memref<328x128xf32, #tpu.memory_space<vmem>>, vector<16xf32>,
    }
    %scan3A_17 = arith.constant 328 : i32
    %swap3A = arith.constant 0 : index
    %swap3A_18 = tpu.vector_load %arg6[%swap3A] {strides = array<i32>} : memref<128xi32, #tpu.memory_space<vmem>>, vector<16xi32>,
    tpu.vector_store %arg6[%swap3A], %broadcast_in_dim3A_9 {strides = array<i32>} : memref<128xi32, #tpu.memory_space<vmem>>, vector<16xi32>,
    %swap3A_19 = arith.constant 0 : index
    %swap3A_20 = tpu.vector_load %arg7[%swap3A_19] {strides = array<i32>} : memref<128xi32, #tpu.memory_space<vmem>>, vector<16xi32>,
    tpu.vector_store %arg7[%swap3A_19], %broadcast_in_dim3A_5 {strides = array<i32>} : memref<128xi32, #tpu.memory_space<vmem>>, vector<16xi32>,
    %swap3A_21 = arith.constant 16 : index
    %swap3A_22 = tpu.vector_load %arg6[%swap3A_21] {strides = array<i32>} : memref<128xi32, #tpu.memory_space<vmem>>, vector<16xi32>,
    tpu.vector_store %arg6[%swap3A_21], %broadcast_in_dim3A_9 {strides = array<i32>} : memref<128xi32, #tpu.memory_space<vmem>>, vector<16xi32>,
    %swap3A_23 = arith.constant 16 : index
    %swap3A_24 = tpu.vector_load %arg7[%swap3A_23] {strides = array<i32>} : memref<128xi32, #tpu.memory_space<vmem>>, vector<16xi32>,
    tpu.vector_store %arg7[%swap3A_23], %broadcast_in_dim3A_5 {strides = array<i32>} : memref<128xi32, #tpu.memory_space<vmem>>, vector<16xi32>,
    %swap3A_25 = arith.constant 32 : index
    %swap3A_26 = tpu.vector_load %arg6[%swap3A_25] {strides = array<i32>} : memref<128xi32, #tpu.memory_space<vmem>>, vector<16xi32>,
    tpu.vector_store %arg6[%swap3A_25], %broadcast_in_dim3A_9 {strides = array<i32>} : memref<128xi32, #tpu.memory_space<vmem>>, vector<16xi32>,
    %swap3A_27 = arith.constant 32 : index
    %swap3A_28 = tpu.vector_load %arg7[%swap3A_27] {strides = array<i32>} : memref<128xi32, #tpu.memory_space<vmem>>, vector<16xi32>,
    tpu.vector_store %arg7[%swap3A_27], %broadcast_in_dim3A_5 {strides = array<i32>} : memref<128xi32, #tpu.memory_space<vmem>>, vector<16xi32>,
    %swap3A_29 = arith.constant 48 : index
    %swap3A_30 = tpu.vector_load %arg6[%swap3A_29] {strides = array<i32>} : memref<128xi32, #tpu.memory_space<vmem>>, vector<16xi32>,
    tpu.vector_store %arg6[%swap3A_29], %broadcast_in_dim3A_9 {strides = array<i32>} : memref<128xi32, #tpu.memory_space<vmem>>, vector<16xi32>,
    %swap3A_31 = arith.constant 48 : index
    %swap3A_32 = tpu.vector_load %arg7[%swap3A_31] {strides = array<i32>} : memref<128xi32, #tpu.memory_space<vmem>>, vector<16xi32>,
    tpu.vector_store %arg7[%swap3A_31], %broadcast_in_dim3A_5 {strides = array<i32>} : memref<128xi32, #tpu.memory_space<vmem>>, vector<16xi32>,
    %swap3A_33 = arith.constant 64 : index
    %swap3A_34 = tpu.vector_load %arg6[%swap3A_33] {strides = array<i32>} : memref<128xi32, #tpu.memory_space<vmem>>, vector<16xi32>,
    tpu.vector_store %arg6[%swap3A_33], %broadcast_in_dim3A_9 {strides = array<i32>} : memref<128xi32, #tpu.memory_space<vmem>>, vector<16xi32>,
    %swap3A_35 = arith.constant 64 : index
    %swap3A_36 = tpu.vector_load %arg7[%swap3A_35] {strides = array<i32>} : memref<128xi32, #tpu.memory_space<vmem>>, vector<16xi32>,
    tpu.vector_store %arg7[%swap3A_35], %broadcast_in_dim3A_5 {strides = array<i32>} : memref<128xi32, #tpu.memory_space<vmem>>, vector<16xi32>,
    %swap3A_37 = arith.constant 80 : index
    %swap3A_38 = tpu.vector_load %arg6[%swap3A_37] {strides = array<i32>} : memref<128xi32, #tpu.memory_space<vmem>>, vector<16xi32>,
    tpu.vector_store %arg6[%swap3A_37], %broadcast_in_dim3A_9 {strides = array<i32>} : memref<128xi32, #tpu.memory_space<vmem>>, vector<16xi32>,
    %swap3A_39 = arith.constant 80 : index
    %swap3A_40 = tpu.vector_load %arg7[%swap3A_39] {strides = array<i32>} : memref<128xi32, #tpu.memory_space<vmem>>, vector<16xi32>,
    tpu.vector_store %arg7[%swap3A_39], %broadcast_in_dim3A_5 {strides = array<i32>} : memref<128xi32, #tpu.memory_space<vmem>>, vector<16xi32>,
    %swap3A_41 = arith.constant 96 : index
    %swap3A_42 = tpu.vector_load %arg6[%swap3A_41] {strides = array<i32>} : memref<128xi32, #tpu.memory_space<vmem>>, vector<16xi32>,
    tpu.vector_store %arg6[%swap3A_41], %broadcast_in_dim3A_9 {strides = array<i32>} : memref<128xi32, #tpu.memory_space<vmem>>, vector<16xi32>,
    %swap3A_43 = arith.constant 96 : index
    %swap3A_44 = tpu.vector_load %arg7[%swap3A_43] {strides = array<i32>} : memref<128xi32, #tpu.memory_space<vmem>>, vector<16xi32>,
    tpu.vector_store %arg7[%swap3A_43], %broadcast_in_dim3A_5 {strides = array<i32>} : memref<128xi32, #tpu.memory_space<vmem>>, vector<16xi32>,
    %swap3A_45 = arith.constant 112 : index
    %swap3A_46 = tpu.vector_load %arg6[%swap3A_45] {strides = array<i32>} : memref<128xi32, #tpu.memory_space<vmem>>, vector<16xi32>,
    tpu.vector_store %arg6[%swap3A_45], %broadcast_in_dim3A_9 {strides = array<i32>} : memref<128xi32, #tpu.memory_space<vmem>>, vector<16xi32>,
    %swap3A_47 = arith.constant 112 : index
    %swap3A_48 = tpu.vector_load %arg7[%swap3A_47] {strides = array<i32>} : memref<128xi32, #tpu.memory_space<vmem>>, vector<16xi32>,
    tpu.vector_store %arg7[%swap3A_47], %broadcast_in_dim3A_5 {strides = array<i32>} : memref<128xi32, #tpu.memory_space<vmem>>, vector<16xi32>,
    %scan3A_49 = arith.constant 0 : i32
    %scan3A_50 = arith.constant 0 : i32
    %scan3A_51 = arith.constant 80 : i32
    %scan3A_52 = arith.addi %scan3A_50, %scan3A_51 : i32
    %scan3A_53 = arith.constant 1 : i32
    %scan3A_54 = scf.for %scan3A_58 = %scan3A_50 to %scan3A_52 step %scan3A_53 iter_args(%scan3A_59 = %scan3A_49) -> (i32)  : i32 {
      %mul3A_60 = arith.constant 4000 : i32
      %mul3A_61 = arith.muli %scan3A_58, %mul3A_60 : i32
      "tpu.region"() ({
        %run_scoped3A = tpu.sem_alloc : memref<!tpu.dma_semaphore, #tpu.memory_space<semaphore_mem>>
        %dma_start3A = tpu.memref_slice %arg3[%mul3A_61] : memref<320000xi32, #tpu.memory_space<hbm>> -> memref<4000xi32, #tpu.memory_space<hbm>>
        %dma_start3A_68 = tpu.memref_slice %arg3[%mul3A_61] : memref<320000xi32, #tpu.memory_space<hbm>> -> memref<4000xi32, #tpu.memory_space<hbm>>
        tpu.enqueue_dma source(%dma_start3A_68 : memref<4000xi32, #tpu.memory_space<hbm>>) target(%arg5 : memref<4000xi32, #tpu.memory_space<vmem>>) target_semaphore(%run_scoped3A : memref<!tpu.dma_semaphore, #tpu.memory_space<semaphore_mem>>)
        %dma_wait3A = tpu.memref_slice %arg3[%mul3A_61] : memref<320000xi32, #tpu.memory_space<hbm>> -> memref<4000xi32, #tpu.memory_space<hbm>>
        %dma_wait3A_69 = tpu.memref_slice %arg3[%mul3A_61] : memref<320000xi32, #tpu.memory_space<hbm>> -> memref<4000xi32, #tpu.memory_space<hbm>>
        tpu.wait_dma2 semaphore(%run_scoped3A : memref<!tpu.dma_semaphore, #tpu.memory_space<semaphore_mem>>) src(%dma_wait3A_69 : memref<4000xi32, #tpu.memory_space<hbm>>) dst(%arg5 : memref<4000xi32, #tpu.memory_space<vmem>>)
        tpu.yield
      }) : () -> ()
      %scan3A_62 = arith.constant 0 : i32
      %scan3A_63 = arith.constant 250 : i32
      %scan3A_64 = arith.addi %scan3A_62, %scan3A_63 : i32
      %scan3A_65 = arith.constant 1 : i32
      %scan3A_66 = scf.for %scan3A_68 = %scan3A_62 to %scan3A_64 step %scan3A_65 iter_args(%scan3A_69 = %scan3A_59) -> (i32)  : i32 {
        %mul3A_70 = arith.constant 1 : i32
        %mul3A_71 = arith.muli %scan3A_68, %mul3A_70 : i32
        %add3A_72 = arith.constant 0 : i32
        %add3A_73 = arith.addi %mul3A_71, %add3A_72 : i32
        %mul3A_74 = arith.constant 16 : i32
        %mul3A_75 = arith.muli %add3A_73, %mul3A_74 : i32
        %get3A = arith.index_cast %mul3A_75 : i32 to index
        %get3A_76 = tpu.vector_load %arg5[%get3A] {strides = array<i32>} : memref<4000xi32, #tpu.memory_space<vmem>>, vector<16xi32>,
        %sub3A = arith.subi %get3A_76, %broadcast_in_dim3A_12 : vector<16xi32>
        %ge3A = arith.cmpi sge, %sub3A, %broadcast_in_dim3A_9 : vector<16xi32>
        %lt3A = arith.cmpi slt, %sub3A, %broadcast_in_dim3A_11 : vector<16xi32>
        %and3A = arith.andi %ge3A, %lt3A : vector<16xi1>
        %select_n3A = arith.select %and3A, %broadcast_in_dim3A_7, %broadcast_in_dim3A_9 : vector<16xi1>, vector<16xi32>
        %broadcast_in_dim3A_77 = arith.constant true
        %broadcast_in_dim3A_78 = vector.broadcast %broadcast_in_dim3A_77 : i1 to vector<16xi1>
        %masked_cumsum3A = tpu.scan <sum>, %select_n3A masked %broadcast_in_dim3A_78 : vector<16xi32>, vector<16xi1> -> vector<16xi32>
        %sub3A_79 = arith.constant 1 : i32
        %sub3A_80 = arith.subi %scan3A_69, %sub3A_79 : i32
        %broadcast_in_dim3A_81 = vector.broadcast %sub3A_80 : i32 to vector<16xi32>
        %add3A_82 = arith.addi %masked_cumsum3A, %broadcast_in_dim3A_81 : vector<16xi32>
        %mul3A_83 = arith.constant 4000 : i32
        %mul3A_84 = arith.muli %scan3A_58, %mul3A_83 : i32
        %add3A_85 = arith.addi %mul3A_84, %mul3A_75 : i32
        %broadcast_in_dim3A_86 = vector.broadcast %add3A_85 : i32 to vector<16xi32>
        %add3A_87 = arith.addi %broadcast_in_dim3A_86, %iota3A : vector<16xi32>
        tpu.vector_store_idx %arg6[%add3A_82], %add3A_87 masked %and3A : memref<128xi32, #tpu.memory_space<vmem>>[vector<16xi32>], vector<16xi32>, vector<16xi1>
        tpu.vector_store_idx %arg7[%add3A_82], %sub3A masked %and3A : memref<128xi32, #tpu.memory_space<vmem>>[vector<16xi32>], vector<16xi32>, vector<16xi1>
        %slice3A = vector.extract_strided_slice %masked_cumsum3A {offsets = [15], sizes = [1], strides = [1]} : vector<16xi32> to vector<1xi32>
        %squeeze3A = vector.extract %slice3A[0] : i32 from vector<1xi32>
        %add3A_88 = arith.addi %scan3A_69, %squeeze3A : i32
        %ge3A_89 = arith.constant 112 : i32
        %ge3A_90 = arith.cmpi sge, %add3A_88, %ge3A_89 : i32
        %convert_element_type3A_91 = arith.extui %ge3A_90 : i1 to i32
        %cond3A_92 = arith.constant 0 : i32
        %cond3A_93 = arith.cmpi ne, %convert_element_type3A_91, %cond3A_92 : i32
        scf.if %cond3A_93 {
          %dma_start3A = arith.constant 0 : i32
          %dma_start3A_95 = arith.constant 0 : i32
          %dma_start3A_96 = tpu.memref_slice %arg2[%dma_start3A, %dma_start3A_95] : memref<320000x128xf32, #tpu.memory_space<hbm>> -> memref<320000x128xf32, #tpu.memory_space<hbm>>
          tpu.enqueue_indirect_dma source(%dma_start3A_96 : memref<320000x128xf32, #tpu.memory_space<hbm>>) target(%arg8 : memref<128x128xf32, #tpu.memory_space<vmem>>) offsets(%arg6 : memref<128xi32, #tpu.memory_space<vmem>>) semaphore(%arg10 : memref<!tpu.dma_semaphore, #tpu.memory_space<semaphore_mem>>)
          %dma_wait3A = arith.constant 0 : i32
          %dma_wait3A_97 = arith.constant 0 : i32
          %dma_wait3A_98 = tpu.memref_slice %arg2[%dma_wait3A, %dma_wait3A_97] : memref<320000x128xf32, #tpu.memory_space<hbm>> -> memref<320000x128xf32, #tpu.memory_space<hbm>>
          tpu.wait_indirect_dma semaphore(%arg10 : memref<!tpu.dma_semaphore, #tpu.memory_space<semaphore_mem>>) src(%dma_wait3A_98 : memref<320000x128xf32, #tpu.memory_space<hbm>>) dst(%arg8 : memref<128x128xf32, #tpu.memory_space<vmem>>)
          %scan3A_99 = arith.constant 0 : i32
          %scan3A_100 = arith.constant 0 : i32
          %scan3A_101 = arith.constant 8 : i32
          %scan3A_102 = arith.addi %scan3A_100, %scan3A_101 : i32
          %scan3A_103 = arith.constant 1 : i32
          scf.for %scan3A_105 = %scan3A_100 to %scan3A_102 step %scan3A_103  : i32 {
            %mul3A_106 = arith.constant 16 : i32
            %mul3A_107 = arith.muli %scan3A_105, %mul3A_106 : i32
            %get3A_108 = arith.index_cast %mul3A_107 : i32 to index
            %get3A_109 = tpu.vector_load %arg7[%get3A_108] {strides = array<i32>} : memref<128xi32, #tpu.memory_space<vmem>>, vector<16xi32>,
            %slice3A_110 = vector.extract_strided_slice %get3A_109 {offsets = [0], sizes = [1], strides = [1]} : vector<16xi32> to vector<1xi32>
            %squeeze3A_111 = vector.extract %slice3A_110[0] : i32 from vector<1xi32>
            %get3A_112 = arith.index_cast %squeeze3A_111 : i32 to index
            %get3A_113 = arith.constant 0 : index
            %get3A_114 = tpu.vector_load %arg9[%get3A_112, %get3A_113] {strides = array<i32>} : memref<328x128xf32, #tpu.memory_space<vmem>>, vector<16xf32>,
            %add3A_115 = arith.constant 0 : i32
            %add3A_116 = arith.addi %mul3A_107, %add3A_115 : i32
            %get3A_117 = arith.index_cast %add3A_116 : i32 to index
            %get3A_118 = arith.constant 0 : index
            %get3A_119 = tpu.vector_load %arg8[%get3A_117, %get3A_118] {strides = array<i32>} : memref<128x128xf32, #tpu.memory_space<vmem>>, vector<16xf32>,
            %max3A = arith.maximumf %get3A_114, %get3A_119 : vector<16xf32>
            %swap3A_120 = arith.index_cast %squeeze3A_111 : i32 to index
            %swap3A_121 = arith.constant 0 : index
            %swap3A_122 = tpu.vector_load %arg9[%swap3A_120, %swap3A_121] {strides = array<i32>} : memref<328x128xf32, #tpu.memory_space<vmem>>, vector<16xf32>,
            tpu.vector_store %arg9[%swap3A_120, %swap3A_121], %max3A {strides = array<i32>} : memref<328x128xf32, #tpu.memory_space<vmem>>, vector<16xf32>,
            %get3A_123 = arith.index_cast %squeeze3A_111 : i32 to index
            %get3A_124 = arith.constant 16 : index
            %get3A_125 = tpu.vector_load %arg9[%get3A_123, %get3A_124] {strides = array<i32>} : memref<328x128xf32, #tpu.memory_space<vmem>>, vector<16xf32>,
            %add3A_126 = arith.constant 0 : i32
            %add3A_127 = arith.addi %mul3A_107, %add3A_126 : i32
            %get3A_128 = arith.index_cast %add3A_127 : i32 to index
            %get3A_129 = arith.constant 16 : index
            %get3A_130 = tpu.vector_load %arg8[%get3A_128, %get3A_129] {strides = array<i32>} : memref<128x128xf32, #tpu.memory_space<vmem>>, vector<16xf32>,
            %max3A_131 = arith.maximumf %get3A_125, %get3A_130 : vector<16xf32>
            %swap3A_132 = arith.index_cast %squeeze3A_111 : i32 to index
            %swap3A_133 = arith.constant 16 : index
            %swap3A_134 = tpu.vector_load %arg9[%swap3A_132, %swap3A_133] {strides = array<i32>} : memref<328x128xf32, #tpu.memory_space<vmem>>, vector<16xf32>,
            tpu.vector_store %arg9[%swap3A_132, %swap3A_133], %max3A_131 {strides = array<i32>} : memref<328x128xf32, #tpu.memory_space<vmem>>, vector<16xf32>,
            %get3A_135 = arith.index_cast %squeeze3A_111 : i32 to index
            %get3A_136 = arith.constant 32 : index
            %get3A_137 = tpu.vector_load %arg9[%get3A_135, %get3A_136] {strides = array<i32>} : memref<328x128xf32, #tpu.memory_space<vmem>>, vector<16xf32>,
            %add3A_138 = arith.constant 0 : i32
            %add3A_139 = arith.addi %mul3A_107, %add3A_138 : i32
            %get3A_140 = arith.index_cast %add3A_139 : i32 to index
            %get3A_141 = arith.constant 32 : index
            %get3A_142 = tpu.vector_load %arg8[%get3A_140, %get3A_141] {strides = array<i32>} : memref<128x128xf32, #tpu.memory_space<vmem>>, vector<16xf32>,
            %max3A_143 = arith.maximumf %get3A_137, %get3A_142 : vector<16xf32>
            %swap3A_144 = arith.index_cast %squeeze3A_111 : i32 to index
            %swap3A_145 = arith.constant 32 : index
            %swap3A_146 = tpu.vector_load %arg9[%swap3A_144, %swap3A_145] {strides = array<i32>} : memref<328x128xf32, #tpu.memory_space<vmem>>, vector<16xf32>,
            tpu.vector_store %arg9[%swap3A_144, %swap3A_145], %max3A_143 {strides = array<i32>} : memref<328x128xf32, #tpu.memory_space<vmem>>, vector<16xf32>,
            %get3A_147 = arith.index_cast %squeeze3A_111 : i32 to index
            %get3A_148 = arith.constant 48 : index
            %get3A_149 = tpu.vector_load %arg9[%get3A_147, %get3A_148] {strides = array<i32>} : memref<328x128xf32, #tpu.memory_space<vmem>>, vector<16xf32>,
            %add3A_150 = arith.constant 0 : i32
            %add3A_151 = arith.addi %mul3A_107, %add3A_150 : i32
            %get3A_152 = arith.index_cast %add3A_151 : i32 to index
            %get3A_153 = arith.constant 48 : index
            %get3A_154 = tpu.vector_load %arg8[%get3A_152, %get3A_153] {strides = array<i32>} : memref<128x128xf32, #tpu.memory_space<vmem>>, vector<16xf32>,
            %max3A_155 = arith.maximumf %get3A_149, %get3A_154 : vector<16xf32>
            %swap3A_156 = arith.index_cast %squeeze3A_111 : i32 to index
            %swap3A_157 = arith.constant 48 : index
            %swap3A_158 = tpu.vector_load %arg9[%swap3A_156, %swap3A_157] {strides = array<i32>} : memref<328x128xf32, #tpu.memory_space<vmem>>, vector<16xf32>,
            tpu.vector_store %arg9[%swap3A_156, %swap3A_157], %max3A_155 {strides = array<i32>} : memref<328x128xf32, #tpu.memory_space<vmem>>, vector<16xf32>,
            %get3A_159 = arith.index_cast %squeeze3A_111 : i32 to index
            %get3A_160 = arith.constant 64 : index
            %get3A_161 = tpu.vector_load %arg9[%get3A_159, %get3A_160] {strides = array<i32>} : memref<328x128xf32, #tpu.memory_space<vmem>>, vector<16xf32>,
            %add3A_162 = arith.constant 0 : i32
            %add3A_163 = arith.addi %mul3A_107, %add3A_162 : i32
            %get3A_164 = arith.index_cast %add3A_163 : i32 to index
            %get3A_165 = arith.constant 64 : index
            %get3A_166 = tpu.vector_load %arg8[%get3A_164, %get3A_165] {strides = array<i32>} : memref<128x128xf32, #tpu.memory_space<vmem>>, vector<16xf32>,
            %max3A_167 = arith.maximumf %get3A_161, %get3A_166 : vector<16xf32>
            %swap3A_168 = arith.index_cast %squeeze3A_111 : i32 to index
            %swap3A_169 = arith.constant 64 : index
            %swap3A_170 = tpu.vector_load %arg9[%swap3A_168, %swap3A_169] {strides = array<i32>} : memref<328x128xf32, #tpu.memory_space<vmem>>, vector<16xf32>,
            tpu.vector_store %arg9[%swap3A_168, %swap3A_169], %max3A_167 {strides = array<i32>} : memref<328x128xf32, #tpu.memory_space<vmem>>, vector<16xf32>,
            %get3A_171 = arith.index_cast %squeeze3A_111 : i32 to index
            %get3A_172 = arith.constant 80 : index
            %get3A_173 = tpu.vector_load %arg9[%get3A_171, %get3A_172] {strides = array<i32>} : memref<328x128xf32, #tpu.memory_space<vmem>>, vector<16xf32>,
            %add3A_174 = arith.constant 0 : i32
            %add3A_175 = arith.addi %mul3A_107, %add3A_174 : i32
            %get3A_176 = arith.index_cast %add3A_175 : i32 to index
            %get3A_177 = arith.constant 80 : index
            %get3A_178 = tpu.vector_load %arg8[%get3A_176, %get3A_177] {strides = array<i32>} : memref<128x128xf32, #tpu.memory_space<vmem>>, vector<16xf32>,
            %max3A_179 = arith.maximumf %get3A_173, %get3A_178 : vector<16xf32>
            %swap3A_180 = arith.index_cast %squeeze3A_111 : i32 to index
            %swap3A_181 = arith.constant 80 : index
            %swap3A_182 = tpu.vector_load %arg9[%swap3A_180, %swap3A_181] {strides = array<i32>} : memref<328x128xf32, #tpu.memory_space<vmem>>, vector<16xf32>,
            tpu.vector_store %arg9[%swap3A_180, %swap3A_181], %max3A_179 {strides = array<i32>} : memref<328x128xf32, #tpu.memory_space<vmem>>, vector<16xf32>,
            %get3A_183 = arith.index_cast %squeeze3A_111 : i32 to index
            %get3A_184 = arith.constant 96 : index
            %get3A_185 = tpu.vector_load %arg9[%get3A_183, %get3A_184] {strides = array<i32>} : memref<328x128xf32, #tpu.memory_space<vmem>>, vector<16xf32>,
            %add3A_186 = arith.constant 0 : i32
            %add3A_187 = arith.addi %mul3A_107, %add3A_186 : i32
            %get3A_188 = arith.index_cast %add3A_187 : i32 to index
            %get3A_189 = arith.constant 96 : index
            %get3A_190 = tpu.vector_load %arg8[%get3A_188, %get3A_189] {strides = array<i32>} : memref<128x128xf32, #tpu.memory_space<vmem>>, vector<16xf32>,
            %max3A_191 = arith.maximumf %get3A_185, %get3A_190 : vector<16xf32>
            %swap3A_192 = arith.index_cast %squeeze3A_111 : i32 to index
            %swap3A_193 = arith.constant 96 : index
            %swap3A_194 = tpu.vector_load %arg9[%swap3A_192, %swap3A_193] {strides = array<i32>} : memref<328x128xf32, #tpu.memory_space<vmem>>, vector<16xf32>,
            tpu.vector_store %arg9[%swap3A_192, %swap3A_193], %max3A_191 {strides = array<i32>} : memref<328x128xf32, #tpu.memory_space<vmem>>, vector<16xf32>,
            %get3A_195 = arith.index_cast %squeeze3A_111 : i32 to index
            %get3A_196 = arith.constant 112 : index
            %get3A_197 = tpu.vector_load %arg9[%get3A_195, %get3A_196] {strides = array<i32>} : memref<328x128xf32, #tpu.memory_space<vmem>>, vector<16xf32>,
            %add3A_198 = arith.constant 0 : i32
            %add3A_199 = arith.addi %mul3A_107, %add3A_198 : i32
            %get3A_200 = arith.index_cast %add3A_199 : i32 to index
            %get3A_201 = arith.constant 112 : index
            %get3A_202 = tpu.vector_load %arg8[%get3A_200, %get3A_201] {strides = array<i32>} : memref<128x128xf32, #tpu.memory_space<vmem>>, vector<16xf32>,
            %max3A_203 = arith.maximumf %get3A_197, %get3A_202 : vector<16xf32>
            %swap3A_204 = arith.index_cast %squeeze3A_111 : i32 to index
            %swap3A_205 = arith.constant 112 : index
            %swap3A_206 = tpu.vector_load %arg9[%swap3A_204, %swap3A_205] {strides = array<i32>} : memref<328x128xf32, #tpu.memory_space<vmem>>, vector<16xf32>,
            tpu.vector_store %arg9[%swap3A_204, %swap3A_205], %max3A_203 {strides = array<i32>} : memref<328x128xf32, #tpu.memory_space<vmem>>, vector<16xf32>,
            %slice3A_207 = vector.extract_strided_slice %get3A_109 {offsets = [1], sizes = [1], strides = [1]} : vector<16xi32> to vector<1xi32>
            %squeeze3A_208 = vector.extract %slice3A_207[0] : i32 from vector<1xi32>
            %get3A_209 = arith.index_cast %squeeze3A_208 : i32 to index
            %get3A_210 = arith.constant 0 : index
            %get3A_211 = tpu.vector_load %arg9[%get3A_209, %get3A_210] {strides = array<i32>} : memref<328x128xf32, #tpu.memory_space<vmem>>, vector<16xf32>,
            %add3A_212 = arith.constant 1 : i32
            %add3A_213 = arith.addi %mul3A_107, %add3A_212 : i32
            %get3A_214 = arith.index_cast %add3A_213 : i32 to index
            %get3A_215 = arith.constant 0 : index
            %get3A_216 = tpu.vector_load %arg8[%get3A_214, %get3A_215] {strides = array<i32>} : memref<128x128xf32, #tpu.memory_space<vmem>>, vector<16xf32>,
            %max3A_217 = arith.maximumf %get3A_211, %get3A_216 : vector<16xf32>
            %swap3A_218 = arith.index_cast %squeeze3A_208 : i32 to index
            %swap3A_219 = arith.constant 0 : index
            %swap3A_220 = tpu.vector_load %arg9[%swap3A_218, %swap3A_219] {strides = array<i32>} : memref<328x128xf32, #tpu.memory_space<vmem>>, vector<16xf32>,
            tpu.vector_store %arg9[%swap3A_218, %swap3A_219], %max3A_217 {strides = array<i32>} : memref<328x128xf32, #tpu.memory_space<vmem>>, vector<16xf32>,
            %get3A_221 = arith.index_cast %squeeze3A_208 : i32 to index
            %get3A_222 = arith.constant 16 : index
            %get3A_223 = tpu.vector_load %arg9[%get3A_221, %get3A_222] {strides = array<i32>} : memref<328x128xf32, #tpu.memory_space<vmem>>, vector<16xf32>,
            %add3A_224 = arith.constant 1 : i32
            %add3A_225 = arith.addi %mul3A_107, %add3A_224 : i32
            %get3A_226 = arith.index_cast %add3A_225 : i32 to index
            %get3A_227 = arith.constant 16 : index
            %get3A_228 = tpu.vector_load %arg8[%get3A_226, %get3A_227] {strides = array<i32>} : memref<128x128xf32, #tpu.memory_space<vmem>>, vector<16xf32>,
            %max3A_229 = arith.maximumf %get3A_223, %get3A_228 : vector<16xf32>
            %swap3A_230 = arith.index_cast %squeeze3A_208 : i32 to index
            %swap3A_231 = arith.constant 16 : index
            %swap3A_232 = tpu.vector_load %arg9[%swap3A_230, %swap3A_231] {strides = array<i32>} : memref<328x128xf32, #tpu.memory_space<vmem>>, vector<16xf32>,
            tpu.vector_store %arg9[%swap3A_230, %swap3A_231], %max3A_229 {strides = array<i32>} : memref<328x128xf32, #tpu.memory_space<vmem>>, vector<16xf32>,
            %get3A_233 = arith.index_cast %squeeze3A_208 : i32 to index
            %get3A_234 = arith.constant 32 : index
            %get3A_235 = tpu.vector_load %arg9[%get3A_233, %get3A_234] {strides = array<i32>} : memref<328x128xf32, #tpu.memory_space<vmem>>, vector<16xf32>,
            %add3A_236 = arith.constant 1 : i32
            %add3A_237 = arith.addi %mul3A_107, %add3A_236 : i32
            %get3A_238 = arith.index_cast %add3A_237 : i32 to index
            %get3A_239 = arith.constant 32 : index
            %get3A_240 = tpu.vector_load %arg8[%get3A_238, %get3A_239] {strides = array<i32>} : memref<128x128xf32, #tpu.memory_space<vmem>>, vector<16xf32>,
            %max3A_241 = arith.maximumf %get3A_235, %get3A_240 : vector<16xf32>
            %swap3A_242 = arith.index_cast %squeeze3A_208 : i32 to index
            %swap3A_243 = arith.constant 32 : index
            %swap3A_244 = tpu.vector_load %arg9[%swap3A_242, %swap3A_243] {strides = array<i32>} : memref<328x128xf32, #tpu.memory_space<vmem>>, vector<16xf32>,
            tpu.vector_store %arg9[%swap3A_242, %swap3A_243], %max3A_241 {strides = array<i32>} : memref<328x128xf32, #tpu.memory_space<vmem>>, vector<16xf32>,
            %get3A_245 = arith.index_cast %squeeze3A_208 : i32 to index
            %get3A_246 = arith.constant 48 : index
            %get3A_247 = tpu.vector_load %arg9[%get3A_245, %get3A_246] {strides = array<i32>} : memref<328x128xf32, #tpu.memory_space<vmem>>, vector<16xf32>,
            %add3A_248 = arith.constant 1 : i32
            %add3A_249 = arith.addi %mul3A_107, %add3A_248 : i32
            %get3A_250 = arith.index_cast %add3A_249 : i32 to index
            %get3A_251 = arith.constant 48 : index
            %get3A_252 = tpu.vector_load %arg8[%get3A_250, %get3A_251] {strides = array<i32>} : memref<128x128xf32, #tpu.memory_space<vmem>>, vector<16xf32>,
            %max3A_253 = arith.maximumf %get3A_247, %get3A_252 : vector<16xf32>
            %swap3A_254 = arith.index_cast %squeeze3A_208 : i32 to index
            %swap3A_255 = arith.constant 48 : index
            %swap3A_256 = tpu.vector_load %arg9[%swap3A_254, %swap3A_255] {strides = array<i32>} : memref<328x128xf32, #tpu.memory_space<vmem>>, vector<16xf32>,
            tpu.vector_store %arg9[%swap3A_254, %swap3A_255], %max3A_253 {strides = array<i32>} : memref<328x128xf32, #tpu.memory_space<vmem>>, vector<16xf32>,
            %get3A_257 = arith.index_cast %squeeze3A_208 : i32 to index
            %get3A_258 = arith.constant 64 : index
            %get3A_259 = tpu.vector_load %arg9[%get3A_257, %get3A_258] {strides = array<i32>} : memref<328x128xf32, #tpu.memory_space<vmem>>, vector<16xf32>,
            %add3A_260 = arith.constant 1 : i32
            %add3A_261 = arith.addi %mul3A_107, %add3A_260 : i32
            %get3A_262 = arith.index_cast %add3A_261 : i32 to index
            %get3A_263 = arith.constant 64 : index
            %get3A_264 = tpu.vector_load %arg8[%get3A_262, %get3A_263] {strides = array<i32>} : memref<128x128xf32, #tpu.memory_space<vmem>>, vector<16xf32>,
            %max3A_265 = arith.maximumf %get3A_259, %get3A_264 : vector<16xf32>
            %swap3A_266 = arith.index_cast %squeeze3A_208 : i32 to index
            %swap3A_267 = arith.constant 64 : index
            %swap3A_268 = tpu.vector_load %arg9[%swap3A_266, %swap3A_267] {strides = array<i32>} : memref<328x128xf32, #tpu.memory_space<vmem>>, vector<16xf32>,
            tpu.vector_store %arg9[%swap3A_266, %swap3A_267], %max3A_265 {strides = array<i32>} : memref<328x128xf32, #tpu.memory_space<vmem>>, vector<16xf32>,
            %get3A_269 = arith.index_cast %squeeze3A_208 : i32 to index
            %get3A_270 = arith.constant 80 : index
            %get3A_271 = tpu.vector_load %arg9[%get3A_269, %get3A_270] {strides = array<i32>} : memref<328x128xf32, #tpu.memory_space<vmem>>, vector<16xf32>,
            %add3A_272 = arith.constant 1 : i32
            %add3A_273 = arith.addi %mul3A_107, %add3A_272 : i32
            %get3A_274 = arith.index_cast %add3A_273 : i32 to index
            %get3A_275 = arith.constant 80 : index
            %get3A_276 = tpu.vector_load %arg8[%get3A_274, %get3A_275] {strides = array<i32>} : memref<128x128xf32, #tpu.memory_space<vmem>>, vector<16xf32>,
            %max3A_277 = arith.maximumf %get3A_271, %get3A_276 : vector<16xf32>
            %swap3A_278 = arith.index_cast %squeeze3A_208 : i32 to index
            %swap3A_279 = arith.constant 80 : index
            %swap3A_280 = tpu.vector_load %arg9[%swap3A_278, %swap3A_279] {strides = array<i32>} : memref<328x128xf32, #tpu.memory_space<vmem>>, vector<16xf32>,
            tpu.vector_store %arg9[%swap3A_278, %swap3A_279], %max3A_277 {strides = array<i32>} : memref<328x128xf32, #tpu.memory_space<vmem>>, vector<16xf32>,
            %get3A_281 = arith.index_cast %squeeze3A_208 : i32 to index
            %get3A_282 = arith.constant 96 : index
            %get3A_283 = tpu.vector_load %arg9[%get3A_281, %get3A_282] {strides = array<i32>} : memref<328x128xf32, #tpu.memory_space<vmem>>, vector<16xf32>,
            %add3A_284 = arith.constant 1 : i32
            %add3A_285 = arith.addi %mul3A_107, %add3A_284 : i32
            %get3A_286 = arith.index_cast %add3A_285 : i32 to index
            %get3A_287 = arith.constant 96 : index
            %get3A_288 = tpu.vector_load %arg8[%get3A_286, %get3A_287] {strides = array<i32>} : memref<128x128xf32, #tpu.memory_space<vmem>>, vector<16xf32>,
            %max3A_289 = arith.maximumf %get3A_283, %get3A_288 : vector<16xf32>
            %swap3A_290 = arith.index_cast %squeeze3A_208 : i32 to index
            %swap3A_291 = arith.constant 96 : index
            %swap3A_292 = tpu.vector_load %arg9[%swap3A_290, %swap3A_291] {strides = array<i32>} : memref<328x128xf32, #tpu.memory_space<vmem>>, vector<16xf32>,
            tpu.vector_store %arg9[%swap3A_290, %swap3A_291], %max3A_289 {strides = array<i32>} : memref<328x128xf32, #tpu.memory_space<vmem>>, vector<16xf32>,
            %get3A_293 = arith.index_cast %squeeze3A_208 : i32 to index
            %get3A_294 = arith.constant 112 : index
            %get3A_295 = tpu.vector_load %arg9[%get3A_293, %get3A_294] {strides = array<i32>} : memref<328x128xf32, #tpu.memory_space<vmem>>, vector<16xf32>,
            %add3A_296 = arith.constant 1 : i32
            %add3A_297 = arith.addi %mul3A_107, %add3A_296 : i32
            %get3A_298 = arith.index_cast %add3A_297 : i32 to index
            %get3A_299 = arith.constant 112 : index
            %get3A_300 = tpu.vector_load %arg8[%get3A_298, %get3A_299] {strides = array<i32>} : memref<128x128xf32, #tpu.memory_space<vmem>>, vector<16xf32>,
            %max3A_301 = arith.maximumf %get3A_295, %get3A_300 : vector<16xf32>
            %swap3A_302 = arith.index_cast %squeeze3A_208 : i32 to index
            %swap3A_303 = arith.constant 112 : index
            %swap3A_304 = tpu.vector_load %arg9[%swap3A_302, %swap3A_303] {strides = array<i32>} : memref<328x128xf32, #tpu.memory_space<vmem>>, vector<16xf32>,
            tpu.vector_store %arg9[%swap3A_302, %swap3A_303], %max3A_301 {strides = array<i32>} : memref<328x128xf32, #tpu.memory_space<vmem>>, vector<16xf32>,
            %slice3A_305 = vector.extract_strided_slice %get3A_109 {offsets = [2], sizes = [1], strides = [1]} : vector<16xi32> to vector<1xi32>
            %squeeze3A_306 = vector.extract %slice3A_305[0] : i32 from vector<1xi32>
            %get3A_307 = arith.index_cast %squeeze3A_306 : i32 to index
            %get3A_308 = arith.constant 0 : index
            %get3A_309 = tpu.vector_load %arg9[%get3A_307, %get3A_308] {strides = array<i32>} : memref<328x128xf32, #tpu.memory_space<vmem>>, vector<16xf32>,
            %add3A_310 = arith.constant 2 : i32
            %add3A_311 = arith.addi %mul3A_107, %add3A_310 : i32
            %get3A_312 = arith.index_cast %add3A_311 : i32 to index
            %get3A_313 = arith.constant 0 : index
            %get3A_314 = tpu.vector_load %arg8[%get3A_312, %get3A_313] {strides = array<i32>} : memref<128x128xf32, #tpu.memory_space<vmem>>, vector<16xf32>,
            %max3A_315 = arith.maximumf %get3A_309, %get3A_314 : vector<16xf32>
            %swap3A_316 = arith.index_cast %squeeze3A_306 : i32 to index
            %swap3A_317 = arith.constant 0 : index
            %swap3A_318 = tpu.vector_load %arg9[%swap3A_316, %swap3A_317] {strides = array<i32>} : memref<328x128xf32, #tpu.memory_space<vmem>>, vector<16xf32>,
            tpu.vector_store %arg9[%swap3A_316, %swap3A_317], %max3A_315 {strides = array<i32>} : memref<328x128xf32, #tpu.memory_space<vmem>>, vector<16xf32>,
            %get3A_319 = arith.index_cast %squeeze3A_306 : i32 to index
            %get3A_320 = arith.constant 16 : index
            %get3A_321 = tpu.vector_load %arg9[%get3A_319, %get3A_320] {strides = array<i32>} : memref<328x128xf32, #tpu.memory_space<vmem>>, vector<16xf32>,
            %add3A_322 = arith.constant 2 : i32
            %add3A_323 = arith.addi %mul3A_107, %add3A_322 : i32
            %get3A_324 = arith.index_cast %add3A_323 : i32 to index
            %get3A_325 = arith.constant 16 : index
            %get3A_326 = tpu.vector_load %arg8[%get3A_324, %get3A_325] {strides = array<i32>} : memref<128x128xf32, #tpu.memory_space<vmem>>, vector<16xf32>,
            %max3A_327 = arith.maximumf %get3A_321, %get3A_326 : vector<16xf32>
            %swap3A_328 = arith.index_cast %squeeze3A_306 : i32 to index
            %swap3A_329 = arith.constant 16 : index
            %swap3A_330 = tpu.vector_load %arg9[%swap3A_328, %swap3A_329] {strides = array<i32>} : memref<328x128xf32, #tpu.memory_space<vmem>>, vector<16xf32>,
            tpu.vector_store %arg9[%swap3A_328, %swap3A_329], %max3A_327 {strides = array<i32>} : memref<328x128xf32, #tpu.memory_space<vmem>>, vector<16xf32>,
            %get3A_331 = arith.index_cast %squeeze3A_306 : i32 to index
            %get3A_332 = arith.constant 32 : index
            %get3A_333 = tpu.vector_load %arg9[%get3A_331, %get3A_332] {strides = array<i32>} : memref<328x128xf32, #tpu.memory_space<vmem>>, vector<16xf32>,
            %add3A_334 = arith.constant 2 : i32
            %add3A_335 = arith.addi %mul3A_107, %add3A_334 : i32
            %get3A_336 = arith.index_cast %add3A_335 : i32 to index
            %get3A_337 = arith.constant 32 : index
            %get3A_338 = tpu.vector_load %arg8[%get3A_336, %get3A_337] {strides = array<i32>} : memref<128x128xf32, #tpu.memory_space<vmem>>, vector<16xf32>,
            %max3A_339 = arith.maximumf %get3A_333, %get3A_338 : vector<16xf32>
            %swap3A_340 = arith.index_cast %squeeze3A_306 : i32 to index
            %swap3A_341 = arith.constant 32 : index
            %swap3A_342 = tpu.vector_load %arg9[%swap3A_340, %swap3A_341] {strides = array<i32>} : memref<328x128xf32, #tpu.memory_space<vmem>>, vector<16xf32>,
            tpu.vector_store %arg9[%swap3A_340, %swap3A_341], %max3A_339 {strides = array<i32>} : memref<328x128xf32, #tpu.memory_space<vmem>>, vector<16xf32>,
            %get3A_343 = arith.index_cast %squeeze3A_306 : i32 to index
            %get3A_344 = arith.constant 48 : index
            %get3A_345 = tpu.vector_load %arg9[%get3A_343, %get3A_344] {strides = array<i32>} : memref<328x128xf32, #tpu.memory_space<vmem>>, vector<16xf32>,
            %add3A_346 = arith.constant 2 : i32
            %add3A_347 = arith.addi %mul3A_107, %add3A_346 : i32
            %get3A_348 = arith.index_cast %add3A_347 : i32 to index
            %get3A_349 = arith.constant 48 : index
            %get3A_350 = tpu.vector_load %arg8[%get3A_348, %get3A_349] {strides = array<i32>} : memref<128x128xf32, #tpu.memory_space<vmem>>, vector<16xf32>,
            %max3A_351 = arith.maximumf %get3A_345, %get3A_350 : vector<16xf32>
            %swap3A_352 = arith.index_cast %squeeze3A_306 : i32 to index
            %swap3A_353 = arith.constant 48 : index
            %swap3A_354 = tpu.vector_load %arg9[%swap3A_352, %swap3A_353] {strides = array<i32>} : memref<328x128xf32, #tpu.memory_space<vmem>>, vector<16xf32>,
            tpu.vector_store %arg9[%swap3A_352, %swap3A_353], %max3A_351 {strides = array<i32>} : memref<328x128xf32, #tpu.memory_space<vmem>>, vector<16xf32>,
            %get3A_355 = arith.index_cast %squeeze3A_306 : i32 to index
            %get3A_356 = arith.constant 64 : index
            %get3A_357 = tpu.vector_load %arg9[%get3A_355, %get3A_356] {strides = array<i32>} : memref<328x128xf32, #tpu.memory_space<vmem>>, vector<16xf32>,
            %add3A_358 = arith.constant 2 : i32
            %add3A_359 = arith.addi %mul3A_107, %add3A_358 : i32
            %get3A_360 = arith.index_cast %add3A_359 : i32 to index
            %get3A_361 = arith.constant 64 : index
            %get3A_362 = tpu.vector_load %arg8[%get3A_360, %get3A_361] {strides = array<i32>} : memref<128x128xf32, #tpu.memory_space<vmem>>, vector<16xf32>,
            %max3A_363 = arith.maximumf %get3A_357, %get3A_362 : vector<16xf32>
            %swap3A_364 = arith.index_cast %squeeze3A_306 : i32 to index
            %swap3A_365 = arith.constant 64 : index
            %swap3A_366 = tpu.vector_load %arg9[%swap3A_364, %swap3A_365] {strides = array<i32>} : memref<328x128xf32, #tpu.memory_space<vmem>>, vector<16xf32>,
            tpu.vector_store %arg9[%swap3A_364, %swap3A_365], %max3A_363 {strides = array<i32>} : memref<328x128xf32, #tpu.memory_space<vmem>>, vector<16xf32>,
            %get3A_367 = arith.index_cast %squeeze3A_306 : i32 to index
            %get3A_368 = arith.constant 80 : index
            %get3A_369 = tpu.vector_load %arg9[%get3A_367, %get3A_368] {strides = array<i32>} : memref<328x128xf32, #tpu.memory_space<vmem>>, vector<16xf32>,
            %add3A_370 = arith.constant 2 : i32
            %add3A_371 = arith.addi %mul3A_107, %add3A_370 : i32
            %get3A_372 = arith.index_cast %add3A_371 : i32 to index
            %get3A_373 = arith.constant 80 : index
            %get3A_374 = tpu.vector_load %arg8[%get3A_372, %get3A_373] {strides = array<i32>} : memref<128x128xf32, #tpu.memory_space<vmem>>, vector<16xf32>,
            %max3A_375 = arith.maximumf %get3A_369, %get3A_374 : vector<16xf32>
            %swap3A_376 = arith.index_cast %squeeze3A_306 : i32 to index
            %swap3A_377 = arith.constant 80 : index
            %swap3A_378 = tpu.vector_load %arg9[%swap3A_376, %swap3A_377] {strides = array<i32>} : memref<328x128xf32, #tpu.memory_space<vmem>>, vector<16xf32>,
            tpu.vector_store %arg9[%swap3A_376, %swap3A_377], %max3A_375 {strides = array<i32>} : memref<328x128xf32, #tpu.memory_space<vmem>>, vector<16xf32>,
            %get3A_379 = arith.index_cast %squeeze3A_306 : i32 to index
            %get3A_380 = arith.constant 96 : index
            %get3A_381 = tpu.vector_load %arg9[%get3A_379, %get3A_380] {strides = array<i32>} : memref<328x128xf32, #tpu.memory_space<vmem>>, vector<16xf32>,
            %add3A_382 = arith.constant 2 : i32
            %add3A_383 = arith.addi %mul3A_107, %add3A_382 : i32
            %get3A_384 = arith.index_cast %add3A_383 : i32 to index
            %get3A_385 = arith.constant 96 : index
            %get3A_386 = tpu.vector_load %arg8[%get3A_384, %get3A_385] {strides = array<i32>} : memref<128x128xf32, #tpu.memory_space<vmem>>, vector<16xf32>,
            %max3A_387 = arith.maximumf %get3A_381, %get3A_386 : vector<16xf32>
            %swap3A_388 = arith.index_cast %squeeze3A_306 : i32 to index
            %swap3A_389 = arith.constant 96 : index
            %swap3A_390 = tpu.vector_load %arg9[%swap3A_388, %swap3A_389] {strides = array<i32>} : memref<328x128xf32, #tpu.memory_space<vmem>>, vector<16xf32>,
            tpu.vector_store %arg9[%swap3A_388, %swap3A_389], %max3A_387 {strides = array<i32>} : memref<328x128xf32, #tpu.memory_space<vmem>>, vector<16xf32>,
            %get3A_391 = arith.index_cast %squeeze3A_306 : i32 to index
            %get3A_392 = arith.constant 112 : index
            %get3A_393 = tpu.vector_load %arg9[%get3A_391, %get3A_392] {strides = array<i32>} : memref<328x128xf32, #tpu.memory_space<vmem>>, vector<16xf32>,
            %add3A_394 = arith.constant 2 : i32
            %add3A_395 = arith.addi %mul3A_107, %add3A_394 : i32
            %get3A_396 = arith.index_cast %add3A_395 : i32 to index
            %get3A_397 = arith.constant 112 : index
            %get3A_398 = tpu.vector_load %arg8[%get3A_396, %get3A_397] {strides = array<i32>} : memref<128x128xf32, #tpu.memory_space<vmem>>, vector<16xf32>,
            %max3A_399 = arith.maximumf %get3A_393, %get3A_398 : vector<16xf32>
            %swap3A_400 = arith.index_cast %squeeze3A_306 : i32 to index
            %swap3A_401 = arith.constant 112 : index
            %swap3A_402 = tpu.vector_load %arg9[%swap3A_400, %swap3A_401] {strides = array<i32>} : memref<328x128xf32, #tpu.memory_space<vmem>>, vector<16xf32>,
            tpu.vector_store %arg9[%swap3A_400, %swap3A_401], %max3A_399 {strides = array<i32>} : memref<328x128xf32, #tpu.memory_space<vmem>>, vector<16xf32>,
            %slice3A_403 = vector.extract_strided_slice %get3A_109 {offsets = [3], sizes = [1], strides = [1]} : vector<16xi32> to vector<1xi32>
            %squeeze3A_404 = vector.extract %slice3A_403[0] : i32 from vector<1xi32>
            %get3A_405 = arith.index_cast %squeeze3A_404 : i32 to index
            %get3A_406 = arith.constant 0 : index
            %get3A_407 = tpu.vector_load %arg9[%get3A_405, %get3A_406] {strides = array<i32>} : memref<328x128xf32, #tpu.memory_space<vmem>>, vector<16xf32>,
            %add3A_408 = arith.constant 3 : i32
            %add3A_409 = arith.addi %mul3A_107, %add3A_408 : i32
            %get3A_410 = arith.index_cast %add3A_409 : i32 to index
            %get3A_411 = arith.constant 0 : index
            %get3A_412 = tpu.vector_load %arg8[%get3A_410, %get3A_411] {strides = array<i32>} : memref<128x128xf32, #tpu.memory_space<vmem>>, vector<16xf32>,
            %max3A_413 = arith.maximumf %get3A_407, %get3A_412 : vector<16xf32>
            %swap3A_414 = arith.index_cast %squeeze3A_404 : i32 to index
            %swap3A_415 = arith.constant 0 : index
            %swap3A_416 = tpu.vector_load %arg9[%swap3A_414, %swap3A_415] {strides = array<i32>} : memref<328x128xf32, #tpu.memory_space<vmem>>, vector<16xf32>,
            tpu.vector_store %arg9[%swap3A_414, %swap3A_415], %max3A_413 {strides = array<i32>} : memref<328x128xf32, #tpu.memory_space<vmem>>, vector<16xf32>,
            %get3A_417 = arith.index_cast %squeeze3A_404 : i32 to index
            %get3A_418 = arith.constant 16 : index
            %get3A_419 = tpu.vector_load %arg9[%get3A_417, %get3A_418] {strides = array<i32>} : memref<328x128xf32, #tpu.memory_space<vmem>>, vector<16xf32>,
            %add3A_420 = arith.constant 3 : i32
            %add3A_421 = arith.addi %mul3A_107, %add3A_420 : i32
            %get3A_422 = arith.index_cast %add3A_421 : i32 to index
            %get3A_423 = arith.constant 16 : index
            %get3A_424 = tpu.vector_load %arg8[%get3A_422, %get3A_423] {strides = array<i32>} : memref<128x128xf32, #tpu.memory_space<vmem>>, vector<16xf32>,
            %max3A_425 = arith.maximumf %get3A_419, %get3A_424 : vector<16xf32>
            %swap3A_426 = arith.index_cast %squeeze3A_404 : i32 to index
            %swap3A_427 = arith.constant 16 : index
            %swap3A_428 = tpu.vector_load %arg9[%swap3A_426, %swap3A_427] {strides = array<i32>} : memref<328x128xf32, #tpu.memory_space<vmem>>, vector<16xf32>,
            tpu.vector_store %arg9[%swap3A_426, %swap3A_427], %max3A_425 {strides = array<i32>} : memref<328x128xf32, #tpu.memory_space<vmem>>, vector<16xf32>,
            %get3A_429 = arith.index_cast %squeeze3A_404 : i32 to index
            %get3A_430 = arith.constant 32 : index
            %get3A_431 = tpu.vector_load %arg9[%get3A_429, %get3A_430] {strides = array<i32>} : memref<328x128xf32, #tpu.memory_space<vmem>>, vector<16xf32>,
            %add3A_432 = arith.constant 3 : i32
            %add3A_433 = arith.addi %mul3A_107, %add3A_432 : i32
            %get3A_434 = arith.index_cast %add3A_433 : i32 to index
            %get3A_435 = arith.constant 32 : index
            %get3A_436 = tpu.vector_load %arg8[%get3A_434, %get3A_435] {strides = array<i32>} : memref<128x128xf32, #tpu.memory_space<vmem>>, vector<16xf32>,
            %max3A_437 = arith.maximumf %get3A_431, %get3A_436 : vector<16xf32>
            %swap3A_438 = arith.index_cast %squeeze3A_404 : i32 to index
            %swap3A_439 = arith.constant 32 : index
            %swap3A_440 = tpu.vector_load %arg9[%swap3A_438, %swap3A_439] {strides = array<i32>} : memref<328x128xf32, #tpu.memory_space<vmem>>, vector<16xf32>,
            tpu.vector_store %arg9[%swap3A_438, %swap3A_439], %max3A_437 {strides = array<i32>} : memref<328x128xf32, #tpu.memory_space<vmem>>, vector<16xf32>,
            %get3A_441 = arith.index_cast %squeeze3A_404 : i32 to index
            %get3A_442 = arith.constant 48 : index
            %get3A_443 = tpu.vector_load %arg9[%get3A_441, %get3A_442] {strides = array<i32>} : memref<328x128xf32, #tpu.memory_space<vmem>>, vector<16xf32>,
            %add3A_444 = arith.constant 3 : i32
            %add3A_445 = arith.addi %mul3A_107, %add3A_444 : i32
            %get3A_446 = arith.index_cast %add3A_445 : i32 to index
            %get3A_447 = arith.constant 48 : index
            %get3A_448 = tpu.vector_load %arg8[%get3A_446, %get3A_447] {strides = array<i32>} : memref<128x128xf32, #tpu.memory_space<vmem>>, vector<16xf32>,
            %max3A_449 = arith.maximumf %get3A_443, %get3A_448 : vector<16xf32>
            %swap3A_450 = arith.index_cast %squeeze3A_404 : i32 to index
            %swap3A_451 = arith.constant 48 : index
            %swap3A_452 = tpu.vector_load %arg9[%swap3A_450, %swap3A_451] {strides = array<i32>} : memref<328x128xf32, #tpu.memory_space<vmem>>, vector<16xf32>,
            tpu.vector_store %arg9[%swap3A_450, %swap3A_451], %max3A_449 {strides = array<i32>} : memref<328x128xf32, #tpu.memory_space<vmem>>, vector<16xf32>,
            %get3A_453 = arith.index_cast %squeeze3A_404 : i32 to index
            %get3A_454 = arith.constant 64 : index
            %get3A_455 = tpu.vector_load %arg9[%get3A_453, %get3A_454] {strides = array<i32>} : memref<328x128xf32, #tpu.memory_space<vmem>>, vector<16xf32>,
            %add3A_456 = arith.constant 3 : i32
            %add3A_457 = arith.addi %mul3A_107, %add3A_456 : i32
            %get3A_458 = arith.index_cast %add3A_457 : i32 to index
            %get3A_459 = arith.constant 64 : index
            %get3A_460 = tpu.vector_load %arg8[%get3A_458, %get3A_459] {strides = array<i32>} : memref<128x128xf32, #tpu.memory_space<vmem>>, vector<16xf32>,
            %max3A_461 = arith.maximumf %get3A_455, %get3A_460 : vector<16xf32>
            %swap3A_462 = arith.index_cast %squeeze3A_404 : i32 to index
            %swap3A_463 = arith.constant 64 : index
            %swap3A_464 = tpu.vector_load %arg9[%swap3A_462, %swap3A_463] {strides = array<i32>} : memref<328x128xf32, #tpu.memory_space<vmem>>, vector<16xf32>,
            tpu.vector_store %arg9[%swap3A_462, %swap3A_463], %max3A_461 {strides = array<i32>} : memref<328x128xf32, #tpu.memory_space<vmem>>, vector<16xf32>,
            %get3A_465 = arith.index_cast %squeeze3A_404 : i32 to index
            %get3A_466 = arith.constant 80 : index
            %get3A_467 = tpu.vector_load %arg9[%get3A_465, %get3A_466] {strides = array<i32>} : memref<328x128xf32, #tpu.memory_space<vmem>>, vector<16xf32>,
            %add3A_468 = arith.constant 3 : i32
            %add3A_469 = arith.addi %mul3A_107, %add3A_468 : i32
            %get3A_470 = arith.index_cast %add3A_469 : i32 to index
            %get3A_471 = arith.constant 80 : index
            %get3A_472 = tpu.vector_load %arg8[%get3A_470, %get3A_471] {strides = array<i32>} : memref<128x128xf32, #tpu.memory_space<vmem>>, vector<16xf32>,
            %max3A_473 = arith.maximumf %get3A_467, %get3A_472 : vector<16xf32>
            %swap3A_474 = arith.index_cast %squeeze3A_404 : i32 to index
            %swap3A_475 = arith.constant 80 : index
            %swap3A_476 = tpu.vector_load %arg9[%swap3A_474, %swap3A_475] {strides = array<i32>} : memref<328x128xf32, #tpu.memory_space<vmem>>, vector<16xf32>,
            tpu.vector_store %arg9[%swap3A_474, %swap3A_475], %max3A_473 {strides = array<i32>} : memref<328x128xf32, #tpu.memory_space<vmem>>, vector<16xf32>,
            %get3A_477 = arith.index_cast %squeeze3A_404 : i32 to index
            %get3A_478 = arith.constant 96 : index
            %get3A_479 = tpu.vector_load %arg9[%get3A_477, %get3A_478] {strides = array<i32>} : memref<328x128xf32, #tpu.memory_space<vmem>>, vector<16xf32>,
            %add3A_480 = arith.constant 3 : i32
            %add3A_481 = arith.addi %mul3A_107, %add3A_480 : i32
            %get3A_482 = arith.index_cast %add3A_481 : i32 to index
            %get3A_483 = arith.constant 96 : index
            %get3A_484 = tpu.vector_load %arg8[%get3A_482, %get3A_483] {strides = array<i32>} : memref<128x128xf32, #tpu.memory_space<vmem>>, vector<16xf32>,
            %max3A_485 = arith.maximumf %get3A_479, %get3A_484 : vector<16xf32>
            %swap3A_486 = arith.index_cast %squeeze3A_404 : i32 to index
            %swap3A_487 = arith.constant 96 : index
            %swap3A_488 = tpu.vector_load %arg9[%swap3A_486, %swap3A_487] {strides = array<i32>} : memref<328x128xf32, #tpu.memory_space<vmem>>, vector<16xf32>,
            tpu.vector_store %arg9[%swap3A_486, %swap3A_487], %max3A_485 {strides = array<i32>} : memref<328x128xf32, #tpu.memory_space<vmem>>, vector<16xf32>,
            %get3A_489 = arith.index_cast %squeeze3A_404 : i32 to index
            %get3A_490 = arith.constant 112 : index
            %get3A_491 = tpu.vector_load %arg9[%get3A_489, %get3A_490] {strides = array<i32>} : memref<328x128xf32, #tpu.memory_space<vmem>>, vector<16xf32>,
            %add3A_492 = arith.constant 3 : i32
            %add3A_493 = arith.addi %mul3A_107, %add3A_492 : i32
            %get3A_494 = arith.index_cast %add3A_493 : i32 to index
            %get3A_495 = arith.constant 112 : index
            %get3A_496 = tpu.vector_load %arg8[%get3A_494, %get3A_495] {strides = array<i32>} : memref<128x128xf32, #tpu.memory_space<vmem>>, vector<16xf32>,
            %max3A_497 = arith.maximumf %get3A_491, %get3A_496 : vector<16xf32>
            %swap3A_498 = arith.index_cast %squeeze3A_404 : i32 to index
            %swap3A_499 = arith.constant 112 : index
            %swap3A_500 = tpu.vector_load %arg9[%swap3A_498, %swap3A_499] {strides = array<i32>} : memref<328x128xf32, #tpu.memory_space<vmem>>, vector<16xf32>,
            tpu.vector_store %arg9[%swap3A_498, %swap3A_499], %max3A_497 {strides = array<i32>} : memref<328x128xf32, #tpu.memory_space<vmem>>, vector<16xf32>,
            %slice3A_501 = vector.extract_strided_slice %get3A_109 {offsets = [4], sizes = [1], strides = [1]} : vector<16xi32> to vector<1xi32>
            %squeeze3A_502 = vector.extract %slice3A_501[0] : i32 from vector<1xi32>
            %get3A_503 = arith.index_cast %squeeze3A_502 : i32 to index
            %get3A_504 = arith.constant 0 : index
            %get3A_505 = tpu.vector_load %arg9[%get3A_503, %get3A_504] {strides = array<i32>} : memref<328x128xf32, #tpu.memory_space<vmem>>, vector<16xf32>,
            %add3A_506 = arith.constant 4 : i32
            %add3A_507 = arith.addi %mul3A_107, %add3A_506 : i32
            %get3A_508 = arith.index_cast %add3A_507 : i32 to index
            %get3A_509 = arith.constant 0 : index
            %get3A_510 = tpu.vector_load %arg8[%get3A_508, %get3A_509] {strides = array<i32>} : memref<128x128xf32, #tpu.memory_space<vmem>>, vector<16xf32>,
            %max3A_511 = arith.maximumf %get3A_505, %get3A_510 : vector<16xf32>
            %swap3A_512 = arith.index_cast %squeeze3A_502 : i32 to index
            %swap3A_513 = arith.constant 0 : index
            %swap3A_514 = tpu.vector_load %arg9[%swap3A_512, %swap3A_513] {strides = array<i32>} : memref<328x128xf32, #tpu.memory_space<vmem>>, vector<16xf32>,
            tpu.vector_store %arg9[%swap3A_512, %swap3A_513], %max3A_511 {strides = array<i32>} : memref<328x128xf32, #tpu.memory_space<vmem>>, vector<16xf32>,
            %get3A_515 = arith.index_cast %squeeze3A_502 : i32 to index
            %get3A_516 = arith.constant 16 : index
            %get3A_517 = tpu.vector_load %arg9[%get3A_515, %get3A_516] {strides = array<i32>} : memref<328x128xf32, #tpu.memory_space<vmem>>, vector<16xf32>,
            %add3A_518 = arith.constant 4 : i32
            %add3A_519 = arith.addi %mul3A_107, %add3A_518 : i32
            %get3A_520 = arith.index_cast %add3A_519 : i32 to index
            %get3A_521 = arith.constant 16 : index
            %get3A_522 = tpu.vector_load %arg8[%get3A_520, %get3A_521] {strides = array<i32>} : memref<128x128xf32, #tpu.memory_space<vmem>>, vector<16xf32>,
            %max3A_523 = arith.maximumf %get3A_517, %get3A_522 : vector<16xf32>
            %swap3A_524 = arith.index_cast %squeeze3A_502 : i32 to index
            %swap3A_525 = arith.constant 16 : index
            %swap3A_526 = tpu.vector_load %arg9[%swap3A_524, %swap3A_525] {strides = array<i32>} : memref<328x128xf32, #tpu.memory_space<vmem>>, vector<16xf32>,
            tpu.vector_store %arg9[%swap3A_524, %swap3A_525], %max3A_523 {strides = array<i32>} : memref<328x128xf32, #tpu.memory_space<vmem>>, vector<16xf32>,
            %get3A_527 = arith.index_cast %squeeze3A_502 : i32 to index
            %get3A_528 = arith.constant 32 : index
            %get3A_529 = tpu.vector_load %arg9[%get3A_527, %get3A_528] {strides = array<i32>} : memref<328x128xf32, #tpu.memory_space<vmem>>, vector<16xf32>,
            %add3A_530 = arith.constant 4 : i32
            %add3A_531 = arith.addi %mul3A_107, %add3A_530 : i32
            %get3A_532 = arith.index_cast %add3A_531 : i32 to index
            %get3A_533 = arith.constant 32 : index
            %get3A_534 = tpu.vector_load %arg8[%get3A_532, %get3A_533] {strides = array<i32>} : memref<128x128xf32, #tpu.memory_space<vmem>>, vector<16xf32>,
            %max3A_535 = arith.maximumf %get3A_529, %get3A_534 : vector<16xf32>
            %swap3A_536 = arith.index_cast %squeeze3A_502 : i32 to index
            %swap3A_537 = arith.constant 32 : index
            %swap3A_538 = tpu.vector_load %arg9[%swap3A_536, %swap3A_537] {strides = array<i32>} : memref<328x128xf32, #tpu.memory_space<vmem>>, vector<16xf32>,
            tpu.vector_store %arg9[%swap3A_536, %swap3A_537], %max3A_535 {strides = array<i32>} : memref<328x128xf32, #tpu.memory_space<vmem>>, vector<16xf32>,
            %get3A_539 = arith.index_cast %squeeze3A_502 : i32 to index
            %get3A_540 = arith.constant 48 : index
            %get3A_541 = tpu.vector_load %arg9[%get3A_539, %get3A_540] {strides = array<i32>} : memref<328x128xf32, #tpu.memory_space<vmem>>, vector<16xf32>,
            %add3A_542 = arith.constant 4 : i32
            %add3A_543 = arith.addi %mul3A_107, %add3A_542 : i32
            %get3A_544 = arith.index_cast %add3A_543 : i32 to index
            %get3A_545 = arith.constant 48 : index
            %get3A_546 = tpu.vector_load %arg8[%get3A_544, %get3A_545] {strides = array<i32>} : memref<128x128xf32, #tpu.memory_space<vmem>>, vector<16xf32>,
            %max3A_547 = arith.maximumf %get3A_541, %get3A_546 : vector<16xf32>
            %swap3A_548 = arith.index_cast %squeeze3A_502 : i32 to index
            %swap3A_549 = arith.constant 48 : index
            %swap3A_550 = tpu.vector_load %arg9[%swap3A_548, %swap3A_549] {strides = array<i32>} : memref<328x128xf32, #tpu.memory_space<vmem>>, vector<16xf32>,
            tpu.vector_store %arg9[%swap3A_548, %swap3A_549], %max3A_547 {strides = array<i32>} : memref<328x128xf32, #tpu.memory_space<vmem>>, vector<16xf32>,
            %get3A_551 = arith.index_cast %squeeze3A_502 : i32 to index
            %get3A_552 = arith.constant 64 : index
            %get3A_553 = tpu.vector_load %arg9[%get3A_551, %get3A_552] {strides = array<i32>} : memref<328x128xf32, #tpu.memory_space<vmem>>, vector<16xf32>,
            %add3A_554 = arith.constant 4 : i32
            %add3A_555 = arith.addi %mul3A_107, %add3A_554 : i32
            %get3A_556 = arith.index_cast %add3A_555 : i32 to index
            %get3A_557 = arith.constant 64 : index
            %get3A_558 = tpu.vector_load %arg8[%get3A_556, %get3A_557] {strides = array<i32>} : memref<128x128xf32, #tpu.memory_space<vmem>>, vector<16xf32>,
            %max3A_559 = arith.maximumf %get3A_553, %get3A_558 : vector<16xf32>
            %swap3A_560 = arith.index_cast %squeeze3A_502 : i32 to index
            %swap3A_561 = arith.constant 64 : index
            %swap3A_562 = tpu.vector_load %arg9[%swap3A_560, %swap3A_561] {strides = array<i32>} : memref<328x128xf32, #tpu.memory_space<vmem>>, vector<16xf32>,
            tpu.vector_store %arg9[%swap3A_560, %swap3A_561], %max3A_559 {strides = array<i32>} : memref<328x128xf32, #tpu.memory_space<vmem>>, vector<16xf32>,
            %get3A_563 = arith.index_cast %squeeze3A_502 : i32 to index
            %get3A_564 = arith.constant 80 : index
            %get3A_565 = tpu.vector_load %arg9[%get3A_563, %get3A_564] {strides = array<i32>} : memref<328x128xf32, #tpu.memory_space<vmem>>, vector<16xf32>,
            %add3A_566 = arith.constant 4 : i32
            %add3A_567 = arith.addi %mul3A_107, %add3A_566 : i32
            %get3A_568 = arith.index_cast %add3A_567 : i32 to index
            %get3A_569 = arith.constant 80 : index
            %get3A_570 = tpu.vector_load %arg8[%get3A_568, %get3A_569] {strides = array<i32>} : memref<128x128xf32, #tpu.memory_space<vmem>>, vector<16xf32>,
            %max3A_571 = arith.maximumf %get3A_565, %get3A_570 : vector<16xf32>
            %swap3A_572 = arith.index_cast %squeeze3A_502 : i32 to index
            %swap3A_573 = arith.constant 80 : index
            %swap3A_574 = tpu.vector_load %arg9[%swap3A_572, %swap3A_573] {strides = array<i32>} : memref<328x128xf32, #tpu.memory_space<vmem>>, vector<16xf32>,
            tpu.vector_store %arg9[%swap3A_572, %swap3A_573], %max3A_571 {strides = array<i32>} : memref<328x128xf32, #tpu.memory_space<vmem>>, vector<16xf32>,
            %get3A_575 = arith.index_cast %squeeze3A_502 : i32 to index
            %get3A_576 = arith.constant 96 : index
            %get3A_577 = tpu.vector_load %arg9[%get3A_575, %get3A_576] {strides = array<i32>} : memref<328x128xf32, #tpu.memory_space<vmem>>, vector<16xf32>,
            %add3A_578 = arith.constant 4 : i32
            %add3A_579 = arith.addi %mul3A_107, %add3A_578 : i32
            %get3A_580 = arith.index_cast %add3A_579 : i32 to index
            %get3A_581 = arith.constant 96 : index
            %get3A_582 = tpu.vector_load %arg8[%get3A_580, %get3A_581] {strides = array<i32>} : memref<128x128xf32, #tpu.memory_space<vmem>>, vector<16xf32>,
            %max3A_583 = arith.maximumf %get3A_577, %get3A_582 : vector<16xf32>
            %swap3A_584 = arith.index_cast %squeeze3A_502 : i32 to index
            %swap3A_585 = arith.constant 96 : index
            %swap3A_586 = tpu.vector_load %arg9[%swap3A_584, %swap3A_585] {strides = array<i32>} : memref<328x128xf32, #tpu.memory_space<vmem>>, vector<16xf32>,
            tpu.vector_store %arg9[%swap3A_584, %swap3A_585], %max3A_583 {strides = array<i32>} : memref<328x128xf32, #tpu.memory_space<vmem>>, vector<16xf32>,
            %get3A_587 = arith.index_cast %squeeze3A_502 : i32 to index
            %get3A_588 = arith.constant 112 : index
            %get3A_589 = tpu.vector_load %arg9[%get3A_587, %get3A_588] {strides = array<i32>} : memref<328x128xf32, #tpu.memory_space<vmem>>, vector<16xf32>,
            %add3A_590 = arith.constant 4 : i32
            %add3A_591 = arith.addi %mul3A_107, %add3A_590 : i32
            %get3A_592 = arith.index_cast %add3A_591 : i32 to index
            %get3A_593 = arith.constant 112 : index
            %get3A_594 = tpu.vector_load %arg8[%get3A_592, %get3A_593] {strides = array<i32>} : memref<128x128xf32, #tpu.memory_space<vmem>>, vector<16xf32>,
            %max3A_595 = arith.maximumf %get3A_589, %get3A_594 : vector<16xf32>
            %swap3A_596 = arith.index_cast %squeeze3A_502 : i32 to index
            %swap3A_597 = arith.constant 112 : index
            %swap3A_598 = tpu.vector_load %arg9[%swap3A_596, %swap3A_597] {strides = array<i32>} : memref<328x128xf32, #tpu.memory_space<vmem>>, vector<16xf32>,
            tpu.vector_store %arg9[%swap3A_596, %swap3A_597], %max3A_595 {strides = array<i32>} : memref<328x128xf32, #tpu.memory_space<vmem>>, vector<16xf32>,
            %slice3A_599 = vector.extract_strided_slice %get3A_109 {offsets = [5], sizes = [1], strides = [1]} : vector<16xi32> to vector<1xi32>
            %squeeze3A_600 = vector.extract %slice3A_599[0] : i32 from vector<1xi32>
            %get3A_601 = arith.index_cast %squeeze3A_600 : i32 to index
            %get3A_602 = arith.constant 0 : index
            %get3A_603 = tpu.vector_load %arg9[%get3A_601, %get3A_602] {strides = array<i32>} : memref<328x128xf32, #tpu.memory_space<vmem>>, vector<16xf32>,
            %add3A_604 = arith.constant 5 : i32
            %add3A_605 = arith.addi %mul3A_107, %add3A_604 : i32
            %get3A_606 = arith.index_cast %add3A_605 : i32 to index
            %get3A_607 = arith.constant 0 : index
            %get3A_608 = tpu.vector_load %arg8[%get3A_606, %get3A_607] {strides = array<i32>} : memref<128x128xf32, #tpu.memory_space<vmem>>, vector<16xf32>,
            %max3A_609 = arith.maximumf %get3A_603, %get3A_608 : vector<16xf32>
            %swap3A_610 = arith.index_cast %squeeze3A_600 : i32 to index
            %swap3A_611 = arith.constant 0 : index
            %swap3A_612 = tpu.vector_load %arg9[%swap3A_610, %swap3A_611] {strides = array<i32>} : memref<328x128xf32, #tpu.memory_space<vmem>>, vector<16xf32>,
            tpu.vector_store %arg9[%swap3A_610, %swap3A_611], %max3A_609 {strides = array<i32>} : memref<328x128xf32, #tpu.memory_space<vmem>>, vector<16xf32>,
            %get3A_613 = arith.index_cast %squeeze3A_600 : i32 to index
            %get3A_614 = arith.constant 16 : index
            %get3A_615 = tpu.vector_load %arg9[%get3A_613, %get3A_614] {strides = array<i32>} : memref<328x128xf32, #tpu.memory_space<vmem>>, vector<16xf32>,
            %add3A_616 = arith.constant 5 : i32
            %add3A_617 = arith.addi %mul3A_107, %add3A_616 : i32
            %get3A_618 = arith.index_cast %add3A_617 : i32 to index
            %get3A_619 = arith.constant 16 : index
            %get3A_620 = tpu.vector_load %arg8[%get3A_618, %get3A_619] {strides = array<i32>} : memref<128x128xf32, #tpu.memory_space<vmem>>, vector<16xf32>,
            %max3A_621 = arith.maximumf %get3A_615, %get3A_620 : vector<16xf32>
            %swap3A_622 = arith.index_cast %squeeze3A_600 : i32 to index
            %swap3A_623 = arith.constant 16 : index
            %swap3A_624 = tpu.vector_load %arg9[%swap3A_622, %swap3A_623] {strides = array<i32>} : memref<328x128xf32, #tpu.memory_space<vmem>>, vector<16xf32>,
            tpu.vector_store %arg9[%swap3A_622, %swap3A_623], %max3A_621 {strides = array<i32>} : memref<328x128xf32, #tpu.memory_space<vmem>>, vector<16xf32>,
            %get3A_625 = arith.index_cast %squeeze3A_600 : i32 to index
            %get3A_626 = arith.constant 32 : index
            %get3A_627 = tpu.vector_load %arg9[%get3A_625, %get3A_626] {strides = array<i32>} : memref<328x128xf32, #tpu.memory_space<vmem>>, vector<16xf32>,
            %add3A_628 = arith.constant 5 : i32
            %add3A_629 = arith.addi %mul3A_107, %add3A_628 : i32
            %get3A_630 = arith.index_cast %add3A_629 : i32 to index
            %get3A_631 = arith.constant 32 : index
            %get3A_632 = tpu.vector_load %arg8[%get3A_630, %get3A_631] {strides = array<i32>} : memref<128x128xf32, #tpu.memory_space<vmem>>, vector<16xf32>,
            %max3A_633 = arith.maximumf %get3A_627, %get3A_632 : vector<16xf32>
            %swap3A_634 = arith.index_cast %squeeze3A_600 : i32 to index
            %swap3A_635 = arith.constant 32 : index
            %swap3A_636 = tpu.vector_load %arg9[%swap3A_634, %swap3A_635] {strides = array<i32>} : memref<328x128xf32, #tpu.memory_space<vmem>>, vector<16xf32>,
            tpu.vector_store %arg9[%swap3A_634, %swap3A_635], %max3A_633 {strides = array<i32>} : memref<328x128xf32, #tpu.memory_space<vmem>>, vector<16xf32>,
            %get3A_637 = arith.index_cast %squeeze3A_600 : i32 to index
            %get3A_638 = arith.constant 48 : index
            %get3A_639 = tpu.vector_load %arg9[%get3A_637, %get3A_638] {strides = array<i32>} : memref<328x128xf32, #tpu.memory_space<vmem>>, vector<16xf32>,
            %add3A_640 = arith.constant 5 : i32
            %add3A_641 = arith.addi %mul3A_107, %add3A_640 : i32
            %get3A_642 = arith.index_cast %add3A_641 : i32 to index
            %get3A_643 = arith.constant 48 : index
            %get3A_644 = tpu.vector_load %arg8[%get3A_642, %get3A_643] {strides = array<i32>} : memref<128x128xf32, #tpu.memory_space<vmem>>, vector<16xf32>,
            %max3A_645 = arith.maximumf %get3A_639, %get3A_644 : vector<16xf32>
            %swap3A_646 = arith.index_cast %squeeze3A_600 : i32 to index
            %swap3A_647 = arith.constant 48 : index
            %swap3A_648 = tpu.vector_load %arg9[%swap3A_646, %swap3A_647] {strides = array<i32>} : memref<328x128xf32, #tpu.memory_space<vmem>>, vector<16xf32>,
            tpu.vector_store %arg9[%swap3A_646, %swap3A_647], %max3A_645 {strides = array<i32>} : memref<328x128xf32, #tpu.memory_space<vmem>>, vector<16xf32>,
            %get3A_649 = arith.index_cast %squeeze3A_600 : i32 to index
            %get3A_650 = arith.constant 64 : index
            %get3A_651 = tpu.vector_load %arg9[%get3A_649, %get3A_650] {strides = array<i32>} : memref<328x128xf32, #tpu.memory_space<vmem>>, vector<16xf32>,
            %add3A_652 = arith.constant 5 : i32
            %add3A_653 = arith.addi %mul3A_107, %add3A_652 : i32
            %get3A_654 = arith.index_cast %add3A_653 : i32 to index
            %get3A_655 = arith.constant 64 : index
            %get3A_656 = tpu.vector_load %arg8[%get3A_654, %get3A_655] {strides = array<i32>} : memref<128x128xf32, #tpu.memory_space<vmem>>, vector<16xf32>,
            %max3A_657 = arith.maximumf %get3A_651, %get3A_656 : vector<16xf32>
            %swap3A_658 = arith.index_cast %squeeze3A_600 : i32 to index
            %swap3A_659 = arith.constant 64 : index
            %swap3A_660 = tpu.vector_load %arg9[%swap3A_658, %swap3A_659] {strides = array<i32>} : memref<328x128xf32, #tpu.memory_space<vmem>>, vector<16xf32>,
            tpu.vector_store %arg9[%swap3A_658, %swap3A_659], %max3A_657 {strides = array<i32>} : memref<328x128xf32, #tpu.memory_space<vmem>>, vector<16xf32>,
            %get3A_661 = arith.index_cast %squeeze3A_600 : i32 to index
            %get3A_662 = arith.constant 80 : index
            %get3A_663 = tpu.vector_load %arg9[%get3A_661, %get3A_662] {strides = array<i32>} : memref<328x128xf32, #tpu.memory_space<vmem>>, vector<16xf32>,
            %add3A_664 = arith.constant 5 : i32
            %add3A_665 = arith.addi %mul3A_107, %add3A_664 : i32
            %get3A_666 = arith.index_cast %add3A_665 : i32 to index
            %get3A_667 = arith.constant 80 : index
            %get3A_668 = tpu.vector_load %arg8[%get3A_666, %get3A_667] {strides = array<i32>} : memref<128x128xf32, #tpu.memory_space<vmem>>, vector<16xf32>,
            %max3A_669 = arith.maximumf %get3A_663, %get3A_668 : vector<16xf32>
            %swap3A_670 = arith.index_cast %squeeze3A_600 : i32 to index
            %swap3A_671 = arith.constant 80 : index
            %swap3A_672 = tpu.vector_load %arg9[%swap3A_670, %swap3A_671] {strides = array<i32>} : memref<328x128xf32, #tpu.memory_space<vmem>>, vector<16xf32>,
            tpu.vector_store %arg9[%swap3A_670, %swap3A_671], %max3A_669 {strides = array<i32>} : memref<328x128xf32, #tpu.memory_space<vmem>>, vector<16xf32>,
            %get3A_673 = arith.index_cast %squeeze3A_600 : i32 to index
            %get3A_674 = arith.constant 96 : index
            %get3A_675 = tpu.vector_load %arg9[%get3A_673, %get3A_674] {strides = array<i32>} : memref<328x128xf32, #tpu.memory_space<vmem>>, vector<16xf32>,
            %add3A_676 = arith.constant 5 : i32
            %add3A_677 = arith.addi %mul3A_107, %add3A_676 : i32
            %get3A_678 = arith.index_cast %add3A_677 : i32 to index
            %get3A_679 = arith.constant 96 : index
            %get3A_680 = tpu.vector_load %arg8[%get3A_678, %get3A_679] {strides = array<i32>} : memref<128x128xf32, #tpu.memory_space<vmem>>, vector<16xf32>,
            %max3A_681 = arith.maximumf %get3A_675, %get3A_680 : vector<16xf32>
            %swap3A_682 = arith.index_cast %squeeze3A_600 : i32 to index
            %swap3A_683 = arith.constant 96 : index
            %swap3A_684 = tpu.vector_load %arg9[%swap3A_682, %swap3A_683] {strides = array<i32>} : memref<328x128xf32, #tpu.memory_space<vmem>>, vector<16xf32>,
            tpu.vector_store %arg9[%swap3A_682, %swap3A_683], %max3A_681 {strides = array<i32>} : memref<328x128xf32, #tpu.memory_space<vmem>>, vector<16xf32>,
            %get3A_685 = arith.index_cast %squeeze3A_600 : i32 to index
            %get3A_686 = arith.constant 112 : index
            %get3A_687 = tpu.vector_load %arg9[%get3A_685, %get3A_686] {strides = array<i32>} : memref<328x128xf32, #tpu.memory_space<vmem>>, vector<16xf32>,
            %add3A_688 = arith.constant 5 : i32
            %add3A_689 = arith.addi %mul3A_107, %add3A_688 : i32
            %get3A_690 = arith.index_cast %add3A_689 : i32 to index
            %get3A_691 = arith.constant 112 : index
            %get3A_692 = tpu.vector_load %arg8[%get3A_690, %get3A_691] {strides = array<i32>} : memref<128x128xf32, #tpu.memory_space<vmem>>, vector<16xf32>,
            %max3A_693 = arith.maximumf %get3A_687, %get3A_692 : vector<16xf32>
            %swap3A_694 = arith.index_cast %squeeze3A_600 : i32 to index
            %swap3A_695 = arith.constant 112 : index
            %swap3A_696 = tpu.vector_load %arg9[%swap3A_694, %swap3A_695] {strides = array<i32>} : memref<328x128xf32, #tpu.memory_space<vmem>>, vector<16xf32>,
            tpu.vector_store %arg9[%swap3A_694, %swap3A_695], %max3A_693 {strides = array<i32>} : memref<328x128xf32, #tpu.memory_space<vmem>>, vector<16xf32>,
            %slice3A_697 = vector.extract_strided_slice %get3A_109 {offsets = [6], sizes = [1], strides = [1]} : vector<16xi32> to vector<1xi32>
            %squeeze3A_698 = vector.extract %slice3A_697[0] : i32 from vector<1xi32>
            %get3A_699 = arith.index_cast %squeeze3A_698 : i32 to index
            %get3A_700 = arith.constant 0 : index
            %get3A_701 = tpu.vector_load %arg9[%get3A_699, %get3A_700] {strides = array<i32>} : memref<328x128xf32, #tpu.memory_space<vmem>>, vector<16xf32>,
            %add3A_702 = arith.constant 6 : i32
            %add3A_703 = arith.addi %mul3A_107, %add3A_702 : i32
            %get3A_704 = arith.index_cast %add3A_703 : i32 to index
            %get3A_705 = arith.constant 0 : index
            %get3A_706 = tpu.vector_load %arg8[%get3A_704, %get3A_705] {strides = array<i32>} : memref<128x128xf32, #tpu.memory_space<vmem>>, vector<16xf32>,
            %max3A_707 = arith.maximumf %get3A_701, %get3A_706 : vector<16xf32>
            %swap3A_708 = arith.index_cast %squeeze3A_698 : i32 to index
            %swap3A_709 = arith.constant 0 : index
            %swap3A_710 = tpu.vector_load %arg9[%swap3A_708, %swap3A_709] {strides = array<i32>} : memref<328x128xf32, #tpu.memory_space<vmem>>, vector<16xf32>,
            tpu.vector_store %arg9[%swap3A_708, %swap3A_709], %max3A_707 {strides = array<i32>} : memref<328x128xf32, #tpu.memory_space<vmem>>, vector<16xf32>,
            %get3A_711 = arith.index_cast %squeeze3A_698 : i32 to index
            %get3A_712 = arith.constant 16 : index
            %get3A_713 = tpu.vector_load %arg9[%get3A_711, %get3A_712] {strides = array<i32>} : memref<328x128xf32, #tpu.memory_space<vmem>>, vector<16xf32>,
            %add3A_714 = arith.constant 6 : i32
            %add3A_715 = arith.addi %mul3A_107, %add3A_714 : i32
            %get3A_716 = arith.index_cast %add3A_715 : i32 to index
            %get3A_717 = arith.constant 16 : index
            %get3A_718 = tpu.vector_load %arg8[%get3A_716, %get3A_717] {strides = array<i32>} : memref<128x128xf32, #tpu.memory_space<vmem>>, vector<16xf32>,
            %max3A_719 = arith.maximumf %get3A_713, %get3A_718 : vector<16xf32>
            %swap3A_720 = arith.index_cast %squeeze3A_698 : i32 to index
            %swap3A_721 = arith.constant 16 : index
            %swap3A_722 = tpu.vector_load %arg9[%swap3A_720, %swap3A_721] {strides = array<i32>} : memref<328x128xf32, #tpu.memory_space<vmem>>, vector<16xf32>,
            tpu.vector_store %arg9[%swap3A_720, %swap3A_721], %max3A_719 {strides = array<i32>} : memref<328x128xf32, #tpu.memory_space<vmem>>, vector<16xf32>,
            %get3A_723 = arith.index_cast %squeeze3A_698 : i32 to index
            %get3A_724 = arith.constant 32 : index
            %get3A_725 = tpu.vector_load %arg9[%get3A_723, %get3A_724] {strides = array<i32>} : memref<328x128xf32, #tpu.memory_space<vmem>>, vector<16xf32>,
            %add3A_726 = arith.constant 6 : i32
            %add3A_727 = arith.addi %mul3A_107, %add3A_726 : i32
            %get3A_728 = arith.index_cast %add3A_727 : i32 to index
            %get3A_729 = arith.constant 32 : index
            %get3A_730 = tpu.vector_load %arg8[%get3A_728, %get3A_729] {strides = array<i32>} : memref<128x128xf32, #tpu.memory_space<vmem>>, vector<16xf32>,
            %max3A_731 = arith.maximumf %get3A_725, %get3A_730 : vector<16xf32>
            %swap3A_732 = arith.index_cast %squeeze3A_698 : i32 to index
            %swap3A_733 = arith.constant 32 : index
            %swap3A_734 = tpu.vector_load %arg9[%swap3A_732, %swap3A_733] {strides = array<i32>} : memref<328x128xf32, #tpu.memory_space<vmem>>, vector<16xf32>,
            tpu.vector_store %arg9[%swap3A_732, %swap3A_733], %max3A_731 {strides = array<i32>} : memref<328x128xf32, #tpu.memory_space<vmem>>, vector<16xf32>,
            %get3A_735 = arith.index_cast %squeeze3A_698 : i32 to index
            %get3A_736 = arith.constant 48 : index
            %get3A_737 = tpu.vector_load %arg9[%get3A_735, %get3A_736] {strides = array<i32>} : memref<328x128xf32, #tpu.memory_space<vmem>>, vector<16xf32>,
            %add3A_738 = arith.constant 6 : i32
            %add3A_739 = arith.addi %mul3A_107, %add3A_738 : i32
            %get3A_740 = arith.index_cast %add3A_739 : i32 to index
            %get3A_741 = arith.constant 48 : index
            %get3A_742 = tpu.vector_load %arg8[%get3A_740, %get3A_741] {strides = array<i32>} : memref<128x128xf32, #tpu.memory_space<vmem>>, vector<16xf32>,
            %max3A_743 = arith.maximumf %get3A_737, %get3A_742 : vector<16xf32>
            %swap3A_744 = arith.index_cast %squeeze3A_698 : i32 to index
            %swap3A_745 = arith.constant 48 : index
            %swap3A_746 = tpu.vector_load %arg9[%swap3A_744, %swap3A_745] {strides = array<i32>} : memref<328x128xf32, #tpu.memory_space<vmem>>, vector<16xf32>,
            tpu.vector_store %arg9[%swap3A_744, %swap3A_745], %max3A_743 {strides = array<i32>} : memref<328x128xf32, #tpu.memory_space<vmem>>, vector<16xf32>,
            %get3A_747 = arith.index_cast %squeeze3A_698 : i32 to index
            %get3A_748 = arith.constant 64 : index
            %get3A_749 = tpu.vector_load %arg9[%get3A_747, %get3A_748] {strides = array<i32>} : memref<328x128xf32, #tpu.memory_space<vmem>>, vector<16xf32>,
            %add3A_750 = arith.constant 6 : i32
            %add3A_751 = arith.addi %mul3A_107, %add3A_750 : i32
            %get3A_752 = arith.index_cast %add3A_751 : i32 to index
            %get3A_753 = arith.constant 64 : index
            %get3A_754 = tpu.vector_load %arg8[%get3A_752, %get3A_753] {strides = array<i32>} : memref<128x128xf32, #tpu.memory_space<vmem>>, vector<16xf32>,
            %max3A_755 = arith.maximumf %get3A_749, %get3A_754 : vector<16xf32>
            %swap3A_756 = arith.index_cast %squeeze3A_698 : i32 to index
            %swap3A_757 = arith.constant 64 : index
            %swap3A_758 = tpu.vector_load %arg9[%swap3A_756, %swap3A_757] {strides = array<i32>} : memref<328x128xf32, #tpu.memory_space<vmem>>, vector<16xf32>,
            tpu.vector_store %arg9[%swap3A_756, %swap3A_757], %max3A_755 {strides = array<i32>} : memref<328x128xf32, #tpu.memory_space<vmem>>, vector<16xf32>,
            %get3A_759 = arith.index_cast %squeeze3A_698 : i32 to index
            %get3A_760 = arith.constant 80 : index
            %get3A_761 = tpu.vector_load %arg9[%get3A_759, %get3A_760] {strides = array<i32>} : memref<328x128xf32, #tpu.memory_space<vmem>>, vector<16xf32>,
            %add3A_762 = arith.constant 6 : i32
            %add3A_763 = arith.addi %mul3A_107, %add3A_762 : i32
            %get3A_764 = arith.index_cast %add3A_763 : i32 to index
            %get3A_765 = arith.constant 80 : index
            %get3A_766 = tpu.vector_load %arg8[%get3A_764, %get3A_765] {strides = array<i32>} : memref<128x128xf32, #tpu.memory_space<vmem>>, vector<16xf32>,
            %max3A_767 = arith.maximumf %get3A_761, %get3A_766 : vector<16xf32>
            %swap3A_768 = arith.index_cast %squeeze3A_698 : i32 to index
            %swap3A_769 = arith.constant 80 : index
            %swap3A_770 = tpu.vector_load %arg9[%swap3A_768, %swap3A_769] {strides = array<i32>} : memref<328x128xf32, #tpu.memory_space<vmem>>, vector<16xf32>,
            tpu.vector_store %arg9[%swap3A_768, %swap3A_769], %max3A_767 {strides = array<i32>} : memref<328x128xf32, #tpu.memory_space<vmem>>, vector<16xf32>,
            %get3A_771 = arith.index_cast %squeeze3A_698 : i32 to index
            %get3A_772 = arith.constant 96 : index
            %get3A_773 = tpu.vector_load %arg9[%get3A_771, %get3A_772] {strides = array<i32>} : memref<328x128xf32, #tpu.memory_space<vmem>>, vector<16xf32>,
            %add3A_774 = arith.constant 6 : i32
            %add3A_775 = arith.addi %mul3A_107, %add3A_774 : i32
            %get3A_776 = arith.index_cast %add3A_775 : i32 to index
            %get3A_777 = arith.constant 96 : index
            %get3A_778 = tpu.vector_load %arg8[%get3A_776, %get3A_777] {strides = array<i32>} : memref<128x128xf32, #tpu.memory_space<vmem>>, vector<16xf32>,
            %max3A_779 = arith.maximumf %get3A_773, %get3A_778 : vector<16xf32>
            %swap3A_780 = arith.index_cast %squeeze3A_698 : i32 to index
            %swap3A_781 = arith.constant 96 : index
            %swap3A_782 = tpu.vector_load %arg9[%swap3A_780, %swap3A_781] {strides = array<i32>} : memref<328x128xf32, #tpu.memory_space<vmem>>, vector<16xf32>,
            tpu.vector_store %arg9[%swap3A_780, %swap3A_781], %max3A_779 {strides = array<i32>} : memref<328x128xf32, #tpu.memory_space<vmem>>, vector<16xf32>,
            %get3A_783 = arith.index_cast %squeeze3A_698 : i32 to index
            %get3A_784 = arith.constant 112 : index
            %get3A_785 = tpu.vector_load %arg9[%get3A_783, %get3A_784] {strides = array<i32>} : memref<328x128xf32, #tpu.memory_space<vmem>>, vector<16xf32>,
            %add3A_786 = arith.constant 6 : i32
            %add3A_787 = arith.addi %mul3A_107, %add3A_786 : i32
            %get3A_788 = arith.index_cast %add3A_787 : i32 to index
            %get3A_789 = arith.constant 112 : index
            %get3A_790 = tpu.vector_load %arg8[%get3A_788, %get3A_789] {strides = array<i32>} : memref<128x128xf32, #tpu.memory_space<vmem>>, vector<16xf32>,
            %max3A_791 = arith.maximumf %get3A_785, %get3A_790 : vector<16xf32>
            %swap3A_792 = arith.index_cast %squeeze3A_698 : i32 to index
            %swap3A_793 = arith.constant 112 : index
            %swap3A_794 = tpu.vector_load %arg9[%swap3A_792, %swap3A_793] {strides = array<i32>} : memref<328x128xf32, #tpu.memory_space<vmem>>, vector<16xf32>,
            tpu.vector_store %arg9[%swap3A_792, %swap3A_793], %max3A_791 {strides = array<i32>} : memref<328x128xf32, #tpu.memory_space<vmem>>, vector<16xf32>,
            %slice3A_795 = vector.extract_strided_slice %get3A_109 {offsets = [7], sizes = [1], strides = [1]} : vector<16xi32> to vector<1xi32>
            %squeeze3A_796 = vector.extract %slice3A_795[0] : i32 from vector<1xi32>
            %get3A_797 = arith.index_cast %squeeze3A_796 : i32 to index
            %get3A_798 = arith.constant 0 : index
            %get3A_799 = tpu.vector_load %arg9[%get3A_797, %get3A_798] {strides = array<i32>} : memref<328x128xf32, #tpu.memory_space<vmem>>, vector<16xf32>,
            %add3A_800 = arith.constant 7 : i32
            %add3A_801 = arith.addi %mul3A_107, %add3A_800 : i32
            %get3A_802 = arith.index_cast %add3A_801 : i32 to index
            %get3A_803 = arith.constant 0 : index
            %get3A_804 = tpu.vector_load %arg8[%get3A_802, %get3A_803] {strides = array<i32>} : memref<128x128xf32, #tpu.memory_space<vmem>>, vector<16xf32>,
            %max3A_805 = arith.maximumf %get3A_799, %get3A_804 : vector<16xf32>
            %swap3A_806 = arith.index_cast %squeeze3A_796 : i32 to index
            %swap3A_807 = arith.constant 0 : index
            %swap3A_808 = tpu.vector_load %arg9[%swap3A_806, %swap3A_807] {strides = array<i32>} : memref<328x128xf32, #tpu.memory_space<vmem>>, vector<16xf32>,
            tpu.vector_store %arg9[%swap3A_806, %swap3A_807], %max3A_805 {strides = array<i32>} : memref<328x128xf32, #tpu.memory_space<vmem>>, vector<16xf32>,
            %get3A_809 = arith.index_cast %squeeze3A_796 : i32 to index
            %get3A_810 = arith.constant 16 : index
            %get3A_811 = tpu.vector_load %arg9[%get3A_809, %get3A_810] {strides = array<i32>} : memref<328x128xf32, #tpu.memory_space<vmem>>, vector<16xf32>,
            %add3A_812 = arith.constant 7 : i32
            %add3A_813 = arith.addi %mul3A_107, %add3A_812 : i32
            %get3A_814 = arith.index_cast %add3A_813 : i32 to index
            %get3A_815 = arith.constant 16 : index
            %get3A_816 = tpu.vector_load %arg8[%get3A_814, %get3A_815] {strides = array<i32>} : memref<128x128xf32, #tpu.memory_space<vmem>>, vector<16xf32>,
            %max3A_817 = arith.maximumf %get3A_811, %get3A_816 : vector<16xf32>
            %swap3A_818 = arith.index_cast %squeeze3A_796 : i32 to index
            %swap3A_819 = arith.constant 16 : index
            %swap3A_820 = tpu.vector_load %arg9[%swap3A_818, %swap3A_819] {strides = array<i32>} : memref<328x128xf32, #tpu.memory_space<vmem>>, vector<16xf32>,
            tpu.vector_store %arg9[%swap3A_818, %swap3A_819], %max3A_817 {strides = array<i32>} : memref<328x128xf32, #tpu.memory_space<vmem>>, vector<16xf32>,
            %get3A_821 = arith.index_cast %squeeze3A_796 : i32 to index
            %get3A_822 = arith.constant 32 : index
            %get3A_823 = tpu.vector_load %arg9[%get3A_821, %get3A_822] {strides = array<i32>} : memref<328x128xf32, #tpu.memory_space<vmem>>, vector<16xf32>,
            %add3A_824 = arith.constant 7 : i32
            %add3A_825 = arith.addi %mul3A_107, %add3A_824 : i32
            %get3A_826 = arith.index_cast %add3A_825 : i32 to index
            %get3A_827 = arith.constant 32 : index
            %get3A_828 = tpu.vector_load %arg8[%get3A_826, %get3A_827] {strides = array<i32>} : memref<128x128xf32, #tpu.memory_space<vmem>>, vector<16xf32>,
            %max3A_829 = arith.maximumf %get3A_823, %get3A_828 : vector<16xf32>
            %swap3A_830 = arith.index_cast %squeeze3A_796 : i32 to index
            %swap3A_831 = arith.constant 32 : index
            %swap3A_832 = tpu.vector_load %arg9[%swap3A_830, %swap3A_831] {strides = array<i32>} : memref<328x128xf32, #tpu.memory_space<vmem>>, vector<16xf32>,
            tpu.vector_store %arg9[%swap3A_830, %swap3A_831], %max3A_829 {strides = array<i32>} : memref<328x128xf32, #tpu.memory_space<vmem>>, vector<16xf32>,
            %get3A_833 = arith.index_cast %squeeze3A_796 : i32 to index
            %get3A_834 = arith.constant 48 : index
            %get3A_835 = tpu.vector_load %arg9[%get3A_833, %get3A_834] {strides = array<i32>} : memref<328x128xf32, #tpu.memory_space<vmem>>, vector<16xf32>,
            %add3A_836 = arith.constant 7 : i32
            %add3A_837 = arith.addi %mul3A_107, %add3A_836 : i32
            %get3A_838 = arith.index_cast %add3A_837 : i32 to index
            %get3A_839 = arith.constant 48 : index
            %get3A_840 = tpu.vector_load %arg8[%get3A_838, %get3A_839] {strides = array<i32>} : memref<128x128xf32, #tpu.memory_space<vmem>>, vector<16xf32>,
            %max3A_841 = arith.maximumf %get3A_835, %get3A_840 : vector<16xf32>
            %swap3A_842 = arith.index_cast %squeeze3A_796 : i32 to index
            %swap3A_843 = arith.constant 48 : index
            %swap3A_844 = tpu.vector_load %arg9[%swap3A_842, %swap3A_843] {strides = array<i32>} : memref<328x128xf32, #tpu.memory_space<vmem>>, vector<16xf32>,
            tpu.vector_store %arg9[%swap3A_842, %swap3A_843], %max3A_841 {strides = array<i32>} : memref<328x128xf32, #tpu.memory_space<vmem>>, vector<16xf32>,
            %get3A_845 = arith.index_cast %squeeze3A_796 : i32 to index
            %get3A_846 = arith.constant 64 : index
            %get3A_847 = tpu.vector_load %arg9[%get3A_845, %get3A_846] {strides = array<i32>} : memref<328x128xf32, #tpu.memory_space<vmem>>, vector<16xf32>,
            %add3A_848 = arith.constant 7 : i32
            %add3A_849 = arith.addi %mul3A_107, %add3A_848 : i32
            %get3A_850 = arith.index_cast %add3A_849 : i32 to index
            %get3A_851 = arith.constant 64 : index
            %get3A_852 = tpu.vector_load %arg8[%get3A_850, %get3A_851] {strides = array<i32>} : memref<128x128xf32, #tpu.memory_space<vmem>>, vector<16xf32>,
            %max3A_853 = arith.maximumf %get3A_847, %get3A_852 : vector<16xf32>
            %swap3A_854 = arith.index_cast %squeeze3A_796 : i32 to index
            %swap3A_855 = arith.constant 64 : index
            %swap3A_856 = tpu.vector_load %arg9[%swap3A_854, %swap3A_855] {strides = array<i32>} : memref<328x128xf32, #tpu.memory_space<vmem>>, vector<16xf32>,
            tpu.vector_store %arg9[%swap3A_854, %swap3A_855], %max3A_853 {strides = array<i32>} : memref<328x128xf32, #tpu.memory_space<vmem>>, vector<16xf32>,
            %get3A_857 = arith.index_cast %squeeze3A_796 : i32 to index
            %get3A_858 = arith.constant 80 : index
            %get3A_859 = tpu.vector_load %arg9[%get3A_857, %get3A_858] {strides = array<i32>} : memref<328x128xf32, #tpu.memory_space<vmem>>, vector<16xf32>,
            %add3A_860 = arith.constant 7 : i32
            %add3A_861 = arith.addi %mul3A_107, %add3A_860 : i32
            %get3A_862 = arith.index_cast %add3A_861 : i32 to index
            %get3A_863 = arith.constant 80 : index
            %get3A_864 = tpu.vector_load %arg8[%get3A_862, %get3A_863] {strides = array<i32>} : memref<128x128xf32, #tpu.memory_space<vmem>>, vector<16xf32>,
            %max3A_865 = arith.maximumf %get3A_859, %get3A_864 : vector<16xf32>
            %swap3A_866 = arith.index_cast %squeeze3A_796 : i32 to index
            %swap3A_867 = arith.constant 80 : index
            %swap3A_868 = tpu.vector_load %arg9[%swap3A_866, %swap3A_867] {strides = array<i32>} : memref<328x128xf32, #tpu.memory_space<vmem>>, vector<16xf32>,
            tpu.vector_store %arg9[%swap3A_866, %swap3A_867], %max3A_865 {strides = array<i32>} : memref<328x128xf32, #tpu.memory_space<vmem>>, vector<16xf32>,
            %get3A_869 = arith.index_cast %squeeze3A_796 : i32 to index
            %get3A_870 = arith.constant 96 : index
            %get3A_871 = tpu.vector_load %arg9[%get3A_869, %get3A_870] {strides = array<i32>} : memref<328x128xf32, #tpu.memory_space<vmem>>, vector<16xf32>,
            %add3A_872 = arith.constant 7 : i32
            %add3A_873 = arith.addi %mul3A_107, %add3A_872 : i32
            %get3A_874 = arith.index_cast %add3A_873 : i32 to index
            %get3A_875 = arith.constant 96 : index
            %get3A_876 = tpu.vector_load %arg8[%get3A_874, %get3A_875] {strides = array<i32>} : memref<128x128xf32, #tpu.memory_space<vmem>>, vector<16xf32>,
            %max3A_877 = arith.maximumf %get3A_871, %get3A_876 : vector<16xf32>
            %swap3A_878 = arith.index_cast %squeeze3A_796 : i32 to index
            %swap3A_879 = arith.constant 96 : index
            %swap3A_880 = tpu.vector_load %arg9[%swap3A_878, %swap3A_879] {strides = array<i32>} : memref<328x128xf32, #tpu.memory_space<vmem>>, vector<16xf32>,
            tpu.vector_store %arg9[%swap3A_878, %swap3A_879], %max3A_877 {strides = array<i32>} : memref<328x128xf32, #tpu.memory_space<vmem>>, vector<16xf32>,
            %get3A_881 = arith.index_cast %squeeze3A_796 : i32 to index
            %get3A_882 = arith.constant 112 : index
            %get3A_883 = tpu.vector_load %arg9[%get3A_881, %get3A_882] {strides = array<i32>} : memref<328x128xf32, #tpu.memory_space<vmem>>, vector<16xf32>,
            %add3A_884 = arith.constant 7 : i32
            %add3A_885 = arith.addi %mul3A_107, %add3A_884 : i32
            %get3A_886 = arith.index_cast %add3A_885 : i32 to index
            %get3A_887 = arith.constant 112 : index
            %get3A_888 = tpu.vector_load %arg8[%get3A_886, %get3A_887] {strides = array<i32>} : memref<128x128xf32, #tpu.memory_space<vmem>>, vector<16xf32>,
            %max3A_889 = arith.maximumf %get3A_883, %get3A_888 : vector<16xf32>
            %swap3A_890 = arith.index_cast %squeeze3A_796 : i32 to index
            %swap3A_891 = arith.constant 112 : index
            %swap3A_892 = tpu.vector_load %arg9[%swap3A_890, %swap3A_891] {strides = array<i32>} : memref<328x128xf32, #tpu.memory_space<vmem>>, vector<16xf32>,
            tpu.vector_store %arg9[%swap3A_890, %swap3A_891], %max3A_889 {strides = array<i32>} : memref<328x128xf32, #tpu.memory_space<vmem>>, vector<16xf32>,
            %slice3A_893 = vector.extract_strided_slice %get3A_109 {offsets = [8], sizes = [1], strides = [1]} : vector<16xi32> to vector<1xi32>
            %squeeze3A_894 = vector.extract %slice3A_893[0] : i32 from vector<1xi32>
            %get3A_895 = arith.index_cast %squeeze3A_894 : i32 to index
            %get3A_896 = arith.constant 0 : index
            %get3A_897 = tpu.vector_load %arg9[%get3A_895, %get3A_896] {strides = array<i32>} : memref<328x128xf32, #tpu.memory_space<vmem>>, vector<16xf32>,
            %add3A_898 = arith.constant 8 : i32
            %add3A_899 = arith.addi %mul3A_107, %add3A_898 : i32
            %get3A_900 = arith.index_cast %add3A_899 : i32 to index
            %get3A_901 = arith.constant 0 : index
            %get3A_902 = tpu.vector_load %arg8[%get3A_900, %get3A_901] {strides = array<i32>} : memref<128x128xf32, #tpu.memory_space<vmem>>, vector<16xf32>,
            %max3A_903 = arith.maximumf %get3A_897, %get3A_902 : vector<16xf32>
            %swap3A_904 = arith.index_cast %squeeze3A_894 : i32 to index
            %swap3A_905 = arith.constant 0 : index
            %swap3A_906 = tpu.vector_load %arg9[%swap3A_904, %swap3A_905] {strides = array<i32>} : memref<328x128xf32, #tpu.memory_space<vmem>>, vector<16xf32>,
            tpu.vector_store %arg9[%swap3A_904, %swap3A_905], %max3A_903 {strides = array<i32>} : memref<328x128xf32, #tpu.memory_space<vmem>>, vector<16xf32>,
            %get3A_907 = arith.index_cast %squeeze3A_894 : i32 to index
            %get3A_908 = arith.constant 16 : index
            %get3A_909 = tpu.vector_load %arg9[%get3A_907, %get3A_908] {strides = array<i32>} : memref<328x128xf32, #tpu.memory_space<vmem>>, vector<16xf32>,
            %add3A_910 = arith.constant 8 : i32
            %add3A_911 = arith.addi %mul3A_107, %add3A_910 : i32
            %get3A_912 = arith.index_cast %add3A_911 : i32 to index
            %get3A_913 = arith.constant 16 : index
            %get3A_914 = tpu.vector_load %arg8[%get3A_912, %get3A_913] {strides = array<i32>} : memref<128x128xf32, #tpu.memory_space<vmem>>, vector<16xf32>,
            %max3A_915 = arith.maximumf %get3A_909, %get3A_914 : vector<16xf32>
            %swap3A_916 = arith.index_cast %squeeze3A_894 : i32 to index
            %swap3A_917 = arith.constant 16 : index
            %swap3A_918 = tpu.vector_load %arg9[%swap3A_916, %swap3A_917] {strides = array<i32>} : memref<328x128xf32, #tpu.memory_space<vmem>>, vector<16xf32>,
            tpu.vector_store %arg9[%swap3A_916, %swap3A_917], %max3A_915 {strides = array<i32>} : memref<328x128xf32, #tpu.memory_space<vmem>>, vector<16xf32>,
            %get3A_919 = arith.index_cast %squeeze3A_894 : i32 to index
            %get3A_920 = arith.constant 32 : index
            %get3A_921 = tpu.vector_load %arg9[%get3A_919, %get3A_920] {strides = array<i32>} : memref<328x128xf32, #tpu.memory_space<vmem>>, vector<16xf32>,
            %add3A_922 = arith.constant 8 : i32
            %add3A_923 = arith.addi %mul3A_107, %add3A_922 : i32
            %get3A_924 = arith.index_cast %add3A_923 : i32 to index
            %get3A_925 = arith.constant 32 : index
            %get3A_926 = tpu.vector_load %arg8[%get3A_924, %get3A_925] {strides = array<i32>} : memref<128x128xf32, #tpu.memory_space<vmem>>, vector<16xf32>,
            %max3A_927 = arith.maximumf %get3A_921, %get3A_926 : vector<16xf32>
            %swap3A_928 = arith.index_cast %squeeze3A_894 : i32 to index
            %swap3A_929 = arith.constant 32 : index
            %swap3A_930 = tpu.vector_load %arg9[%swap3A_928, %swap3A_929] {strides = array<i32>} : memref<328x128xf32, #tpu.memory_space<vmem>>, vector<16xf32>,
            tpu.vector_store %arg9[%swap3A_928, %swap3A_929], %max3A_927 {strides = array<i32>} : memref<328x128xf32, #tpu.memory_space<vmem>>, vector<16xf32>,
            %get3A_931 = arith.index_cast %squeeze3A_894 : i32 to index
            %get3A_932 = arith.constant 48 : index
            %get3A_933 = tpu.vector_load %arg9[%get3A_931, %get3A_932] {strides = array<i32>} : memref<328x128xf32, #tpu.memory_space<vmem>>, vector<16xf32>,
            %add3A_934 = arith.constant 8 : i32
            %add3A_935 = arith.addi %mul3A_107, %add3A_934 : i32
            %get3A_936 = arith.index_cast %add3A_935 : i32 to index
            %get3A_937 = arith.constant 48 : index
            %get3A_938 = tpu.vector_load %arg8[%get3A_936, %get3A_937] {strides = array<i32>} : memref<128x128xf32, #tpu.memory_space<vmem>>, vector<16xf32>,
            %max3A_939 = arith.maximumf %get3A_933, %get3A_938 : vector<16xf32>
            %swap3A_940 = arith.index_cast %squeeze3A_894 : i32 to index
            %swap3A_941 = arith.constant 48 : index
            %swap3A_942 = tpu.vector_load %arg9[%swap3A_940, %swap3A_941] {strides = array<i32>} : memref<328x128xf32, #tpu.memory_space<vmem>>, vector<16xf32>,
            tpu.vector_store %arg9[%swap3A_940, %swap3A_941], %max3A_939 {strides = array<i32>} : memref<328x128xf32, #tpu.memory_space<vmem>>, vector<16xf32>,
            %get3A_943 = arith.index_cast %squeeze3A_894 : i32 to index
            %get3A_944 = arith.constant 64 : index
            %get3A_945 = tpu.vector_load %arg9[%get3A_943, %get3A_944] {strides = array<i32>} : memref<328x128xf32, #tpu.memory_space<vmem>>, vector<16xf32>,
            %add3A_946 = arith.constant 8 : i32
            %add3A_947 = arith.addi %mul3A_107, %add3A_946 : i32
            %get3A_948 = arith.index_cast %add3A_947 : i32 to index
            %get3A_949 = arith.constant 64 : index
            %get3A_950 = tpu.vector_load %arg8[%get3A_948, %get3A_949] {strides = array<i32>} : memref<128x128xf32, #tpu.memory_space<vmem>>, vector<16xf32>,
            %max3A_951 = arith.maximumf %get3A_945, %get3A_950 : vector<16xf32>
            %swap3A_952 = arith.index_cast %squeeze3A_894 : i32 to index
            %swap3A_953 = arith.constant 64 : index
            %swap3A_954 = tpu.vector_load %arg9[%swap3A_952, %swap3A_953] {strides = array<i32>} : memref<328x128xf32, #tpu.memory_space<vmem>>, vector<16xf32>,
            tpu.vector_store %arg9[%swap3A_952, %swap3A_953], %max3A_951 {strides = array<i32>} : memref<328x128xf32, #tpu.memory_space<vmem>>, vector<16xf32>,
            %get3A_955 = arith.index_cast %squeeze3A_894 : i32 to index
            %get3A_956 = arith.constant 80 : index
            %get3A_957 = tpu.vector_load %arg9[%get3A_955, %get3A_956] {strides = array<i32>} : memref<328x128xf32, #tpu.memory_space<vmem>>, vector<16xf32>,
            %add3A_958 = arith.constant 8 : i32
            %add3A_959 = arith.addi %mul3A_107, %add3A_958 : i32
            %get3A_960 = arith.index_cast %add3A_959 : i32 to index
            %get3A_961 = arith.constant 80 : index
            %get3A_962 = tpu.vector_load %arg8[%get3A_960, %get3A_961] {strides = array<i32>} : memref<128x128xf32, #tpu.memory_space<vmem>>, vector<16xf32>,
            %max3A_963 = arith.maximumf %get3A_957, %get3A_962 : vector<16xf32>
            %swap3A_964 = arith.index_cast %squeeze3A_894 : i32 to index
            %swap3A_965 = arith.constant 80 : index
            %swap3A_966 = tpu.vector_load %arg9[%swap3A_964, %swap3A_965] {strides = array<i32>} : memref<328x128xf32, #tpu.memory_space<vmem>>, vector<16xf32>,
            tpu.vector_store %arg9[%swap3A_964, %swap3A_965], %max3A_963 {strides = array<i32>} : memref<328x128xf32, #tpu.memory_space<vmem>>, vector<16xf32>,
            %get3A_967 = arith.index_cast %squeeze3A_894 : i32 to index
            %get3A_968 = arith.constant 96 : index
            %get3A_969 = tpu.vector_load %arg9[%get3A_967, %get3A_968] {strides = array<i32>} : memref<328x128xf32, #tpu.memory_space<vmem>>, vector<16xf32>,
            %add3A_970 = arith.constant 8 : i32
            %add3A_971 = arith.addi %mul3A_107, %add3A_970 : i32
            %get3A_972 = arith.index_cast %add3A_971 : i32 to index
            %get3A_973 = arith.constant 96 : index
            %get3A_974 = tpu.vector_load %arg8[%get3A_972, %get3A_973] {strides = array<i32>} : memref<128x128xf32, #tpu.memory_space<vmem>>, vector<16xf32>,
            %max3A_975 = arith.maximumf %get3A_969, %get3A_974 : vector<16xf32>
            %swap3A_976 = arith.index_cast %squeeze3A_894 : i32 to index
            %swap3A_977 = arith.constant 96 : index
            %swap3A_978 = tpu.vector_load %arg9[%swap3A_976, %swap3A_977] {strides = array<i32>} : memref<328x128xf32, #tpu.memory_space<vmem>>, vector<16xf32>,
            tpu.vector_store %arg9[%swap3A_976, %swap3A_977], %max3A_975 {strides = array<i32>} : memref<328x128xf32, #tpu.memory_space<vmem>>, vector<16xf32>,
            %get3A_979 = arith.index_cast %squeeze3A_894 : i32 to index
            %get3A_980 = arith.constant 112 : index
            %get3A_981 = tpu.vector_load %arg9[%get3A_979, %get3A_980] {strides = array<i32>} : memref<328x128xf32, #tpu.memory_space<vmem>>, vector<16xf32>,
            %add3A_982 = arith.constant 8 : i32
            %add3A_983 = arith.addi %mul3A_107, %add3A_982 : i32
            %get3A_984 = arith.index_cast %add3A_983 : i32 to index
            %get3A_985 = arith.constant 112 : index
            %get3A_986 = tpu.vector_load %arg8[%get3A_984, %get3A_985] {strides = array<i32>} : memref<128x128xf32, #tpu.memory_space<vmem>>, vector<16xf32>,
            %max3A_987 = arith.maximumf %get3A_981, %get3A_986 : vector<16xf32>
            %swap3A_988 = arith.index_cast %squeeze3A_894 : i32 to index
            %swap3A_989 = arith.constant 112 : index
            %swap3A_990 = tpu.vector_load %arg9[%swap3A_988, %swap3A_989] {strides = array<i32>} : memref<328x128xf32, #tpu.memory_space<vmem>>, vector<16xf32>,
            tpu.vector_store %arg9[%swap3A_988, %swap3A_989], %max3A_987 {strides = array<i32>} : memref<328x128xf32, #tpu.memory_space<vmem>>, vector<16xf32>,
            %slice3A_991 = vector.extract_strided_slice %get3A_109 {offsets = [9], sizes = [1], strides = [1]} : vector<16xi32> to vector<1xi32>
            %squeeze3A_992 = vector.extract %slice3A_991[0] : i32 from vector<1xi32>
            %get3A_993 = arith.index_cast %squeeze3A_992 : i32 to index
            %get3A_994 = arith.constant 0 : index
            %get3A_995 = tpu.vector_load %arg9[%get3A_993, %get3A_994] {strides = array<i32>} : memref<328x128xf32, #tpu.memory_space<vmem>>, vector<16xf32>,
            %add3A_996 = arith.constant 9 : i32
            %add3A_997 = arith.addi %mul3A_107, %add3A_996 : i32
            %get3A_998 = arith.index_cast %add3A_997 : i32 to index
            %get3A_999 = arith.constant 0 : index
            %get3A_1000 = tpu.vector_load %arg8[%get3A_998, %get3A_999] {strides = array<i32>} : memref<128x128xf32, #tpu.memory_space<vmem>>, vector<16xf32>,
            %max3A_1001 = arith.maximumf %get3A_995, %get3A_1000 : vector<16xf32>
            %swap3A_1002 = arith.index_cast %squeeze3A_992 : i32 to index
            %swap3A_1003 = arith.constant 0 : index
            %swap3A_1004 = tpu.vector_load %arg9[%swap3A_1002, %swap3A_1003] {strides = array<i32>} : memref<328x128xf32, #tpu.memory_space<vmem>>, vector<16xf32>,
            tpu.vector_store %arg9[%swap3A_1002, %swap3A_1003], %max3A_1001 {strides = array<i32>} : memref<328x128xf32, #tpu.memory_space<vmem>>, vector<16xf32>,
            %get3A_1005 = arith.index_cast %squeeze3A_992 : i32 to index
            %get3A_1006 = arith.constant 16 : index
            %get3A_1007 = tpu.vector_load %arg9[%get3A_1005, %get3A_1006] {strides = array<i32>} : memref<328x128xf32, #tpu.memory_space<vmem>>, vector<16xf32>,
            %add3A_1008 = arith.constant 9 : i32
            %add3A_1009 = arith.addi %mul3A_107, %add3A_1008 : i32
            %get3A_1010 = arith.index_cast %add3A_1009 : i32 to index
            %get3A_1011 = arith.constant 16 : index
            %get3A_1012 = tpu.vector_load %arg8[%get3A_1010, %get3A_1011] {strides = array<i32>} : memref<128x128xf32, #tpu.memory_space<vmem>>, vector<16xf32>,
            %max3A_1013 = arith.maximumf %get3A_1007, %get3A_1012 : vector<16xf32>
            %swap3A_1014 = arith.index_cast %squeeze3A_992 : i32 to index
            %swap3A_1015 = arith.constant 16 : index
            %swap3A_1016 = tpu.vector_load %arg9[%swap3A_1014, %swap3A_1015] {strides = array<i32>} : memref<328x128xf32, #tpu.memory_space<vmem>>, vector<16xf32>,
            tpu.vector_store %arg9[%swap3A_1014, %swap3A_1015], %max3A_1013 {strides = array<i32>} : memref<328x128xf32, #tpu.memory_space<vmem>>, vector<16xf32>,
            %get3A_1017 = arith.index_cast %squeeze3A_992 : i32 to index
            %get3A_1018 = arith.constant 32 : index
            %get3A_1019 = tpu.vector_load %arg9[%get3A_1017, %get3A_1018] {strides = array<i32>} : memref<328x128xf32, #tpu.memory_space<vmem>>, vector<16xf32>,
            %add3A_1020 = arith.constant 9 : i32
            %add3A_1021 = arith.addi %mul3A_107, %add3A_1020 : i32
            %get3A_1022 = arith.index_cast %add3A_1021 : i32 to index
            %get3A_1023 = arith.constant 32 : index
            %get3A_1024 = tpu.vector_load %arg8[%get3A_1022, %get3A_1023] {strides = array<i32>} : memref<128x128xf32, #tpu.memory_space<vmem>>, vector<16xf32>,
            %max3A_1025 = arith.maximumf %get3A_1019, %get3A_1024 : vector<16xf32>
            %swap3A_1026 = arith.index_cast %squeeze3A_992 : i32 to index
            %swap3A_1027 = arith.constant 32 : index
            %swap3A_1028 = tpu.vector_load %arg9[%swap3A_1026, %swap3A_1027] {strides = array<i32>} : memref<328x128xf32, #tpu.memory_space<vmem>>, vector<16xf32>,
            tpu.vector_store %arg9[%swap3A_1026, %swap3A_1027], %max3A_1025 {strides = array<i32>} : memref<328x128xf32, #tpu.memory_space<vmem>>, vector<16xf32>,
            %get3A_1029 = arith.index_cast %squeeze3A_992 : i32 to index
            %get3A_1030 = arith.constant 48 : index
            %get3A_1031 = tpu.vector_load %arg9[%get3A_1029, %get3A_1030] {strides = array<i32>} : memref<328x128xf32, #tpu.memory_space<vmem>>, vector<16xf32>,
            %add3A_1032 = arith.constant 9 : i32
            %add3A_1033 = arith.addi %mul3A_107, %add3A_1032 : i32
            %get3A_1034 = arith.index_cast %add3A_1033 : i32 to index
            %get3A_1035 = arith.constant 48 : index
            %get3A_1036 = tpu.vector_load %arg8[%get3A_1034, %get3A_1035] {strides = array<i32>} : memref<128x128xf32, #tpu.memory_space<vmem>>, vector<16xf32>,
            %max3A_1037 = arith.maximumf %get3A_1031, %get3A_1036 : vector<16xf32>
            %swap3A_1038 = arith.index_cast %squeeze3A_992 : i32 to index
            %swap3A_1039 = arith.constant 48 : index
            %swap3A_1040 = tpu.vector_load %arg9[%swap3A_1038, %swap3A_1039] {strides = array<i32>} : memref<328x128xf32, #tpu.memory_space<vmem>>, vector<16xf32>,
            tpu.vector_store %arg9[%swap3A_1038, %swap3A_1039], %max3A_1037 {strides = array<i32>} : memref<328x128xf32, #tpu.memory_space<vmem>>, vector<16xf32>,
            %get3A_1041 = arith.index_cast %squeeze3A_992 : i32 to index
            %get3A_1042 = arith.constant 64 : index
            %get3A_1043 = tpu.vector_load %arg9[%get3A_1041, %get3A_1042] {strides = array<i32>} : memref<328x128xf32, #tpu.memory_space<vmem>>, vector<16xf32>,
            %add3A_1044 = arith.constant 9 : i32
            %add3A_1045 = arith.addi %mul3A_107, %add3A_1044 : i32
            %get3A_1046 = arith.index_cast %add3A_1045 : i32 to index
            %get3A_1047 = arith.constant 64 : index
            %get3A_1048 = tpu.vector_load %arg8[%get3A_1046, %get3A_1047] {strides = array<i32>} : memref<128x128xf32, #tpu.memory_space<vmem>>, vector<16xf32>,
            %max3A_1049 = arith.maximumf %get3A_1043, %get3A_1048 : vector<16xf32>
            %swap3A_1050 = arith.index_cast %squeeze3A_992 : i32 to index
            %swap3A_1051 = arith.constant 64 : index
            %swap3A_1052 = tpu.vector_load %arg9[%swap3A_1050, %swap3A_1051] {strides = array<i32>} : memref<328x128xf32, #tpu.memory_space<vmem>>, vector<16xf32>,
            tpu.vector_store %arg9[%swap3A_1050, %swap3A_1051], %max3A_1049 {strides = array<i32>} : memref<328x128xf32, #tpu.memory_space<vmem>>, vector<16xf32>,
            %get3A_1053 = arith.index_cast %squeeze3A_992 : i32 to index
            %get3A_1054 = arith.constant 80 : index
            %get3A_1055 = tpu.vector_load %arg9[%get3A_1053, %get3A_1054] {strides = array<i32>} : memref<328x128xf32, #tpu.memory_space<vmem>>, vector<16xf32>,
            %add3A_1056 = arith.constant 9 : i32
            %add3A_1057 = arith.addi %mul3A_107, %add3A_1056 : i32
            %get3A_1058 = arith.index_cast %add3A_1057 : i32 to index
            %get3A_1059 = arith.constant 80 : index
            %get3A_1060 = tpu.vector_load %arg8[%get3A_1058, %get3A_1059] {strides = array<i32>} : memref<128x128xf32, #tpu.memory_space<vmem>>, vector<16xf32>,
            %max3A_1061 = arith.maximumf %get3A_1055, %get3A_1060 : vector<16xf32>
            %swap3A_1062 = arith.index_cast %squeeze3A_992 : i32 to index
            %swap3A_1063 = arith.constant 80 : index
            %swap3A_1064 = tpu.vector_load %arg9[%swap3A_1062, %swap3A_1063] {strides = array<i32>} : memref<328x128xf32, #tpu.memory_space<vmem>>, vector<16xf32>,
            tpu.vector_store %arg9[%swap3A_1062, %swap3A_1063], %max3A_1061 {strides = array<i32>} : memref<328x128xf32, #tpu.memory_space<vmem>>, vector<16xf32>,
            %get3A_1065 = arith.index_cast %squeeze3A_992 : i32 to index
            %get3A_1066 = arith.constant 96 : index
            %get3A_1067 = tpu.vector_load %arg9[%get3A_1065, %get3A_1066] {strides = array<i32>} : memref<328x128xf32, #tpu.memory_space<vmem>>, vector<16xf32>,
            %add3A_1068 = arith.constant 9 : i32
            %add3A_1069 = arith.addi %mul3A_107, %add3A_1068 : i32
            %get3A_1070 = arith.index_cast %add3A_1069 : i32 to index
            %get3A_1071 = arith.constant 96 : index
            %get3A_1072 = tpu.vector_load %arg8[%get3A_1070, %get3A_1071] {strides = array<i32>} : memref<128x128xf32, #tpu.memory_space<vmem>>, vector<16xf32>,
            %max3A_1073 = arith.maximumf %get3A_1067, %get3A_1072 : vector<16xf32>
            %swap3A_1074 = arith.index_cast %squeeze3A_992 : i32 to index
            %swap3A_1075 = arith.constant 96 : index
            %swap3A_1076 = tpu.vector_load %arg9[%swap3A_1074, %swap3A_1075] {strides = array<i32>} : memref<328x128xf32, #tpu.memory_space<vmem>>, vector<16xf32>,
            tpu.vector_store %arg9[%swap3A_1074, %swap3A_1075], %max3A_1073 {strides = array<i32>} : memref<328x128xf32, #tpu.memory_space<vmem>>, vector<16xf32>,
            %get3A_1077 = arith.index_cast %squeeze3A_992 : i32 to index
            %get3A_1078 = arith.constant 112 : index
            %get3A_1079 = tpu.vector_load %arg9[%get3A_1077, %get3A_1078] {strides = array<i32>} : memref<328x128xf32, #tpu.memory_space<vmem>>, vector<16xf32>,
            %add3A_1080 = arith.constant 9 : i32
            %add3A_1081 = arith.addi %mul3A_107, %add3A_1080 : i32
            %get3A_1082 = arith.index_cast %add3A_1081 : i32 to index
            %get3A_1083 = arith.constant 112 : index
            %get3A_1084 = tpu.vector_load %arg8[%get3A_1082, %get3A_1083] {strides = array<i32>} : memref<128x128xf32, #tpu.memory_space<vmem>>, vector<16xf32>,
            %max3A_1085 = arith.maximumf %get3A_1079, %get3A_1084 : vector<16xf32>
            %swap3A_1086 = arith.index_cast %squeeze3A_992 : i32 to index
            %swap3A_1087 = arith.constant 112 : index
            %swap3A_1088 = tpu.vector_load %arg9[%swap3A_1086, %swap3A_1087] {strides = array<i32>} : memref<328x128xf32, #tpu.memory_space<vmem>>, vector<16xf32>,
            tpu.vector_store %arg9[%swap3A_1086, %swap3A_1087], %max3A_1085 {strides = array<i32>} : memref<328x128xf32, #tpu.memory_space<vmem>>, vector<16xf32>,
            %slice3A_1089 = vector.extract_strided_slice %get3A_109 {offsets = [10], sizes = [1], strides = [1]} : vector<16xi32> to vector<1xi32>
            %squeeze3A_1090 = vector.extract %slice3A_1089[0] : i32 from vector<1xi32>
            %get3A_1091 = arith.index_cast %squeeze3A_1090 : i32 to index
            %get3A_1092 = arith.constant 0 : index
            %get3A_1093 = tpu.vector_load %arg9[%get3A_1091, %get3A_1092] {strides = array<i32>} : memref<328x128xf32, #tpu.memory_space<vmem>>, vector<16xf32>,
            %add3A_1094 = arith.constant 10 : i32
            %add3A_1095 = arith.addi %mul3A_107, %add3A_1094 : i32
            %get3A_1096 = arith.index_cast %add3A_1095 : i32 to index
            %get3A_1097 = arith.constant 0 : index
            %get3A_1098 = tpu.vector_load %arg8[%get3A_1096, %get3A_1097] {strides = array<i32>} : memref<128x128xf32, #tpu.memory_space<vmem>>, vector<16xf32>,
            %max3A_1099 = arith.maximumf %get3A_1093, %get3A_1098 : vector<16xf32>
            %swap3A_1100 = arith.index_cast %squeeze3A_1090 : i32 to index
            %swap3A_1101 = arith.constant 0 : index
            %swap3A_1102 = tpu.vector_load %arg9[%swap3A_1100, %swap3A_1101] {strides = array<i32>} : memref<328x128xf32, #tpu.memory_space<vmem>>, vector<16xf32>,
            tpu.vector_store %arg9[%swap3A_1100, %swap3A_1101], %max3A_1099 {strides = array<i32>} : memref<328x128xf32, #tpu.memory_space<vmem>>, vector<16xf32>,
            %get3A_1103 = arith.index_cast %squeeze3A_1090 : i32 to index
            %get3A_1104 = arith.constant 16 : index
            %get3A_1105 = tpu.vector_load %arg9[%get3A_1103, %get3A_1104] {strides = array<i32>} : memref<328x128xf32, #tpu.memory_space<vmem>>, vector<16xf32>,
            %add3A_1106 = arith.constant 10 : i32
            %add3A_1107 = arith.addi %mul3A_107, %add3A_1106 : i32
            %get3A_1108 = arith.index_cast %add3A_1107 : i32 to index
            %get3A_1109 = arith.constant 16 : index
            %get3A_1110 = tpu.vector_load %arg8[%get3A_1108, %get3A_1109] {strides = array<i32>} : memref<128x128xf32, #tpu.memory_space<vmem>>, vector<16xf32>,
            %max3A_1111 = arith.maximumf %get3A_1105, %get3A_1110 : vector<16xf32>
            %swap3A_1112 = arith.index_cast %squeeze3A_1090 : i32 to index
            %swap3A_1113 = arith.constant 16 : index
            %swap3A_1114 = tpu.vector_load %arg9[%swap3A_1112, %swap3A_1113] {strides = array<i32>} : memref<328x128xf32, #tpu.memory_space<vmem>>, vector<16xf32>,
            tpu.vector_store %arg9[%swap3A_1112, %swap3A_1113], %max3A_1111 {strides = array<i32>} : memref<328x128xf32, #tpu.memory_space<vmem>>, vector<16xf32>,
            %get3A_1115 = arith.index_cast %squeeze3A_1090 : i32 to index
            %get3A_1116 = arith.constant 32 : index
            %get3A_1117 = tpu.vector_load %arg9[%get3A_1115, %get3A_1116] {strides = array<i32>} : memref<328x128xf32, #tpu.memory_space<vmem>>, vector<16xf32>,
            %add3A_1118 = arith.constant 10 : i32
            %add3A_1119 = arith.addi %mul3A_107, %add3A_1118 : i32
            %get3A_1120 = arith.index_cast %add3A_1119 : i32 to index
            %get3A_1121 = arith.constant 32 : index
            %get3A_1122 = tpu.vector_load %arg8[%get3A_1120, %get3A_1121] {strides = array<i32>} : memref<128x128xf32, #tpu.memory_space<vmem>>, vector<16xf32>,
            %max3A_1123 = arith.maximumf %get3A_1117, %get3A_1122 : vector<16xf32>
            %swap3A_1124 = arith.index_cast %squeeze3A_1090 : i32 to index
            %swap3A_1125 = arith.constant 32 : index
            %swap3A_1126 = tpu.vector_load %arg9[%swap3A_1124, %swap3A_1125] {strides = array<i32>} : memref<328x128xf32, #tpu.memory_space<vmem>>, vector<16xf32>,
            tpu.vector_store %arg9[%swap3A_1124, %swap3A_1125], %max3A_1123 {strides = array<i32>} : memref<328x128xf32, #tpu.memory_space<vmem>>, vector<16xf32>,
            %get3A_1127 = arith.index_cast %squeeze3A_1090 : i32 to index
            %get3A_1128 = arith.constant 48 : index
            %get3A_1129 = tpu.vector_load %arg9[%get3A_1127, %get3A_1128] {strides = array<i32>} : memref<328x128xf32, #tpu.memory_space<vmem>>, vector<16xf32>,
            %add3A_1130 = arith.constant 10 : i32
            %add3A_1131 = arith.addi %mul3A_107, %add3A_1130 : i32
            %get3A_1132 = arith.index_cast %add3A_1131 : i32 to index
            %get3A_1133 = arith.constant 48 : index
            %get3A_1134 = tpu.vector_load %arg8[%get3A_1132, %get3A_1133] {strides = array<i32>} : memref<128x128xf32, #tpu.memory_space<vmem>>, vector<16xf32>,
            %max3A_1135 = arith.maximumf %get3A_1129, %get3A_1134 : vector<16xf32>
            %swap3A_1136 = arith.index_cast %squeeze3A_1090 : i32 to index
            %swap3A_1137 = arith.constant 48 : index
            %swap3A_1138 = tpu.vector_load %arg9[%swap3A_1136, %swap3A_1137] {strides = array<i32>} : memref<328x128xf32, #tpu.memory_space<vmem>>, vector<16xf32>,
            tpu.vector_store %arg9[%swap3A_1136, %swap3A_1137], %max3A_1135 {strides = array<i32>} : memref<328x128xf32, #tpu.memory_space<vmem>>, vector<16xf32>,
            %get3A_1139 = arith.index_cast %squeeze3A_1090 : i32 to index
            %get3A_1140 = arith.constant 64 : index
            %get3A_1141 = tpu.vector_load %arg9[%get3A_1139, %get3A_1140] {strides = array<i32>} : memref<328x128xf32, #tpu.memory_space<vmem>>, vector<16xf32>,
            %add3A_1142 = arith.constant 10 : i32
            %add3A_1143 = arith.addi %mul3A_107, %add3A_1142 : i32
            %get3A_1144 = arith.index_cast %add3A_1143 : i32 to index
            %get3A_1145 = arith.constant 64 : index
            %get3A_1146 = tpu.vector_load %arg8[%get3A_1144, %get3A_1145] {strides = array<i32>} : memref<128x128xf32, #tpu.memory_space<vmem>>, vector<16xf32>,
            %max3A_1147 = arith.maximumf %get3A_1141, %get3A_1146 : vector<16xf32>
            %swap3A_1148 = arith.index_cast %squeeze3A_1090 : i32 to index
            %swap3A_1149 = arith.constant 64 : index
            %swap3A_1150 = tpu.vector_load %arg9[%swap3A_1148, %swap3A_1149] {strides = array<i32>} : memref<328x128xf32, #tpu.memory_space<vmem>>, vector<16xf32>,
            tpu.vector_store %arg9[%swap3A_1148, %swap3A_1149], %max3A_1147 {strides = array<i32>} : memref<328x128xf32, #tpu.memory_space<vmem>>, vector<16xf32>,
            %get3A_1151 = arith.index_cast %squeeze3A_1090 : i32 to index
            %get3A_1152 = arith.constant 80 : index
            %get3A_1153 = tpu.vector_load %arg9[%get3A_1151, %get3A_1152] {strides = array<i32>} : memref<328x128xf32, #tpu.memory_space<vmem>>, vector<16xf32>,
            %add3A_1154 = arith.constant 10 : i32
            %add3A_1155 = arith.addi %mul3A_107, %add3A_1154 : i32
            %get3A_1156 = arith.index_cast %add3A_1155 : i32 to index
            %get3A_1157 = arith.constant 80 : index
            %get3A_1158 = tpu.vector_load %arg8[%get3A_1156, %get3A_1157] {strides = array<i32>} : memref<128x128xf32, #tpu.memory_space<vmem>>, vector<16xf32>,
            %max3A_1159 = arith.maximumf %get3A_1153, %get3A_1158 : vector<16xf32>
            %swap3A_1160 = arith.index_cast %squeeze3A_1090 : i32 to index
            %swap3A_1161 = arith.constant 80 : index
            %swap3A_1162 = tpu.vector_load %arg9[%swap3A_1160, %swap3A_1161] {strides = array<i32>} : memref<328x128xf32, #tpu.memory_space<vmem>>, vector<16xf32>,
            tpu.vector_store %arg9[%swap3A_1160, %swap3A_1161], %max3A_1159 {strides = array<i32>} : memref<328x128xf32, #tpu.memory_space<vmem>>, vector<16xf32>,
            %get3A_1163 = arith.index_cast %squeeze3A_1090 : i32 to index
            %get3A_1164 = arith.constant 96 : index
            %get3A_1165 = tpu.vector_load %arg9[%get3A_1163, %get3A_1164] {strides = array<i32>} : memref<328x128xf32, #tpu.memory_space<vmem>>, vector<16xf32>,
            %add3A_1166 = arith.constant 10 : i32
            %add3A_1167 = arith.addi %mul3A_107, %add3A_1166 : i32
            %get3A_1168 = arith.index_cast %add3A_1167 : i32 to index
            %get3A_1169 = arith.constant 96 : index
            %get3A_1170 = tpu.vector_load %arg8[%get3A_1168, %get3A_1169] {strides = array<i32>} : memref<128x128xf32, #tpu.memory_space<vmem>>, vector<16xf32>,
            %max3A_1171 = arith.maximumf %get3A_1165, %get3A_1170 : vector<16xf32>
            %swap3A_1172 = arith.index_cast %squeeze3A_1090 : i32 to index
            %swap3A_1173 = arith.constant 96 : index
            %swap3A_1174 = tpu.vector_load %arg9[%swap3A_1172, %swap3A_1173] {strides = array<i32>} : memref<328x128xf32, #tpu.memory_space<vmem>>, vector<16xf32>,
            tpu.vector_store %arg9[%swap3A_1172, %swap3A_1173], %max3A_1171 {strides = array<i32>} : memref<328x128xf32, #tpu.memory_space<vmem>>, vector<16xf32>,
            %get3A_1175 = arith.index_cast %squeeze3A_1090 : i32 to index
            %get3A_1176 = arith.constant 112 : index
            %get3A_1177 = tpu.vector_load %arg9[%get3A_1175, %get3A_1176] {strides = array<i32>} : memref<328x128xf32, #tpu.memory_space<vmem>>, vector<16xf32>,
            %add3A_1178 = arith.constant 10 : i32
            %add3A_1179 = arith.addi %mul3A_107, %add3A_1178 : i32
            %get3A_1180 = arith.index_cast %add3A_1179 : i32 to index
            %get3A_1181 = arith.constant 112 : index
            %get3A_1182 = tpu.vector_load %arg8[%get3A_1180, %get3A_1181] {strides = array<i32>} : memref<128x128xf32, #tpu.memory_space<vmem>>, vector<16xf32>,
            %max3A_1183 = arith.maximumf %get3A_1177, %get3A_1182 : vector<16xf32>
            %swap3A_1184 = arith.index_cast %squeeze3A_1090 : i32 to index
            %swap3A_1185 = arith.constant 112 : index
            %swap3A_1186 = tpu.vector_load %arg9[%swap3A_1184, %swap3A_1185] {strides = array<i32>} : memref<328x128xf32, #tpu.memory_space<vmem>>, vector<16xf32>,
            tpu.vector_store %arg9[%swap3A_1184, %swap3A_1185], %max3A_1183 {strides = array<i32>} : memref<328x128xf32, #tpu.memory_space<vmem>>, vector<16xf32>,
            %slice3A_1187 = vector.extract_strided_slice %get3A_109 {offsets = [11], sizes = [1], strides = [1]} : vector<16xi32> to vector<1xi32>
            %squeeze3A_1188 = vector.extract %slice3A_1187[0] : i32 from vector<1xi32>
            %get3A_1189 = arith.index_cast %squeeze3A_1188 : i32 to index
            %get3A_1190 = arith.constant 0 : index
            %get3A_1191 = tpu.vector_load %arg9[%get3A_1189, %get3A_1190] {strides = array<i32>} : memref<328x128xf32, #tpu.memory_space<vmem>>, vector<16xf32>,
            %add3A_1192 = arith.constant 11 : i32
            %add3A_1193 = arith.addi %mul3A_107, %add3A_1192 : i32
            %get3A_1194 = arith.index_cast %add3A_1193 : i32 to index
            %get3A_1195 = arith.constant 0 : index
            %get3A_1196 = tpu.vector_load %arg8[%get3A_1194, %get3A_1195] {strides = array<i32>} : memref<128x128xf32, #tpu.memory_space<vmem>>, vector<16xf32>,
            %max3A_1197 = arith.maximumf %get3A_1191, %get3A_1196 : vector<16xf32>
            %swap3A_1198 = arith.index_cast %squeeze3A_1188 : i32 to index
            %swap3A_1199 = arith.constant 0 : index
            %swap3A_1200 = tpu.vector_load %arg9[%swap3A_1198, %swap3A_1199] {strides = array<i32>} : memref<328x128xf32, #tpu.memory_space<vmem>>, vector<16xf32>,
            tpu.vector_store %arg9[%swap3A_1198, %swap3A_1199], %max3A_1197 {strides = array<i32>} : memref<328x128xf32, #tpu.memory_space<vmem>>, vector<16xf32>,
            %get3A_1201 = arith.index_cast %squeeze3A_1188 : i32 to index
            %get3A_1202 = arith.constant 16 : index
            %get3A_1203 = tpu.vector_load %arg9[%get3A_1201, %get3A_1202] {strides = array<i32>} : memref<328x128xf32, #tpu.memory_space<vmem>>, vector<16xf32>,
            %add3A_1204 = arith.constant 11 : i32
            %add3A_1205 = arith.addi %mul3A_107, %add3A_1204 : i32
            %get3A_1206 = arith.index_cast %add3A_1205 : i32 to index
            %get3A_1207 = arith.constant 16 : index
            %get3A_1208 = tpu.vector_load %arg8[%get3A_1206, %get3A_1207] {strides = array<i32>} : memref<128x128xf32, #tpu.memory_space<vmem>>, vector<16xf32>,
            %max3A_1209 = arith.maximumf %get3A_1203, %get3A_1208 : vector<16xf32>
            %swap3A_1210 = arith.index_cast %squeeze3A_1188 : i32 to index
            %swap3A_1211 = arith.constant 16 : index
            %swap3A_1212 = tpu.vector_load %arg9[%swap3A_1210, %swap3A_1211] {strides = array<i32>} : memref<328x128xf32, #tpu.memory_space<vmem>>, vector<16xf32>,
            tpu.vector_store %arg9[%swap3A_1210, %swap3A_1211], %max3A_1209 {strides = array<i32>} : memref<328x128xf32, #tpu.memory_space<vmem>>, vector<16xf32>,
            %get3A_1213 = arith.index_cast %squeeze3A_1188 : i32 to index
            %get3A_1214 = arith.constant 32 : index
            %get3A_1215 = tpu.vector_load %arg9[%get3A_1213, %get3A_1214] {strides = array<i32>} : memref<328x128xf32, #tpu.memory_space<vmem>>, vector<16xf32>,
            %add3A_1216 = arith.constant 11 : i32
            %add3A_1217 = arith.addi %mul3A_107, %add3A_1216 : i32
            %get3A_1218 = arith.index_cast %add3A_1217 : i32 to index
            %get3A_1219 = arith.constant 32 : index
            %get3A_1220 = tpu.vector_load %arg8[%get3A_1218, %get3A_1219] {strides = array<i32>} : memref<128x128xf32, #tpu.memory_space<vmem>>, vector<16xf32>,
            %max3A_1221 = arith.maximumf %get3A_1215, %get3A_1220 : vector<16xf32>
            %swap3A_1222 = arith.index_cast %squeeze3A_1188 : i32 to index
            %swap3A_1223 = arith.constant 32 : index
            %swap3A_1224 = tpu.vector_load %arg9[%swap3A_1222, %swap3A_1223] {strides = array<i32>} : memref<328x128xf32, #tpu.memory_space<vmem>>, vector<16xf32>,
            tpu.vector_store %arg9[%swap3A_1222, %swap3A_1223], %max3A_1221 {strides = array<i32>} : memref<328x128xf32, #tpu.memory_space<vmem>>, vector<16xf32>,
            %get3A_1225 = arith.index_cast %squeeze3A_1188 : i32 to index
            %get3A_1226 = arith.constant 48 : index
            %get3A_1227 = tpu.vector_load %arg9[%get3A_1225, %get3A_1226] {strides = array<i32>} : memref<328x128xf32, #tpu.memory_space<vmem>>, vector<16xf32>,
            %add3A_1228 = arith.constant 11 : i32
            %add3A_1229 = arith.addi %mul3A_107, %add3A_1228 : i32
            %get3A_1230 = arith.index_cast %add3A_1229 : i32 to index
            %get3A_1231 = arith.constant 48 : index
            %get3A_1232 = tpu.vector_load %arg8[%get3A_1230, %get3A_1231] {strides = array<i32>} : memref<128x128xf32, #tpu.memory_space<vmem>>, vector<16xf32>,
            %max3A_1233 = arith.maximumf %get3A_1227, %get3A_1232 : vector<16xf32>
            %swap3A_1234 = arith.index_cast %squeeze3A_1188 : i32 to index
            %swap3A_1235 = arith.constant 48 : index
            %swap3A_1236 = tpu.vector_load %arg9[%swap3A_1234, %swap3A_1235] {strides = array<i32>} : memref<328x128xf32, #tpu.memory_space<vmem>>, vector<16xf32>,
            tpu.vector_store %arg9[%swap3A_1234, %swap3A_1235], %max3A_1233 {strides = array<i32>} : memref<328x128xf32, #tpu.memory_space<vmem>>, vector<16xf32>,
            %get3A_1237 = arith.index_cast %squeeze3A_1188 : i32 to index
            %get3A_1238 = arith.constant 64 : index
            %get3A_1239 = tpu.vector_load %arg9[%get3A_1237, %get3A_1238] {strides = array<i32>} : memref<328x128xf32, #tpu.memory_space<vmem>>, vector<16xf32>,
            %add3A_1240 = arith.constant 11 : i32
            %add3A_1241 = arith.addi %mul3A_107, %add3A_1240 : i32
            %get3A_1242 = arith.index_cast %add3A_1241 : i32 to index
            %get3A_1243 = arith.constant 64 : index
            %get3A_1244 = tpu.vector_load %arg8[%get3A_1242, %get3A_1243] {strides = array<i32>} : memref<128x128xf32, #tpu.memory_space<vmem>>, vector<16xf32>,
            %max3A_1245 = arith.maximumf %get3A_1239, %get3A_1244 : vector<16xf32>
            %swap3A_1246 = arith.index_cast %squeeze3A_1188 : i32 to index
            %swap3A_1247 = arith.constant 64 : index
            %swap3A_1248 = tpu.vector_load %arg9[%swap3A_1246, %swap3A_1247] {strides = array<i32>} : memref<328x128xf32, #tpu.memory_space<vmem>>, vector<16xf32>,
            tpu.vector_store %arg9[%swap3A_1246, %swap3A_1247], %max3A_1245 {strides = array<i32>} : memref<328x128xf32, #tpu.memory_space<vmem>>, vector<16xf32>,
            %get3A_1249 = arith.index_cast %squeeze3A_1188 : i32 to index
            %get3A_1250 = arith.constant 80 : index
            %get3A_1251 = tpu.vector_load %arg9[%get3A_1249, %get3A_1250] {strides = array<i32>} : memref<328x128xf32, #tpu.memory_space<vmem>>, vector<16xf32>,
            %add3A_1252 = arith.constant 11 : i32
            %add3A_1253 = arith.addi %mul3A_107, %add3A_1252 : i32
            %get3A_1254 = arith.index_cast %add3A_1253 : i32 to index
            %get3A_1255 = arith.constant 80 : index
            %get3A_1256 = tpu.vector_load %arg8[%get3A_1254, %get3A_1255] {strides = array<i32>} : memref<128x128xf32, #tpu.memory_space<vmem>>, vector<16xf32>,
            %max3A_1257 = arith.maximumf %get3A_1251, %get3A_1256 : vector<16xf32>
            %swap3A_1258 = arith.index_cast %squeeze3A_1188 : i32 to index
            %swap3A_1259 = arith.constant 80 : index
            %swap3A_1260 = tpu.vector_load %arg9[%swap3A_1258, %swap3A_1259] {strides = array<i32>} : memref<328x128xf32, #tpu.memory_space<vmem>>, vector<16xf32>,
            tpu.vector_store %arg9[%swap3A_1258, %swap3A_1259], %max3A_1257 {strides = array<i32>} : memref<328x128xf32, #tpu.memory_space<vmem>>, vector<16xf32>,
            %get3A_1261 = arith.index_cast %squeeze3A_1188 : i32 to index
            %get3A_1262 = arith.constant 96 : index
            %get3A_1263 = tpu.vector_load %arg9[%get3A_1261, %get3A_1262] {strides = array<i32>} : memref<328x128xf32, #tpu.memory_space<vmem>>, vector<16xf32>,
            %add3A_1264 = arith.constant 11 : i32
            %add3A_1265 = arith.addi %mul3A_107, %add3A_1264 : i32
            %get3A_1266 = arith.index_cast %add3A_1265 : i32 to index
            %get3A_1267 = arith.constant 96 : index
            %get3A_1268 = tpu.vector_load %arg8[%get3A_1266, %get3A_1267] {strides = array<i32>} : memref<128x128xf32, #tpu.memory_space<vmem>>, vector<16xf32>,
            %max3A_1269 = arith.maximumf %get3A_1263, %get3A_1268 : vector<16xf32>
            %swap3A_1270 = arith.index_cast %squeeze3A_1188 : i32 to index
            %swap3A_1271 = arith.constant 96 : index
            %swap3A_1272 = tpu.vector_load %arg9[%swap3A_1270, %swap3A_1271] {strides = array<i32>} : memref<328x128xf32, #tpu.memory_space<vmem>>, vector<16xf32>,
            tpu.vector_store %arg9[%swap3A_1270, %swap3A_1271], %max3A_1269 {strides = array<i32>} : memref<328x128xf32, #tpu.memory_space<vmem>>, vector<16xf32>,
            %get3A_1273 = arith.index_cast %squeeze3A_1188 : i32 to index
            %get3A_1274 = arith.constant 112 : index
            %get3A_1275 = tpu.vector_load %arg9[%get3A_1273, %get3A_1274] {strides = array<i32>} : memref<328x128xf32, #tpu.memory_space<vmem>>, vector<16xf32>,
            %add3A_1276 = arith.constant 11 : i32
            %add3A_1277 = arith.addi %mul3A_107, %add3A_1276 : i32
            %get3A_1278 = arith.index_cast %add3A_1277 : i32 to index
            %get3A_1279 = arith.constant 112 : index
            %get3A_1280 = tpu.vector_load %arg8[%get3A_1278, %get3A_1279] {strides = array<i32>} : memref<128x128xf32, #tpu.memory_space<vmem>>, vector<16xf32>,
            %max3A_1281 = arith.maximumf %get3A_1275, %get3A_1280 : vector<16xf32>
            %swap3A_1282 = arith.index_cast %squeeze3A_1188 : i32 to index
            %swap3A_1283 = arith.constant 112 : index
            %swap3A_1284 = tpu.vector_load %arg9[%swap3A_1282, %swap3A_1283] {strides = array<i32>} : memref<328x128xf32, #tpu.memory_space<vmem>>, vector<16xf32>,
            tpu.vector_store %arg9[%swap3A_1282, %swap3A_1283], %max3A_1281 {strides = array<i32>} : memref<328x128xf32, #tpu.memory_space<vmem>>, vector<16xf32>,
            %slice3A_1285 = vector.extract_strided_slice %get3A_109 {offsets = [12], sizes = [1], strides = [1]} : vector<16xi32> to vector<1xi32>
            %squeeze3A_1286 = vector.extract %slice3A_1285[0] : i32 from vector<1xi32>
            %get3A_1287 = arith.index_cast %squeeze3A_1286 : i32 to index
            %get3A_1288 = arith.constant 0 : index
            %get3A_1289 = tpu.vector_load %arg9[%get3A_1287, %get3A_1288] {strides = array<i32>} : memref<328x128xf32, #tpu.memory_space<vmem>>, vector<16xf32>,
            %add3A_1290 = arith.constant 12 : i32
            %add3A_1291 = arith.addi %mul3A_107, %add3A_1290 : i32
            %get3A_1292 = arith.index_cast %add3A_1291 : i32 to index
            %get3A_1293 = arith.constant 0 : index
            %get3A_1294 = tpu.vector_load %arg8[%get3A_1292, %get3A_1293] {strides = array<i32>} : memref<128x128xf32, #tpu.memory_space<vmem>>, vector<16xf32>,
            %max3A_1295 = arith.maximumf %get3A_1289, %get3A_1294 : vector<16xf32>
            %swap3A_1296 = arith.index_cast %squeeze3A_1286 : i32 to index
            %swap3A_1297 = arith.constant 0 : index
            %swap3A_1298 = tpu.vector_load %arg9[%swap3A_1296, %swap3A_1297] {strides = array<i32>} : memref<328x128xf32, #tpu.memory_space<vmem>>, vector<16xf32>,
            tpu.vector_store %arg9[%swap3A_1296, %swap3A_1297], %max3A_1295 {strides = array<i32>} : memref<328x128xf32, #tpu.memory_space<vmem>>, vector<16xf32>,
            %get3A_1299 = arith.index_cast %squeeze3A_1286 : i32 to index
            %get3A_1300 = arith.constant 16 : index
            %get3A_1301 = tpu.vector_load %arg9[%get3A_1299, %get3A_1300] {strides = array<i32>} : memref<328x128xf32, #tpu.memory_space<vmem>>, vector<16xf32>,
            %add3A_1302 = arith.constant 12 : i32
            %add3A_1303 = arith.addi %mul3A_107, %add3A_1302 : i32
            %get3A_1304 = arith.index_cast %add3A_1303 : i32 to index
            %get3A_1305 = arith.constant 16 : index
            %get3A_1306 = tpu.vector_load %arg8[%get3A_1304, %get3A_1305] {strides = array<i32>} : memref<128x128xf32, #tpu.memory_space<vmem>>, vector<16xf32>,
            %max3A_1307 = arith.maximumf %get3A_1301, %get3A_1306 : vector<16xf32>
            %swap3A_1308 = arith.index_cast %squeeze3A_1286 : i32 to index
            %swap3A_1309 = arith.constant 16 : index
            %swap3A_1310 = tpu.vector_load %arg9[%swap3A_1308, %swap3A_1309] {strides = array<i32>} : memref<328x128xf32, #tpu.memory_space<vmem>>, vector<16xf32>,
            tpu.vector_store %arg9[%swap3A_1308, %swap3A_1309], %max3A_1307 {strides = array<i32>} : memref<328x128xf32, #tpu.memory_space<vmem>>, vector<16xf32>,
            %get3A_1311 = arith.index_cast %squeeze3A_1286 : i32 to index
            %get3A_1312 = arith.constant 32 : index
            %get3A_1313 = tpu.vector_load %arg9[%get3A_1311, %get3A_1312] {strides = array<i32>} : memref<328x128xf32, #tpu.memory_space<vmem>>, vector<16xf32>,
            %add3A_1314 = arith.constant 12 : i32
            %add3A_1315 = arith.addi %mul3A_107, %add3A_1314 : i32
            %get3A_1316 = arith.index_cast %add3A_1315 : i32 to index
            %get3A_1317 = arith.constant 32 : index
            %get3A_1318 = tpu.vector_load %arg8[%get3A_1316, %get3A_1317] {strides = array<i32>} : memref<128x128xf32, #tpu.memory_space<vmem>>, vector<16xf32>,
            %max3A_1319 = arith.maximumf %get3A_1313, %get3A_1318 : vector<16xf32>
            %swap3A_1320 = arith.index_cast %squeeze3A_1286 : i32 to index
            %swap3A_1321 = arith.constant 32 : index
            %swap3A_1322 = tpu.vector_load %arg9[%swap3A_1320, %swap3A_1321] {strides = array<i32>} : memref<328x128xf32, #tpu.memory_space<vmem>>, vector<16xf32>,
            tpu.vector_store %arg9[%swap3A_1320, %swap3A_1321], %max3A_1319 {strides = array<i32>} : memref<328x128xf32, #tpu.memory_space<vmem>>, vector<16xf32>,
            %get3A_1323 = arith.index_cast %squeeze3A_1286 : i32 to index
            %get3A_1324 = arith.constant 48 : index
            %get3A_1325 = tpu.vector_load %arg9[%get3A_1323, %get3A_1324] {strides = array<i32>} : memref<328x128xf32, #tpu.memory_space<vmem>>, vector<16xf32>,
            %add3A_1326 = arith.constant 12 : i32
            %add3A_1327 = arith.addi %mul3A_107, %add3A_1326 : i32
            %get3A_1328 = arith.index_cast %add3A_1327 : i32 to index
            %get3A_1329 = arith.constant 48 : index
            %get3A_1330 = tpu.vector_load %arg8[%get3A_1328, %get3A_1329] {strides = array<i32>} : memref<128x128xf32, #tpu.memory_space<vmem>>, vector<16xf32>,
            %max3A_1331 = arith.maximumf %get3A_1325, %get3A_1330 : vector<16xf32>
            %swap3A_1332 = arith.index_cast %squeeze3A_1286 : i32 to index
            %swap3A_1333 = arith.constant 48 : index
            %swap3A_1334 = tpu.vector_load %arg9[%swap3A_1332, %swap3A_1333] {strides = array<i32>} : memref<328x128xf32, #tpu.memory_space<vmem>>, vector<16xf32>,
            tpu.vector_store %arg9[%swap3A_1332, %swap3A_1333], %max3A_1331 {strides = array<i32>} : memref<328x128xf32, #tpu.memory_space<vmem>>, vector<16xf32>,
            %get3A_1335 = arith.index_cast %squeeze3A_1286 : i32 to index
            %get3A_1336 = arith.constant 64 : index
            %get3A_1337 = tpu.vector_load %arg9[%get3A_1335, %get3A_1336] {strides = array<i32>} : memref<328x128xf32, #tpu.memory_space<vmem>>, vector<16xf32>,
            %add3A_1338 = arith.constant 12 : i32
            %add3A_1339 = arith.addi %mul3A_107, %add3A_1338 : i32
            %get3A_1340 = arith.index_cast %add3A_1339 : i32 to index
            %get3A_1341 = arith.constant 64 : index
            %get3A_1342 = tpu.vector_load %arg8[%get3A_1340, %get3A_1341] {strides = array<i32>} : memref<128x128xf32, #tpu.memory_space<vmem>>, vector<16xf32>,
            %max3A_1343 = arith.maximumf %get3A_1337, %get3A_1342 : vector<16xf32>
            %swap3A_1344 = arith.index_cast %squeeze3A_1286 : i32 to index
            %swap3A_1345 = arith.constant 64 : index
            %swap3A_1346 = tpu.vector_load %arg9[%swap3A_1344, %swap3A_1345] {strides = array<i32>} : memref<328x128xf32, #tpu.memory_space<vmem>>, vector<16xf32>,
            tpu.vector_store %arg9[%swap3A_1344, %swap3A_1345], %max3A_1343 {strides = array<i32>} : memref<328x128xf32, #tpu.memory_space<vmem>>, vector<16xf32>,
            %get3A_1347 = arith.index_cast %squeeze3A_1286 : i32 to index
            %get3A_1348 = arith.constant 80 : index
            %get3A_1349 = tpu.vector_load %arg9[%get3A_1347, %get3A_1348] {strides = array<i32>} : memref<328x128xf32, #tpu.memory_space<vmem>>, vector<16xf32>,
            %add3A_1350 = arith.constant 12 : i32
            %add3A_1351 = arith.addi %mul3A_107, %add3A_1350 : i32
            %get3A_1352 = arith.index_cast %add3A_1351 : i32 to index
            %get3A_1353 = arith.constant 80 : index
            %get3A_1354 = tpu.vector_load %arg8[%get3A_1352, %get3A_1353] {strides = array<i32>} : memref<128x128xf32, #tpu.memory_space<vmem>>, vector<16xf32>,
            %max3A_1355 = arith.maximumf %get3A_1349, %get3A_1354 : vector<16xf32>
            %swap3A_1356 = arith.index_cast %squeeze3A_1286 : i32 to index
            %swap3A_1357 = arith.constant 80 : index
            %swap3A_1358 = tpu.vector_load %arg9[%swap3A_1356, %swap3A_1357] {strides = array<i32>} : memref<328x128xf32, #tpu.memory_space<vmem>>, vector<16xf32>,
            tpu.vector_store %arg9[%swap3A_1356, %swap3A_1357], %max3A_1355 {strides = array<i32>} : memref<328x128xf32, #tpu.memory_space<vmem>>, vector<16xf32>,
            %get3A_1359 = arith.index_cast %squeeze3A_1286 : i32 to index
            %get3A_1360 = arith.constant 96 : index
            %get3A_1361 = tpu.vector_load %arg9[%get3A_1359, %get3A_1360] {strides = array<i32>} : memref<328x128xf32, #tpu.memory_space<vmem>>, vector<16xf32>,
            %add3A_1362 = arith.constant 12 : i32
            %add3A_1363 = arith.addi %mul3A_107, %add3A_1362 : i32
            %get3A_1364 = arith.index_cast %add3A_1363 : i32 to index
            %get3A_1365 = arith.constant 96 : index
            %get3A_1366 = tpu.vector_load %arg8[%get3A_1364, %get3A_1365] {strides = array<i32>} : memref<128x128xf32, #tpu.memory_space<vmem>>, vector<16xf32>,
            %max3A_1367 = arith.maximumf %get3A_1361, %get3A_1366 : vector<16xf32>
            %swap3A_1368 = arith.index_cast %squeeze3A_1286 : i32 to index
            %swap3A_1369 = arith.constant 96 : index
            %swap3A_1370 = tpu.vector_load %arg9[%swap3A_1368, %swap3A_1369] {strides = array<i32>} : memref<328x128xf32, #tpu.memory_space<vmem>>, vector<16xf32>,
            tpu.vector_store %arg9[%swap3A_1368, %swap3A_1369], %max3A_1367 {strides = array<i32>} : memref<328x128xf32, #tpu.memory_space<vmem>>, vector<16xf32>,
            %get3A_1371 = arith.index_cast %squeeze3A_1286 : i32 to index
            %get3A_1372 = arith.constant 112 : index
            %get3A_1373 = tpu.vector_load %arg9[%get3A_1371, %get3A_1372] {strides = array<i32>} : memref<328x128xf32, #tpu.memory_space<vmem>>, vector<16xf32>,
            %add3A_1374 = arith.constant 12 : i32
            %add3A_1375 = arith.addi %mul3A_107, %add3A_1374 : i32
            %get3A_1376 = arith.index_cast %add3A_1375 : i32 to index
            %get3A_1377 = arith.constant 112 : index
            %get3A_1378 = tpu.vector_load %arg8[%get3A_1376, %get3A_1377] {strides = array<i32>} : memref<128x128xf32, #tpu.memory_space<vmem>>, vector<16xf32>,
            %max3A_1379 = arith.maximumf %get3A_1373, %get3A_1378 : vector<16xf32>
            %swap3A_1380 = arith.index_cast %squeeze3A_1286 : i32 to index
            %swap3A_1381 = arith.constant 112 : index
            %swap3A_1382 = tpu.vector_load %arg9[%swap3A_1380, %swap3A_1381] {strides = array<i32>} : memref<328x128xf32, #tpu.memory_space<vmem>>, vector<16xf32>,
            tpu.vector_store %arg9[%swap3A_1380, %swap3A_1381], %max3A_1379 {strides = array<i32>} : memref<328x128xf32, #tpu.memory_space<vmem>>, vector<16xf32>,
            %slice3A_1383 = vector.extract_strided_slice %get3A_109 {offsets = [13], sizes = [1], strides = [1]} : vector<16xi32> to vector<1xi32>
            %squeeze3A_1384 = vector.extract %slice3A_1383[0] : i32 from vector<1xi32>
            %get3A_1385 = arith.index_cast %squeeze3A_1384 : i32 to index
            %get3A_1386 = arith.constant 0 : index
            %get3A_1387 = tpu.vector_load %arg9[%get3A_1385, %get3A_1386] {strides = array<i32>} : memref<328x128xf32, #tpu.memory_space<vmem>>, vector<16xf32>,
            %add3A_1388 = arith.constant 13 : i32
            %add3A_1389 = arith.addi %mul3A_107, %add3A_1388 : i32
            %get3A_1390 = arith.index_cast %add3A_1389 : i32 to index
            %get3A_1391 = arith.constant 0 : index
            %get3A_1392 = tpu.vector_load %arg8[%get3A_1390, %get3A_1391] {strides = array<i32>} : memref<128x128xf32, #tpu.memory_space<vmem>>, vector<16xf32>,
            %max3A_1393 = arith.maximumf %get3A_1387, %get3A_1392 : vector<16xf32>
            %swap3A_1394 = arith.index_cast %squeeze3A_1384 : i32 to index
            %swap3A_1395 = arith.constant 0 : index
            %swap3A_1396 = tpu.vector_load %arg9[%swap3A_1394, %swap3A_1395] {strides = array<i32>} : memref<328x128xf32, #tpu.memory_space<vmem>>, vector<16xf32>,
            tpu.vector_store %arg9[%swap3A_1394, %swap3A_1395], %max3A_1393 {strides = array<i32>} : memref<328x128xf32, #tpu.memory_space<vmem>>, vector<16xf32>,
            %get3A_1397 = arith.index_cast %squeeze3A_1384 : i32 to index
            %get3A_1398 = arith.constant 16 : index
            %get3A_1399 = tpu.vector_load %arg9[%get3A_1397, %get3A_1398] {strides = array<i32>} : memref<328x128xf32, #tpu.memory_space<vmem>>, vector<16xf32>,
            %add3A_1400 = arith.constant 13 : i32
            %add3A_1401 = arith.addi %mul3A_107, %add3A_1400 : i32
            %get3A_1402 = arith.index_cast %add3A_1401 : i32 to index
            %get3A_1403 = arith.constant 16 : index
            %get3A_1404 = tpu.vector_load %arg8[%get3A_1402, %get3A_1403] {strides = array<i32>} : memref<128x128xf32, #tpu.memory_space<vmem>>, vector<16xf32>,
            %max3A_1405 = arith.maximumf %get3A_1399, %get3A_1404 : vector<16xf32>
            %swap3A_1406 = arith.index_cast %squeeze3A_1384 : i32 to index
            %swap3A_1407 = arith.constant 16 : index
            %swap3A_1408 = tpu.vector_load %arg9[%swap3A_1406, %swap3A_1407] {strides = array<i32>} : memref<328x128xf32, #tpu.memory_space<vmem>>, vector<16xf32>,
            tpu.vector_store %arg9[%swap3A_1406, %swap3A_1407], %max3A_1405 {strides = array<i32>} : memref<328x128xf32, #tpu.memory_space<vmem>>, vector<16xf32>,
            %get3A_1409 = arith.index_cast %squeeze3A_1384 : i32 to index
            %get3A_1410 = arith.constant 32 : index
            %get3A_1411 = tpu.vector_load %arg9[%get3A_1409, %get3A_1410] {strides = array<i32>} : memref<328x128xf32, #tpu.memory_space<vmem>>, vector<16xf32>,
            %add3A_1412 = arith.constant 13 : i32
            %add3A_1413 = arith.addi %mul3A_107, %add3A_1412 : i32
            %get3A_1414 = arith.index_cast %add3A_1413 : i32 to index
            %get3A_1415 = arith.constant 32 : index
            %get3A_1416 = tpu.vector_load %arg8[%get3A_1414, %get3A_1415] {strides = array<i32>} : memref<128x128xf32, #tpu.memory_space<vmem>>, vector<16xf32>,
            %max3A_1417 = arith.maximumf %get3A_1411, %get3A_1416 : vector<16xf32>
            %swap3A_1418 = arith.index_cast %squeeze3A_1384 : i32 to index
            %swap3A_1419 = arith.constant 32 : index
            %swap3A_1420 = tpu.vector_load %arg9[%swap3A_1418, %swap3A_1419] {strides = array<i32>} : memref<328x128xf32, #tpu.memory_space<vmem>>, vector<16xf32>,
            tpu.vector_store %arg9[%swap3A_1418, %swap3A_1419], %max3A_1417 {strides = array<i32>} : memref<328x128xf32, #tpu.memory_space<vmem>>, vector<16xf32>,
            %get3A_1421 = arith.index_cast %squeeze3A_1384 : i32 to index
            %get3A_1422 = arith.constant 48 : index
            %get3A_1423 = tpu.vector_load %arg9[%get3A_1421, %get3A_1422] {strides = array<i32>} : memref<328x128xf32, #tpu.memory_space<vmem>>, vector<16xf32>,
            %add3A_1424 = arith.constant 13 : i32
            %add3A_1425 = arith.addi %mul3A_107, %add3A_1424 : i32
            %get3A_1426 = arith.index_cast %add3A_1425 : i32 to index
            %get3A_1427 = arith.constant 48 : index
            %get3A_1428 = tpu.vector_load %arg8[%get3A_1426, %get3A_1427] {strides = array<i32>} : memref<128x128xf32, #tpu.memory_space<vmem>>, vector<16xf32>,
            %max3A_1429 = arith.maximumf %get3A_1423, %get3A_1428 : vector<16xf32>
            %swap3A_1430 = arith.index_cast %squeeze3A_1384 : i32 to index
            %swap3A_1431 = arith.constant 48 : index
            %swap3A_1432 = tpu.vector_load %arg9[%swap3A_1430, %swap3A_1431] {strides = array<i32>} : memref<328x128xf32, #tpu.memory_space<vmem>>, vector<16xf32>,
            tpu.vector_store %arg9[%swap3A_1430, %swap3A_1431], %max3A_1429 {strides = array<i32>} : memref<328x128xf32, #tpu.memory_space<vmem>>, vector<16xf32>,
            %get3A_1433 = arith.index_cast %squeeze3A_1384 : i32 to index
            %get3A_1434 = arith.constant 64 : index
            %get3A_1435 = tpu.vector_load %arg9[%get3A_1433, %get3A_1434] {strides = array<i32>} : memref<328x128xf32, #tpu.memory_space<vmem>>, vector<16xf32>,
            %add3A_1436 = arith.constant 13 : i32
            %add3A_1437 = arith.addi %mul3A_107, %add3A_1436 : i32
            %get3A_1438 = arith.index_cast %add3A_1437 : i32 to index
            %get3A_1439 = arith.constant 64 : index
            %get3A_1440 = tpu.vector_load %arg8[%get3A_1438, %get3A_1439] {strides = array<i32>} : memref<128x128xf32, #tpu.memory_space<vmem>>, vector<16xf32>,
            %max3A_1441 = arith.maximumf %get3A_1435, %get3A_1440 : vector<16xf32>
            %swap3A_1442 = arith.index_cast %squeeze3A_1384 : i32 to index
            %swap3A_1443 = arith.constant 64 : index
            %swap3A_1444 = tpu.vector_load %arg9[%swap3A_1442, %swap3A_1443] {strides = array<i32>} : memref<328x128xf32, #tpu.memory_space<vmem>>, vector<16xf32>,
            tpu.vector_store %arg9[%swap3A_1442, %swap3A_1443], %max3A_1441 {strides = array<i32>} : memref<328x128xf32, #tpu.memory_space<vmem>>, vector<16xf32>,
            %get3A_1445 = arith.index_cast %squeeze3A_1384 : i32 to index
            %get3A_1446 = arith.constant 80 : index
            %get3A_1447 = tpu.vector_load %arg9[%get3A_1445, %get3A_1446] {strides = array<i32>} : memref<328x128xf32, #tpu.memory_space<vmem>>, vector<16xf32>,
            %add3A_1448 = arith.constant 13 : i32
            %add3A_1449 = arith.addi %mul3A_107, %add3A_1448 : i32
            %get3A_1450 = arith.index_cast %add3A_1449 : i32 to index
            %get3A_1451 = arith.constant 80 : index
            %get3A_1452 = tpu.vector_load %arg8[%get3A_1450, %get3A_1451] {strides = array<i32>} : memref<128x128xf32, #tpu.memory_space<vmem>>, vector<16xf32>,
            %max3A_1453 = arith.maximumf %get3A_1447, %get3A_1452 : vector<16xf32>
            %swap3A_1454 = arith.index_cast %squeeze3A_1384 : i32 to index
            %swap3A_1455 = arith.constant 80 : index
            %swap3A_1456 = tpu.vector_load %arg9[%swap3A_1454, %swap3A_1455] {strides = array<i32>} : memref<328x128xf32, #tpu.memory_space<vmem>>, vector<16xf32>,
            tpu.vector_store %arg9[%swap3A_1454, %swap3A_1455], %max3A_1453 {strides = array<i32>} : memref<328x128xf32, #tpu.memory_space<vmem>>, vector<16xf32>,
            %get3A_1457 = arith.index_cast %squeeze3A_1384 : i32 to index
            %get3A_1458 = arith.constant 96 : index
            %get3A_1459 = tpu.vector_load %arg9[%get3A_1457, %get3A_1458] {strides = array<i32>} : memref<328x128xf32, #tpu.memory_space<vmem>>, vector<16xf32>,
            %add3A_1460 = arith.constant 13 : i32
            %add3A_1461 = arith.addi %mul3A_107, %add3A_1460 : i32
            %get3A_1462 = arith.index_cast %add3A_1461 : i32 to index
            %get3A_1463 = arith.constant 96 : index
            %get3A_1464 = tpu.vector_load %arg8[%get3A_1462, %get3A_1463] {strides = array<i32>} : memref<128x128xf32, #tpu.memory_space<vmem>>, vector<16xf32>,
            %max3A_1465 = arith.maximumf %get3A_1459, %get3A_1464 : vector<16xf32>
            %swap3A_1466 = arith.index_cast %squeeze3A_1384 : i32 to index
            %swap3A_1467 = arith.constant 96 : index
            %swap3A_1468 = tpu.vector_load %arg9[%swap3A_1466, %swap3A_1467] {strides = array<i32>} : memref<328x128xf32, #tpu.memory_space<vmem>>, vector<16xf32>,
            tpu.vector_store %arg9[%swap3A_1466, %swap3A_1467], %max3A_1465 {strides = array<i32>} : memref<328x128xf32, #tpu.memory_space<vmem>>, vector<16xf32>,
            %get3A_1469 = arith.index_cast %squeeze3A_1384 : i32 to index
            %get3A_1470 = arith.constant 112 : index
            %get3A_1471 = tpu.vector_load %arg9[%get3A_1469, %get3A_1470] {strides = array<i32>} : memref<328x128xf32, #tpu.memory_space<vmem>>, vector<16xf32>,
            %add3A_1472 = arith.constant 13 : i32
            %add3A_1473 = arith.addi %mul3A_107, %add3A_1472 : i32
            %get3A_1474 = arith.index_cast %add3A_1473 : i32 to index
            %get3A_1475 = arith.constant 112 : index
            %get3A_1476 = tpu.vector_load %arg8[%get3A_1474, %get3A_1475] {strides = array<i32>} : memref<128x128xf32, #tpu.memory_space<vmem>>, vector<16xf32>,
            %max3A_1477 = arith.maximumf %get3A_1471, %get3A_1476 : vector<16xf32>
            %swap3A_1478 = arith.index_cast %squeeze3A_1384 : i32 to index
            %swap3A_1479 = arith.constant 112 : index
            %swap3A_1480 = tpu.vector_load %arg9[%swap3A_1478, %swap3A_1479] {strides = array<i32>} : memref<328x128xf32, #tpu.memory_space<vmem>>, vector<16xf32>,
            tpu.vector_store %arg9[%swap3A_1478, %swap3A_1479], %max3A_1477 {strides = array<i32>} : memref<328x128xf32, #tpu.memory_space<vmem>>, vector<16xf32>,
            %slice3A_1481 = vector.extract_strided_slice %get3A_109 {offsets = [14], sizes = [1], strides = [1]} : vector<16xi32> to vector<1xi32>
            %squeeze3A_1482 = vector.extract %slice3A_1481[0] : i32 from vector<1xi32>
            %get3A_1483 = arith.index_cast %squeeze3A_1482 : i32 to index
            %get3A_1484 = arith.constant 0 : index
            %get3A_1485 = tpu.vector_load %arg9[%get3A_1483, %get3A_1484] {strides = array<i32>} : memref<328x128xf32, #tpu.memory_space<vmem>>, vector<16xf32>,
            %add3A_1486 = arith.constant 14 : i32
            %add3A_1487 = arith.addi %mul3A_107, %add3A_1486 : i32
            %get3A_1488 = arith.index_cast %add3A_1487 : i32 to index
            %get3A_1489 = arith.constant 0 : index
            %get3A_1490 = tpu.vector_load %arg8[%get3A_1488, %get3A_1489] {strides = array<i32>} : memref<128x128xf32, #tpu.memory_space<vmem>>, vector<16xf32>,
            %max3A_1491 = arith.maximumf %get3A_1485, %get3A_1490 : vector<16xf32>
            %swap3A_1492 = arith.index_cast %squeeze3A_1482 : i32 to index
            %swap3A_1493 = arith.constant 0 : index
            %swap3A_1494 = tpu.vector_load %arg9[%swap3A_1492, %swap3A_1493] {strides = array<i32>} : memref<328x128xf32, #tpu.memory_space<vmem>>, vector<16xf32>,
            tpu.vector_store %arg9[%swap3A_1492, %swap3A_1493], %max3A_1491 {strides = array<i32>} : memref<328x128xf32, #tpu.memory_space<vmem>>, vector<16xf32>,
            %get3A_1495 = arith.index_cast %squeeze3A_1482 : i32 to index
            %get3A_1496 = arith.constant 16 : index
            %get3A_1497 = tpu.vector_load %arg9[%get3A_1495, %get3A_1496] {strides = array<i32>} : memref<328x128xf32, #tpu.memory_space<vmem>>, vector<16xf32>,
            %add3A_1498 = arith.constant 14 : i32
            %add3A_1499 = arith.addi %mul3A_107, %add3A_1498 : i32
            %get3A_1500 = arith.index_cast %add3A_1499 : i32 to index
            %get3A_1501 = arith.constant 16 : index
            %get3A_1502 = tpu.vector_load %arg8[%get3A_1500, %get3A_1501] {strides = array<i32>} : memref<128x128xf32, #tpu.memory_space<vmem>>, vector<16xf32>,
            %max3A_1503 = arith.maximumf %get3A_1497, %get3A_1502 : vector<16xf32>
            %swap3A_1504 = arith.index_cast %squeeze3A_1482 : i32 to index
            %swap3A_1505 = arith.constant 16 : index
            %swap3A_1506 = tpu.vector_load %arg9[%swap3A_1504, %swap3A_1505] {strides = array<i32>} : memref<328x128xf32, #tpu.memory_space<vmem>>, vector<16xf32>,
            tpu.vector_store %arg9[%swap3A_1504, %swap3A_1505], %max3A_1503 {strides = array<i32>} : memref<328x128xf32, #tpu.memory_space<vmem>>, vector<16xf32>,
            %get3A_1507 = arith.index_cast %squeeze3A_1482 : i32 to index
            %get3A_1508 = arith.constant 32 : index
            %get3A_1509 = tpu.vector_load %arg9[%get3A_1507, %get3A_1508] {strides = array<i32>} : memref<328x128xf32, #tpu.memory_space<vmem>>, vector<16xf32>,
            %add3A_1510 = arith.constant 14 : i32
            %add3A_1511 = arith.addi %mul3A_107, %add3A_1510 : i32
            %get3A_1512 = arith.index_cast %add3A_1511 : i32 to index
            %get3A_1513 = arith.constant 32 : index
            %get3A_1514 = tpu.vector_load %arg8[%get3A_1512, %get3A_1513] {strides = array<i32>} : memref<128x128xf32, #tpu.memory_space<vmem>>, vector<16xf32>,
            %max3A_1515 = arith.maximumf %get3A_1509, %get3A_1514 : vector<16xf32>
            %swap3A_1516 = arith.index_cast %squeeze3A_1482 : i32 to index
            %swap3A_1517 = arith.constant 32 : index
            %swap3A_1518 = tpu.vector_load %arg9[%swap3A_1516, %swap3A_1517] {strides = array<i32>} : memref<328x128xf32, #tpu.memory_space<vmem>>, vector<16xf32>,
            tpu.vector_store %arg9[%swap3A_1516, %swap3A_1517], %max3A_1515 {strides = array<i32>} : memref<328x128xf32, #tpu.memory_space<vmem>>, vector<16xf32>,
            %get3A_1519 = arith.index_cast %squeeze3A_1482 : i32 to index
            %get3A_1520 = arith.constant 48 : index
            %get3A_1521 = tpu.vector_load %arg9[%get3A_1519, %get3A_1520] {strides = array<i32>} : memref<328x128xf32, #tpu.memory_space<vmem>>, vector<16xf32>,
            %add3A_1522 = arith.constant 14 : i32
            %add3A_1523 = arith.addi %mul3A_107, %add3A_1522 : i32
            %get3A_1524 = arith.index_cast %add3A_1523 : i32 to index
            %get3A_1525 = arith.constant 48 : index
            %get3A_1526 = tpu.vector_load %arg8[%get3A_1524, %get3A_1525] {strides = array<i32>} : memref<128x128xf32, #tpu.memory_space<vmem>>, vector<16xf32>,
            %max3A_1527 = arith.maximumf %get3A_1521, %get3A_1526 : vector<16xf32>
            %swap3A_1528 = arith.index_cast %squeeze3A_1482 : i32 to index
            %swap3A_1529 = arith.constant 48 : index
            %swap3A_1530 = tpu.vector_load %arg9[%swap3A_1528, %swap3A_1529] {strides = array<i32>} : memref<328x128xf32, #tpu.memory_space<vmem>>, vector<16xf32>,
            tpu.vector_store %arg9[%swap3A_1528, %swap3A_1529], %max3A_1527 {strides = array<i32>} : memref<328x128xf32, #tpu.memory_space<vmem>>, vector<16xf32>,
            %get3A_1531 = arith.index_cast %squeeze3A_1482 : i32 to index
            %get3A_1532 = arith.constant 64 : index
            %get3A_1533 = tpu.vector_load %arg9[%get3A_1531, %get3A_1532] {strides = array<i32>} : memref<328x128xf32, #tpu.memory_space<vmem>>, vector<16xf32>,
            %add3A_1534 = arith.constant 14 : i32
            %add3A_1535 = arith.addi %mul3A_107, %add3A_1534 : i32
            %get3A_1536 = arith.index_cast %add3A_1535 : i32 to index
            %get3A_1537 = arith.constant 64 : index
            %get3A_1538 = tpu.vector_load %arg8[%get3A_1536, %get3A_1537] {strides = array<i32>} : memref<128x128xf32, #tpu.memory_space<vmem>>, vector<16xf32>,
            %max3A_1539 = arith.maximumf %get3A_1533, %get3A_1538 : vector<16xf32>
            %swap3A_1540 = arith.index_cast %squeeze3A_1482 : i32 to index
            %swap3A_1541 = arith.constant 64 : index
            %swap3A_1542 = tpu.vector_load %arg9[%swap3A_1540, %swap3A_1541] {strides = array<i32>} : memref<328x128xf32, #tpu.memory_space<vmem>>, vector<16xf32>,
            tpu.vector_store %arg9[%swap3A_1540, %swap3A_1541], %max3A_1539 {strides = array<i32>} : memref<328x128xf32, #tpu.memory_space<vmem>>, vector<16xf32>,
            %get3A_1543 = arith.index_cast %squeeze3A_1482 : i32 to index
            %get3A_1544 = arith.constant 80 : index
            %get3A_1545 = tpu.vector_load %arg9[%get3A_1543, %get3A_1544] {strides = array<i32>} : memref<328x128xf32, #tpu.memory_space<vmem>>, vector<16xf32>,
            %add3A_1546 = arith.constant 14 : i32
            %add3A_1547 = arith.addi %mul3A_107, %add3A_1546 : i32
            %get3A_1548 = arith.index_cast %add3A_1547 : i32 to index
            %get3A_1549 = arith.constant 80 : index
            %get3A_1550 = tpu.vector_load %arg8[%get3A_1548, %get3A_1549] {strides = array<i32>} : memref<128x128xf32, #tpu.memory_space<vmem>>, vector<16xf32>,
            %max3A_1551 = arith.maximumf %get3A_1545, %get3A_1550 : vector<16xf32>
            %swap3A_1552 = arith.index_cast %squeeze3A_1482 : i32 to index
            %swap3A_1553 = arith.constant 80 : index
            %swap3A_1554 = tpu.vector_load %arg9[%swap3A_1552, %swap3A_1553] {strides = array<i32>} : memref<328x128xf32, #tpu.memory_space<vmem>>, vector<16xf32>,
            tpu.vector_store %arg9[%swap3A_1552, %swap3A_1553], %max3A_1551 {strides = array<i32>} : memref<328x128xf32, #tpu.memory_space<vmem>>, vector<16xf32>,
            %get3A_1555 = arith.index_cast %squeeze3A_1482 : i32 to index
            %get3A_1556 = arith.constant 96 : index
            %get3A_1557 = tpu.vector_load %arg9[%get3A_1555, %get3A_1556] {strides = array<i32>} : memref<328x128xf32, #tpu.memory_space<vmem>>, vector<16xf32>,
            %add3A_1558 = arith.constant 14 : i32
            %add3A_1559 = arith.addi %mul3A_107, %add3A_1558 : i32
            %get3A_1560 = arith.index_cast %add3A_1559 : i32 to index
            %get3A_1561 = arith.constant 96 : index
            %get3A_1562 = tpu.vector_load %arg8[%get3A_1560, %get3A_1561] {strides = array<i32>} : memref<128x128xf32, #tpu.memory_space<vmem>>, vector<16xf32>,
            %max3A_1563 = arith.maximumf %get3A_1557, %get3A_1562 : vector<16xf32>
            %swap3A_1564 = arith.index_cast %squeeze3A_1482 : i32 to index
            %swap3A_1565 = arith.constant 96 : index
            %swap3A_1566 = tpu.vector_load %arg9[%swap3A_1564, %swap3A_1565] {strides = array<i32>} : memref<328x128xf32, #tpu.memory_space<vmem>>, vector<16xf32>,
            tpu.vector_store %arg9[%swap3A_1564, %swap3A_1565], %max3A_1563 {strides = array<i32>} : memref<328x128xf32, #tpu.memory_space<vmem>>, vector<16xf32>,
            %get3A_1567 = arith.index_cast %squeeze3A_1482 : i32 to index
            %get3A_1568 = arith.constant 112 : index
            %get3A_1569 = tpu.vector_load %arg9[%get3A_1567, %get3A_1568] {strides = array<i32>} : memref<328x128xf32, #tpu.memory_space<vmem>>, vector<16xf32>,
            %add3A_1570 = arith.constant 14 : i32
            %add3A_1571 = arith.addi %mul3A_107, %add3A_1570 : i32
            %get3A_1572 = arith.index_cast %add3A_1571 : i32 to index
            %get3A_1573 = arith.constant 112 : index
            %get3A_1574 = tpu.vector_load %arg8[%get3A_1572, %get3A_1573] {strides = array<i32>} : memref<128x128xf32, #tpu.memory_space<vmem>>, vector<16xf32>,
            %max3A_1575 = arith.maximumf %get3A_1569, %get3A_1574 : vector<16xf32>
            %swap3A_1576 = arith.index_cast %squeeze3A_1482 : i32 to index
            %swap3A_1577 = arith.constant 112 : index
            %swap3A_1578 = tpu.vector_load %arg9[%swap3A_1576, %swap3A_1577] {strides = array<i32>} : memref<328x128xf32, #tpu.memory_space<vmem>>, vector<16xf32>,
            tpu.vector_store %arg9[%swap3A_1576, %swap3A_1577], %max3A_1575 {strides = array<i32>} : memref<328x128xf32, #tpu.memory_space<vmem>>, vector<16xf32>,
            %slice3A_1579 = vector.extract_strided_slice %get3A_109 {offsets = [15], sizes = [1], strides = [1]} : vector<16xi32> to vector<1xi32>
            %squeeze3A_1580 = vector.extract %slice3A_1579[0] : i32 from vector<1xi32>
            %get3A_1581 = arith.index_cast %squeeze3A_1580 : i32 to index
            %get3A_1582 = arith.constant 0 : index
            %get3A_1583 = tpu.vector_load %arg9[%get3A_1581, %get3A_1582] {strides = array<i32>} : memref<328x128xf32, #tpu.memory_space<vmem>>, vector<16xf32>,
            %add3A_1584 = arith.constant 15 : i32
            %add3A_1585 = arith.addi %mul3A_107, %add3A_1584 : i32
            %get3A_1586 = arith.index_cast %add3A_1585 : i32 to index
            %get3A_1587 = arith.constant 0 : index
            %get3A_1588 = tpu.vector_load %arg8[%get3A_1586, %get3A_1587] {strides = array<i32>} : memref<128x128xf32, #tpu.memory_space<vmem>>, vector<16xf32>,
            %max3A_1589 = arith.maximumf %get3A_1583, %get3A_1588 : vector<16xf32>
            %swap3A_1590 = arith.index_cast %squeeze3A_1580 : i32 to index
            %swap3A_1591 = arith.constant 0 : index
            %swap3A_1592 = tpu.vector_load %arg9[%swap3A_1590, %swap3A_1591] {strides = array<i32>} : memref<328x128xf32, #tpu.memory_space<vmem>>, vector<16xf32>,
            tpu.vector_store %arg9[%swap3A_1590, %swap3A_1591], %max3A_1589 {strides = array<i32>} : memref<328x128xf32, #tpu.memory_space<vmem>>, vector<16xf32>,
            %get3A_1593 = arith.index_cast %squeeze3A_1580 : i32 to index
            %get3A_1594 = arith.constant 16 : index
            %get3A_1595 = tpu.vector_load %arg9[%get3A_1593, %get3A_1594] {strides = array<i32>} : memref<328x128xf32, #tpu.memory_space<vmem>>, vector<16xf32>,
            %add3A_1596 = arith.constant 15 : i32
            %add3A_1597 = arith.addi %mul3A_107, %add3A_1596 : i32
            %get3A_1598 = arith.index_cast %add3A_1597 : i32 to index
            %get3A_1599 = arith.constant 16 : index
            %get3A_1600 = tpu.vector_load %arg8[%get3A_1598, %get3A_1599] {strides = array<i32>} : memref<128x128xf32, #tpu.memory_space<vmem>>, vector<16xf32>,
            %max3A_1601 = arith.maximumf %get3A_1595, %get3A_1600 : vector<16xf32>
            %swap3A_1602 = arith.index_cast %squeeze3A_1580 : i32 to index
            %swap3A_1603 = arith.constant 16 : index
            %swap3A_1604 = tpu.vector_load %arg9[%swap3A_1602, %swap3A_1603] {strides = array<i32>} : memref<328x128xf32, #tpu.memory_space<vmem>>, vector<16xf32>,
            tpu.vector_store %arg9[%swap3A_1602, %swap3A_1603], %max3A_1601 {strides = array<i32>} : memref<328x128xf32, #tpu.memory_space<vmem>>, vector<16xf32>,
            %get3A_1605 = arith.index_cast %squeeze3A_1580 : i32 to index
            %get3A_1606 = arith.constant 32 : index
            %get3A_1607 = tpu.vector_load %arg9[%get3A_1605, %get3A_1606] {strides = array<i32>} : memref<328x128xf32, #tpu.memory_space<vmem>>, vector<16xf32>,
            %add3A_1608 = arith.constant 15 : i32
            %add3A_1609 = arith.addi %mul3A_107, %add3A_1608 : i32
            %get3A_1610 = arith.index_cast %add3A_1609 : i32 to index
            %get3A_1611 = arith.constant 32 : index
            %get3A_1612 = tpu.vector_load %arg8[%get3A_1610, %get3A_1611] {strides = array<i32>} : memref<128x128xf32, #tpu.memory_space<vmem>>, vector<16xf32>,
            %max3A_1613 = arith.maximumf %get3A_1607, %get3A_1612 : vector<16xf32>
            %swap3A_1614 = arith.index_cast %squeeze3A_1580 : i32 to index
            %swap3A_1615 = arith.constant 32 : index
            %swap3A_1616 = tpu.vector_load %arg9[%swap3A_1614, %swap3A_1615] {strides = array<i32>} : memref<328x128xf32, #tpu.memory_space<vmem>>, vector<16xf32>,
            tpu.vector_store %arg9[%swap3A_1614, %swap3A_1615], %max3A_1613 {strides = array<i32>} : memref<328x128xf32, #tpu.memory_space<vmem>>, vector<16xf32>,
            %get3A_1617 = arith.index_cast %squeeze3A_1580 : i32 to index
            %get3A_1618 = arith.constant 48 : index
            %get3A_1619 = tpu.vector_load %arg9[%get3A_1617, %get3A_1618] {strides = array<i32>} : memref<328x128xf32, #tpu.memory_space<vmem>>, vector<16xf32>,
            %add3A_1620 = arith.constant 15 : i32
            %add3A_1621 = arith.addi %mul3A_107, %add3A_1620 : i32
            %get3A_1622 = arith.index_cast %add3A_1621 : i32 to index
            %get3A_1623 = arith.constant 48 : index
            %get3A_1624 = tpu.vector_load %arg8[%get3A_1622, %get3A_1623] {strides = array<i32>} : memref<128x128xf32, #tpu.memory_space<vmem>>, vector<16xf32>,
            %max3A_1625 = arith.maximumf %get3A_1619, %get3A_1624 : vector<16xf32>
            %swap3A_1626 = arith.index_cast %squeeze3A_1580 : i32 to index
            %swap3A_1627 = arith.constant 48 : index
            %swap3A_1628 = tpu.vector_load %arg9[%swap3A_1626, %swap3A_1627] {strides = array<i32>} : memref<328x128xf32, #tpu.memory_space<vmem>>, vector<16xf32>,
            tpu.vector_store %arg9[%swap3A_1626, %swap3A_1627], %max3A_1625 {strides = array<i32>} : memref<328x128xf32, #tpu.memory_space<vmem>>, vector<16xf32>,
            %get3A_1629 = arith.index_cast %squeeze3A_1580 : i32 to index
            %get3A_1630 = arith.constant 64 : index
            %get3A_1631 = tpu.vector_load %arg9[%get3A_1629, %get3A_1630] {strides = array<i32>} : memref<328x128xf32, #tpu.memory_space<vmem>>, vector<16xf32>,
            %add3A_1632 = arith.constant 15 : i32
            %add3A_1633 = arith.addi %mul3A_107, %add3A_1632 : i32
            %get3A_1634 = arith.index_cast %add3A_1633 : i32 to index
            %get3A_1635 = arith.constant 64 : index
            %get3A_1636 = tpu.vector_load %arg8[%get3A_1634, %get3A_1635] {strides = array<i32>} : memref<128x128xf32, #tpu.memory_space<vmem>>, vector<16xf32>,
            %max3A_1637 = arith.maximumf %get3A_1631, %get3A_1636 : vector<16xf32>
            %swap3A_1638 = arith.index_cast %squeeze3A_1580 : i32 to index
            %swap3A_1639 = arith.constant 64 : index
            %swap3A_1640 = tpu.vector_load %arg9[%swap3A_1638, %swap3A_1639] {strides = array<i32>} : memref<328x128xf32, #tpu.memory_space<vmem>>, vector<16xf32>,
            tpu.vector_store %arg9[%swap3A_1638, %swap3A_1639], %max3A_1637 {strides = array<i32>} : memref<328x128xf32, #tpu.memory_space<vmem>>, vector<16xf32>,
            %get3A_1641 = arith.index_cast %squeeze3A_1580 : i32 to index
            %get3A_1642 = arith.constant 80 : index
            %get3A_1643 = tpu.vector_load %arg9[%get3A_1641, %get3A_1642] {strides = array<i32>} : memref<328x128xf32, #tpu.memory_space<vmem>>, vector<16xf32>,
            %add3A_1644 = arith.constant 15 : i32
            %add3A_1645 = arith.addi %mul3A_107, %add3A_1644 : i32
            %get3A_1646 = arith.index_cast %add3A_1645 : i32 to index
            %get3A_1647 = arith.constant 80 : index
            %get3A_1648 = tpu.vector_load %arg8[%get3A_1646, %get3A_1647] {strides = array<i32>} : memref<128x128xf32, #tpu.memory_space<vmem>>, vector<16xf32>,
            %max3A_1649 = arith.maximumf %get3A_1643, %get3A_1648 : vector<16xf32>
            %swap3A_1650 = arith.index_cast %squeeze3A_1580 : i32 to index
            %swap3A_1651 = arith.constant 80 : index
            %swap3A_1652 = tpu.vector_load %arg9[%swap3A_1650, %swap3A_1651] {strides = array<i32>} : memref<328x128xf32, #tpu.memory_space<vmem>>, vector<16xf32>,
            tpu.vector_store %arg9[%swap3A_1650, %swap3A_1651], %max3A_1649 {strides = array<i32>} : memref<328x128xf32, #tpu.memory_space<vmem>>, vector<16xf32>,
            %get3A_1653 = arith.index_cast %squeeze3A_1580 : i32 to index
            %get3A_1654 = arith.constant 96 : index
            %get3A_1655 = tpu.vector_load %arg9[%get3A_1653, %get3A_1654] {strides = array<i32>} : memref<328x128xf32, #tpu.memory_space<vmem>>, vector<16xf32>,
            %add3A_1656 = arith.constant 15 : i32
            %add3A_1657 = arith.addi %mul3A_107, %add3A_1656 : i32
            %get3A_1658 = arith.index_cast %add3A_1657 : i32 to index
            %get3A_1659 = arith.constant 96 : index
            %get3A_1660 = tpu.vector_load %arg8[%get3A_1658, %get3A_1659] {strides = array<i32>} : memref<128x128xf32, #tpu.memory_space<vmem>>, vector<16xf32>,
            %max3A_1661 = arith.maximumf %get3A_1655, %get3A_1660 : vector<16xf32>
            %swap3A_1662 = arith.index_cast %squeeze3A_1580 : i32 to index
            %swap3A_1663 = arith.constant 96 : index
            %swap3A_1664 = tpu.vector_load %arg9[%swap3A_1662, %swap3A_1663] {strides = array<i32>} : memref<328x128xf32, #tpu.memory_space<vmem>>, vector<16xf32>,
            tpu.vector_store %arg9[%swap3A_1662, %swap3A_1663], %max3A_1661 {strides = array<i32>} : memref<328x128xf32, #tpu.memory_space<vmem>>, vector<16xf32>,
            %get3A_1665 = arith.index_cast %squeeze3A_1580 : i32 to index
            %get3A_1666 = arith.constant 112 : index
            %get3A_1667 = tpu.vector_load %arg9[%get3A_1665, %get3A_1666] {strides = array<i32>} : memref<328x128xf32, #tpu.memory_space<vmem>>, vector<16xf32>,
            %add3A_1668 = arith.constant 15 : i32
            %add3A_1669 = arith.addi %mul3A_107, %add3A_1668 : i32
            %get3A_1670 = arith.index_cast %add3A_1669 : i32 to index
            %get3A_1671 = arith.constant 112 : index
            %get3A_1672 = tpu.vector_load %arg8[%get3A_1670, %get3A_1671] {strides = array<i32>} : memref<128x128xf32, #tpu.memory_space<vmem>>, vector<16xf32>,
            %max3A_1673 = arith.maximumf %get3A_1667, %get3A_1672 : vector<16xf32>
            %swap3A_1674 = arith.index_cast %squeeze3A_1580 : i32 to index
            %swap3A_1675 = arith.constant 112 : index
            %swap3A_1676 = tpu.vector_load %arg9[%swap3A_1674, %swap3A_1675] {strides = array<i32>} : memref<328x128xf32, #tpu.memory_space<vmem>>, vector<16xf32>,
            tpu.vector_store %arg9[%swap3A_1674, %swap3A_1675], %max3A_1673 {strides = array<i32>} : memref<328x128xf32, #tpu.memory_space<vmem>>, vector<16xf32>,
          }
          %scan3A_104 = arith.constant 8 : i32
        } else {
        }
        %jit3A = arith.constant 0 : i32
        %select_n3A_94 = arith.select %ge3A_90, %jit3A, %add3A_88 : i32
        scf.yield %select_n3A_94 : i32
      }
      %scan3A_67 = arith.constant 250 : i32
      scf.yield %scan3A_66 : i32
    }
    %scan3A_55 = arith.constant 80 : i32
    %gt3A = arith.constant 0 : i32
    %gt3A_56 = arith.cmpi sgt, %scan3A_54, %gt3A : i32
    %convert_element_type3A = arith.extui %gt3A_56 : i1 to i32
    %cond3A = arith.constant 0 : i32
    %cond3A_57 = arith.cmpi ne, %convert_element_type3A, %cond3A : i32
    scf.if %cond3A_57 {
      %dma_start3A = arith.constant 0 : i32
      %dma_start3A_58 = arith.constant 0 : i32
      %dma_start3A_59 = tpu.memref_slice %arg2[%dma_start3A, %dma_start3A_58] : memref<320000x128xf32, #tpu.memory_space<hbm>> -> memref<320000x128xf32, #tpu.memory_space<hbm>>
      tpu.enqueue_indirect_dma source(%dma_start3A_59 : memref<320000x128xf32, #tpu.memory_space<hbm>>) target(%arg8 : memref<128x128xf32, #tpu.memory_space<vmem>>) offsets(%arg6 : memref<128xi32, #tpu.memory_space<vmem>>) semaphore(%arg10 : memref<!tpu.dma_semaphore, #tpu.memory_space<semaphore_mem>>)
      %dma_wait3A = arith.constant 0 : i32
      %dma_wait3A_60 = arith.constant 0 : i32
      %dma_wait3A_61 = tpu.memref_slice %arg2[%dma_wait3A, %dma_wait3A_60] : memref<320000x128xf32, #tpu.memory_space<hbm>> -> memref<320000x128xf32, #tpu.memory_space<hbm>>
      tpu.wait_indirect_dma semaphore(%arg10 : memref<!tpu.dma_semaphore, #tpu.memory_space<semaphore_mem>>) src(%dma_wait3A_61 : memref<320000x128xf32, #tpu.memory_space<hbm>>) dst(%arg8 : memref<128x128xf32, #tpu.memory_space<vmem>>)
      %scan3A_62 = arith.constant 0 : i32
      %scan3A_63 = arith.constant 0 : i32
      %scan3A_64 = arith.constant 8 : i32
      %scan3A_65 = arith.addi %scan3A_63, %scan3A_64 : i32
      %scan3A_66 = arith.constant 1 : i32
      scf.for %scan3A_68 = %scan3A_63 to %scan3A_65 step %scan3A_66  : i32 {
        %mul3A_69 = arith.constant 16 : i32
        %mul3A_70 = arith.muli %scan3A_68, %mul3A_69 : i32
        %get3A = arith.index_cast %mul3A_70 : i32 to index
        %get3A_71 = tpu.vector_load %arg7[%get3A] {strides = array<i32>} : memref<128xi32, #tpu.memory_space<vmem>>, vector<16xi32>,
        %slice3A = vector.extract_strided_slice %get3A_71 {offsets = [0], sizes = [1], strides = [1]} : vector<16xi32> to vector<1xi32>
        %squeeze3A = vector.extract %slice3A[0] : i32 from vector<1xi32>
        %get3A_72 = arith.index_cast %squeeze3A : i32 to index
        %get3A_73 = arith.constant 0 : index
        %get3A_74 = tpu.vector_load %arg9[%get3A_72, %get3A_73] {strides = array<i32>} : memref<328x128xf32, #tpu.memory_space<vmem>>, vector<16xf32>,
        %add3A_75 = arith.constant 0 : i32
        %add3A_76 = arith.addi %mul3A_70, %add3A_75 : i32
        %get3A_77 = arith.index_cast %add3A_76 : i32 to index
        %get3A_78 = arith.constant 0 : index
        %get3A_79 = tpu.vector_load %arg8[%get3A_77, %get3A_78] {strides = array<i32>} : memref<128x128xf32, #tpu.memory_space<vmem>>, vector<16xf32>,
        %max3A = arith.maximumf %get3A_74, %get3A_79 : vector<16xf32>
        %swap3A_80 = arith.index_cast %squeeze3A : i32 to index
        %swap3A_81 = arith.constant 0 : index
        %swap3A_82 = tpu.vector_load %arg9[%swap3A_80, %swap3A_81] {strides = array<i32>} : memref<328x128xf32, #tpu.memory_space<vmem>>, vector<16xf32>,
        tpu.vector_store %arg9[%swap3A_80, %swap3A_81], %max3A {strides = array<i32>} : memref<328x128xf32, #tpu.memory_space<vmem>>, vector<16xf32>,
        %get3A_83 = arith.index_cast %squeeze3A : i32 to index
        %get3A_84 = arith.constant 16 : index
        %get3A_85 = tpu.vector_load %arg9[%get3A_83, %get3A_84] {strides = array<i32>} : memref<328x128xf32, #tpu.memory_space<vmem>>, vector<16xf32>,
        %add3A_86 = arith.constant 0 : i32
        %add3A_87 = arith.addi %mul3A_70, %add3A_86 : i32
        %get3A_88 = arith.index_cast %add3A_87 : i32 to index
        %get3A_89 = arith.constant 16 : index
        %get3A_90 = tpu.vector_load %arg8[%get3A_88, %get3A_89] {strides = array<i32>} : memref<128x128xf32, #tpu.memory_space<vmem>>, vector<16xf32>,
        %max3A_91 = arith.maximumf %get3A_85, %get3A_90 : vector<16xf32>
        %swap3A_92 = arith.index_cast %squeeze3A : i32 to index
        %swap3A_93 = arith.constant 16 : index
        %swap3A_94 = tpu.vector_load %arg9[%swap3A_92, %swap3A_93] {strides = array<i32>} : memref<328x128xf32, #tpu.memory_space<vmem>>, vector<16xf32>,
        tpu.vector_store %arg9[%swap3A_92, %swap3A_93], %max3A_91 {strides = array<i32>} : memref<328x128xf32, #tpu.memory_space<vmem>>, vector<16xf32>,
        %get3A_95 = arith.index_cast %squeeze3A : i32 to index
        %get3A_96 = arith.constant 32 : index
        %get3A_97 = tpu.vector_load %arg9[%get3A_95, %get3A_96] {strides = array<i32>} : memref<328x128xf32, #tpu.memory_space<vmem>>, vector<16xf32>,
        %add3A_98 = arith.constant 0 : i32
        %add3A_99 = arith.addi %mul3A_70, %add3A_98 : i32
        %get3A_100 = arith.index_cast %add3A_99 : i32 to index
        %get3A_101 = arith.constant 32 : index
        %get3A_102 = tpu.vector_load %arg8[%get3A_100, %get3A_101] {strides = array<i32>} : memref<128x128xf32, #tpu.memory_space<vmem>>, vector<16xf32>,
        %max3A_103 = arith.maximumf %get3A_97, %get3A_102 : vector<16xf32>
        %swap3A_104 = arith.index_cast %squeeze3A : i32 to index
        %swap3A_105 = arith.constant 32 : index
        %swap3A_106 = tpu.vector_load %arg9[%swap3A_104, %swap3A_105] {strides = array<i32>} : memref<328x128xf32, #tpu.memory_space<vmem>>, vector<16xf32>,
        tpu.vector_store %arg9[%swap3A_104, %swap3A_105], %max3A_103 {strides = array<i32>} : memref<328x128xf32, #tpu.memory_space<vmem>>, vector<16xf32>,
        %get3A_107 = arith.index_cast %squeeze3A : i32 to index
        %get3A_108 = arith.constant 48 : index
        %get3A_109 = tpu.vector_load %arg9[%get3A_107, %get3A_108] {strides = array<i32>} : memref<328x128xf32, #tpu.memory_space<vmem>>, vector<16xf32>,
        %add3A_110 = arith.constant 0 : i32
        %add3A_111 = arith.addi %mul3A_70, %add3A_110 : i32
        %get3A_112 = arith.index_cast %add3A_111 : i32 to index
        %get3A_113 = arith.constant 48 : index
        %get3A_114 = tpu.vector_load %arg8[%get3A_112, %get3A_113] {strides = array<i32>} : memref<128x128xf32, #tpu.memory_space<vmem>>, vector<16xf32>,
        %max3A_115 = arith.maximumf %get3A_109, %get3A_114 : vector<16xf32>
        %swap3A_116 = arith.index_cast %squeeze3A : i32 to index
        %swap3A_117 = arith.constant 48 : index
        %swap3A_118 = tpu.vector_load %arg9[%swap3A_116, %swap3A_117] {strides = array<i32>} : memref<328x128xf32, #tpu.memory_space<vmem>>, vector<16xf32>,
        tpu.vector_store %arg9[%swap3A_116, %swap3A_117], %max3A_115 {strides = array<i32>} : memref<328x128xf32, #tpu.memory_space<vmem>>, vector<16xf32>,
        %get3A_119 = arith.index_cast %squeeze3A : i32 to index
        %get3A_120 = arith.constant 64 : index
        %get3A_121 = tpu.vector_load %arg9[%get3A_119, %get3A_120] {strides = array<i32>} : memref<328x128xf32, #tpu.memory_space<vmem>>, vector<16xf32>,
        %add3A_122 = arith.constant 0 : i32
        %add3A_123 = arith.addi %mul3A_70, %add3A_122 : i32
        %get3A_124 = arith.index_cast %add3A_123 : i32 to index
        %get3A_125 = arith.constant 64 : index
        %get3A_126 = tpu.vector_load %arg8[%get3A_124, %get3A_125] {strides = array<i32>} : memref<128x128xf32, #tpu.memory_space<vmem>>, vector<16xf32>,
        %max3A_127 = arith.maximumf %get3A_121, %get3A_126 : vector<16xf32>
        %swap3A_128 = arith.index_cast %squeeze3A : i32 to index
        %swap3A_129 = arith.constant 64 : index
        %swap3A_130 = tpu.vector_load %arg9[%swap3A_128, %swap3A_129] {strides = array<i32>} : memref<328x128xf32, #tpu.memory_space<vmem>>, vector<16xf32>,
        tpu.vector_store %arg9[%swap3A_128, %swap3A_129], %max3A_127 {strides = array<i32>} : memref<328x128xf32, #tpu.memory_space<vmem>>, vector<16xf32>,
        %get3A_131 = arith.index_cast %squeeze3A : i32 to index
        %get3A_132 = arith.constant 80 : index
        %get3A_133 = tpu.vector_load %arg9[%get3A_131, %get3A_132] {strides = array<i32>} : memref<328x128xf32, #tpu.memory_space<vmem>>, vector<16xf32>,
        %add3A_134 = arith.constant 0 : i32
        %add3A_135 = arith.addi %mul3A_70, %add3A_134 : i32
        %get3A_136 = arith.index_cast %add3A_135 : i32 to index
        %get3A_137 = arith.constant 80 : index
        %get3A_138 = tpu.vector_load %arg8[%get3A_136, %get3A_137] {strides = array<i32>} : memref<128x128xf32, #tpu.memory_space<vmem>>, vector<16xf32>,
        %max3A_139 = arith.maximumf %get3A_133, %get3A_138 : vector<16xf32>
        %swap3A_140 = arith.index_cast %squeeze3A : i32 to index
        %swap3A_141 = arith.constant 80 : index
        %swap3A_142 = tpu.vector_load %arg9[%swap3A_140, %swap3A_141] {strides = array<i32>} : memref<328x128xf32, #tpu.memory_space<vmem>>, vector<16xf32>,
        tpu.vector_store %arg9[%swap3A_140, %swap3A_141], %max3A_139 {strides = array<i32>} : memref<328x128xf32, #tpu.memory_space<vmem>>, vector<16xf32>,
        %get3A_143 = arith.index_cast %squeeze3A : i32 to index
        %get3A_144 = arith.constant 96 : index
        %get3A_145 = tpu.vector_load %arg9[%get3A_143, %get3A_144] {strides = array<i32>} : memref<328x128xf32, #tpu.memory_space<vmem>>, vector<16xf32>,
        %add3A_146 = arith.constant 0 : i32
        %add3A_147 = arith.addi %mul3A_70, %add3A_146 : i32
        %get3A_148 = arith.index_cast %add3A_147 : i32 to index
        %get3A_149 = arith.constant 96 : index
        %get3A_150 = tpu.vector_load %arg8[%get3A_148, %get3A_149] {strides = array<i32>} : memref<128x128xf32, #tpu.memory_space<vmem>>, vector<16xf32>,
        %max3A_151 = arith.maximumf %get3A_145, %get3A_150 : vector<16xf32>
        %swap3A_152 = arith.index_cast %squeeze3A : i32 to index
        %swap3A_153 = arith.constant 96 : index
        %swap3A_154 = tpu.vector_load %arg9[%swap3A_152, %swap3A_153] {strides = array<i32>} : memref<328x128xf32, #tpu.memory_space<vmem>>, vector<16xf32>,
        tpu.vector_store %arg9[%swap3A_152, %swap3A_153], %max3A_151 {strides = array<i32>} : memref<328x128xf32, #tpu.memory_space<vmem>>, vector<16xf32>,
        %get3A_155 = arith.index_cast %squeeze3A : i32 to index
        %get3A_156 = arith.constant 112 : index
        %get3A_157 = tpu.vector_load %arg9[%get3A_155, %get3A_156] {strides = array<i32>} : memref<328x128xf32, #tpu.memory_space<vmem>>, vector<16xf32>,
        %add3A_158 = arith.constant 0 : i32
        %add3A_159 = arith.addi %mul3A_70, %add3A_158 : i32
        %get3A_160 = arith.index_cast %add3A_159 : i32 to index
        %get3A_161 = arith.constant 112 : index
        %get3A_162 = tpu.vector_load %arg8[%get3A_160, %get3A_161] {strides = array<i32>} : memref<128x128xf32, #tpu.memory_space<vmem>>, vector<16xf32>,
        %max3A_163 = arith.maximumf %get3A_157, %get3A_162 : vector<16xf32>
        %swap3A_164 = arith.index_cast %squeeze3A : i32 to index
        %swap3A_165 = arith.constant 112 : index
        %swap3A_166 = tpu.vector_load %arg9[%swap3A_164, %swap3A_165] {strides = array<i32>} : memref<328x128xf32, #tpu.memory_space<vmem>>, vector<16xf32>,
        tpu.vector_store %arg9[%swap3A_164, %swap3A_165], %max3A_163 {strides = array<i32>} : memref<328x128xf32, #tpu.memory_space<vmem>>, vector<16xf32>,
        %slice3A_167 = vector.extract_strided_slice %get3A_71 {offsets = [1], sizes = [1], strides = [1]} : vector<16xi32> to vector<1xi32>
        %squeeze3A_168 = vector.extract %slice3A_167[0] : i32 from vector<1xi32>
        %get3A_169 = arith.index_cast %squeeze3A_168 : i32 to index
        %get3A_170 = arith.constant 0 : index
        %get3A_171 = tpu.vector_load %arg9[%get3A_169, %get3A_170] {strides = array<i32>} : memref<328x128xf32, #tpu.memory_space<vmem>>, vector<16xf32>,
        %add3A_172 = arith.constant 1 : i32
        %add3A_173 = arith.addi %mul3A_70, %add3A_172 : i32
        %get3A_174 = arith.index_cast %add3A_173 : i32 to index
        %get3A_175 = arith.constant 0 : index
        %get3A_176 = tpu.vector_load %arg8[%get3A_174, %get3A_175] {strides = array<i32>} : memref<128x128xf32, #tpu.memory_space<vmem>>, vector<16xf32>,
        %max3A_177 = arith.maximumf %get3A_171, %get3A_176 : vector<16xf32>
        %swap3A_178 = arith.index_cast %squeeze3A_168 : i32 to index
        %swap3A_179 = arith.constant 0 : index
        %swap3A_180 = tpu.vector_load %arg9[%swap3A_178, %swap3A_179] {strides = array<i32>} : memref<328x128xf32, #tpu.memory_space<vmem>>, vector<16xf32>,
        tpu.vector_store %arg9[%swap3A_178, %swap3A_179], %max3A_177 {strides = array<i32>} : memref<328x128xf32, #tpu.memory_space<vmem>>, vector<16xf32>,
        %get3A_181 = arith.index_cast %squeeze3A_168 : i32 to index
        %get3A_182 = arith.constant 16 : index
        %get3A_183 = tpu.vector_load %arg9[%get3A_181, %get3A_182] {strides = array<i32>} : memref<328x128xf32, #tpu.memory_space<vmem>>, vector<16xf32>,
        %add3A_184 = arith.constant 1 : i32
        %add3A_185 = arith.addi %mul3A_70, %add3A_184 : i32
        %get3A_186 = arith.index_cast %add3A_185 : i32 to index
        %get3A_187 = arith.constant 16 : index
        %get3A_188 = tpu.vector_load %arg8[%get3A_186, %get3A_187] {strides = array<i32>} : memref<128x128xf32, #tpu.memory_space<vmem>>, vector<16xf32>,
        %max3A_189 = arith.maximumf %get3A_183, %get3A_188 : vector<16xf32>
        %swap3A_190 = arith.index_cast %squeeze3A_168 : i32 to index
        %swap3A_191 = arith.constant 16 : index
        %swap3A_192 = tpu.vector_load %arg9[%swap3A_190, %swap3A_191] {strides = array<i32>} : memref<328x128xf32, #tpu.memory_space<vmem>>, vector<16xf32>,
        tpu.vector_store %arg9[%swap3A_190, %swap3A_191], %max3A_189 {strides = array<i32>} : memref<328x128xf32, #tpu.memory_space<vmem>>, vector<16xf32>,
        %get3A_193 = arith.index_cast %squeeze3A_168 : i32 to index
        %get3A_194 = arith.constant 32 : index
        %get3A_195 = tpu.vector_load %arg9[%get3A_193, %get3A_194] {strides = array<i32>} : memref<328x128xf32, #tpu.memory_space<vmem>>, vector<16xf32>,
        %add3A_196 = arith.constant 1 : i32
        %add3A_197 = arith.addi %mul3A_70, %add3A_196 : i32
        %get3A_198 = arith.index_cast %add3A_197 : i32 to index
        %get3A_199 = arith.constant 32 : index
        %get3A_200 = tpu.vector_load %arg8[%get3A_198, %get3A_199] {strides = array<i32>} : memref<128x128xf32, #tpu.memory_space<vmem>>, vector<16xf32>,
        %max3A_201 = arith.maximumf %get3A_195, %get3A_200 : vector<16xf32>
        %swap3A_202 = arith.index_cast %squeeze3A_168 : i32 to index
        %swap3A_203 = arith.constant 32 : index
        %swap3A_204 = tpu.vector_load %arg9[%swap3A_202, %swap3A_203] {strides = array<i32>} : memref<328x128xf32, #tpu.memory_space<vmem>>, vector<16xf32>,
        tpu.vector_store %arg9[%swap3A_202, %swap3A_203], %max3A_201 {strides = array<i32>} : memref<328x128xf32, #tpu.memory_space<vmem>>, vector<16xf32>,
        %get3A_205 = arith.index_cast %squeeze3A_168 : i32 to index
        %get3A_206 = arith.constant 48 : index
        %get3A_207 = tpu.vector_load %arg9[%get3A_205, %get3A_206] {strides = array<i32>} : memref<328x128xf32, #tpu.memory_space<vmem>>, vector<16xf32>,
        %add3A_208 = arith.constant 1 : i32
        %add3A_209 = arith.addi %mul3A_70, %add3A_208 : i32
        %get3A_210 = arith.index_cast %add3A_209 : i32 to index
        %get3A_211 = arith.constant 48 : index
        %get3A_212 = tpu.vector_load %arg8[%get3A_210, %get3A_211] {strides = array<i32>} : memref<128x128xf32, #tpu.memory_space<vmem>>, vector<16xf32>,
        %max3A_213 = arith.maximumf %get3A_207, %get3A_212 : vector<16xf32>
        %swap3A_214 = arith.index_cast %squeeze3A_168 : i32 to index
        %swap3A_215 = arith.constant 48 : index
        %swap3A_216 = tpu.vector_load %arg9[%swap3A_214, %swap3A_215] {strides = array<i32>} : memref<328x128xf32, #tpu.memory_space<vmem>>, vector<16xf32>,
        tpu.vector_store %arg9[%swap3A_214, %swap3A_215], %max3A_213 {strides = array<i32>} : memref<328x128xf32, #tpu.memory_space<vmem>>, vector<16xf32>,
        %get3A_217 = arith.index_cast %squeeze3A_168 : i32 to index
        %get3A_218 = arith.constant 64 : index
        %get3A_219 = tpu.vector_load %arg9[%get3A_217, %get3A_218] {strides = array<i32>} : memref<328x128xf32, #tpu.memory_space<vmem>>, vector<16xf32>,
        %add3A_220 = arith.constant 1 : i32
        %add3A_221 = arith.addi %mul3A_70, %add3A_220 : i32
        %get3A_222 = arith.index_cast %add3A_221 : i32 to index
        %get3A_223 = arith.constant 64 : index
        %get3A_224 = tpu.vector_load %arg8[%get3A_222, %get3A_223] {strides = array<i32>} : memref<128x128xf32, #tpu.memory_space<vmem>>, vector<16xf32>,
        %max3A_225 = arith.maximumf %get3A_219, %get3A_224 : vector<16xf32>
        %swap3A_226 = arith.index_cast %squeeze3A_168 : i32 to index
        %swap3A_227 = arith.constant 64 : index
        %swap3A_228 = tpu.vector_load %arg9[%swap3A_226, %swap3A_227] {strides = array<i32>} : memref<328x128xf32, #tpu.memory_space<vmem>>, vector<16xf32>,
        tpu.vector_store %arg9[%swap3A_226, %swap3A_227], %max3A_225 {strides = array<i32>} : memref<328x128xf32, #tpu.memory_space<vmem>>, vector<16xf32>,
        %get3A_229 = arith.index_cast %squeeze3A_168 : i32 to index
        %get3A_230 = arith.constant 80 : index
        %get3A_231 = tpu.vector_load %arg9[%get3A_229, %get3A_230] {strides = array<i32>} : memref<328x128xf32, #tpu.memory_space<vmem>>, vector<16xf32>,
        %add3A_232 = arith.constant 1 : i32
        %add3A_233 = arith.addi %mul3A_70, %add3A_232 : i32
        %get3A_234 = arith.index_cast %add3A_233 : i32 to index
        %get3A_235 = arith.constant 80 : index
        %get3A_236 = tpu.vector_load %arg8[%get3A_234, %get3A_235] {strides = array<i32>} : memref<128x128xf32, #tpu.memory_space<vmem>>, vector<16xf32>,
        %max3A_237 = arith.maximumf %get3A_231, %get3A_236 : vector<16xf32>
        %swap3A_238 = arith.index_cast %squeeze3A_168 : i32 to index
        %swap3A_239 = arith.constant 80 : index
        %swap3A_240 = tpu.vector_load %arg9[%swap3A_238, %swap3A_239] {strides = array<i32>} : memref<328x128xf32, #tpu.memory_space<vmem>>, vector<16xf32>,
        tpu.vector_store %arg9[%swap3A_238, %swap3A_239], %max3A_237 {strides = array<i32>} : memref<328x128xf32, #tpu.memory_space<vmem>>, vector<16xf32>,
        %get3A_241 = arith.index_cast %squeeze3A_168 : i32 to index
        %get3A_242 = arith.constant 96 : index
        %get3A_243 = tpu.vector_load %arg9[%get3A_241, %get3A_242] {strides = array<i32>} : memref<328x128xf32, #tpu.memory_space<vmem>>, vector<16xf32>,
        %add3A_244 = arith.constant 1 : i32
        %add3A_245 = arith.addi %mul3A_70, %add3A_244 : i32
        %get3A_246 = arith.index_cast %add3A_245 : i32 to index
        %get3A_247 = arith.constant 96 : index
        %get3A_248 = tpu.vector_load %arg8[%get3A_246, %get3A_247] {strides = array<i32>} : memref<128x128xf32, #tpu.memory_space<vmem>>, vector<16xf32>,
        %max3A_249 = arith.maximumf %get3A_243, %get3A_248 : vector<16xf32>
        %swap3A_250 = arith.index_cast %squeeze3A_168 : i32 to index
        %swap3A_251 = arith.constant 96 : index
        %swap3A_252 = tpu.vector_load %arg9[%swap3A_250, %swap3A_251] {strides = array<i32>} : memref<328x128xf32, #tpu.memory_space<vmem>>, vector<16xf32>,
        tpu.vector_store %arg9[%swap3A_250, %swap3A_251], %max3A_249 {strides = array<i32>} : memref<328x128xf32, #tpu.memory_space<vmem>>, vector<16xf32>,
        %get3A_253 = arith.index_cast %squeeze3A_168 : i32 to index
        %get3A_254 = arith.constant 112 : index
        %get3A_255 = tpu.vector_load %arg9[%get3A_253, %get3A_254] {strides = array<i32>} : memref<328x128xf32, #tpu.memory_space<vmem>>, vector<16xf32>,
        %add3A_256 = arith.constant 1 : i32
        %add3A_257 = arith.addi %mul3A_70, %add3A_256 : i32
        %get3A_258 = arith.index_cast %add3A_257 : i32 to index
        %get3A_259 = arith.constant 112 : index
        %get3A_260 = tpu.vector_load %arg8[%get3A_258, %get3A_259] {strides = array<i32>} : memref<128x128xf32, #tpu.memory_space<vmem>>, vector<16xf32>,
        %max3A_261 = arith.maximumf %get3A_255, %get3A_260 : vector<16xf32>
        %swap3A_262 = arith.index_cast %squeeze3A_168 : i32 to index
        %swap3A_263 = arith.constant 112 : index
        %swap3A_264 = tpu.vector_load %arg9[%swap3A_262, %swap3A_263] {strides = array<i32>} : memref<328x128xf32, #tpu.memory_space<vmem>>, vector<16xf32>,
        tpu.vector_store %arg9[%swap3A_262, %swap3A_263], %max3A_261 {strides = array<i32>} : memref<328x128xf32, #tpu.memory_space<vmem>>, vector<16xf32>,
        %slice3A_265 = vector.extract_strided_slice %get3A_71 {offsets = [2], sizes = [1], strides = [1]} : vector<16xi32> to vector<1xi32>
        %squeeze3A_266 = vector.extract %slice3A_265[0] : i32 from vector<1xi32>
        %get3A_267 = arith.index_cast %squeeze3A_266 : i32 to index
        %get3A_268 = arith.constant 0 : index
        %get3A_269 = tpu.vector_load %arg9[%get3A_267, %get3A_268] {strides = array<i32>} : memref<328x128xf32, #tpu.memory_space<vmem>>, vector<16xf32>,
        %add3A_270 = arith.constant 2 : i32
        %add3A_271 = arith.addi %mul3A_70, %add3A_270 : i32
        %get3A_272 = arith.index_cast %add3A_271 : i32 to index
        %get3A_273 = arith.constant 0 : index
        %get3A_274 = tpu.vector_load %arg8[%get3A_272, %get3A_273] {strides = array<i32>} : memref<128x128xf32, #tpu.memory_space<vmem>>, vector<16xf32>,
        %max3A_275 = arith.maximumf %get3A_269, %get3A_274 : vector<16xf32>
        %swap3A_276 = arith.index_cast %squeeze3A_266 : i32 to index
        %swap3A_277 = arith.constant 0 : index
        %swap3A_278 = tpu.vector_load %arg9[%swap3A_276, %swap3A_277] {strides = array<i32>} : memref<328x128xf32, #tpu.memory_space<vmem>>, vector<16xf32>,
        tpu.vector_store %arg9[%swap3A_276, %swap3A_277], %max3A_275 {strides = array<i32>} : memref<328x128xf32, #tpu.memory_space<vmem>>, vector<16xf32>,
        %get3A_279 = arith.index_cast %squeeze3A_266 : i32 to index
        %get3A_280 = arith.constant 16 : index
        %get3A_281 = tpu.vector_load %arg9[%get3A_279, %get3A_280] {strides = array<i32>} : memref<328x128xf32, #tpu.memory_space<vmem>>, vector<16xf32>,
        %add3A_282 = arith.constant 2 : i32
        %add3A_283 = arith.addi %mul3A_70, %add3A_282 : i32
        %get3A_284 = arith.index_cast %add3A_283 : i32 to index
        %get3A_285 = arith.constant 16 : index
        %get3A_286 = tpu.vector_load %arg8[%get3A_284, %get3A_285] {strides = array<i32>} : memref<128x128xf32, #tpu.memory_space<vmem>>, vector<16xf32>,
        %max3A_287 = arith.maximumf %get3A_281, %get3A_286 : vector<16xf32>
        %swap3A_288 = arith.index_cast %squeeze3A_266 : i32 to index
        %swap3A_289 = arith.constant 16 : index
        %swap3A_290 = tpu.vector_load %arg9[%swap3A_288, %swap3A_289] {strides = array<i32>} : memref<328x128xf32, #tpu.memory_space<vmem>>, vector<16xf32>,
        tpu.vector_store %arg9[%swap3A_288, %swap3A_289], %max3A_287 {strides = array<i32>} : memref<328x128xf32, #tpu.memory_space<vmem>>, vector<16xf32>,
        %get3A_291 = arith.index_cast %squeeze3A_266 : i32 to index
        %get3A_292 = arith.constant 32 : index
        %get3A_293 = tpu.vector_load %arg9[%get3A_291, %get3A_292] {strides = array<i32>} : memref<328x128xf32, #tpu.memory_space<vmem>>, vector<16xf32>,
        %add3A_294 = arith.constant 2 : i32
        %add3A_295 = arith.addi %mul3A_70, %add3A_294 : i32
        %get3A_296 = arith.index_cast %add3A_295 : i32 to index
        %get3A_297 = arith.constant 32 : index
        %get3A_298 = tpu.vector_load %arg8[%get3A_296, %get3A_297] {strides = array<i32>} : memref<128x128xf32, #tpu.memory_space<vmem>>, vector<16xf32>,
        %max3A_299 = arith.maximumf %get3A_293, %get3A_298 : vector<16xf32>
        %swap3A_300 = arith.index_cast %squeeze3A_266 : i32 to index
        %swap3A_301 = arith.constant 32 : index
        %swap3A_302 = tpu.vector_load %arg9[%swap3A_300, %swap3A_301] {strides = array<i32>} : memref<328x128xf32, #tpu.memory_space<vmem>>, vector<16xf32>,
        tpu.vector_store %arg9[%swap3A_300, %swap3A_301], %max3A_299 {strides = array<i32>} : memref<328x128xf32, #tpu.memory_space<vmem>>, vector<16xf32>,
        %get3A_303 = arith.index_cast %squeeze3A_266 : i32 to index
        %get3A_304 = arith.constant 48 : index
        %get3A_305 = tpu.vector_load %arg9[%get3A_303, %get3A_304] {strides = array<i32>} : memref<328x128xf32, #tpu.memory_space<vmem>>, vector<16xf32>,
        %add3A_306 = arith.constant 2 : i32
        %add3A_307 = arith.addi %mul3A_70, %add3A_306 : i32
        %get3A_308 = arith.index_cast %add3A_307 : i32 to index
        %get3A_309 = arith.constant 48 : index
        %get3A_310 = tpu.vector_load %arg8[%get3A_308, %get3A_309] {strides = array<i32>} : memref<128x128xf32, #tpu.memory_space<vmem>>, vector<16xf32>,
        %max3A_311 = arith.maximumf %get3A_305, %get3A_310 : vector<16xf32>
        %swap3A_312 = arith.index_cast %squeeze3A_266 : i32 to index
        %swap3A_313 = arith.constant 48 : index
        %swap3A_314 = tpu.vector_load %arg9[%swap3A_312, %swap3A_313] {strides = array<i32>} : memref<328x128xf32, #tpu.memory_space<vmem>>, vector<16xf32>,
        tpu.vector_store %arg9[%swap3A_312, %swap3A_313], %max3A_311 {strides = array<i32>} : memref<328x128xf32, #tpu.memory_space<vmem>>, vector<16xf32>,
        %get3A_315 = arith.index_cast %squeeze3A_266 : i32 to index
        %get3A_316 = arith.constant 64 : index
        %get3A_317 = tpu.vector_load %arg9[%get3A_315, %get3A_316] {strides = array<i32>} : memref<328x128xf32, #tpu.memory_space<vmem>>, vector<16xf32>,
        %add3A_318 = arith.constant 2 : i32
        %add3A_319 = arith.addi %mul3A_70, %add3A_318 : i32
        %get3A_320 = arith.index_cast %add3A_319 : i32 to index
        %get3A_321 = arith.constant 64 : index
        %get3A_322 = tpu.vector_load %arg8[%get3A_320, %get3A_321] {strides = array<i32>} : memref<128x128xf32, #tpu.memory_space<vmem>>, vector<16xf32>,
        %max3A_323 = arith.maximumf %get3A_317, %get3A_322 : vector<16xf32>
        %swap3A_324 = arith.index_cast %squeeze3A_266 : i32 to index
        %swap3A_325 = arith.constant 64 : index
        %swap3A_326 = tpu.vector_load %arg9[%swap3A_324, %swap3A_325] {strides = array<i32>} : memref<328x128xf32, #tpu.memory_space<vmem>>, vector<16xf32>,
        tpu.vector_store %arg9[%swap3A_324, %swap3A_325], %max3A_323 {strides = array<i32>} : memref<328x128xf32, #tpu.memory_space<vmem>>, vector<16xf32>,
        %get3A_327 = arith.index_cast %squeeze3A_266 : i32 to index
        %get3A_328 = arith.constant 80 : index
        %get3A_329 = tpu.vector_load %arg9[%get3A_327, %get3A_328] {strides = array<i32>} : memref<328x128xf32, #tpu.memory_space<vmem>>, vector<16xf32>,
        %add3A_330 = arith.constant 2 : i32
        %add3A_331 = arith.addi %mul3A_70, %add3A_330 : i32
        %get3A_332 = arith.index_cast %add3A_331 : i32 to index
        %get3A_333 = arith.constant 80 : index
        %get3A_334 = tpu.vector_load %arg8[%get3A_332, %get3A_333] {strides = array<i32>} : memref<128x128xf32, #tpu.memory_space<vmem>>, vector<16xf32>,
        %max3A_335 = arith.maximumf %get3A_329, %get3A_334 : vector<16xf32>
        %swap3A_336 = arith.index_cast %squeeze3A_266 : i32 to index
        %swap3A_337 = arith.constant 80 : index
        %swap3A_338 = tpu.vector_load %arg9[%swap3A_336, %swap3A_337] {strides = array<i32>} : memref<328x128xf32, #tpu.memory_space<vmem>>, vector<16xf32>,
        tpu.vector_store %arg9[%swap3A_336, %swap3A_337], %max3A_335 {strides = array<i32>} : memref<328x128xf32, #tpu.memory_space<vmem>>, vector<16xf32>,
        %get3A_339 = arith.index_cast %squeeze3A_266 : i32 to index
        %get3A_340 = arith.constant 96 : index
        %get3A_341 = tpu.vector_load %arg9[%get3A_339, %get3A_340] {strides = array<i32>} : memref<328x128xf32, #tpu.memory_space<vmem>>, vector<16xf32>,
        %add3A_342 = arith.constant 2 : i32
        %add3A_343 = arith.addi %mul3A_70, %add3A_342 : i32
        %get3A_344 = arith.index_cast %add3A_343 : i32 to index
        %get3A_345 = arith.constant 96 : index
        %get3A_346 = tpu.vector_load %arg8[%get3A_344, %get3A_345] {strides = array<i32>} : memref<128x128xf32, #tpu.memory_space<vmem>>, vector<16xf32>,
        %max3A_347 = arith.maximumf %get3A_341, %get3A_346 : vector<16xf32>
        %swap3A_348 = arith.index_cast %squeeze3A_266 : i32 to index
        %swap3A_349 = arith.constant 96 : index
        %swap3A_350 = tpu.vector_load %arg9[%swap3A_348, %swap3A_349] {strides = array<i32>} : memref<328x128xf32, #tpu.memory_space<vmem>>, vector<16xf32>,
        tpu.vector_store %arg9[%swap3A_348, %swap3A_349], %max3A_347 {strides = array<i32>} : memref<328x128xf32, #tpu.memory_space<vmem>>, vector<16xf32>,
        %get3A_351 = arith.index_cast %squeeze3A_266 : i32 to index
        %get3A_352 = arith.constant 112 : index
        %get3A_353 = tpu.vector_load %arg9[%get3A_351, %get3A_352] {strides = array<i32>} : memref<328x128xf32, #tpu.memory_space<vmem>>, vector<16xf32>,
        %add3A_354 = arith.constant 2 : i32
        %add3A_355 = arith.addi %mul3A_70, %add3A_354 : i32
        %get3A_356 = arith.index_cast %add3A_355 : i32 to index
        %get3A_357 = arith.constant 112 : index
        %get3A_358 = tpu.vector_load %arg8[%get3A_356, %get3A_357] {strides = array<i32>} : memref<128x128xf32, #tpu.memory_space<vmem>>, vector<16xf32>,
        %max3A_359 = arith.maximumf %get3A_353, %get3A_358 : vector<16xf32>
        %swap3A_360 = arith.index_cast %squeeze3A_266 : i32 to index
        %swap3A_361 = arith.constant 112 : index
        %swap3A_362 = tpu.vector_load %arg9[%swap3A_360, %swap3A_361] {strides = array<i32>} : memref<328x128xf32, #tpu.memory_space<vmem>>, vector<16xf32>,
        tpu.vector_store %arg9[%swap3A_360, %swap3A_361], %max3A_359 {strides = array<i32>} : memref<328x128xf32, #tpu.memory_space<vmem>>, vector<16xf32>,
        %slice3A_363 = vector.extract_strided_slice %get3A_71 {offsets = [3], sizes = [1], strides = [1]} : vector<16xi32> to vector<1xi32>
        %squeeze3A_364 = vector.extract %slice3A_363[0] : i32 from vector<1xi32>
        %get3A_365 = arith.index_cast %squeeze3A_364 : i32 to index
        %get3A_366 = arith.constant 0 : index
        %get3A_367 = tpu.vector_load %arg9[%get3A_365, %get3A_366] {strides = array<i32>} : memref<328x128xf32, #tpu.memory_space<vmem>>, vector<16xf32>,
        %add3A_368 = arith.constant 3 : i32
        %add3A_369 = arith.addi %mul3A_70, %add3A_368 : i32
        %get3A_370 = arith.index_cast %add3A_369 : i32 to index
        %get3A_371 = arith.constant 0 : index
        %get3A_372 = tpu.vector_load %arg8[%get3A_370, %get3A_371] {strides = array<i32>} : memref<128x128xf32, #tpu.memory_space<vmem>>, vector<16xf32>,
        %max3A_373 = arith.maximumf %get3A_367, %get3A_372 : vector<16xf32>
        %swap3A_374 = arith.index_cast %squeeze3A_364 : i32 to index
        %swap3A_375 = arith.constant 0 : index
        %swap3A_376 = tpu.vector_load %arg9[%swap3A_374, %swap3A_375] {strides = array<i32>} : memref<328x128xf32, #tpu.memory_space<vmem>>, vector<16xf32>,
        tpu.vector_store %arg9[%swap3A_374, %swap3A_375], %max3A_373 {strides = array<i32>} : memref<328x128xf32, #tpu.memory_space<vmem>>, vector<16xf32>,
        %get3A_377 = arith.index_cast %squeeze3A_364 : i32 to index
        %get3A_378 = arith.constant 16 : index
        %get3A_379 = tpu.vector_load %arg9[%get3A_377, %get3A_378] {strides = array<i32>} : memref<328x128xf32, #tpu.memory_space<vmem>>, vector<16xf32>,
        %add3A_380 = arith.constant 3 : i32
        %add3A_381 = arith.addi %mul3A_70, %add3A_380 : i32
        %get3A_382 = arith.index_cast %add3A_381 : i32 to index
        %get3A_383 = arith.constant 16 : index
        %get3A_384 = tpu.vector_load %arg8[%get3A_382, %get3A_383] {strides = array<i32>} : memref<128x128xf32, #tpu.memory_space<vmem>>, vector<16xf32>,
        %max3A_385 = arith.maximumf %get3A_379, %get3A_384 : vector<16xf32>
        %swap3A_386 = arith.index_cast %squeeze3A_364 : i32 to index
        %swap3A_387 = arith.constant 16 : index
        %swap3A_388 = tpu.vector_load %arg9[%swap3A_386, %swap3A_387] {strides = array<i32>} : memref<328x128xf32, #tpu.memory_space<vmem>>, vector<16xf32>,
        tpu.vector_store %arg9[%swap3A_386, %swap3A_387], %max3A_385 {strides = array<i32>} : memref<328x128xf32, #tpu.memory_space<vmem>>, vector<16xf32>,
        %get3A_389 = arith.index_cast %squeeze3A_364 : i32 to index
        %get3A_390 = arith.constant 32 : index
        %get3A_391 = tpu.vector_load %arg9[%get3A_389, %get3A_390] {strides = array<i32>} : memref<328x128xf32, #tpu.memory_space<vmem>>, vector<16xf32>,
        %add3A_392 = arith.constant 3 : i32
        %add3A_393 = arith.addi %mul3A_70, %add3A_392 : i32
        %get3A_394 = arith.index_cast %add3A_393 : i32 to index
        %get3A_395 = arith.constant 32 : index
        %get3A_396 = tpu.vector_load %arg8[%get3A_394, %get3A_395] {strides = array<i32>} : memref<128x128xf32, #tpu.memory_space<vmem>>, vector<16xf32>,
        %max3A_397 = arith.maximumf %get3A_391, %get3A_396 : vector<16xf32>
        %swap3A_398 = arith.index_cast %squeeze3A_364 : i32 to index
        %swap3A_399 = arith.constant 32 : index
        %swap3A_400 = tpu.vector_load %arg9[%swap3A_398, %swap3A_399] {strides = array<i32>} : memref<328x128xf32, #tpu.memory_space<vmem>>, vector<16xf32>,
        tpu.vector_store %arg9[%swap3A_398, %swap3A_399], %max3A_397 {strides = array<i32>} : memref<328x128xf32, #tpu.memory_space<vmem>>, vector<16xf32>,
        %get3A_401 = arith.index_cast %squeeze3A_364 : i32 to index
        %get3A_402 = arith.constant 48 : index
        %get3A_403 = tpu.vector_load %arg9[%get3A_401, %get3A_402] {strides = array<i32>} : memref<328x128xf32, #tpu.memory_space<vmem>>, vector<16xf32>,
        %add3A_404 = arith.constant 3 : i32
        %add3A_405 = arith.addi %mul3A_70, %add3A_404 : i32
        %get3A_406 = arith.index_cast %add3A_405 : i32 to index
        %get3A_407 = arith.constant 48 : index
        %get3A_408 = tpu.vector_load %arg8[%get3A_406, %get3A_407] {strides = array<i32>} : memref<128x128xf32, #tpu.memory_space<vmem>>, vector<16xf32>,
        %max3A_409 = arith.maximumf %get3A_403, %get3A_408 : vector<16xf32>
        %swap3A_410 = arith.index_cast %squeeze3A_364 : i32 to index
        %swap3A_411 = arith.constant 48 : index
        %swap3A_412 = tpu.vector_load %arg9[%swap3A_410, %swap3A_411] {strides = array<i32>} : memref<328x128xf32, #tpu.memory_space<vmem>>, vector<16xf32>,
        tpu.vector_store %arg9[%swap3A_410, %swap3A_411], %max3A_409 {strides = array<i32>} : memref<328x128xf32, #tpu.memory_space<vmem>>, vector<16xf32>,
        %get3A_413 = arith.index_cast %squeeze3A_364 : i32 to index
        %get3A_414 = arith.constant 64 : index
        %get3A_415 = tpu.vector_load %arg9[%get3A_413, %get3A_414] {strides = array<i32>} : memref<328x128xf32, #tpu.memory_space<vmem>>, vector<16xf32>,
        %add3A_416 = arith.constant 3 : i32
        %add3A_417 = arith.addi %mul3A_70, %add3A_416 : i32
        %get3A_418 = arith.index_cast %add3A_417 : i32 to index
        %get3A_419 = arith.constant 64 : index
        %get3A_420 = tpu.vector_load %arg8[%get3A_418, %get3A_419] {strides = array<i32>} : memref<128x128xf32, #tpu.memory_space<vmem>>, vector<16xf32>,
        %max3A_421 = arith.maximumf %get3A_415, %get3A_420 : vector<16xf32>
        %swap3A_422 = arith.index_cast %squeeze3A_364 : i32 to index
        %swap3A_423 = arith.constant 64 : index
        %swap3A_424 = tpu.vector_load %arg9[%swap3A_422, %swap3A_423] {strides = array<i32>} : memref<328x128xf32, #tpu.memory_space<vmem>>, vector<16xf32>,
        tpu.vector_store %arg9[%swap3A_422, %swap3A_423], %max3A_421 {strides = array<i32>} : memref<328x128xf32, #tpu.memory_space<vmem>>, vector<16xf32>,
        %get3A_425 = arith.index_cast %squeeze3A_364 : i32 to index
        %get3A_426 = arith.constant 80 : index
        %get3A_427 = tpu.vector_load %arg9[%get3A_425, %get3A_426] {strides = array<i32>} : memref<328x128xf32, #tpu.memory_space<vmem>>, vector<16xf32>,
        %add3A_428 = arith.constant 3 : i32
        %add3A_429 = arith.addi %mul3A_70, %add3A_428 : i32
        %get3A_430 = arith.index_cast %add3A_429 : i32 to index
        %get3A_431 = arith.constant 80 : index
        %get3A_432 = tpu.vector_load %arg8[%get3A_430, %get3A_431] {strides = array<i32>} : memref<128x128xf32, #tpu.memory_space<vmem>>, vector<16xf32>,
        %max3A_433 = arith.maximumf %get3A_427, %get3A_432 : vector<16xf32>
        %swap3A_434 = arith.index_cast %squeeze3A_364 : i32 to index
        %swap3A_435 = arith.constant 80 : index
        %swap3A_436 = tpu.vector_load %arg9[%swap3A_434, %swap3A_435] {strides = array<i32>} : memref<328x128xf32, #tpu.memory_space<vmem>>, vector<16xf32>,
        tpu.vector_store %arg9[%swap3A_434, %swap3A_435], %max3A_433 {strides = array<i32>} : memref<328x128xf32, #tpu.memory_space<vmem>>, vector<16xf32>,
        %get3A_437 = arith.index_cast %squeeze3A_364 : i32 to index
        %get3A_438 = arith.constant 96 : index
        %get3A_439 = tpu.vector_load %arg9[%get3A_437, %get3A_438] {strides = array<i32>} : memref<328x128xf32, #tpu.memory_space<vmem>>, vector<16xf32>,
        %add3A_440 = arith.constant 3 : i32
        %add3A_441 = arith.addi %mul3A_70, %add3A_440 : i32
        %get3A_442 = arith.index_cast %add3A_441 : i32 to index
        %get3A_443 = arith.constant 96 : index
        %get3A_444 = tpu.vector_load %arg8[%get3A_442, %get3A_443] {strides = array<i32>} : memref<128x128xf32, #tpu.memory_space<vmem>>, vector<16xf32>,
        %max3A_445 = arith.maximumf %get3A_439, %get3A_444 : vector<16xf32>
        %swap3A_446 = arith.index_cast %squeeze3A_364 : i32 to index
        %swap3A_447 = arith.constant 96 : index
        %swap3A_448 = tpu.vector_load %arg9[%swap3A_446, %swap3A_447] {strides = array<i32>} : memref<328x128xf32, #tpu.memory_space<vmem>>, vector<16xf32>,
        tpu.vector_store %arg9[%swap3A_446, %swap3A_447], %max3A_445 {strides = array<i32>} : memref<328x128xf32, #tpu.memory_space<vmem>>, vector<16xf32>,
        %get3A_449 = arith.index_cast %squeeze3A_364 : i32 to index
        %get3A_450 = arith.constant 112 : index
        %get3A_451 = tpu.vector_load %arg9[%get3A_449, %get3A_450] {strides = array<i32>} : memref<328x128xf32, #tpu.memory_space<vmem>>, vector<16xf32>,
        %add3A_452 = arith.constant 3 : i32
        %add3A_453 = arith.addi %mul3A_70, %add3A_452 : i32
        %get3A_454 = arith.index_cast %add3A_453 : i32 to index
        %get3A_455 = arith.constant 112 : index
        %get3A_456 = tpu.vector_load %arg8[%get3A_454, %get3A_455] {strides = array<i32>} : memref<128x128xf32, #tpu.memory_space<vmem>>, vector<16xf32>,
        %max3A_457 = arith.maximumf %get3A_451, %get3A_456 : vector<16xf32>
        %swap3A_458 = arith.index_cast %squeeze3A_364 : i32 to index
        %swap3A_459 = arith.constant 112 : index
        %swap3A_460 = tpu.vector_load %arg9[%swap3A_458, %swap3A_459] {strides = array<i32>} : memref<328x128xf32, #tpu.memory_space<vmem>>, vector<16xf32>,
        tpu.vector_store %arg9[%swap3A_458, %swap3A_459], %max3A_457 {strides = array<i32>} : memref<328x128xf32, #tpu.memory_space<vmem>>, vector<16xf32>,
        %slice3A_461 = vector.extract_strided_slice %get3A_71 {offsets = [4], sizes = [1], strides = [1]} : vector<16xi32> to vector<1xi32>
        %squeeze3A_462 = vector.extract %slice3A_461[0] : i32 from vector<1xi32>
        %get3A_463 = arith.index_cast %squeeze3A_462 : i32 to index
        %get3A_464 = arith.constant 0 : index
        %get3A_465 = tpu.vector_load %arg9[%get3A_463, %get3A_464] {strides = array<i32>} : memref<328x128xf32, #tpu.memory_space<vmem>>, vector<16xf32>,
        %add3A_466 = arith.constant 4 : i32
        %add3A_467 = arith.addi %mul3A_70, %add3A_466 : i32
        %get3A_468 = arith.index_cast %add3A_467 : i32 to index
        %get3A_469 = arith.constant 0 : index
        %get3A_470 = tpu.vector_load %arg8[%get3A_468, %get3A_469] {strides = array<i32>} : memref<128x128xf32, #tpu.memory_space<vmem>>, vector<16xf32>,
        %max3A_471 = arith.maximumf %get3A_465, %get3A_470 : vector<16xf32>
        %swap3A_472 = arith.index_cast %squeeze3A_462 : i32 to index
        %swap3A_473 = arith.constant 0 : index
        %swap3A_474 = tpu.vector_load %arg9[%swap3A_472, %swap3A_473] {strides = array<i32>} : memref<328x128xf32, #tpu.memory_space<vmem>>, vector<16xf32>,
        tpu.vector_store %arg9[%swap3A_472, %swap3A_473], %max3A_471 {strides = array<i32>} : memref<328x128xf32, #tpu.memory_space<vmem>>, vector<16xf32>,
        %get3A_475 = arith.index_cast %squeeze3A_462 : i32 to index
        %get3A_476 = arith.constant 16 : index
        %get3A_477 = tpu.vector_load %arg9[%get3A_475, %get3A_476] {strides = array<i32>} : memref<328x128xf32, #tpu.memory_space<vmem>>, vector<16xf32>,
        %add3A_478 = arith.constant 4 : i32
        %add3A_479 = arith.addi %mul3A_70, %add3A_478 : i32
        %get3A_480 = arith.index_cast %add3A_479 : i32 to index
        %get3A_481 = arith.constant 16 : index
        %get3A_482 = tpu.vector_load %arg8[%get3A_480, %get3A_481] {strides = array<i32>} : memref<128x128xf32, #tpu.memory_space<vmem>>, vector<16xf32>,
        %max3A_483 = arith.maximumf %get3A_477, %get3A_482 : vector<16xf32>
        %swap3A_484 = arith.index_cast %squeeze3A_462 : i32 to index
        %swap3A_485 = arith.constant 16 : index
        %swap3A_486 = tpu.vector_load %arg9[%swap3A_484, %swap3A_485] {strides = array<i32>} : memref<328x128xf32, #tpu.memory_space<vmem>>, vector<16xf32>,
        tpu.vector_store %arg9[%swap3A_484, %swap3A_485], %max3A_483 {strides = array<i32>} : memref<328x128xf32, #tpu.memory_space<vmem>>, vector<16xf32>,
        %get3A_487 = arith.index_cast %squeeze3A_462 : i32 to index
        %get3A_488 = arith.constant 32 : index
        %get3A_489 = tpu.vector_load %arg9[%get3A_487, %get3A_488] {strides = array<i32>} : memref<328x128xf32, #tpu.memory_space<vmem>>, vector<16xf32>,
        %add3A_490 = arith.constant 4 : i32
        %add3A_491 = arith.addi %mul3A_70, %add3A_490 : i32
        %get3A_492 = arith.index_cast %add3A_491 : i32 to index
        %get3A_493 = arith.constant 32 : index
        %get3A_494 = tpu.vector_load %arg8[%get3A_492, %get3A_493] {strides = array<i32>} : memref<128x128xf32, #tpu.memory_space<vmem>>, vector<16xf32>,
        %max3A_495 = arith.maximumf %get3A_489, %get3A_494 : vector<16xf32>
        %swap3A_496 = arith.index_cast %squeeze3A_462 : i32 to index
        %swap3A_497 = arith.constant 32 : index
        %swap3A_498 = tpu.vector_load %arg9[%swap3A_496, %swap3A_497] {strides = array<i32>} : memref<328x128xf32, #tpu.memory_space<vmem>>, vector<16xf32>,
        tpu.vector_store %arg9[%swap3A_496, %swap3A_497], %max3A_495 {strides = array<i32>} : memref<328x128xf32, #tpu.memory_space<vmem>>, vector<16xf32>,
        %get3A_499 = arith.index_cast %squeeze3A_462 : i32 to index
        %get3A_500 = arith.constant 48 : index
        %get3A_501 = tpu.vector_load %arg9[%get3A_499, %get3A_500] {strides = array<i32>} : memref<328x128xf32, #tpu.memory_space<vmem>>, vector<16xf32>,
        %add3A_502 = arith.constant 4 : i32
        %add3A_503 = arith.addi %mul3A_70, %add3A_502 : i32
        %get3A_504 = arith.index_cast %add3A_503 : i32 to index
        %get3A_505 = arith.constant 48 : index
        %get3A_506 = tpu.vector_load %arg8[%get3A_504, %get3A_505] {strides = array<i32>} : memref<128x128xf32, #tpu.memory_space<vmem>>, vector<16xf32>,
        %max3A_507 = arith.maximumf %get3A_501, %get3A_506 : vector<16xf32>
        %swap3A_508 = arith.index_cast %squeeze3A_462 : i32 to index
        %swap3A_509 = arith.constant 48 : index
        %swap3A_510 = tpu.vector_load %arg9[%swap3A_508, %swap3A_509] {strides = array<i32>} : memref<328x128xf32, #tpu.memory_space<vmem>>, vector<16xf32>,
        tpu.vector_store %arg9[%swap3A_508, %swap3A_509], %max3A_507 {strides = array<i32>} : memref<328x128xf32, #tpu.memory_space<vmem>>, vector<16xf32>,
        %get3A_511 = arith.index_cast %squeeze3A_462 : i32 to index
        %get3A_512 = arith.constant 64 : index
        %get3A_513 = tpu.vector_load %arg9[%get3A_511, %get3A_512] {strides = array<i32>} : memref<328x128xf32, #tpu.memory_space<vmem>>, vector<16xf32>,
        %add3A_514 = arith.constant 4 : i32
        %add3A_515 = arith.addi %mul3A_70, %add3A_514 : i32
        %get3A_516 = arith.index_cast %add3A_515 : i32 to index
        %get3A_517 = arith.constant 64 : index
        %get3A_518 = tpu.vector_load %arg8[%get3A_516, %get3A_517] {strides = array<i32>} : memref<128x128xf32, #tpu.memory_space<vmem>>, vector<16xf32>,
        %max3A_519 = arith.maximumf %get3A_513, %get3A_518 : vector<16xf32>
        %swap3A_520 = arith.index_cast %squeeze3A_462 : i32 to index
        %swap3A_521 = arith.constant 64 : index
        %swap3A_522 = tpu.vector_load %arg9[%swap3A_520, %swap3A_521] {strides = array<i32>} : memref<328x128xf32, #tpu.memory_space<vmem>>, vector<16xf32>,
        tpu.vector_store %arg9[%swap3A_520, %swap3A_521], %max3A_519 {strides = array<i32>} : memref<328x128xf32, #tpu.memory_space<vmem>>, vector<16xf32>,
        %get3A_523 = arith.index_cast %squeeze3A_462 : i32 to index
        %get3A_524 = arith.constant 80 : index
        %get3A_525 = tpu.vector_load %arg9[%get3A_523, %get3A_524] {strides = array<i32>} : memref<328x128xf32, #tpu.memory_space<vmem>>, vector<16xf32>,
        %add3A_526 = arith.constant 4 : i32
        %add3A_527 = arith.addi %mul3A_70, %add3A_526 : i32
        %get3A_528 = arith.index_cast %add3A_527 : i32 to index
        %get3A_529 = arith.constant 80 : index
        %get3A_530 = tpu.vector_load %arg8[%get3A_528, %get3A_529] {strides = array<i32>} : memref<128x128xf32, #tpu.memory_space<vmem>>, vector<16xf32>,
        %max3A_531 = arith.maximumf %get3A_525, %get3A_530 : vector<16xf32>
        %swap3A_532 = arith.index_cast %squeeze3A_462 : i32 to index
        %swap3A_533 = arith.constant 80 : index
        %swap3A_534 = tpu.vector_load %arg9[%swap3A_532, %swap3A_533] {strides = array<i32>} : memref<328x128xf32, #tpu.memory_space<vmem>>, vector<16xf32>,
        tpu.vector_store %arg9[%swap3A_532, %swap3A_533], %max3A_531 {strides = array<i32>} : memref<328x128xf32, #tpu.memory_space<vmem>>, vector<16xf32>,
        %get3A_535 = arith.index_cast %squeeze3A_462 : i32 to index
        %get3A_536 = arith.constant 96 : index
        %get3A_537 = tpu.vector_load %arg9[%get3A_535, %get3A_536] {strides = array<i32>} : memref<328x128xf32, #tpu.memory_space<vmem>>, vector<16xf32>,
        %add3A_538 = arith.constant 4 : i32
        %add3A_539 = arith.addi %mul3A_70, %add3A_538 : i32
        %get3A_540 = arith.index_cast %add3A_539 : i32 to index
        %get3A_541 = arith.constant 96 : index
        %get3A_542 = tpu.vector_load %arg8[%get3A_540, %get3A_541] {strides = array<i32>} : memref<128x128xf32, #tpu.memory_space<vmem>>, vector<16xf32>,
        %max3A_543 = arith.maximumf %get3A_537, %get3A_542 : vector<16xf32>
        %swap3A_544 = arith.index_cast %squeeze3A_462 : i32 to index
        %swap3A_545 = arith.constant 96 : index
        %swap3A_546 = tpu.vector_load %arg9[%swap3A_544, %swap3A_545] {strides = array<i32>} : memref<328x128xf32, #tpu.memory_space<vmem>>, vector<16xf32>,
        tpu.vector_store %arg9[%swap3A_544, %swap3A_545], %max3A_543 {strides = array<i32>} : memref<328x128xf32, #tpu.memory_space<vmem>>, vector<16xf32>,
        %get3A_547 = arith.index_cast %squeeze3A_462 : i32 to index
        %get3A_548 = arith.constant 112 : index
        %get3A_549 = tpu.vector_load %arg9[%get3A_547, %get3A_548] {strides = array<i32>} : memref<328x128xf32, #tpu.memory_space<vmem>>, vector<16xf32>,
        %add3A_550 = arith.constant 4 : i32
        %add3A_551 = arith.addi %mul3A_70, %add3A_550 : i32
        %get3A_552 = arith.index_cast %add3A_551 : i32 to index
        %get3A_553 = arith.constant 112 : index
        %get3A_554 = tpu.vector_load %arg8[%get3A_552, %get3A_553] {strides = array<i32>} : memref<128x128xf32, #tpu.memory_space<vmem>>, vector<16xf32>,
        %max3A_555 = arith.maximumf %get3A_549, %get3A_554 : vector<16xf32>
        %swap3A_556 = arith.index_cast %squeeze3A_462 : i32 to index
        %swap3A_557 = arith.constant 112 : index
        %swap3A_558 = tpu.vector_load %arg9[%swap3A_556, %swap3A_557] {strides = array<i32>} : memref<328x128xf32, #tpu.memory_space<vmem>>, vector<16xf32>,
        tpu.vector_store %arg9[%swap3A_556, %swap3A_557], %max3A_555 {strides = array<i32>} : memref<328x128xf32, #tpu.memory_space<vmem>>, vector<16xf32>,
        %slice3A_559 = vector.extract_strided_slice %get3A_71 {offsets = [5], sizes = [1], strides = [1]} : vector<16xi32> to vector<1xi32>
        %squeeze3A_560 = vector.extract %slice3A_559[0] : i32 from vector<1xi32>
        %get3A_561 = arith.index_cast %squeeze3A_560 : i32 to index
        %get3A_562 = arith.constant 0 : index
        %get3A_563 = tpu.vector_load %arg9[%get3A_561, %get3A_562] {strides = array<i32>} : memref<328x128xf32, #tpu.memory_space<vmem>>, vector<16xf32>,
        %add3A_564 = arith.constant 5 : i32
        %add3A_565 = arith.addi %mul3A_70, %add3A_564 : i32
        %get3A_566 = arith.index_cast %add3A_565 : i32 to index
        %get3A_567 = arith.constant 0 : index
        %get3A_568 = tpu.vector_load %arg8[%get3A_566, %get3A_567] {strides = array<i32>} : memref<128x128xf32, #tpu.memory_space<vmem>>, vector<16xf32>,
        %max3A_569 = arith.maximumf %get3A_563, %get3A_568 : vector<16xf32>
        %swap3A_570 = arith.index_cast %squeeze3A_560 : i32 to index
        %swap3A_571 = arith.constant 0 : index
        %swap3A_572 = tpu.vector_load %arg9[%swap3A_570, %swap3A_571] {strides = array<i32>} : memref<328x128xf32, #tpu.memory_space<vmem>>, vector<16xf32>,
        tpu.vector_store %arg9[%swap3A_570, %swap3A_571], %max3A_569 {strides = array<i32>} : memref<328x128xf32, #tpu.memory_space<vmem>>, vector<16xf32>,
        %get3A_573 = arith.index_cast %squeeze3A_560 : i32 to index
        %get3A_574 = arith.constant 16 : index
        %get3A_575 = tpu.vector_load %arg9[%get3A_573, %get3A_574] {strides = array<i32>} : memref<328x128xf32, #tpu.memory_space<vmem>>, vector<16xf32>,
        %add3A_576 = arith.constant 5 : i32
        %add3A_577 = arith.addi %mul3A_70, %add3A_576 : i32
        %get3A_578 = arith.index_cast %add3A_577 : i32 to index
        %get3A_579 = arith.constant 16 : index
        %get3A_580 = tpu.vector_load %arg8[%get3A_578, %get3A_579] {strides = array<i32>} : memref<128x128xf32, #tpu.memory_space<vmem>>, vector<16xf32>,
        %max3A_581 = arith.maximumf %get3A_575, %get3A_580 : vector<16xf32>
        %swap3A_582 = arith.index_cast %squeeze3A_560 : i32 to index
        %swap3A_583 = arith.constant 16 : index
        %swap3A_584 = tpu.vector_load %arg9[%swap3A_582, %swap3A_583] {strides = array<i32>} : memref<328x128xf32, #tpu.memory_space<vmem>>, vector<16xf32>,
        tpu.vector_store %arg9[%swap3A_582, %swap3A_583], %max3A_581 {strides = array<i32>} : memref<328x128xf32, #tpu.memory_space<vmem>>, vector<16xf32>,
        %get3A_585 = arith.index_cast %squeeze3A_560 : i32 to index
        %get3A_586 = arith.constant 32 : index
        %get3A_587 = tpu.vector_load %arg9[%get3A_585, %get3A_586] {strides = array<i32>} : memref<328x128xf32, #tpu.memory_space<vmem>>, vector<16xf32>,
        %add3A_588 = arith.constant 5 : i32
        %add3A_589 = arith.addi %mul3A_70, %add3A_588 : i32
        %get3A_590 = arith.index_cast %add3A_589 : i32 to index
        %get3A_591 = arith.constant 32 : index
        %get3A_592 = tpu.vector_load %arg8[%get3A_590, %get3A_591] {strides = array<i32>} : memref<128x128xf32, #tpu.memory_space<vmem>>, vector<16xf32>,
        %max3A_593 = arith.maximumf %get3A_587, %get3A_592 : vector<16xf32>
        %swap3A_594 = arith.index_cast %squeeze3A_560 : i32 to index
        %swap3A_595 = arith.constant 32 : index
        %swap3A_596 = tpu.vector_load %arg9[%swap3A_594, %swap3A_595] {strides = array<i32>} : memref<328x128xf32, #tpu.memory_space<vmem>>, vector<16xf32>,
        tpu.vector_store %arg9[%swap3A_594, %swap3A_595], %max3A_593 {strides = array<i32>} : memref<328x128xf32, #tpu.memory_space<vmem>>, vector<16xf32>,
        %get3A_597 = arith.index_cast %squeeze3A_560 : i32 to index
        %get3A_598 = arith.constant 48 : index
        %get3A_599 = tpu.vector_load %arg9[%get3A_597, %get3A_598] {strides = array<i32>} : memref<328x128xf32, #tpu.memory_space<vmem>>, vector<16xf32>,
        %add3A_600 = arith.constant 5 : i32
        %add3A_601 = arith.addi %mul3A_70, %add3A_600 : i32
        %get3A_602 = arith.index_cast %add3A_601 : i32 to index
        %get3A_603 = arith.constant 48 : index
        %get3A_604 = tpu.vector_load %arg8[%get3A_602, %get3A_603] {strides = array<i32>} : memref<128x128xf32, #tpu.memory_space<vmem>>, vector<16xf32>,
        %max3A_605 = arith.maximumf %get3A_599, %get3A_604 : vector<16xf32>
        %swap3A_606 = arith.index_cast %squeeze3A_560 : i32 to index
        %swap3A_607 = arith.constant 48 : index
        %swap3A_608 = tpu.vector_load %arg9[%swap3A_606, %swap3A_607] {strides = array<i32>} : memref<328x128xf32, #tpu.memory_space<vmem>>, vector<16xf32>,
        tpu.vector_store %arg9[%swap3A_606, %swap3A_607], %max3A_605 {strides = array<i32>} : memref<328x128xf32, #tpu.memory_space<vmem>>, vector<16xf32>,
        %get3A_609 = arith.index_cast %squeeze3A_560 : i32 to index
        %get3A_610 = arith.constant 64 : index
        %get3A_611 = tpu.vector_load %arg9[%get3A_609, %get3A_610] {strides = array<i32>} : memref<328x128xf32, #tpu.memory_space<vmem>>, vector<16xf32>,
        %add3A_612 = arith.constant 5 : i32
        %add3A_613 = arith.addi %mul3A_70, %add3A_612 : i32
        %get3A_614 = arith.index_cast %add3A_613 : i32 to index
        %get3A_615 = arith.constant 64 : index
        %get3A_616 = tpu.vector_load %arg8[%get3A_614, %get3A_615] {strides = array<i32>} : memref<128x128xf32, #tpu.memory_space<vmem>>, vector<16xf32>,
        %max3A_617 = arith.maximumf %get3A_611, %get3A_616 : vector<16xf32>
        %swap3A_618 = arith.index_cast %squeeze3A_560 : i32 to index
        %swap3A_619 = arith.constant 64 : index
        %swap3A_620 = tpu.vector_load %arg9[%swap3A_618, %swap3A_619] {strides = array<i32>} : memref<328x128xf32, #tpu.memory_space<vmem>>, vector<16xf32>,
        tpu.vector_store %arg9[%swap3A_618, %swap3A_619], %max3A_617 {strides = array<i32>} : memref<328x128xf32, #tpu.memory_space<vmem>>, vector<16xf32>,
        %get3A_621 = arith.index_cast %squeeze3A_560 : i32 to index
        %get3A_622 = arith.constant 80 : index
        %get3A_623 = tpu.vector_load %arg9[%get3A_621, %get3A_622] {strides = array<i32>} : memref<328x128xf32, #tpu.memory_space<vmem>>, vector<16xf32>,
        %add3A_624 = arith.constant 5 : i32
        %add3A_625 = arith.addi %mul3A_70, %add3A_624 : i32
        %get3A_626 = arith.index_cast %add3A_625 : i32 to index
        %get3A_627 = arith.constant 80 : index
        %get3A_628 = tpu.vector_load %arg8[%get3A_626, %get3A_627] {strides = array<i32>} : memref<128x128xf32, #tpu.memory_space<vmem>>, vector<16xf32>,
        %max3A_629 = arith.maximumf %get3A_623, %get3A_628 : vector<16xf32>
        %swap3A_630 = arith.index_cast %squeeze3A_560 : i32 to index
        %swap3A_631 = arith.constant 80 : index
        %swap3A_632 = tpu.vector_load %arg9[%swap3A_630, %swap3A_631] {strides = array<i32>} : memref<328x128xf32, #tpu.memory_space<vmem>>, vector<16xf32>,
        tpu.vector_store %arg9[%swap3A_630, %swap3A_631], %max3A_629 {strides = array<i32>} : memref<328x128xf32, #tpu.memory_space<vmem>>, vector<16xf32>,
        %get3A_633 = arith.index_cast %squeeze3A_560 : i32 to index
        %get3A_634 = arith.constant 96 : index
        %get3A_635 = tpu.vector_load %arg9[%get3A_633, %get3A_634] {strides = array<i32>} : memref<328x128xf32, #tpu.memory_space<vmem>>, vector<16xf32>,
        %add3A_636 = arith.constant 5 : i32
        %add3A_637 = arith.addi %mul3A_70, %add3A_636 : i32
        %get3A_638 = arith.index_cast %add3A_637 : i32 to index
        %get3A_639 = arith.constant 96 : index
        %get3A_640 = tpu.vector_load %arg8[%get3A_638, %get3A_639] {strides = array<i32>} : memref<128x128xf32, #tpu.memory_space<vmem>>, vector<16xf32>,
        %max3A_641 = arith.maximumf %get3A_635, %get3A_640 : vector<16xf32>
        %swap3A_642 = arith.index_cast %squeeze3A_560 : i32 to index
        %swap3A_643 = arith.constant 96 : index
        %swap3A_644 = tpu.vector_load %arg9[%swap3A_642, %swap3A_643] {strides = array<i32>} : memref<328x128xf32, #tpu.memory_space<vmem>>, vector<16xf32>,
        tpu.vector_store %arg9[%swap3A_642, %swap3A_643], %max3A_641 {strides = array<i32>} : memref<328x128xf32, #tpu.memory_space<vmem>>, vector<16xf32>,
        %get3A_645 = arith.index_cast %squeeze3A_560 : i32 to index
        %get3A_646 = arith.constant 112 : index
        %get3A_647 = tpu.vector_load %arg9[%get3A_645, %get3A_646] {strides = array<i32>} : memref<328x128xf32, #tpu.memory_space<vmem>>, vector<16xf32>,
        %add3A_648 = arith.constant 5 : i32
        %add3A_649 = arith.addi %mul3A_70, %add3A_648 : i32
        %get3A_650 = arith.index_cast %add3A_649 : i32 to index
        %get3A_651 = arith.constant 112 : index
        %get3A_652 = tpu.vector_load %arg8[%get3A_650, %get3A_651] {strides = array<i32>} : memref<128x128xf32, #tpu.memory_space<vmem>>, vector<16xf32>,
        %max3A_653 = arith.maximumf %get3A_647, %get3A_652 : vector<16xf32>
        %swap3A_654 = arith.index_cast %squeeze3A_560 : i32 to index
        %swap3A_655 = arith.constant 112 : index
        %swap3A_656 = tpu.vector_load %arg9[%swap3A_654, %swap3A_655] {strides = array<i32>} : memref<328x128xf32, #tpu.memory_space<vmem>>, vector<16xf32>,
        tpu.vector_store %arg9[%swap3A_654, %swap3A_655], %max3A_653 {strides = array<i32>} : memref<328x128xf32, #tpu.memory_space<vmem>>, vector<16xf32>,
        %slice3A_657 = vector.extract_strided_slice %get3A_71 {offsets = [6], sizes = [1], strides = [1]} : vector<16xi32> to vector<1xi32>
        %squeeze3A_658 = vector.extract %slice3A_657[0] : i32 from vector<1xi32>
        %get3A_659 = arith.index_cast %squeeze3A_658 : i32 to index
        %get3A_660 = arith.constant 0 : index
        %get3A_661 = tpu.vector_load %arg9[%get3A_659, %get3A_660] {strides = array<i32>} : memref<328x128xf32, #tpu.memory_space<vmem>>, vector<16xf32>,
        %add3A_662 = arith.constant 6 : i32
        %add3A_663 = arith.addi %mul3A_70, %add3A_662 : i32
        %get3A_664 = arith.index_cast %add3A_663 : i32 to index
        %get3A_665 = arith.constant 0 : index
        %get3A_666 = tpu.vector_load %arg8[%get3A_664, %get3A_665] {strides = array<i32>} : memref<128x128xf32, #tpu.memory_space<vmem>>, vector<16xf32>,
        %max3A_667 = arith.maximumf %get3A_661, %get3A_666 : vector<16xf32>
        %swap3A_668 = arith.index_cast %squeeze3A_658 : i32 to index
        %swap3A_669 = arith.constant 0 : index
        %swap3A_670 = tpu.vector_load %arg9[%swap3A_668, %swap3A_669] {strides = array<i32>} : memref<328x128xf32, #tpu.memory_space<vmem>>, vector<16xf32>,
        tpu.vector_store %arg9[%swap3A_668, %swap3A_669], %max3A_667 {strides = array<i32>} : memref<328x128xf32, #tpu.memory_space<vmem>>, vector<16xf32>,
        %get3A_671 = arith.index_cast %squeeze3A_658 : i32 to index
        %get3A_672 = arith.constant 16 : index
        %get3A_673 = tpu.vector_load %arg9[%get3A_671, %get3A_672] {strides = array<i32>} : memref<328x128xf32, #tpu.memory_space<vmem>>, vector<16xf32>,
        %add3A_674 = arith.constant 6 : i32
        %add3A_675 = arith.addi %mul3A_70, %add3A_674 : i32
        %get3A_676 = arith.index_cast %add3A_675 : i32 to index
        %get3A_677 = arith.constant 16 : index
        %get3A_678 = tpu.vector_load %arg8[%get3A_676, %get3A_677] {strides = array<i32>} : memref<128x128xf32, #tpu.memory_space<vmem>>, vector<16xf32>,
        %max3A_679 = arith.maximumf %get3A_673, %get3A_678 : vector<16xf32>
        %swap3A_680 = arith.index_cast %squeeze3A_658 : i32 to index
        %swap3A_681 = arith.constant 16 : index
        %swap3A_682 = tpu.vector_load %arg9[%swap3A_680, %swap3A_681] {strides = array<i32>} : memref<328x128xf32, #tpu.memory_space<vmem>>, vector<16xf32>,
        tpu.vector_store %arg9[%swap3A_680, %swap3A_681], %max3A_679 {strides = array<i32>} : memref<328x128xf32, #tpu.memory_space<vmem>>, vector<16xf32>,
        %get3A_683 = arith.index_cast %squeeze3A_658 : i32 to index
        %get3A_684 = arith.constant 32 : index
        %get3A_685 = tpu.vector_load %arg9[%get3A_683, %get3A_684] {strides = array<i32>} : memref<328x128xf32, #tpu.memory_space<vmem>>, vector<16xf32>,
        %add3A_686 = arith.constant 6 : i32
        %add3A_687 = arith.addi %mul3A_70, %add3A_686 : i32
        %get3A_688 = arith.index_cast %add3A_687 : i32 to index
        %get3A_689 = arith.constant 32 : index
        %get3A_690 = tpu.vector_load %arg8[%get3A_688, %get3A_689] {strides = array<i32>} : memref<128x128xf32, #tpu.memory_space<vmem>>, vector<16xf32>,
        %max3A_691 = arith.maximumf %get3A_685, %get3A_690 : vector<16xf32>
        %swap3A_692 = arith.index_cast %squeeze3A_658 : i32 to index
        %swap3A_693 = arith.constant 32 : index
        %swap3A_694 = tpu.vector_load %arg9[%swap3A_692, %swap3A_693] {strides = array<i32>} : memref<328x128xf32, #tpu.memory_space<vmem>>, vector<16xf32>,
        tpu.vector_store %arg9[%swap3A_692, %swap3A_693], %max3A_691 {strides = array<i32>} : memref<328x128xf32, #tpu.memory_space<vmem>>, vector<16xf32>,
        %get3A_695 = arith.index_cast %squeeze3A_658 : i32 to index
        %get3A_696 = arith.constant 48 : index
        %get3A_697 = tpu.vector_load %arg9[%get3A_695, %get3A_696] {strides = array<i32>} : memref<328x128xf32, #tpu.memory_space<vmem>>, vector<16xf32>,
        %add3A_698 = arith.constant 6 : i32
        %add3A_699 = arith.addi %mul3A_70, %add3A_698 : i32
        %get3A_700 = arith.index_cast %add3A_699 : i32 to index
        %get3A_701 = arith.constant 48 : index
        %get3A_702 = tpu.vector_load %arg8[%get3A_700, %get3A_701] {strides = array<i32>} : memref<128x128xf32, #tpu.memory_space<vmem>>, vector<16xf32>,
        %max3A_703 = arith.maximumf %get3A_697, %get3A_702 : vector<16xf32>
        %swap3A_704 = arith.index_cast %squeeze3A_658 : i32 to index
        %swap3A_705 = arith.constant 48 : index
        %swap3A_706 = tpu.vector_load %arg9[%swap3A_704, %swap3A_705] {strides = array<i32>} : memref<328x128xf32, #tpu.memory_space<vmem>>, vector<16xf32>,
        tpu.vector_store %arg9[%swap3A_704, %swap3A_705], %max3A_703 {strides = array<i32>} : memref<328x128xf32, #tpu.memory_space<vmem>>, vector<16xf32>,
        %get3A_707 = arith.index_cast %squeeze3A_658 : i32 to index
        %get3A_708 = arith.constant 64 : index
        %get3A_709 = tpu.vector_load %arg9[%get3A_707, %get3A_708] {strides = array<i32>} : memref<328x128xf32, #tpu.memory_space<vmem>>, vector<16xf32>,
        %add3A_710 = arith.constant 6 : i32
        %add3A_711 = arith.addi %mul3A_70, %add3A_710 : i32
        %get3A_712 = arith.index_cast %add3A_711 : i32 to index
        %get3A_713 = arith.constant 64 : index
        %get3A_714 = tpu.vector_load %arg8[%get3A_712, %get3A_713] {strides = array<i32>} : memref<128x128xf32, #tpu.memory_space<vmem>>, vector<16xf32>,
        %max3A_715 = arith.maximumf %get3A_709, %get3A_714 : vector<16xf32>
        %swap3A_716 = arith.index_cast %squeeze3A_658 : i32 to index
        %swap3A_717 = arith.constant 64 : index
        %swap3A_718 = tpu.vector_load %arg9[%swap3A_716, %swap3A_717] {strides = array<i32>} : memref<328x128xf32, #tpu.memory_space<vmem>>, vector<16xf32>,
        tpu.vector_store %arg9[%swap3A_716, %swap3A_717], %max3A_715 {strides = array<i32>} : memref<328x128xf32, #tpu.memory_space<vmem>>, vector<16xf32>,
        %get3A_719 = arith.index_cast %squeeze3A_658 : i32 to index
        %get3A_720 = arith.constant 80 : index
        %get3A_721 = tpu.vector_load %arg9[%get3A_719, %get3A_720] {strides = array<i32>} : memref<328x128xf32, #tpu.memory_space<vmem>>, vector<16xf32>,
        %add3A_722 = arith.constant 6 : i32
        %add3A_723 = arith.addi %mul3A_70, %add3A_722 : i32
        %get3A_724 = arith.index_cast %add3A_723 : i32 to index
        %get3A_725 = arith.constant 80 : index
        %get3A_726 = tpu.vector_load %arg8[%get3A_724, %get3A_725] {strides = array<i32>} : memref<128x128xf32, #tpu.memory_space<vmem>>, vector<16xf32>,
        %max3A_727 = arith.maximumf %get3A_721, %get3A_726 : vector<16xf32>
        %swap3A_728 = arith.index_cast %squeeze3A_658 : i32 to index
        %swap3A_729 = arith.constant 80 : index
        %swap3A_730 = tpu.vector_load %arg9[%swap3A_728, %swap3A_729] {strides = array<i32>} : memref<328x128xf32, #tpu.memory_space<vmem>>, vector<16xf32>,
        tpu.vector_store %arg9[%swap3A_728, %swap3A_729], %max3A_727 {strides = array<i32>} : memref<328x128xf32, #tpu.memory_space<vmem>>, vector<16xf32>,
        %get3A_731 = arith.index_cast %squeeze3A_658 : i32 to index
        %get3A_732 = arith.constant 96 : index
        %get3A_733 = tpu.vector_load %arg9[%get3A_731, %get3A_732] {strides = array<i32>} : memref<328x128xf32, #tpu.memory_space<vmem>>, vector<16xf32>,
        %add3A_734 = arith.constant 6 : i32
        %add3A_735 = arith.addi %mul3A_70, %add3A_734 : i32
        %get3A_736 = arith.index_cast %add3A_735 : i32 to index
        %get3A_737 = arith.constant 96 : index
        %get3A_738 = tpu.vector_load %arg8[%get3A_736, %get3A_737] {strides = array<i32>} : memref<128x128xf32, #tpu.memory_space<vmem>>, vector<16xf32>,
        %max3A_739 = arith.maximumf %get3A_733, %get3A_738 : vector<16xf32>
        %swap3A_740 = arith.index_cast %squeeze3A_658 : i32 to index
        %swap3A_741 = arith.constant 96 : index
        %swap3A_742 = tpu.vector_load %arg9[%swap3A_740, %swap3A_741] {strides = array<i32>} : memref<328x128xf32, #tpu.memory_space<vmem>>, vector<16xf32>,
        tpu.vector_store %arg9[%swap3A_740, %swap3A_741], %max3A_739 {strides = array<i32>} : memref<328x128xf32, #tpu.memory_space<vmem>>, vector<16xf32>,
        %get3A_743 = arith.index_cast %squeeze3A_658 : i32 to index
        %get3A_744 = arith.constant 112 : index
        %get3A_745 = tpu.vector_load %arg9[%get3A_743, %get3A_744] {strides = array<i32>} : memref<328x128xf32, #tpu.memory_space<vmem>>, vector<16xf32>,
        %add3A_746 = arith.constant 6 : i32
        %add3A_747 = arith.addi %mul3A_70, %add3A_746 : i32
        %get3A_748 = arith.index_cast %add3A_747 : i32 to index
        %get3A_749 = arith.constant 112 : index
        %get3A_750 = tpu.vector_load %arg8[%get3A_748, %get3A_749] {strides = array<i32>} : memref<128x128xf32, #tpu.memory_space<vmem>>, vector<16xf32>,
        %max3A_751 = arith.maximumf %get3A_745, %get3A_750 : vector<16xf32>
        %swap3A_752 = arith.index_cast %squeeze3A_658 : i32 to index
        %swap3A_753 = arith.constant 112 : index
        %swap3A_754 = tpu.vector_load %arg9[%swap3A_752, %swap3A_753] {strides = array<i32>} : memref<328x128xf32, #tpu.memory_space<vmem>>, vector<16xf32>,
        tpu.vector_store %arg9[%swap3A_752, %swap3A_753], %max3A_751 {strides = array<i32>} : memref<328x128xf32, #tpu.memory_space<vmem>>, vector<16xf32>,
        %slice3A_755 = vector.extract_strided_slice %get3A_71 {offsets = [7], sizes = [1], strides = [1]} : vector<16xi32> to vector<1xi32>
        %squeeze3A_756 = vector.extract %slice3A_755[0] : i32 from vector<1xi32>
        %get3A_757 = arith.index_cast %squeeze3A_756 : i32 to index
        %get3A_758 = arith.constant 0 : index
        %get3A_759 = tpu.vector_load %arg9[%get3A_757, %get3A_758] {strides = array<i32>} : memref<328x128xf32, #tpu.memory_space<vmem>>, vector<16xf32>,
        %add3A_760 = arith.constant 7 : i32
        %add3A_761 = arith.addi %mul3A_70, %add3A_760 : i32
        %get3A_762 = arith.index_cast %add3A_761 : i32 to index
        %get3A_763 = arith.constant 0 : index
        %get3A_764 = tpu.vector_load %arg8[%get3A_762, %get3A_763] {strides = array<i32>} : memref<128x128xf32, #tpu.memory_space<vmem>>, vector<16xf32>,
        %max3A_765 = arith.maximumf %get3A_759, %get3A_764 : vector<16xf32>
        %swap3A_766 = arith.index_cast %squeeze3A_756 : i32 to index
        %swap3A_767 = arith.constant 0 : index
        %swap3A_768 = tpu.vector_load %arg9[%swap3A_766, %swap3A_767] {strides = array<i32>} : memref<328x128xf32, #tpu.memory_space<vmem>>, vector<16xf32>,
        tpu.vector_store %arg9[%swap3A_766, %swap3A_767], %max3A_765 {strides = array<i32>} : memref<328x128xf32, #tpu.memory_space<vmem>>, vector<16xf32>,
        %get3A_769 = arith.index_cast %squeeze3A_756 : i32 to index
        %get3A_770 = arith.constant 16 : index
        %get3A_771 = tpu.vector_load %arg9[%get3A_769, %get3A_770] {strides = array<i32>} : memref<328x128xf32, #tpu.memory_space<vmem>>, vector<16xf32>,
        %add3A_772 = arith.constant 7 : i32
        %add3A_773 = arith.addi %mul3A_70, %add3A_772 : i32
        %get3A_774 = arith.index_cast %add3A_773 : i32 to index
        %get3A_775 = arith.constant 16 : index
        %get3A_776 = tpu.vector_load %arg8[%get3A_774, %get3A_775] {strides = array<i32>} : memref<128x128xf32, #tpu.memory_space<vmem>>, vector<16xf32>,
        %max3A_777 = arith.maximumf %get3A_771, %get3A_776 : vector<16xf32>
        %swap3A_778 = arith.index_cast %squeeze3A_756 : i32 to index
        %swap3A_779 = arith.constant 16 : index
        %swap3A_780 = tpu.vector_load %arg9[%swap3A_778, %swap3A_779] {strides = array<i32>} : memref<328x128xf32, #tpu.memory_space<vmem>>, vector<16xf32>,
        tpu.vector_store %arg9[%swap3A_778, %swap3A_779], %max3A_777 {strides = array<i32>} : memref<328x128xf32, #tpu.memory_space<vmem>>, vector<16xf32>,
        %get3A_781 = arith.index_cast %squeeze3A_756 : i32 to index
        %get3A_782 = arith.constant 32 : index
        %get3A_783 = tpu.vector_load %arg9[%get3A_781, %get3A_782] {strides = array<i32>} : memref<328x128xf32, #tpu.memory_space<vmem>>, vector<16xf32>,
        %add3A_784 = arith.constant 7 : i32
        %add3A_785 = arith.addi %mul3A_70, %add3A_784 : i32
        %get3A_786 = arith.index_cast %add3A_785 : i32 to index
        %get3A_787 = arith.constant 32 : index
        %get3A_788 = tpu.vector_load %arg8[%get3A_786, %get3A_787] {strides = array<i32>} : memref<128x128xf32, #tpu.memory_space<vmem>>, vector<16xf32>,
        %max3A_789 = arith.maximumf %get3A_783, %get3A_788 : vector<16xf32>
        %swap3A_790 = arith.index_cast %squeeze3A_756 : i32 to index
        %swap3A_791 = arith.constant 32 : index
        %swap3A_792 = tpu.vector_load %arg9[%swap3A_790, %swap3A_791] {strides = array<i32>} : memref<328x128xf32, #tpu.memory_space<vmem>>, vector<16xf32>,
        tpu.vector_store %arg9[%swap3A_790, %swap3A_791], %max3A_789 {strides = array<i32>} : memref<328x128xf32, #tpu.memory_space<vmem>>, vector<16xf32>,
        %get3A_793 = arith.index_cast %squeeze3A_756 : i32 to index
        %get3A_794 = arith.constant 48 : index
        %get3A_795 = tpu.vector_load %arg9[%get3A_793, %get3A_794] {strides = array<i32>} : memref<328x128xf32, #tpu.memory_space<vmem>>, vector<16xf32>,
        %add3A_796 = arith.constant 7 : i32
        %add3A_797 = arith.addi %mul3A_70, %add3A_796 : i32
        %get3A_798 = arith.index_cast %add3A_797 : i32 to index
        %get3A_799 = arith.constant 48 : index
        %get3A_800 = tpu.vector_load %arg8[%get3A_798, %get3A_799] {strides = array<i32>} : memref<128x128xf32, #tpu.memory_space<vmem>>, vector<16xf32>,
        %max3A_801 = arith.maximumf %get3A_795, %get3A_800 : vector<16xf32>
        %swap3A_802 = arith.index_cast %squeeze3A_756 : i32 to index
        %swap3A_803 = arith.constant 48 : index
        %swap3A_804 = tpu.vector_load %arg9[%swap3A_802, %swap3A_803] {strides = array<i32>} : memref<328x128xf32, #tpu.memory_space<vmem>>, vector<16xf32>,
        tpu.vector_store %arg9[%swap3A_802, %swap3A_803], %max3A_801 {strides = array<i32>} : memref<328x128xf32, #tpu.memory_space<vmem>>, vector<16xf32>,
        %get3A_805 = arith.index_cast %squeeze3A_756 : i32 to index
        %get3A_806 = arith.constant 64 : index
        %get3A_807 = tpu.vector_load %arg9[%get3A_805, %get3A_806] {strides = array<i32>} : memref<328x128xf32, #tpu.memory_space<vmem>>, vector<16xf32>,
        %add3A_808 = arith.constant 7 : i32
        %add3A_809 = arith.addi %mul3A_70, %add3A_808 : i32
        %get3A_810 = arith.index_cast %add3A_809 : i32 to index
        %get3A_811 = arith.constant 64 : index
        %get3A_812 = tpu.vector_load %arg8[%get3A_810, %get3A_811] {strides = array<i32>} : memref<128x128xf32, #tpu.memory_space<vmem>>, vector<16xf32>,
        %max3A_813 = arith.maximumf %get3A_807, %get3A_812 : vector<16xf32>
        %swap3A_814 = arith.index_cast %squeeze3A_756 : i32 to index
        %swap3A_815 = arith.constant 64 : index
        %swap3A_816 = tpu.vector_load %arg9[%swap3A_814, %swap3A_815] {strides = array<i32>} : memref<328x128xf32, #tpu.memory_space<vmem>>, vector<16xf32>,
        tpu.vector_store %arg9[%swap3A_814, %swap3A_815], %max3A_813 {strides = array<i32>} : memref<328x128xf32, #tpu.memory_space<vmem>>, vector<16xf32>,
        %get3A_817 = arith.index_cast %squeeze3A_756 : i32 to index
        %get3A_818 = arith.constant 80 : index
        %get3A_819 = tpu.vector_load %arg9[%get3A_817, %get3A_818] {strides = array<i32>} : memref<328x128xf32, #tpu.memory_space<vmem>>, vector<16xf32>,
        %add3A_820 = arith.constant 7 : i32
        %add3A_821 = arith.addi %mul3A_70, %add3A_820 : i32
        %get3A_822 = arith.index_cast %add3A_821 : i32 to index
        %get3A_823 = arith.constant 80 : index
        %get3A_824 = tpu.vector_load %arg8[%get3A_822, %get3A_823] {strides = array<i32>} : memref<128x128xf32, #tpu.memory_space<vmem>>, vector<16xf32>,
        %max3A_825 = arith.maximumf %get3A_819, %get3A_824 : vector<16xf32>
        %swap3A_826 = arith.index_cast %squeeze3A_756 : i32 to index
        %swap3A_827 = arith.constant 80 : index
        %swap3A_828 = tpu.vector_load %arg9[%swap3A_826, %swap3A_827] {strides = array<i32>} : memref<328x128xf32, #tpu.memory_space<vmem>>, vector<16xf32>,
        tpu.vector_store %arg9[%swap3A_826, %swap3A_827], %max3A_825 {strides = array<i32>} : memref<328x128xf32, #tpu.memory_space<vmem>>, vector<16xf32>,
        %get3A_829 = arith.index_cast %squeeze3A_756 : i32 to index
        %get3A_830 = arith.constant 96 : index
        %get3A_831 = tpu.vector_load %arg9[%get3A_829, %get3A_830] {strides = array<i32>} : memref<328x128xf32, #tpu.memory_space<vmem>>, vector<16xf32>,
        %add3A_832 = arith.constant 7 : i32
        %add3A_833 = arith.addi %mul3A_70, %add3A_832 : i32
        %get3A_834 = arith.index_cast %add3A_833 : i32 to index
        %get3A_835 = arith.constant 96 : index
        %get3A_836 = tpu.vector_load %arg8[%get3A_834, %get3A_835] {strides = array<i32>} : memref<128x128xf32, #tpu.memory_space<vmem>>, vector<16xf32>,
        %max3A_837 = arith.maximumf %get3A_831, %get3A_836 : vector<16xf32>
        %swap3A_838 = arith.index_cast %squeeze3A_756 : i32 to index
        %swap3A_839 = arith.constant 96 : index
        %swap3A_840 = tpu.vector_load %arg9[%swap3A_838, %swap3A_839] {strides = array<i32>} : memref<328x128xf32, #tpu.memory_space<vmem>>, vector<16xf32>,
        tpu.vector_store %arg9[%swap3A_838, %swap3A_839], %max3A_837 {strides = array<i32>} : memref<328x128xf32, #tpu.memory_space<vmem>>, vector<16xf32>,
        %get3A_841 = arith.index_cast %squeeze3A_756 : i32 to index
        %get3A_842 = arith.constant 112 : index
        %get3A_843 = tpu.vector_load %arg9[%get3A_841, %get3A_842] {strides = array<i32>} : memref<328x128xf32, #tpu.memory_space<vmem>>, vector<16xf32>,
        %add3A_844 = arith.constant 7 : i32
        %add3A_845 = arith.addi %mul3A_70, %add3A_844 : i32
        %get3A_846 = arith.index_cast %add3A_845 : i32 to index
        %get3A_847 = arith.constant 112 : index
        %get3A_848 = tpu.vector_load %arg8[%get3A_846, %get3A_847] {strides = array<i32>} : memref<128x128xf32, #tpu.memory_space<vmem>>, vector<16xf32>,
        %max3A_849 = arith.maximumf %get3A_843, %get3A_848 : vector<16xf32>
        %swap3A_850 = arith.index_cast %squeeze3A_756 : i32 to index
        %swap3A_851 = arith.constant 112 : index
        %swap3A_852 = tpu.vector_load %arg9[%swap3A_850, %swap3A_851] {strides = array<i32>} : memref<328x128xf32, #tpu.memory_space<vmem>>, vector<16xf32>,
        tpu.vector_store %arg9[%swap3A_850, %swap3A_851], %max3A_849 {strides = array<i32>} : memref<328x128xf32, #tpu.memory_space<vmem>>, vector<16xf32>,
        %slice3A_853 = vector.extract_strided_slice %get3A_71 {offsets = [8], sizes = [1], strides = [1]} : vector<16xi32> to vector<1xi32>
        %squeeze3A_854 = vector.extract %slice3A_853[0] : i32 from vector<1xi32>
        %get3A_855 = arith.index_cast %squeeze3A_854 : i32 to index
        %get3A_856 = arith.constant 0 : index
        %get3A_857 = tpu.vector_load %arg9[%get3A_855, %get3A_856] {strides = array<i32>} : memref<328x128xf32, #tpu.memory_space<vmem>>, vector<16xf32>,
        %add3A_858 = arith.constant 8 : i32
        %add3A_859 = arith.addi %mul3A_70, %add3A_858 : i32
        %get3A_860 = arith.index_cast %add3A_859 : i32 to index
        %get3A_861 = arith.constant 0 : index
        %get3A_862 = tpu.vector_load %arg8[%get3A_860, %get3A_861] {strides = array<i32>} : memref<128x128xf32, #tpu.memory_space<vmem>>, vector<16xf32>,
        %max3A_863 = arith.maximumf %get3A_857, %get3A_862 : vector<16xf32>
        %swap3A_864 = arith.index_cast %squeeze3A_854 : i32 to index
        %swap3A_865 = arith.constant 0 : index
        %swap3A_866 = tpu.vector_load %arg9[%swap3A_864, %swap3A_865] {strides = array<i32>} : memref<328x128xf32, #tpu.memory_space<vmem>>, vector<16xf32>,
        tpu.vector_store %arg9[%swap3A_864, %swap3A_865], %max3A_863 {strides = array<i32>} : memref<328x128xf32, #tpu.memory_space<vmem>>, vector<16xf32>,
        %get3A_867 = arith.index_cast %squeeze3A_854 : i32 to index
        %get3A_868 = arith.constant 16 : index
        %get3A_869 = tpu.vector_load %arg9[%get3A_867, %get3A_868] {strides = array<i32>} : memref<328x128xf32, #tpu.memory_space<vmem>>, vector<16xf32>,
        %add3A_870 = arith.constant 8 : i32
        %add3A_871 = arith.addi %mul3A_70, %add3A_870 : i32
        %get3A_872 = arith.index_cast %add3A_871 : i32 to index
        %get3A_873 = arith.constant 16 : index
        %get3A_874 = tpu.vector_load %arg8[%get3A_872, %get3A_873] {strides = array<i32>} : memref<128x128xf32, #tpu.memory_space<vmem>>, vector<16xf32>,
        %max3A_875 = arith.maximumf %get3A_869, %get3A_874 : vector<16xf32>
        %swap3A_876 = arith.index_cast %squeeze3A_854 : i32 to index
        %swap3A_877 = arith.constant 16 : index
        %swap3A_878 = tpu.vector_load %arg9[%swap3A_876, %swap3A_877] {strides = array<i32>} : memref<328x128xf32, #tpu.memory_space<vmem>>, vector<16xf32>,
        tpu.vector_store %arg9[%swap3A_876, %swap3A_877], %max3A_875 {strides = array<i32>} : memref<328x128xf32, #tpu.memory_space<vmem>>, vector<16xf32>,
        %get3A_879 = arith.index_cast %squeeze3A_854 : i32 to index
        %get3A_880 = arith.constant 32 : index
        %get3A_881 = tpu.vector_load %arg9[%get3A_879, %get3A_880] {strides = array<i32>} : memref<328x128xf32, #tpu.memory_space<vmem>>, vector<16xf32>,
        %add3A_882 = arith.constant 8 : i32
        %add3A_883 = arith.addi %mul3A_70, %add3A_882 : i32
        %get3A_884 = arith.index_cast %add3A_883 : i32 to index
        %get3A_885 = arith.constant 32 : index
        %get3A_886 = tpu.vector_load %arg8[%get3A_884, %get3A_885] {strides = array<i32>} : memref<128x128xf32, #tpu.memory_space<vmem>>, vector<16xf32>,
        %max3A_887 = arith.maximumf %get3A_881, %get3A_886 : vector<16xf32>
        %swap3A_888 = arith.index_cast %squeeze3A_854 : i32 to index
        %swap3A_889 = arith.constant 32 : index
        %swap3A_890 = tpu.vector_load %arg9[%swap3A_888, %swap3A_889] {strides = array<i32>} : memref<328x128xf32, #tpu.memory_space<vmem>>, vector<16xf32>,
        tpu.vector_store %arg9[%swap3A_888, %swap3A_889], %max3A_887 {strides = array<i32>} : memref<328x128xf32, #tpu.memory_space<vmem>>, vector<16xf32>,
        %get3A_891 = arith.index_cast %squeeze3A_854 : i32 to index
        %get3A_892 = arith.constant 48 : index
        %get3A_893 = tpu.vector_load %arg9[%get3A_891, %get3A_892] {strides = array<i32>} : memref<328x128xf32, #tpu.memory_space<vmem>>, vector<16xf32>,
        %add3A_894 = arith.constant 8 : i32
        %add3A_895 = arith.addi %mul3A_70, %add3A_894 : i32
        %get3A_896 = arith.index_cast %add3A_895 : i32 to index
        %get3A_897 = arith.constant 48 : index
        %get3A_898 = tpu.vector_load %arg8[%get3A_896, %get3A_897] {strides = array<i32>} : memref<128x128xf32, #tpu.memory_space<vmem>>, vector<16xf32>,
        %max3A_899 = arith.maximumf %get3A_893, %get3A_898 : vector<16xf32>
        %swap3A_900 = arith.index_cast %squeeze3A_854 : i32 to index
        %swap3A_901 = arith.constant 48 : index
        %swap3A_902 = tpu.vector_load %arg9[%swap3A_900, %swap3A_901] {strides = array<i32>} : memref<328x128xf32, #tpu.memory_space<vmem>>, vector<16xf32>,
        tpu.vector_store %arg9[%swap3A_900, %swap3A_901], %max3A_899 {strides = array<i32>} : memref<328x128xf32, #tpu.memory_space<vmem>>, vector<16xf32>,
        %get3A_903 = arith.index_cast %squeeze3A_854 : i32 to index
        %get3A_904 = arith.constant 64 : index
        %get3A_905 = tpu.vector_load %arg9[%get3A_903, %get3A_904] {strides = array<i32>} : memref<328x128xf32, #tpu.memory_space<vmem>>, vector<16xf32>,
        %add3A_906 = arith.constant 8 : i32
        %add3A_907 = arith.addi %mul3A_70, %add3A_906 : i32
        %get3A_908 = arith.index_cast %add3A_907 : i32 to index
        %get3A_909 = arith.constant 64 : index
        %get3A_910 = tpu.vector_load %arg8[%get3A_908, %get3A_909] {strides = array<i32>} : memref<128x128xf32, #tpu.memory_space<vmem>>, vector<16xf32>,
        %max3A_911 = arith.maximumf %get3A_905, %get3A_910 : vector<16xf32>
        %swap3A_912 = arith.index_cast %squeeze3A_854 : i32 to index
        %swap3A_913 = arith.constant 64 : index
        %swap3A_914 = tpu.vector_load %arg9[%swap3A_912, %swap3A_913] {strides = array<i32>} : memref<328x128xf32, #tpu.memory_space<vmem>>, vector<16xf32>,
        tpu.vector_store %arg9[%swap3A_912, %swap3A_913], %max3A_911 {strides = array<i32>} : memref<328x128xf32, #tpu.memory_space<vmem>>, vector<16xf32>,
        %get3A_915 = arith.index_cast %squeeze3A_854 : i32 to index
        %get3A_916 = arith.constant 80 : index
        %get3A_917 = tpu.vector_load %arg9[%get3A_915, %get3A_916] {strides = array<i32>} : memref<328x128xf32, #tpu.memory_space<vmem>>, vector<16xf32>,
        %add3A_918 = arith.constant 8 : i32
        %add3A_919 = arith.addi %mul3A_70, %add3A_918 : i32
        %get3A_920 = arith.index_cast %add3A_919 : i32 to index
        %get3A_921 = arith.constant 80 : index
        %get3A_922 = tpu.vector_load %arg8[%get3A_920, %get3A_921] {strides = array<i32>} : memref<128x128xf32, #tpu.memory_space<vmem>>, vector<16xf32>,
        %max3A_923 = arith.maximumf %get3A_917, %get3A_922 : vector<16xf32>
        %swap3A_924 = arith.index_cast %squeeze3A_854 : i32 to index
        %swap3A_925 = arith.constant 80 : index
        %swap3A_926 = tpu.vector_load %arg9[%swap3A_924, %swap3A_925] {strides = array<i32>} : memref<328x128xf32, #tpu.memory_space<vmem>>, vector<16xf32>,
        tpu.vector_store %arg9[%swap3A_924, %swap3A_925], %max3A_923 {strides = array<i32>} : memref<328x128xf32, #tpu.memory_space<vmem>>, vector<16xf32>,
        %get3A_927 = arith.index_cast %squeeze3A_854 : i32 to index
        %get3A_928 = arith.constant 96 : index
        %get3A_929 = tpu.vector_load %arg9[%get3A_927, %get3A_928] {strides = array<i32>} : memref<328x128xf32, #tpu.memory_space<vmem>>, vector<16xf32>,
        %add3A_930 = arith.constant 8 : i32
        %add3A_931 = arith.addi %mul3A_70, %add3A_930 : i32
        %get3A_932 = arith.index_cast %add3A_931 : i32 to index
        %get3A_933 = arith.constant 96 : index
        %get3A_934 = tpu.vector_load %arg8[%get3A_932, %get3A_933] {strides = array<i32>} : memref<128x128xf32, #tpu.memory_space<vmem>>, vector<16xf32>,
        %max3A_935 = arith.maximumf %get3A_929, %get3A_934 : vector<16xf32>
        %swap3A_936 = arith.index_cast %squeeze3A_854 : i32 to index
        %swap3A_937 = arith.constant 96 : index
        %swap3A_938 = tpu.vector_load %arg9[%swap3A_936, %swap3A_937] {strides = array<i32>} : memref<328x128xf32, #tpu.memory_space<vmem>>, vector<16xf32>,
        tpu.vector_store %arg9[%swap3A_936, %swap3A_937], %max3A_935 {strides = array<i32>} : memref<328x128xf32, #tpu.memory_space<vmem>>, vector<16xf32>,
        %get3A_939 = arith.index_cast %squeeze3A_854 : i32 to index
        %get3A_940 = arith.constant 112 : index
        %get3A_941 = tpu.vector_load %arg9[%get3A_939, %get3A_940] {strides = array<i32>} : memref<328x128xf32, #tpu.memory_space<vmem>>, vector<16xf32>,
        %add3A_942 = arith.constant 8 : i32
        %add3A_943 = arith.addi %mul3A_70, %add3A_942 : i32
        %get3A_944 = arith.index_cast %add3A_943 : i32 to index
        %get3A_945 = arith.constant 112 : index
        %get3A_946 = tpu.vector_load %arg8[%get3A_944, %get3A_945] {strides = array<i32>} : memref<128x128xf32, #tpu.memory_space<vmem>>, vector<16xf32>,
        %max3A_947 = arith.maximumf %get3A_941, %get3A_946 : vector<16xf32>
        %swap3A_948 = arith.index_cast %squeeze3A_854 : i32 to index
        %swap3A_949 = arith.constant 112 : index
        %swap3A_950 = tpu.vector_load %arg9[%swap3A_948, %swap3A_949] {strides = array<i32>} : memref<328x128xf32, #tpu.memory_space<vmem>>, vector<16xf32>,
        tpu.vector_store %arg9[%swap3A_948, %swap3A_949], %max3A_947 {strides = array<i32>} : memref<328x128xf32, #tpu.memory_space<vmem>>, vector<16xf32>,
        %slice3A_951 = vector.extract_strided_slice %get3A_71 {offsets = [9], sizes = [1], strides = [1]} : vector<16xi32> to vector<1xi32>
        %squeeze3A_952 = vector.extract %slice3A_951[0] : i32 from vector<1xi32>
        %get3A_953 = arith.index_cast %squeeze3A_952 : i32 to index
        %get3A_954 = arith.constant 0 : index
        %get3A_955 = tpu.vector_load %arg9[%get3A_953, %get3A_954] {strides = array<i32>} : memref<328x128xf32, #tpu.memory_space<vmem>>, vector<16xf32>,
        %add3A_956 = arith.constant 9 : i32
        %add3A_957 = arith.addi %mul3A_70, %add3A_956 : i32
        %get3A_958 = arith.index_cast %add3A_957 : i32 to index
        %get3A_959 = arith.constant 0 : index
        %get3A_960 = tpu.vector_load %arg8[%get3A_958, %get3A_959] {strides = array<i32>} : memref<128x128xf32, #tpu.memory_space<vmem>>, vector<16xf32>,
        %max3A_961 = arith.maximumf %get3A_955, %get3A_960 : vector<16xf32>
        %swap3A_962 = arith.index_cast %squeeze3A_952 : i32 to index
        %swap3A_963 = arith.constant 0 : index
        %swap3A_964 = tpu.vector_load %arg9[%swap3A_962, %swap3A_963] {strides = array<i32>} : memref<328x128xf32, #tpu.memory_space<vmem>>, vector<16xf32>,
        tpu.vector_store %arg9[%swap3A_962, %swap3A_963], %max3A_961 {strides = array<i32>} : memref<328x128xf32, #tpu.memory_space<vmem>>, vector<16xf32>,
        %get3A_965 = arith.index_cast %squeeze3A_952 : i32 to index
        %get3A_966 = arith.constant 16 : index
        %get3A_967 = tpu.vector_load %arg9[%get3A_965, %get3A_966] {strides = array<i32>} : memref<328x128xf32, #tpu.memory_space<vmem>>, vector<16xf32>,
        %add3A_968 = arith.constant 9 : i32
        %add3A_969 = arith.addi %mul3A_70, %add3A_968 : i32
        %get3A_970 = arith.index_cast %add3A_969 : i32 to index
        %get3A_971 = arith.constant 16 : index
        %get3A_972 = tpu.vector_load %arg8[%get3A_970, %get3A_971] {strides = array<i32>} : memref<128x128xf32, #tpu.memory_space<vmem>>, vector<16xf32>,
        %max3A_973 = arith.maximumf %get3A_967, %get3A_972 : vector<16xf32>
        %swap3A_974 = arith.index_cast %squeeze3A_952 : i32 to index
        %swap3A_975 = arith.constant 16 : index
        %swap3A_976 = tpu.vector_load %arg9[%swap3A_974, %swap3A_975] {strides = array<i32>} : memref<328x128xf32, #tpu.memory_space<vmem>>, vector<16xf32>,
        tpu.vector_store %arg9[%swap3A_974, %swap3A_975], %max3A_973 {strides = array<i32>} : memref<328x128xf32, #tpu.memory_space<vmem>>, vector<16xf32>,
        %get3A_977 = arith.index_cast %squeeze3A_952 : i32 to index
        %get3A_978 = arith.constant 32 : index
        %get3A_979 = tpu.vector_load %arg9[%get3A_977, %get3A_978] {strides = array<i32>} : memref<328x128xf32, #tpu.memory_space<vmem>>, vector<16xf32>,
        %add3A_980 = arith.constant 9 : i32
        %add3A_981 = arith.addi %mul3A_70, %add3A_980 : i32
        %get3A_982 = arith.index_cast %add3A_981 : i32 to index
        %get3A_983 = arith.constant 32 : index
        %get3A_984 = tpu.vector_load %arg8[%get3A_982, %get3A_983] {strides = array<i32>} : memref<128x128xf32, #tpu.memory_space<vmem>>, vector<16xf32>,
        %max3A_985 = arith.maximumf %get3A_979, %get3A_984 : vector<16xf32>
        %swap3A_986 = arith.index_cast %squeeze3A_952 : i32 to index
        %swap3A_987 = arith.constant 32 : index
        %swap3A_988 = tpu.vector_load %arg9[%swap3A_986, %swap3A_987] {strides = array<i32>} : memref<328x128xf32, #tpu.memory_space<vmem>>, vector<16xf32>,
        tpu.vector_store %arg9[%swap3A_986, %swap3A_987], %max3A_985 {strides = array<i32>} : memref<328x128xf32, #tpu.memory_space<vmem>>, vector<16xf32>,
        %get3A_989 = arith.index_cast %squeeze3A_952 : i32 to index
        %get3A_990 = arith.constant 48 : index
        %get3A_991 = tpu.vector_load %arg9[%get3A_989, %get3A_990] {strides = array<i32>} : memref<328x128xf32, #tpu.memory_space<vmem>>, vector<16xf32>,
        %add3A_992 = arith.constant 9 : i32
        %add3A_993 = arith.addi %mul3A_70, %add3A_992 : i32
        %get3A_994 = arith.index_cast %add3A_993 : i32 to index
        %get3A_995 = arith.constant 48 : index
        %get3A_996 = tpu.vector_load %arg8[%get3A_994, %get3A_995] {strides = array<i32>} : memref<128x128xf32, #tpu.memory_space<vmem>>, vector<16xf32>,
        %max3A_997 = arith.maximumf %get3A_991, %get3A_996 : vector<16xf32>
        %swap3A_998 = arith.index_cast %squeeze3A_952 : i32 to index
        %swap3A_999 = arith.constant 48 : index
        %swap3A_1000 = tpu.vector_load %arg9[%swap3A_998, %swap3A_999] {strides = array<i32>} : memref<328x128xf32, #tpu.memory_space<vmem>>, vector<16xf32>,
        tpu.vector_store %arg9[%swap3A_998, %swap3A_999], %max3A_997 {strides = array<i32>} : memref<328x128xf32, #tpu.memory_space<vmem>>, vector<16xf32>,
        %get3A_1001 = arith.index_cast %squeeze3A_952 : i32 to index
        %get3A_1002 = arith.constant 64 : index
        %get3A_1003 = tpu.vector_load %arg9[%get3A_1001, %get3A_1002] {strides = array<i32>} : memref<328x128xf32, #tpu.memory_space<vmem>>, vector<16xf32>,
        %add3A_1004 = arith.constant 9 : i32
        %add3A_1005 = arith.addi %mul3A_70, %add3A_1004 : i32
        %get3A_1006 = arith.index_cast %add3A_1005 : i32 to index
        %get3A_1007 = arith.constant 64 : index
        %get3A_1008 = tpu.vector_load %arg8[%get3A_1006, %get3A_1007] {strides = array<i32>} : memref<128x128xf32, #tpu.memory_space<vmem>>, vector<16xf32>,
        %max3A_1009 = arith.maximumf %get3A_1003, %get3A_1008 : vector<16xf32>
        %swap3A_1010 = arith.index_cast %squeeze3A_952 : i32 to index
        %swap3A_1011 = arith.constant 64 : index
        %swap3A_1012 = tpu.vector_load %arg9[%swap3A_1010, %swap3A_1011] {strides = array<i32>} : memref<328x128xf32, #tpu.memory_space<vmem>>, vector<16xf32>,
        tpu.vector_store %arg9[%swap3A_1010, %swap3A_1011], %max3A_1009 {strides = array<i32>} : memref<328x128xf32, #tpu.memory_space<vmem>>, vector<16xf32>,
        %get3A_1013 = arith.index_cast %squeeze3A_952 : i32 to index
        %get3A_1014 = arith.constant 80 : index
        %get3A_1015 = tpu.vector_load %arg9[%get3A_1013, %get3A_1014] {strides = array<i32>} : memref<328x128xf32, #tpu.memory_space<vmem>>, vector<16xf32>,
        %add3A_1016 = arith.constant 9 : i32
        %add3A_1017 = arith.addi %mul3A_70, %add3A_1016 : i32
        %get3A_1018 = arith.index_cast %add3A_1017 : i32 to index
        %get3A_1019 = arith.constant 80 : index
        %get3A_1020 = tpu.vector_load %arg8[%get3A_1018, %get3A_1019] {strides = array<i32>} : memref<128x128xf32, #tpu.memory_space<vmem>>, vector<16xf32>,
        %max3A_1021 = arith.maximumf %get3A_1015, %get3A_1020 : vector<16xf32>
        %swap3A_1022 = arith.index_cast %squeeze3A_952 : i32 to index
        %swap3A_1023 = arith.constant 80 : index
        %swap3A_1024 = tpu.vector_load %arg9[%swap3A_1022, %swap3A_1023] {strides = array<i32>} : memref<328x128xf32, #tpu.memory_space<vmem>>, vector<16xf32>,
        tpu.vector_store %arg9[%swap3A_1022, %swap3A_1023], %max3A_1021 {strides = array<i32>} : memref<328x128xf32, #tpu.memory_space<vmem>>, vector<16xf32>,
        %get3A_1025 = arith.index_cast %squeeze3A_952 : i32 to index
        %get3A_1026 = arith.constant 96 : index
        %get3A_1027 = tpu.vector_load %arg9[%get3A_1025, %get3A_1026] {strides = array<i32>} : memref<328x128xf32, #tpu.memory_space<vmem>>, vector<16xf32>,
        %add3A_1028 = arith.constant 9 : i32
        %add3A_1029 = arith.addi %mul3A_70, %add3A_1028 : i32
        %get3A_1030 = arith.index_cast %add3A_1029 : i32 to index
        %get3A_1031 = arith.constant 96 : index
        %get3A_1032 = tpu.vector_load %arg8[%get3A_1030, %get3A_1031] {strides = array<i32>} : memref<128x128xf32, #tpu.memory_space<vmem>>, vector<16xf32>,
        %max3A_1033 = arith.maximumf %get3A_1027, %get3A_1032 : vector<16xf32>
        %swap3A_1034 = arith.index_cast %squeeze3A_952 : i32 to index
        %swap3A_1035 = arith.constant 96 : index
        %swap3A_1036 = tpu.vector_load %arg9[%swap3A_1034, %swap3A_1035] {strides = array<i32>} : memref<328x128xf32, #tpu.memory_space<vmem>>, vector<16xf32>,
        tpu.vector_store %arg9[%swap3A_1034, %swap3A_1035], %max3A_1033 {strides = array<i32>} : memref<328x128xf32, #tpu.memory_space<vmem>>, vector<16xf32>,
        %get3A_1037 = arith.index_cast %squeeze3A_952 : i32 to index
        %get3A_1038 = arith.constant 112 : index
        %get3A_1039 = tpu.vector_load %arg9[%get3A_1037, %get3A_1038] {strides = array<i32>} : memref<328x128xf32, #tpu.memory_space<vmem>>, vector<16xf32>,
        %add3A_1040 = arith.constant 9 : i32
        %add3A_1041 = arith.addi %mul3A_70, %add3A_1040 : i32
        %get3A_1042 = arith.index_cast %add3A_1041 : i32 to index
        %get3A_1043 = arith.constant 112 : index
        %get3A_1044 = tpu.vector_load %arg8[%get3A_1042, %get3A_1043] {strides = array<i32>} : memref<128x128xf32, #tpu.memory_space<vmem>>, vector<16xf32>,
        %max3A_1045 = arith.maximumf %get3A_1039, %get3A_1044 : vector<16xf32>
        %swap3A_1046 = arith.index_cast %squeeze3A_952 : i32 to index
        %swap3A_1047 = arith.constant 112 : index
        %swap3A_1048 = tpu.vector_load %arg9[%swap3A_1046, %swap3A_1047] {strides = array<i32>} : memref<328x128xf32, #tpu.memory_space<vmem>>, vector<16xf32>,
        tpu.vector_store %arg9[%swap3A_1046, %swap3A_1047], %max3A_1045 {strides = array<i32>} : memref<328x128xf32, #tpu.memory_space<vmem>>, vector<16xf32>,
        %slice3A_1049 = vector.extract_strided_slice %get3A_71 {offsets = [10], sizes = [1], strides = [1]} : vector<16xi32> to vector<1xi32>
        %squeeze3A_1050 = vector.extract %slice3A_1049[0] : i32 from vector<1xi32>
        %get3A_1051 = arith.index_cast %squeeze3A_1050 : i32 to index
        %get3A_1052 = arith.constant 0 : index
        %get3A_1053 = tpu.vector_load %arg9[%get3A_1051, %get3A_1052] {strides = array<i32>} : memref<328x128xf32, #tpu.memory_space<vmem>>, vector<16xf32>,
        %add3A_1054 = arith.constant 10 : i32
        %add3A_1055 = arith.addi %mul3A_70, %add3A_1054 : i32
        %get3A_1056 = arith.index_cast %add3A_1055 : i32 to index
        %get3A_1057 = arith.constant 0 : index
        %get3A_1058 = tpu.vector_load %arg8[%get3A_1056, %get3A_1057] {strides = array<i32>} : memref<128x128xf32, #tpu.memory_space<vmem>>, vector<16xf32>,
        %max3A_1059 = arith.maximumf %get3A_1053, %get3A_1058 : vector<16xf32>
        %swap3A_1060 = arith.index_cast %squeeze3A_1050 : i32 to index
        %swap3A_1061 = arith.constant 0 : index
        %swap3A_1062 = tpu.vector_load %arg9[%swap3A_1060, %swap3A_1061] {strides = array<i32>} : memref<328x128xf32, #tpu.memory_space<vmem>>, vector<16xf32>,
        tpu.vector_store %arg9[%swap3A_1060, %swap3A_1061], %max3A_1059 {strides = array<i32>} : memref<328x128xf32, #tpu.memory_space<vmem>>, vector<16xf32>,
        %get3A_1063 = arith.index_cast %squeeze3A_1050 : i32 to index
        %get3A_1064 = arith.constant 16 : index
        %get3A_1065 = tpu.vector_load %arg9[%get3A_1063, %get3A_1064] {strides = array<i32>} : memref<328x128xf32, #tpu.memory_space<vmem>>, vector<16xf32>,
        %add3A_1066 = arith.constant 10 : i32
        %add3A_1067 = arith.addi %mul3A_70, %add3A_1066 : i32
        %get3A_1068 = arith.index_cast %add3A_1067 : i32 to index
        %get3A_1069 = arith.constant 16 : index
        %get3A_1070 = tpu.vector_load %arg8[%get3A_1068, %get3A_1069] {strides = array<i32>} : memref<128x128xf32, #tpu.memory_space<vmem>>, vector<16xf32>,
        %max3A_1071 = arith.maximumf %get3A_1065, %get3A_1070 : vector<16xf32>
        %swap3A_1072 = arith.index_cast %squeeze3A_1050 : i32 to index
        %swap3A_1073 = arith.constant 16 : index
        %swap3A_1074 = tpu.vector_load %arg9[%swap3A_1072, %swap3A_1073] {strides = array<i32>} : memref<328x128xf32, #tpu.memory_space<vmem>>, vector<16xf32>,
        tpu.vector_store %arg9[%swap3A_1072, %swap3A_1073], %max3A_1071 {strides = array<i32>} : memref<328x128xf32, #tpu.memory_space<vmem>>, vector<16xf32>,
        %get3A_1075 = arith.index_cast %squeeze3A_1050 : i32 to index
        %get3A_1076 = arith.constant 32 : index
        %get3A_1077 = tpu.vector_load %arg9[%get3A_1075, %get3A_1076] {strides = array<i32>} : memref<328x128xf32, #tpu.memory_space<vmem>>, vector<16xf32>,
        %add3A_1078 = arith.constant 10 : i32
        %add3A_1079 = arith.addi %mul3A_70, %add3A_1078 : i32
        %get3A_1080 = arith.index_cast %add3A_1079 : i32 to index
        %get3A_1081 = arith.constant 32 : index
        %get3A_1082 = tpu.vector_load %arg8[%get3A_1080, %get3A_1081] {strides = array<i32>} : memref<128x128xf32, #tpu.memory_space<vmem>>, vector<16xf32>,
        %max3A_1083 = arith.maximumf %get3A_1077, %get3A_1082 : vector<16xf32>
        %swap3A_1084 = arith.index_cast %squeeze3A_1050 : i32 to index
        %swap3A_1085 = arith.constant 32 : index
        %swap3A_1086 = tpu.vector_load %arg9[%swap3A_1084, %swap3A_1085] {strides = array<i32>} : memref<328x128xf32, #tpu.memory_space<vmem>>, vector<16xf32>,
        tpu.vector_store %arg9[%swap3A_1084, %swap3A_1085], %max3A_1083 {strides = array<i32>} : memref<328x128xf32, #tpu.memory_space<vmem>>, vector<16xf32>,
        %get3A_1087 = arith.index_cast %squeeze3A_1050 : i32 to index
        %get3A_1088 = arith.constant 48 : index
        %get3A_1089 = tpu.vector_load %arg9[%get3A_1087, %get3A_1088] {strides = array<i32>} : memref<328x128xf32, #tpu.memory_space<vmem>>, vector<16xf32>,
        %add3A_1090 = arith.constant 10 : i32
        %add3A_1091 = arith.addi %mul3A_70, %add3A_1090 : i32
        %get3A_1092 = arith.index_cast %add3A_1091 : i32 to index
        %get3A_1093 = arith.constant 48 : index
        %get3A_1094 = tpu.vector_load %arg8[%get3A_1092, %get3A_1093] {strides = array<i32>} : memref<128x128xf32, #tpu.memory_space<vmem>>, vector<16xf32>,
        %max3A_1095 = arith.maximumf %get3A_1089, %get3A_1094 : vector<16xf32>
        %swap3A_1096 = arith.index_cast %squeeze3A_1050 : i32 to index
        %swap3A_1097 = arith.constant 48 : index
        %swap3A_1098 = tpu.vector_load %arg9[%swap3A_1096, %swap3A_1097] {strides = array<i32>} : memref<328x128xf32, #tpu.memory_space<vmem>>, vector<16xf32>,
        tpu.vector_store %arg9[%swap3A_1096, %swap3A_1097], %max3A_1095 {strides = array<i32>} : memref<328x128xf32, #tpu.memory_space<vmem>>, vector<16xf32>,
        %get3A_1099 = arith.index_cast %squeeze3A_1050 : i32 to index
        %get3A_1100 = arith.constant 64 : index
        %get3A_1101 = tpu.vector_load %arg9[%get3A_1099, %get3A_1100] {strides = array<i32>} : memref<328x128xf32, #tpu.memory_space<vmem>>, vector<16xf32>,
        %add3A_1102 = arith.constant 10 : i32
        %add3A_1103 = arith.addi %mul3A_70, %add3A_1102 : i32
        %get3A_1104 = arith.index_cast %add3A_1103 : i32 to index
        %get3A_1105 = arith.constant 64 : index
        %get3A_1106 = tpu.vector_load %arg8[%get3A_1104, %get3A_1105] {strides = array<i32>} : memref<128x128xf32, #tpu.memory_space<vmem>>, vector<16xf32>,
        %max3A_1107 = arith.maximumf %get3A_1101, %get3A_1106 : vector<16xf32>
        %swap3A_1108 = arith.index_cast %squeeze3A_1050 : i32 to index
        %swap3A_1109 = arith.constant 64 : index
        %swap3A_1110 = tpu.vector_load %arg9[%swap3A_1108, %swap3A_1109] {strides = array<i32>} : memref<328x128xf32, #tpu.memory_space<vmem>>, vector<16xf32>,
        tpu.vector_store %arg9[%swap3A_1108, %swap3A_1109], %max3A_1107 {strides = array<i32>} : memref<328x128xf32, #tpu.memory_space<vmem>>, vector<16xf32>,
        %get3A_1111 = arith.index_cast %squeeze3A_1050 : i32 to index
        %get3A_1112 = arith.constant 80 : index
        %get3A_1113 = tpu.vector_load %arg9[%get3A_1111, %get3A_1112] {strides = array<i32>} : memref<328x128xf32, #tpu.memory_space<vmem>>, vector<16xf32>,
        %add3A_1114 = arith.constant 10 : i32
        %add3A_1115 = arith.addi %mul3A_70, %add3A_1114 : i32
        %get3A_1116 = arith.index_cast %add3A_1115 : i32 to index
        %get3A_1117 = arith.constant 80 : index
        %get3A_1118 = tpu.vector_load %arg8[%get3A_1116, %get3A_1117] {strides = array<i32>} : memref<128x128xf32, #tpu.memory_space<vmem>>, vector<16xf32>,
        %max3A_1119 = arith.maximumf %get3A_1113, %get3A_1118 : vector<16xf32>
        %swap3A_1120 = arith.index_cast %squeeze3A_1050 : i32 to index
        %swap3A_1121 = arith.constant 80 : index
        %swap3A_1122 = tpu.vector_load %arg9[%swap3A_1120, %swap3A_1121] {strides = array<i32>} : memref<328x128xf32, #tpu.memory_space<vmem>>, vector<16xf32>,
        tpu.vector_store %arg9[%swap3A_1120, %swap3A_1121], %max3A_1119 {strides = array<i32>} : memref<328x128xf32, #tpu.memory_space<vmem>>, vector<16xf32>,
        %get3A_1123 = arith.index_cast %squeeze3A_1050 : i32 to index
        %get3A_1124 = arith.constant 96 : index
        %get3A_1125 = tpu.vector_load %arg9[%get3A_1123, %get3A_1124] {strides = array<i32>} : memref<328x128xf32, #tpu.memory_space<vmem>>, vector<16xf32>,
        %add3A_1126 = arith.constant 10 : i32
        %add3A_1127 = arith.addi %mul3A_70, %add3A_1126 : i32
        %get3A_1128 = arith.index_cast %add3A_1127 : i32 to index
        %get3A_1129 = arith.constant 96 : index
        %get3A_1130 = tpu.vector_load %arg8[%get3A_1128, %get3A_1129] {strides = array<i32>} : memref<128x128xf32, #tpu.memory_space<vmem>>, vector<16xf32>,
        %max3A_1131 = arith.maximumf %get3A_1125, %get3A_1130 : vector<16xf32>
        %swap3A_1132 = arith.index_cast %squeeze3A_1050 : i32 to index
        %swap3A_1133 = arith.constant 96 : index
        %swap3A_1134 = tpu.vector_load %arg9[%swap3A_1132, %swap3A_1133] {strides = array<i32>} : memref<328x128xf32, #tpu.memory_space<vmem>>, vector<16xf32>,
        tpu.vector_store %arg9[%swap3A_1132, %swap3A_1133], %max3A_1131 {strides = array<i32>} : memref<328x128xf32, #tpu.memory_space<vmem>>, vector<16xf32>,
        %get3A_1135 = arith.index_cast %squeeze3A_1050 : i32 to index
        %get3A_1136 = arith.constant 112 : index
        %get3A_1137 = tpu.vector_load %arg9[%get3A_1135, %get3A_1136] {strides = array<i32>} : memref<328x128xf32, #tpu.memory_space<vmem>>, vector<16xf32>,
        %add3A_1138 = arith.constant 10 : i32
        %add3A_1139 = arith.addi %mul3A_70, %add3A_1138 : i32
        %get3A_1140 = arith.index_cast %add3A_1139 : i32 to index
        %get3A_1141 = arith.constant 112 : index
        %get3A_1142 = tpu.vector_load %arg8[%get3A_1140, %get3A_1141] {strides = array<i32>} : memref<128x128xf32, #tpu.memory_space<vmem>>, vector<16xf32>,
        %max3A_1143 = arith.maximumf %get3A_1137, %get3A_1142 : vector<16xf32>
        %swap3A_1144 = arith.index_cast %squeeze3A_1050 : i32 to index
        %swap3A_1145 = arith.constant 112 : index
        %swap3A_1146 = tpu.vector_load %arg9[%swap3A_1144, %swap3A_1145] {strides = array<i32>} : memref<328x128xf32, #tpu.memory_space<vmem>>, vector<16xf32>,
        tpu.vector_store %arg9[%swap3A_1144, %swap3A_1145], %max3A_1143 {strides = array<i32>} : memref<328x128xf32, #tpu.memory_space<vmem>>, vector<16xf32>,
        %slice3A_1147 = vector.extract_strided_slice %get3A_71 {offsets = [11], sizes = [1], strides = [1]} : vector<16xi32> to vector<1xi32>
        %squeeze3A_1148 = vector.extract %slice3A_1147[0] : i32 from vector<1xi32>
        %get3A_1149 = arith.index_cast %squeeze3A_1148 : i32 to index
        %get3A_1150 = arith.constant 0 : index
        %get3A_1151 = tpu.vector_load %arg9[%get3A_1149, %get3A_1150] {strides = array<i32>} : memref<328x128xf32, #tpu.memory_space<vmem>>, vector<16xf32>,
        %add3A_1152 = arith.constant 11 : i32
        %add3A_1153 = arith.addi %mul3A_70, %add3A_1152 : i32
        %get3A_1154 = arith.index_cast %add3A_1153 : i32 to index
        %get3A_1155 = arith.constant 0 : index
        %get3A_1156 = tpu.vector_load %arg8[%get3A_1154, %get3A_1155] {strides = array<i32>} : memref<128x128xf32, #tpu.memory_space<vmem>>, vector<16xf32>,
        %max3A_1157 = arith.maximumf %get3A_1151, %get3A_1156 : vector<16xf32>
        %swap3A_1158 = arith.index_cast %squeeze3A_1148 : i32 to index
        %swap3A_1159 = arith.constant 0 : index
        %swap3A_1160 = tpu.vector_load %arg9[%swap3A_1158, %swap3A_1159] {strides = array<i32>} : memref<328x128xf32, #tpu.memory_space<vmem>>, vector<16xf32>,
        tpu.vector_store %arg9[%swap3A_1158, %swap3A_1159], %max3A_1157 {strides = array<i32>} : memref<328x128xf32, #tpu.memory_space<vmem>>, vector<16xf32>,
        %get3A_1161 = arith.index_cast %squeeze3A_1148 : i32 to index
        %get3A_1162 = arith.constant 16 : index
        %get3A_1163 = tpu.vector_load %arg9[%get3A_1161, %get3A_1162] {strides = array<i32>} : memref<328x128xf32, #tpu.memory_space<vmem>>, vector<16xf32>,
        %add3A_1164 = arith.constant 11 : i32
        %add3A_1165 = arith.addi %mul3A_70, %add3A_1164 : i32
        %get3A_1166 = arith.index_cast %add3A_1165 : i32 to index
        %get3A_1167 = arith.constant 16 : index
        %get3A_1168 = tpu.vector_load %arg8[%get3A_1166, %get3A_1167] {strides = array<i32>} : memref<128x128xf32, #tpu.memory_space<vmem>>, vector<16xf32>,
        %max3A_1169 = arith.maximumf %get3A_1163, %get3A_1168 : vector<16xf32>
        %swap3A_1170 = arith.index_cast %squeeze3A_1148 : i32 to index
        %swap3A_1171 = arith.constant 16 : index
        %swap3A_1172 = tpu.vector_load %arg9[%swap3A_1170, %swap3A_1171] {strides = array<i32>} : memref<328x128xf32, #tpu.memory_space<vmem>>, vector<16xf32>,
        tpu.vector_store %arg9[%swap3A_1170, %swap3A_1171], %max3A_1169 {strides = array<i32>} : memref<328x128xf32, #tpu.memory_space<vmem>>, vector<16xf32>,
        %get3A_1173 = arith.index_cast %squeeze3A_1148 : i32 to index
        %get3A_1174 = arith.constant 32 : index
        %get3A_1175 = tpu.vector_load %arg9[%get3A_1173, %get3A_1174] {strides = array<i32>} : memref<328x128xf32, #tpu.memory_space<vmem>>, vector<16xf32>,
        %add3A_1176 = arith.constant 11 : i32
        %add3A_1177 = arith.addi %mul3A_70, %add3A_1176 : i32
        %get3A_1178 = arith.index_cast %add3A_1177 : i32 to index
        %get3A_1179 = arith.constant 32 : index
        %get3A_1180 = tpu.vector_load %arg8[%get3A_1178, %get3A_1179] {strides = array<i32>} : memref<128x128xf32, #tpu.memory_space<vmem>>, vector<16xf32>,
        %max3A_1181 = arith.maximumf %get3A_1175, %get3A_1180 : vector<16xf32>
        %swap3A_1182 = arith.index_cast %squeeze3A_1148 : i32 to index
        %swap3A_1183 = arith.constant 32 : index
        %swap3A_1184 = tpu.vector_load %arg9[%swap3A_1182, %swap3A_1183] {strides = array<i32>} : memref<328x128xf32, #tpu.memory_space<vmem>>, vector<16xf32>,
        tpu.vector_store %arg9[%swap3A_1182, %swap3A_1183], %max3A_1181 {strides = array<i32>} : memref<328x128xf32, #tpu.memory_space<vmem>>, vector<16xf32>,
        %get3A_1185 = arith.index_cast %squeeze3A_1148 : i32 to index
        %get3A_1186 = arith.constant 48 : index
        %get3A_1187 = tpu.vector_load %arg9[%get3A_1185, %get3A_1186] {strides = array<i32>} : memref<328x128xf32, #tpu.memory_space<vmem>>, vector<16xf32>,
        %add3A_1188 = arith.constant 11 : i32
        %add3A_1189 = arith.addi %mul3A_70, %add3A_1188 : i32
        %get3A_1190 = arith.index_cast %add3A_1189 : i32 to index
        %get3A_1191 = arith.constant 48 : index
        %get3A_1192 = tpu.vector_load %arg8[%get3A_1190, %get3A_1191] {strides = array<i32>} : memref<128x128xf32, #tpu.memory_space<vmem>>, vector<16xf32>,
        %max3A_1193 = arith.maximumf %get3A_1187, %get3A_1192 : vector<16xf32>
        %swap3A_1194 = arith.index_cast %squeeze3A_1148 : i32 to index
        %swap3A_1195 = arith.constant 48 : index
        %swap3A_1196 = tpu.vector_load %arg9[%swap3A_1194, %swap3A_1195] {strides = array<i32>} : memref<328x128xf32, #tpu.memory_space<vmem>>, vector<16xf32>,
        tpu.vector_store %arg9[%swap3A_1194, %swap3A_1195], %max3A_1193 {strides = array<i32>} : memref<328x128xf32, #tpu.memory_space<vmem>>, vector<16xf32>,
        %get3A_1197 = arith.index_cast %squeeze3A_1148 : i32 to index
        %get3A_1198 = arith.constant 64 : index
        %get3A_1199 = tpu.vector_load %arg9[%get3A_1197, %get3A_1198] {strides = array<i32>} : memref<328x128xf32, #tpu.memory_space<vmem>>, vector<16xf32>,
        %add3A_1200 = arith.constant 11 : i32
        %add3A_1201 = arith.addi %mul3A_70, %add3A_1200 : i32
        %get3A_1202 = arith.index_cast %add3A_1201 : i32 to index
        %get3A_1203 = arith.constant 64 : index
        %get3A_1204 = tpu.vector_load %arg8[%get3A_1202, %get3A_1203] {strides = array<i32>} : memref<128x128xf32, #tpu.memory_space<vmem>>, vector<16xf32>,
        %max3A_1205 = arith.maximumf %get3A_1199, %get3A_1204 : vector<16xf32>
        %swap3A_1206 = arith.index_cast %squeeze3A_1148 : i32 to index
        %swap3A_1207 = arith.constant 64 : index
        %swap3A_1208 = tpu.vector_load %arg9[%swap3A_1206, %swap3A_1207] {strides = array<i32>} : memref<328x128xf32, #tpu.memory_space<vmem>>, vector<16xf32>,
        tpu.vector_store %arg9[%swap3A_1206, %swap3A_1207], %max3A_1205 {strides = array<i32>} : memref<328x128xf32, #tpu.memory_space<vmem>>, vector<16xf32>,
        %get3A_1209 = arith.index_cast %squeeze3A_1148 : i32 to index
        %get3A_1210 = arith.constant 80 : index
        %get3A_1211 = tpu.vector_load %arg9[%get3A_1209, %get3A_1210] {strides = array<i32>} : memref<328x128xf32, #tpu.memory_space<vmem>>, vector<16xf32>,
        %add3A_1212 = arith.constant 11 : i32
        %add3A_1213 = arith.addi %mul3A_70, %add3A_1212 : i32
        %get3A_1214 = arith.index_cast %add3A_1213 : i32 to index
        %get3A_1215 = arith.constant 80 : index
        %get3A_1216 = tpu.vector_load %arg8[%get3A_1214, %get3A_1215] {strides = array<i32>} : memref<128x128xf32, #tpu.memory_space<vmem>>, vector<16xf32>,
        %max3A_1217 = arith.maximumf %get3A_1211, %get3A_1216 : vector<16xf32>
        %swap3A_1218 = arith.index_cast %squeeze3A_1148 : i32 to index
        %swap3A_1219 = arith.constant 80 : index
        %swap3A_1220 = tpu.vector_load %arg9[%swap3A_1218, %swap3A_1219] {strides = array<i32>} : memref<328x128xf32, #tpu.memory_space<vmem>>, vector<16xf32>,
        tpu.vector_store %arg9[%swap3A_1218, %swap3A_1219], %max3A_1217 {strides = array<i32>} : memref<328x128xf32, #tpu.memory_space<vmem>>, vector<16xf32>,
        %get3A_1221 = arith.index_cast %squeeze3A_1148 : i32 to index
        %get3A_1222 = arith.constant 96 : index
        %get3A_1223 = tpu.vector_load %arg9[%get3A_1221, %get3A_1222] {strides = array<i32>} : memref<328x128xf32, #tpu.memory_space<vmem>>, vector<16xf32>,
        %add3A_1224 = arith.constant 11 : i32
        %add3A_1225 = arith.addi %mul3A_70, %add3A_1224 : i32
        %get3A_1226 = arith.index_cast %add3A_1225 : i32 to index
        %get3A_1227 = arith.constant 96 : index
        %get3A_1228 = tpu.vector_load %arg8[%get3A_1226, %get3A_1227] {strides = array<i32>} : memref<128x128xf32, #tpu.memory_space<vmem>>, vector<16xf32>,
        %max3A_1229 = arith.maximumf %get3A_1223, %get3A_1228 : vector<16xf32>
        %swap3A_1230 = arith.index_cast %squeeze3A_1148 : i32 to index
        %swap3A_1231 = arith.constant 96 : index
        %swap3A_1232 = tpu.vector_load %arg9[%swap3A_1230, %swap3A_1231] {strides = array<i32>} : memref<328x128xf32, #tpu.memory_space<vmem>>, vector<16xf32>,
        tpu.vector_store %arg9[%swap3A_1230, %swap3A_1231], %max3A_1229 {strides = array<i32>} : memref<328x128xf32, #tpu.memory_space<vmem>>, vector<16xf32>,
        %get3A_1233 = arith.index_cast %squeeze3A_1148 : i32 to index
        %get3A_1234 = arith.constant 112 : index
        %get3A_1235 = tpu.vector_load %arg9[%get3A_1233, %get3A_1234] {strides = array<i32>} : memref<328x128xf32, #tpu.memory_space<vmem>>, vector<16xf32>,
        %add3A_1236 = arith.constant 11 : i32
        %add3A_1237 = arith.addi %mul3A_70, %add3A_1236 : i32
        %get3A_1238 = arith.index_cast %add3A_1237 : i32 to index
        %get3A_1239 = arith.constant 112 : index
        %get3A_1240 = tpu.vector_load %arg8[%get3A_1238, %get3A_1239] {strides = array<i32>} : memref<128x128xf32, #tpu.memory_space<vmem>>, vector<16xf32>,
        %max3A_1241 = arith.maximumf %get3A_1235, %get3A_1240 : vector<16xf32>
        %swap3A_1242 = arith.index_cast %squeeze3A_1148 : i32 to index
        %swap3A_1243 = arith.constant 112 : index
        %swap3A_1244 = tpu.vector_load %arg9[%swap3A_1242, %swap3A_1243] {strides = array<i32>} : memref<328x128xf32, #tpu.memory_space<vmem>>, vector<16xf32>,
        tpu.vector_store %arg9[%swap3A_1242, %swap3A_1243], %max3A_1241 {strides = array<i32>} : memref<328x128xf32, #tpu.memory_space<vmem>>, vector<16xf32>,
        %slice3A_1245 = vector.extract_strided_slice %get3A_71 {offsets = [12], sizes = [1], strides = [1]} : vector<16xi32> to vector<1xi32>
        %squeeze3A_1246 = vector.extract %slice3A_1245[0] : i32 from vector<1xi32>
        %get3A_1247 = arith.index_cast %squeeze3A_1246 : i32 to index
        %get3A_1248 = arith.constant 0 : index
        %get3A_1249 = tpu.vector_load %arg9[%get3A_1247, %get3A_1248] {strides = array<i32>} : memref<328x128xf32, #tpu.memory_space<vmem>>, vector<16xf32>,
        %add3A_1250 = arith.constant 12 : i32
        %add3A_1251 = arith.addi %mul3A_70, %add3A_1250 : i32
        %get3A_1252 = arith.index_cast %add3A_1251 : i32 to index
        %get3A_1253 = arith.constant 0 : index
        %get3A_1254 = tpu.vector_load %arg8[%get3A_1252, %get3A_1253] {strides = array<i32>} : memref<128x128xf32, #tpu.memory_space<vmem>>, vector<16xf32>,
        %max3A_1255 = arith.maximumf %get3A_1249, %get3A_1254 : vector<16xf32>
        %swap3A_1256 = arith.index_cast %squeeze3A_1246 : i32 to index
        %swap3A_1257 = arith.constant 0 : index
        %swap3A_1258 = tpu.vector_load %arg9[%swap3A_1256, %swap3A_1257] {strides = array<i32>} : memref<328x128xf32, #tpu.memory_space<vmem>>, vector<16xf32>,
        tpu.vector_store %arg9[%swap3A_1256, %swap3A_1257], %max3A_1255 {strides = array<i32>} : memref<328x128xf32, #tpu.memory_space<vmem>>, vector<16xf32>,
        %get3A_1259 = arith.index_cast %squeeze3A_1246 : i32 to index
        %get3A_1260 = arith.constant 16 : index
        %get3A_1261 = tpu.vector_load %arg9[%get3A_1259, %get3A_1260] {strides = array<i32>} : memref<328x128xf32, #tpu.memory_space<vmem>>, vector<16xf32>,
        %add3A_1262 = arith.constant 12 : i32
        %add3A_1263 = arith.addi %mul3A_70, %add3A_1262 : i32
        %get3A_1264 = arith.index_cast %add3A_1263 : i32 to index
        %get3A_1265 = arith.constant 16 : index
        %get3A_1266 = tpu.vector_load %arg8[%get3A_1264, %get3A_1265] {strides = array<i32>} : memref<128x128xf32, #tpu.memory_space<vmem>>, vector<16xf32>,
        %max3A_1267 = arith.maximumf %get3A_1261, %get3A_1266 : vector<16xf32>
        %swap3A_1268 = arith.index_cast %squeeze3A_1246 : i32 to index
        %swap3A_1269 = arith.constant 16 : index
        %swap3A_1270 = tpu.vector_load %arg9[%swap3A_1268, %swap3A_1269] {strides = array<i32>} : memref<328x128xf32, #tpu.memory_space<vmem>>, vector<16xf32>,
        tpu.vector_store %arg9[%swap3A_1268, %swap3A_1269], %max3A_1267 {strides = array<i32>} : memref<328x128xf32, #tpu.memory_space<vmem>>, vector<16xf32>,
        %get3A_1271 = arith.index_cast %squeeze3A_1246 : i32 to index
        %get3A_1272 = arith.constant 32 : index
        %get3A_1273 = tpu.vector_load %arg9[%get3A_1271, %get3A_1272] {strides = array<i32>} : memref<328x128xf32, #tpu.memory_space<vmem>>, vector<16xf32>,
        %add3A_1274 = arith.constant 12 : i32
        %add3A_1275 = arith.addi %mul3A_70, %add3A_1274 : i32
        %get3A_1276 = arith.index_cast %add3A_1275 : i32 to index
        %get3A_1277 = arith.constant 32 : index
        %get3A_1278 = tpu.vector_load %arg8[%get3A_1276, %get3A_1277] {strides = array<i32>} : memref<128x128xf32, #tpu.memory_space<vmem>>, vector<16xf32>,
        %max3A_1279 = arith.maximumf %get3A_1273, %get3A_1278 : vector<16xf32>
        %swap3A_1280 = arith.index_cast %squeeze3A_1246 : i32 to index
        %swap3A_1281 = arith.constant 32 : index
        %swap3A_1282 = tpu.vector_load %arg9[%swap3A_1280, %swap3A_1281] {strides = array<i32>} : memref<328x128xf32, #tpu.memory_space<vmem>>, vector<16xf32>,
        tpu.vector_store %arg9[%swap3A_1280, %swap3A_1281], %max3A_1279 {strides = array<i32>} : memref<328x128xf32, #tpu.memory_space<vmem>>, vector<16xf32>,
        %get3A_1283 = arith.index_cast %squeeze3A_1246 : i32 to index
        %get3A_1284 = arith.constant 48 : index
        %get3A_1285 = tpu.vector_load %arg9[%get3A_1283, %get3A_1284] {strides = array<i32>} : memref<328x128xf32, #tpu.memory_space<vmem>>, vector<16xf32>,
        %add3A_1286 = arith.constant 12 : i32
        %add3A_1287 = arith.addi %mul3A_70, %add3A_1286 : i32
        %get3A_1288 = arith.index_cast %add3A_1287 : i32 to index
        %get3A_1289 = arith.constant 48 : index
        %get3A_1290 = tpu.vector_load %arg8[%get3A_1288, %get3A_1289] {strides = array<i32>} : memref<128x128xf32, #tpu.memory_space<vmem>>, vector<16xf32>,
        %max3A_1291 = arith.maximumf %get3A_1285, %get3A_1290 : vector<16xf32>
        %swap3A_1292 = arith.index_cast %squeeze3A_1246 : i32 to index
        %swap3A_1293 = arith.constant 48 : index
        %swap3A_1294 = tpu.vector_load %arg9[%swap3A_1292, %swap3A_1293] {strides = array<i32>} : memref<328x128xf32, #tpu.memory_space<vmem>>, vector<16xf32>,
        tpu.vector_store %arg9[%swap3A_1292, %swap3A_1293], %max3A_1291 {strides = array<i32>} : memref<328x128xf32, #tpu.memory_space<vmem>>, vector<16xf32>,
        %get3A_1295 = arith.index_cast %squeeze3A_1246 : i32 to index
        %get3A_1296 = arith.constant 64 : index
        %get3A_1297 = tpu.vector_load %arg9[%get3A_1295, %get3A_1296] {strides = array<i32>} : memref<328x128xf32, #tpu.memory_space<vmem>>, vector<16xf32>,
        %add3A_1298 = arith.constant 12 : i32
        %add3A_1299 = arith.addi %mul3A_70, %add3A_1298 : i32
        %get3A_1300 = arith.index_cast %add3A_1299 : i32 to index
        %get3A_1301 = arith.constant 64 : index
        %get3A_1302 = tpu.vector_load %arg8[%get3A_1300, %get3A_1301] {strides = array<i32>} : memref<128x128xf32, #tpu.memory_space<vmem>>, vector<16xf32>,
        %max3A_1303 = arith.maximumf %get3A_1297, %get3A_1302 : vector<16xf32>
        %swap3A_1304 = arith.index_cast %squeeze3A_1246 : i32 to index
        %swap3A_1305 = arith.constant 64 : index
        %swap3A_1306 = tpu.vector_load %arg9[%swap3A_1304, %swap3A_1305] {strides = array<i32>} : memref<328x128xf32, #tpu.memory_space<vmem>>, vector<16xf32>,
        tpu.vector_store %arg9[%swap3A_1304, %swap3A_1305], %max3A_1303 {strides = array<i32>} : memref<328x128xf32, #tpu.memory_space<vmem>>, vector<16xf32>,
        %get3A_1307 = arith.index_cast %squeeze3A_1246 : i32 to index
        %get3A_1308 = arith.constant 80 : index
        %get3A_1309 = tpu.vector_load %arg9[%get3A_1307, %get3A_1308] {strides = array<i32>} : memref<328x128xf32, #tpu.memory_space<vmem>>, vector<16xf32>,
        %add3A_1310 = arith.constant 12 : i32
        %add3A_1311 = arith.addi %mul3A_70, %add3A_1310 : i32
        %get3A_1312 = arith.index_cast %add3A_1311 : i32 to index
        %get3A_1313 = arith.constant 80 : index
        %get3A_1314 = tpu.vector_load %arg8[%get3A_1312, %get3A_1313] {strides = array<i32>} : memref<128x128xf32, #tpu.memory_space<vmem>>, vector<16xf32>,
        %max3A_1315 = arith.maximumf %get3A_1309, %get3A_1314 : vector<16xf32>
        %swap3A_1316 = arith.index_cast %squeeze3A_1246 : i32 to index
        %swap3A_1317 = arith.constant 80 : index
        %swap3A_1318 = tpu.vector_load %arg9[%swap3A_1316, %swap3A_1317] {strides = array<i32>} : memref<328x128xf32, #tpu.memory_space<vmem>>, vector<16xf32>,
        tpu.vector_store %arg9[%swap3A_1316, %swap3A_1317], %max3A_1315 {strides = array<i32>} : memref<328x128xf32, #tpu.memory_space<vmem>>, vector<16xf32>,
        %get3A_1319 = arith.index_cast %squeeze3A_1246 : i32 to index
        %get3A_1320 = arith.constant 96 : index
        %get3A_1321 = tpu.vector_load %arg9[%get3A_1319, %get3A_1320] {strides = array<i32>} : memref<328x128xf32, #tpu.memory_space<vmem>>, vector<16xf32>,
        %add3A_1322 = arith.constant 12 : i32
        %add3A_1323 = arith.addi %mul3A_70, %add3A_1322 : i32
        %get3A_1324 = arith.index_cast %add3A_1323 : i32 to index
        %get3A_1325 = arith.constant 96 : index
        %get3A_1326 = tpu.vector_load %arg8[%get3A_1324, %get3A_1325] {strides = array<i32>} : memref<128x128xf32, #tpu.memory_space<vmem>>, vector<16xf32>,
        %max3A_1327 = arith.maximumf %get3A_1321, %get3A_1326 : vector<16xf32>
        %swap3A_1328 = arith.index_cast %squeeze3A_1246 : i32 to index
        %swap3A_1329 = arith.constant 96 : index
        %swap3A_1330 = tpu.vector_load %arg9[%swap3A_1328, %swap3A_1329] {strides = array<i32>} : memref<328x128xf32, #tpu.memory_space<vmem>>, vector<16xf32>,
        tpu.vector_store %arg9[%swap3A_1328, %swap3A_1329], %max3A_1327 {strides = array<i32>} : memref<328x128xf32, #tpu.memory_space<vmem>>, vector<16xf32>,
        %get3A_1331 = arith.index_cast %squeeze3A_1246 : i32 to index
        %get3A_1332 = arith.constant 112 : index
        %get3A_1333 = tpu.vector_load %arg9[%get3A_1331, %get3A_1332] {strides = array<i32>} : memref<328x128xf32, #tpu.memory_space<vmem>>, vector<16xf32>,
        %add3A_1334 = arith.constant 12 : i32
        %add3A_1335 = arith.addi %mul3A_70, %add3A_1334 : i32
        %get3A_1336 = arith.index_cast %add3A_1335 : i32 to index
        %get3A_1337 = arith.constant 112 : index
        %get3A_1338 = tpu.vector_load %arg8[%get3A_1336, %get3A_1337] {strides = array<i32>} : memref<128x128xf32, #tpu.memory_space<vmem>>, vector<16xf32>,
        %max3A_1339 = arith.maximumf %get3A_1333, %get3A_1338 : vector<16xf32>
        %swap3A_1340 = arith.index_cast %squeeze3A_1246 : i32 to index
        %swap3A_1341 = arith.constant 112 : index
        %swap3A_1342 = tpu.vector_load %arg9[%swap3A_1340, %swap3A_1341] {strides = array<i32>} : memref<328x128xf32, #tpu.memory_space<vmem>>, vector<16xf32>,
        tpu.vector_store %arg9[%swap3A_1340, %swap3A_1341], %max3A_1339 {strides = array<i32>} : memref<328x128xf32, #tpu.memory_space<vmem>>, vector<16xf32>,
        %slice3A_1343 = vector.extract_strided_slice %get3A_71 {offsets = [13], sizes = [1], strides = [1]} : vector<16xi32> to vector<1xi32>
        %squeeze3A_1344 = vector.extract %slice3A_1343[0] : i32 from vector<1xi32>
        %get3A_1345 = arith.index_cast %squeeze3A_1344 : i32 to index
        %get3A_1346 = arith.constant 0 : index
        %get3A_1347 = tpu.vector_load %arg9[%get3A_1345, %get3A_1346] {strides = array<i32>} : memref<328x128xf32, #tpu.memory_space<vmem>>, vector<16xf32>,
        %add3A_1348 = arith.constant 13 : i32
        %add3A_1349 = arith.addi %mul3A_70, %add3A_1348 : i32
        %get3A_1350 = arith.index_cast %add3A_1349 : i32 to index
        %get3A_1351 = arith.constant 0 : index
        %get3A_1352 = tpu.vector_load %arg8[%get3A_1350, %get3A_1351] {strides = array<i32>} : memref<128x128xf32, #tpu.memory_space<vmem>>, vector<16xf32>,
        %max3A_1353 = arith.maximumf %get3A_1347, %get3A_1352 : vector<16xf32>
        %swap3A_1354 = arith.index_cast %squeeze3A_1344 : i32 to index
        %swap3A_1355 = arith.constant 0 : index
        %swap3A_1356 = tpu.vector_load %arg9[%swap3A_1354, %swap3A_1355] {strides = array<i32>} : memref<328x128xf32, #tpu.memory_space<vmem>>, vector<16xf32>,
        tpu.vector_store %arg9[%swap3A_1354, %swap3A_1355], %max3A_1353 {strides = array<i32>} : memref<328x128xf32, #tpu.memory_space<vmem>>, vector<16xf32>,
        %get3A_1357 = arith.index_cast %squeeze3A_1344 : i32 to index
        %get3A_1358 = arith.constant 16 : index
        %get3A_1359 = tpu.vector_load %arg9[%get3A_1357, %get3A_1358] {strides = array<i32>} : memref<328x128xf32, #tpu.memory_space<vmem>>, vector<16xf32>,
        %add3A_1360 = arith.constant 13 : i32
        %add3A_1361 = arith.addi %mul3A_70, %add3A_1360 : i32
        %get3A_1362 = arith.index_cast %add3A_1361 : i32 to index
        %get3A_1363 = arith.constant 16 : index
        %get3A_1364 = tpu.vector_load %arg8[%get3A_1362, %get3A_1363] {strides = array<i32>} : memref<128x128xf32, #tpu.memory_space<vmem>>, vector<16xf32>,
        %max3A_1365 = arith.maximumf %get3A_1359, %get3A_1364 : vector<16xf32>
        %swap3A_1366 = arith.index_cast %squeeze3A_1344 : i32 to index
        %swap3A_1367 = arith.constant 16 : index
        %swap3A_1368 = tpu.vector_load %arg9[%swap3A_1366, %swap3A_1367] {strides = array<i32>} : memref<328x128xf32, #tpu.memory_space<vmem>>, vector<16xf32>,
        tpu.vector_store %arg9[%swap3A_1366, %swap3A_1367], %max3A_1365 {strides = array<i32>} : memref<328x128xf32, #tpu.memory_space<vmem>>, vector<16xf32>,
        %get3A_1369 = arith.index_cast %squeeze3A_1344 : i32 to index
        %get3A_1370 = arith.constant 32 : index
        %get3A_1371 = tpu.vector_load %arg9[%get3A_1369, %get3A_1370] {strides = array<i32>} : memref<328x128xf32, #tpu.memory_space<vmem>>, vector<16xf32>,
        %add3A_1372 = arith.constant 13 : i32
        %add3A_1373 = arith.addi %mul3A_70, %add3A_1372 : i32
        %get3A_1374 = arith.index_cast %add3A_1373 : i32 to index
        %get3A_1375 = arith.constant 32 : index
        %get3A_1376 = tpu.vector_load %arg8[%get3A_1374, %get3A_1375] {strides = array<i32>} : memref<128x128xf32, #tpu.memory_space<vmem>>, vector<16xf32>,
        %max3A_1377 = arith.maximumf %get3A_1371, %get3A_1376 : vector<16xf32>
        %swap3A_1378 = arith.index_cast %squeeze3A_1344 : i32 to index
        %swap3A_1379 = arith.constant 32 : index
        %swap3A_1380 = tpu.vector_load %arg9[%swap3A_1378, %swap3A_1379] {strides = array<i32>} : memref<328x128xf32, #tpu.memory_space<vmem>>, vector<16xf32>,
        tpu.vector_store %arg9[%swap3A_1378, %swap3A_1379], %max3A_1377 {strides = array<i32>} : memref<328x128xf32, #tpu.memory_space<vmem>>, vector<16xf32>,
        %get3A_1381 = arith.index_cast %squeeze3A_1344 : i32 to index
        %get3A_1382 = arith.constant 48 : index
        %get3A_1383 = tpu.vector_load %arg9[%get3A_1381, %get3A_1382] {strides = array<i32>} : memref<328x128xf32, #tpu.memory_space<vmem>>, vector<16xf32>,
        %add3A_1384 = arith.constant 13 : i32
        %add3A_1385 = arith.addi %mul3A_70, %add3A_1384 : i32
        %get3A_1386 = arith.index_cast %add3A_1385 : i32 to index
        %get3A_1387 = arith.constant 48 : index
        %get3A_1388 = tpu.vector_load %arg8[%get3A_1386, %get3A_1387] {strides = array<i32>} : memref<128x128xf32, #tpu.memory_space<vmem>>, vector<16xf32>,
        %max3A_1389 = arith.maximumf %get3A_1383, %get3A_1388 : vector<16xf32>
        %swap3A_1390 = arith.index_cast %squeeze3A_1344 : i32 to index
        %swap3A_1391 = arith.constant 48 : index
        %swap3A_1392 = tpu.vector_load %arg9[%swap3A_1390, %swap3A_1391] {strides = array<i32>} : memref<328x128xf32, #tpu.memory_space<vmem>>, vector<16xf32>,
        tpu.vector_store %arg9[%swap3A_1390, %swap3A_1391], %max3A_1389 {strides = array<i32>} : memref<328x128xf32, #tpu.memory_space<vmem>>, vector<16xf32>,
        %get3A_1393 = arith.index_cast %squeeze3A_1344 : i32 to index
        %get3A_1394 = arith.constant 64 : index
        %get3A_1395 = tpu.vector_load %arg9[%get3A_1393, %get3A_1394] {strides = array<i32>} : memref<328x128xf32, #tpu.memory_space<vmem>>, vector<16xf32>,
        %add3A_1396 = arith.constant 13 : i32
        %add3A_1397 = arith.addi %mul3A_70, %add3A_1396 : i32
        %get3A_1398 = arith.index_cast %add3A_1397 : i32 to index
        %get3A_1399 = arith.constant 64 : index
        %get3A_1400 = tpu.vector_load %arg8[%get3A_1398, %get3A_1399] {strides = array<i32>} : memref<128x128xf32, #tpu.memory_space<vmem>>, vector<16xf32>,
        %max3A_1401 = arith.maximumf %get3A_1395, %get3A_1400 : vector<16xf32>
        %swap3A_1402 = arith.index_cast %squeeze3A_1344 : i32 to index
        %swap3A_1403 = arith.constant 64 : index
        %swap3A_1404 = tpu.vector_load %arg9[%swap3A_1402, %swap3A_1403] {strides = array<i32>} : memref<328x128xf32, #tpu.memory_space<vmem>>, vector<16xf32>,
        tpu.vector_store %arg9[%swap3A_1402, %swap3A_1403], %max3A_1401 {strides = array<i32>} : memref<328x128xf32, #tpu.memory_space<vmem>>, vector<16xf32>,
        %get3A_1405 = arith.index_cast %squeeze3A_1344 : i32 to index
        %get3A_1406 = arith.constant 80 : index
        %get3A_1407 = tpu.vector_load %arg9[%get3A_1405, %get3A_1406] {strides = array<i32>} : memref<328x128xf32, #tpu.memory_space<vmem>>, vector<16xf32>,
        %add3A_1408 = arith.constant 13 : i32
        %add3A_1409 = arith.addi %mul3A_70, %add3A_1408 : i32
        %get3A_1410 = arith.index_cast %add3A_1409 : i32 to index
        %get3A_1411 = arith.constant 80 : index
        %get3A_1412 = tpu.vector_load %arg8[%get3A_1410, %get3A_1411] {strides = array<i32>} : memref<128x128xf32, #tpu.memory_space<vmem>>, vector<16xf32>,
        %max3A_1413 = arith.maximumf %get3A_1407, %get3A_1412 : vector<16xf32>
        %swap3A_1414 = arith.index_cast %squeeze3A_1344 : i32 to index
        %swap3A_1415 = arith.constant 80 : index
        %swap3A_1416 = tpu.vector_load %arg9[%swap3A_1414, %swap3A_1415] {strides = array<i32>} : memref<328x128xf32, #tpu.memory_space<vmem>>, vector<16xf32>,
        tpu.vector_store %arg9[%swap3A_1414, %swap3A_1415], %max3A_1413 {strides = array<i32>} : memref<328x128xf32, #tpu.memory_space<vmem>>, vector<16xf32>,
        %get3A_1417 = arith.index_cast %squeeze3A_1344 : i32 to index
        %get3A_1418 = arith.constant 96 : index
        %get3A_1419 = tpu.vector_load %arg9[%get3A_1417, %get3A_1418] {strides = array<i32>} : memref<328x128xf32, #tpu.memory_space<vmem>>, vector<16xf32>,
        %add3A_1420 = arith.constant 13 : i32
        %add3A_1421 = arith.addi %mul3A_70, %add3A_1420 : i32
        %get3A_1422 = arith.index_cast %add3A_1421 : i32 to index
        %get3A_1423 = arith.constant 96 : index
        %get3A_1424 = tpu.vector_load %arg8[%get3A_1422, %get3A_1423] {strides = array<i32>} : memref<128x128xf32, #tpu.memory_space<vmem>>, vector<16xf32>,
        %max3A_1425 = arith.maximumf %get3A_1419, %get3A_1424 : vector<16xf32>
        %swap3A_1426 = arith.index_cast %squeeze3A_1344 : i32 to index
        %swap3A_1427 = arith.constant 96 : index
        %swap3A_1428 = tpu.vector_load %arg9[%swap3A_1426, %swap3A_1427] {strides = array<i32>} : memref<328x128xf32, #tpu.memory_space<vmem>>, vector<16xf32>,
        tpu.vector_store %arg9[%swap3A_1426, %swap3A_1427], %max3A_1425 {strides = array<i32>} : memref<328x128xf32, #tpu.memory_space<vmem>>, vector<16xf32>,
        %get3A_1429 = arith.index_cast %squeeze3A_1344 : i32 to index
        %get3A_1430 = arith.constant 112 : index
        %get3A_1431 = tpu.vector_load %arg9[%get3A_1429, %get3A_1430] {strides = array<i32>} : memref<328x128xf32, #tpu.memory_space<vmem>>, vector<16xf32>,
        %add3A_1432 = arith.constant 13 : i32
        %add3A_1433 = arith.addi %mul3A_70, %add3A_1432 : i32
        %get3A_1434 = arith.index_cast %add3A_1433 : i32 to index
        %get3A_1435 = arith.constant 112 : index
        %get3A_1436 = tpu.vector_load %arg8[%get3A_1434, %get3A_1435] {strides = array<i32>} : memref<128x128xf32, #tpu.memory_space<vmem>>, vector<16xf32>,
        %max3A_1437 = arith.maximumf %get3A_1431, %get3A_1436 : vector<16xf32>
        %swap3A_1438 = arith.index_cast %squeeze3A_1344 : i32 to index
        %swap3A_1439 = arith.constant 112 : index
        %swap3A_1440 = tpu.vector_load %arg9[%swap3A_1438, %swap3A_1439] {strides = array<i32>} : memref<328x128xf32, #tpu.memory_space<vmem>>, vector<16xf32>,
        tpu.vector_store %arg9[%swap3A_1438, %swap3A_1439], %max3A_1437 {strides = array<i32>} : memref<328x128xf32, #tpu.memory_space<vmem>>, vector<16xf32>,
        %slice3A_1441 = vector.extract_strided_slice %get3A_71 {offsets = [14], sizes = [1], strides = [1]} : vector<16xi32> to vector<1xi32>
        %squeeze3A_1442 = vector.extract %slice3A_1441[0] : i32 from vector<1xi32>
        %get3A_1443 = arith.index_cast %squeeze3A_1442 : i32 to index
        %get3A_1444 = arith.constant 0 : index
        %get3A_1445 = tpu.vector_load %arg9[%get3A_1443, %get3A_1444] {strides = array<i32>} : memref<328x128xf32, #tpu.memory_space<vmem>>, vector<16xf32>,
        %add3A_1446 = arith.constant 14 : i32
        %add3A_1447 = arith.addi %mul3A_70, %add3A_1446 : i32
        %get3A_1448 = arith.index_cast %add3A_1447 : i32 to index
        %get3A_1449 = arith.constant 0 : index
        %get3A_1450 = tpu.vector_load %arg8[%get3A_1448, %get3A_1449] {strides = array<i32>} : memref<128x128xf32, #tpu.memory_space<vmem>>, vector<16xf32>,
        %max3A_1451 = arith.maximumf %get3A_1445, %get3A_1450 : vector<16xf32>
        %swap3A_1452 = arith.index_cast %squeeze3A_1442 : i32 to index
        %swap3A_1453 = arith.constant 0 : index
        %swap3A_1454 = tpu.vector_load %arg9[%swap3A_1452, %swap3A_1453] {strides = array<i32>} : memref<328x128xf32, #tpu.memory_space<vmem>>, vector<16xf32>,
        tpu.vector_store %arg9[%swap3A_1452, %swap3A_1453], %max3A_1451 {strides = array<i32>} : memref<328x128xf32, #tpu.memory_space<vmem>>, vector<16xf32>,
        %get3A_1455 = arith.index_cast %squeeze3A_1442 : i32 to index
        %get3A_1456 = arith.constant 16 : index
        %get3A_1457 = tpu.vector_load %arg9[%get3A_1455, %get3A_1456] {strides = array<i32>} : memref<328x128xf32, #tpu.memory_space<vmem>>, vector<16xf32>,
        %add3A_1458 = arith.constant 14 : i32
        %add3A_1459 = arith.addi %mul3A_70, %add3A_1458 : i32
        %get3A_1460 = arith.index_cast %add3A_1459 : i32 to index
        %get3A_1461 = arith.constant 16 : index
        %get3A_1462 = tpu.vector_load %arg8[%get3A_1460, %get3A_1461] {strides = array<i32>} : memref<128x128xf32, #tpu.memory_space<vmem>>, vector<16xf32>,
        %max3A_1463 = arith.maximumf %get3A_1457, %get3A_1462 : vector<16xf32>
        %swap3A_1464 = arith.index_cast %squeeze3A_1442 : i32 to index
        %swap3A_1465 = arith.constant 16 : index
        %swap3A_1466 = tpu.vector_load %arg9[%swap3A_1464, %swap3A_1465] {strides = array<i32>} : memref<328x128xf32, #tpu.memory_space<vmem>>, vector<16xf32>,
        tpu.vector_store %arg9[%swap3A_1464, %swap3A_1465], %max3A_1463 {strides = array<i32>} : memref<328x128xf32, #tpu.memory_space<vmem>>, vector<16xf32>,
        %get3A_1467 = arith.index_cast %squeeze3A_1442 : i32 to index
        %get3A_1468 = arith.constant 32 : index
        %get3A_1469 = tpu.vector_load %arg9[%get3A_1467, %get3A_1468] {strides = array<i32>} : memref<328x128xf32, #tpu.memory_space<vmem>>, vector<16xf32>,
        %add3A_1470 = arith.constant 14 : i32
        %add3A_1471 = arith.addi %mul3A_70, %add3A_1470 : i32
        %get3A_1472 = arith.index_cast %add3A_1471 : i32 to index
        %get3A_1473 = arith.constant 32 : index
        %get3A_1474 = tpu.vector_load %arg8[%get3A_1472, %get3A_1473] {strides = array<i32>} : memref<128x128xf32, #tpu.memory_space<vmem>>, vector<16xf32>,
        %max3A_1475 = arith.maximumf %get3A_1469, %get3A_1474 : vector<16xf32>
        %swap3A_1476 = arith.index_cast %squeeze3A_1442 : i32 to index
        %swap3A_1477 = arith.constant 32 : index
        %swap3A_1478 = tpu.vector_load %arg9[%swap3A_1476, %swap3A_1477] {strides = array<i32>} : memref<328x128xf32, #tpu.memory_space<vmem>>, vector<16xf32>,
        tpu.vector_store %arg9[%swap3A_1476, %swap3A_1477], %max3A_1475 {strides = array<i32>} : memref<328x128xf32, #tpu.memory_space<vmem>>, vector<16xf32>,
        %get3A_1479 = arith.index_cast %squeeze3A_1442 : i32 to index
        %get3A_1480 = arith.constant 48 : index
        %get3A_1481 = tpu.vector_load %arg9[%get3A_1479, %get3A_1480] {strides = array<i32>} : memref<328x128xf32, #tpu.memory_space<vmem>>, vector<16xf32>,
        %add3A_1482 = arith.constant 14 : i32
        %add3A_1483 = arith.addi %mul3A_70, %add3A_1482 : i32
        %get3A_1484 = arith.index_cast %add3A_1483 : i32 to index
        %get3A_1485 = arith.constant 48 : index
        %get3A_1486 = tpu.vector_load %arg8[%get3A_1484, %get3A_1485] {strides = array<i32>} : memref<128x128xf32, #tpu.memory_space<vmem>>, vector<16xf32>,
        %max3A_1487 = arith.maximumf %get3A_1481, %get3A_1486 : vector<16xf32>
        %swap3A_1488 = arith.index_cast %squeeze3A_1442 : i32 to index
        %swap3A_1489 = arith.constant 48 : index
        %swap3A_1490 = tpu.vector_load %arg9[%swap3A_1488, %swap3A_1489] {strides = array<i32>} : memref<328x128xf32, #tpu.memory_space<vmem>>, vector<16xf32>,
        tpu.vector_store %arg9[%swap3A_1488, %swap3A_1489], %max3A_1487 {strides = array<i32>} : memref<328x128xf32, #tpu.memory_space<vmem>>, vector<16xf32>,
        %get3A_1491 = arith.index_cast %squeeze3A_1442 : i32 to index
        %get3A_1492 = arith.constant 64 : index
        %get3A_1493 = tpu.vector_load %arg9[%get3A_1491, %get3A_1492] {strides = array<i32>} : memref<328x128xf32, #tpu.memory_space<vmem>>, vector<16xf32>,
        %add3A_1494 = arith.constant 14 : i32
        %add3A_1495 = arith.addi %mul3A_70, %add3A_1494 : i32
        %get3A_1496 = arith.index_cast %add3A_1495 : i32 to index
        %get3A_1497 = arith.constant 64 : index
        %get3A_1498 = tpu.vector_load %arg8[%get3A_1496, %get3A_1497] {strides = array<i32>} : memref<128x128xf32, #tpu.memory_space<vmem>>, vector<16xf32>,
        %max3A_1499 = arith.maximumf %get3A_1493, %get3A_1498 : vector<16xf32>
        %swap3A_1500 = arith.index_cast %squeeze3A_1442 : i32 to index
        %swap3A_1501 = arith.constant 64 : index
        %swap3A_1502 = tpu.vector_load %arg9[%swap3A_1500, %swap3A_1501] {strides = array<i32>} : memref<328x128xf32, #tpu.memory_space<vmem>>, vector<16xf32>,
        tpu.vector_store %arg9[%swap3A_1500, %swap3A_1501], %max3A_1499 {strides = array<i32>} : memref<328x128xf32, #tpu.memory_space<vmem>>, vector<16xf32>,
        %get3A_1503 = arith.index_cast %squeeze3A_1442 : i32 to index
        %get3A_1504 = arith.constant 80 : index
        %get3A_1505 = tpu.vector_load %arg9[%get3A_1503, %get3A_1504] {strides = array<i32>} : memref<328x128xf32, #tpu.memory_space<vmem>>, vector<16xf32>,
        %add3A_1506 = arith.constant 14 : i32
        %add3A_1507 = arith.addi %mul3A_70, %add3A_1506 : i32
        %get3A_1508 = arith.index_cast %add3A_1507 : i32 to index
        %get3A_1509 = arith.constant 80 : index
        %get3A_1510 = tpu.vector_load %arg8[%get3A_1508, %get3A_1509] {strides = array<i32>} : memref<128x128xf32, #tpu.memory_space<vmem>>, vector<16xf32>,
        %max3A_1511 = arith.maximumf %get3A_1505, %get3A_1510 : vector<16xf32>
        %swap3A_1512 = arith.index_cast %squeeze3A_1442 : i32 to index
        %swap3A_1513 = arith.constant 80 : index
        %swap3A_1514 = tpu.vector_load %arg9[%swap3A_1512, %swap3A_1513] {strides = array<i32>} : memref<328x128xf32, #tpu.memory_space<vmem>>, vector<16xf32>,
        tpu.vector_store %arg9[%swap3A_1512, %swap3A_1513], %max3A_1511 {strides = array<i32>} : memref<328x128xf32, #tpu.memory_space<vmem>>, vector<16xf32>,
        %get3A_1515 = arith.index_cast %squeeze3A_1442 : i32 to index
        %get3A_1516 = arith.constant 96 : index
        %get3A_1517 = tpu.vector_load %arg9[%get3A_1515, %get3A_1516] {strides = array<i32>} : memref<328x128xf32, #tpu.memory_space<vmem>>, vector<16xf32>,
        %add3A_1518 = arith.constant 14 : i32
        %add3A_1519 = arith.addi %mul3A_70, %add3A_1518 : i32
        %get3A_1520 = arith.index_cast %add3A_1519 : i32 to index
        %get3A_1521 = arith.constant 96 : index
        %get3A_1522 = tpu.vector_load %arg8[%get3A_1520, %get3A_1521] {strides = array<i32>} : memref<128x128xf32, #tpu.memory_space<vmem>>, vector<16xf32>,
        %max3A_1523 = arith.maximumf %get3A_1517, %get3A_1522 : vector<16xf32>
        %swap3A_1524 = arith.index_cast %squeeze3A_1442 : i32 to index
        %swap3A_1525 = arith.constant 96 : index
        %swap3A_1526 = tpu.vector_load %arg9[%swap3A_1524, %swap3A_1525] {strides = array<i32>} : memref<328x128xf32, #tpu.memory_space<vmem>>, vector<16xf32>,
        tpu.vector_store %arg9[%swap3A_1524, %swap3A_1525], %max3A_1523 {strides = array<i32>} : memref<328x128xf32, #tpu.memory_space<vmem>>, vector<16xf32>,
        %get3A_1527 = arith.index_cast %squeeze3A_1442 : i32 to index
        %get3A_1528 = arith.constant 112 : index
        %get3A_1529 = tpu.vector_load %arg9[%get3A_1527, %get3A_1528] {strides = array<i32>} : memref<328x128xf32, #tpu.memory_space<vmem>>, vector<16xf32>,
        %add3A_1530 = arith.constant 14 : i32
        %add3A_1531 = arith.addi %mul3A_70, %add3A_1530 : i32
        %get3A_1532 = arith.index_cast %add3A_1531 : i32 to index
        %get3A_1533 = arith.constant 112 : index
        %get3A_1534 = tpu.vector_load %arg8[%get3A_1532, %get3A_1533] {strides = array<i32>} : memref<128x128xf32, #tpu.memory_space<vmem>>, vector<16xf32>,
        %max3A_1535 = arith.maximumf %get3A_1529, %get3A_1534 : vector<16xf32>
        %swap3A_1536 = arith.index_cast %squeeze3A_1442 : i32 to index
        %swap3A_1537 = arith.constant 112 : index
        %swap3A_1538 = tpu.vector_load %arg9[%swap3A_1536, %swap3A_1537] {strides = array<i32>} : memref<328x128xf32, #tpu.memory_space<vmem>>, vector<16xf32>,
        tpu.vector_store %arg9[%swap3A_1536, %swap3A_1537], %max3A_1535 {strides = array<i32>} : memref<328x128xf32, #tpu.memory_space<vmem>>, vector<16xf32>,
        %slice3A_1539 = vector.extract_strided_slice %get3A_71 {offsets = [15], sizes = [1], strides = [1]} : vector<16xi32> to vector<1xi32>
        %squeeze3A_1540 = vector.extract %slice3A_1539[0] : i32 from vector<1xi32>
        %get3A_1541 = arith.index_cast %squeeze3A_1540 : i32 to index
        %get3A_1542 = arith.constant 0 : index
        %get3A_1543 = tpu.vector_load %arg9[%get3A_1541, %get3A_1542] {strides = array<i32>} : memref<328x128xf32, #tpu.memory_space<vmem>>, vector<16xf32>,
        %add3A_1544 = arith.constant 15 : i32
        %add3A_1545 = arith.addi %mul3A_70, %add3A_1544 : i32
        %get3A_1546 = arith.index_cast %add3A_1545 : i32 to index
        %get3A_1547 = arith.constant 0 : index
        %get3A_1548 = tpu.vector_load %arg8[%get3A_1546, %get3A_1547] {strides = array<i32>} : memref<128x128xf32, #tpu.memory_space<vmem>>, vector<16xf32>,
        %max3A_1549 = arith.maximumf %get3A_1543, %get3A_1548 : vector<16xf32>
        %swap3A_1550 = arith.index_cast %squeeze3A_1540 : i32 to index
        %swap3A_1551 = arith.constant 0 : index
        %swap3A_1552 = tpu.vector_load %arg9[%swap3A_1550, %swap3A_1551] {strides = array<i32>} : memref<328x128xf32, #tpu.memory_space<vmem>>, vector<16xf32>,
        tpu.vector_store %arg9[%swap3A_1550, %swap3A_1551], %max3A_1549 {strides = array<i32>} : memref<328x128xf32, #tpu.memory_space<vmem>>, vector<16xf32>,
        %get3A_1553 = arith.index_cast %squeeze3A_1540 : i32 to index
        %get3A_1554 = arith.constant 16 : index
        %get3A_1555 = tpu.vector_load %arg9[%get3A_1553, %get3A_1554] {strides = array<i32>} : memref<328x128xf32, #tpu.memory_space<vmem>>, vector<16xf32>,
        %add3A_1556 = arith.constant 15 : i32
        %add3A_1557 = arith.addi %mul3A_70, %add3A_1556 : i32
        %get3A_1558 = arith.index_cast %add3A_1557 : i32 to index
        %get3A_1559 = arith.constant 16 : index
        %get3A_1560 = tpu.vector_load %arg8[%get3A_1558, %get3A_1559] {strides = array<i32>} : memref<128x128xf32, #tpu.memory_space<vmem>>, vector<16xf32>,
        %max3A_1561 = arith.maximumf %get3A_1555, %get3A_1560 : vector<16xf32>
        %swap3A_1562 = arith.index_cast %squeeze3A_1540 : i32 to index
        %swap3A_1563 = arith.constant 16 : index
        %swap3A_1564 = tpu.vector_load %arg9[%swap3A_1562, %swap3A_1563] {strides = array<i32>} : memref<328x128xf32, #tpu.memory_space<vmem>>, vector<16xf32>,
        tpu.vector_store %arg9[%swap3A_1562, %swap3A_1563], %max3A_1561 {strides = array<i32>} : memref<328x128xf32, #tpu.memory_space<vmem>>, vector<16xf32>,
        %get3A_1565 = arith.index_cast %squeeze3A_1540 : i32 to index
        %get3A_1566 = arith.constant 32 : index
        %get3A_1567 = tpu.vector_load %arg9[%get3A_1565, %get3A_1566] {strides = array<i32>} : memref<328x128xf32, #tpu.memory_space<vmem>>, vector<16xf32>,
        %add3A_1568 = arith.constant 15 : i32
        %add3A_1569 = arith.addi %mul3A_70, %add3A_1568 : i32
        %get3A_1570 = arith.index_cast %add3A_1569 : i32 to index
        %get3A_1571 = arith.constant 32 : index
        %get3A_1572 = tpu.vector_load %arg8[%get3A_1570, %get3A_1571] {strides = array<i32>} : memref<128x128xf32, #tpu.memory_space<vmem>>, vector<16xf32>,
        %max3A_1573 = arith.maximumf %get3A_1567, %get3A_1572 : vector<16xf32>
        %swap3A_1574 = arith.index_cast %squeeze3A_1540 : i32 to index
        %swap3A_1575 = arith.constant 32 : index
        %swap3A_1576 = tpu.vector_load %arg9[%swap3A_1574, %swap3A_1575] {strides = array<i32>} : memref<328x128xf32, #tpu.memory_space<vmem>>, vector<16xf32>,
        tpu.vector_store %arg9[%swap3A_1574, %swap3A_1575], %max3A_1573 {strides = array<i32>} : memref<328x128xf32, #tpu.memory_space<vmem>>, vector<16xf32>,
        %get3A_1577 = arith.index_cast %squeeze3A_1540 : i32 to index
        %get3A_1578 = arith.constant 48 : index
        %get3A_1579 = tpu.vector_load %arg9[%get3A_1577, %get3A_1578] {strides = array<i32>} : memref<328x128xf32, #tpu.memory_space<vmem>>, vector<16xf32>,
        %add3A_1580 = arith.constant 15 : i32
        %add3A_1581 = arith.addi %mul3A_70, %add3A_1580 : i32
        %get3A_1582 = arith.index_cast %add3A_1581 : i32 to index
        %get3A_1583 = arith.constant 48 : index
        %get3A_1584 = tpu.vector_load %arg8[%get3A_1582, %get3A_1583] {strides = array<i32>} : memref<128x128xf32, #tpu.memory_space<vmem>>, vector<16xf32>,
        %max3A_1585 = arith.maximumf %get3A_1579, %get3A_1584 : vector<16xf32>
        %swap3A_1586 = arith.index_cast %squeeze3A_1540 : i32 to index
        %swap3A_1587 = arith.constant 48 : index
        %swap3A_1588 = tpu.vector_load %arg9[%swap3A_1586, %swap3A_1587] {strides = array<i32>} : memref<328x128xf32, #tpu.memory_space<vmem>>, vector<16xf32>,
        tpu.vector_store %arg9[%swap3A_1586, %swap3A_1587], %max3A_1585 {strides = array<i32>} : memref<328x128xf32, #tpu.memory_space<vmem>>, vector<16xf32>,
        %get3A_1589 = arith.index_cast %squeeze3A_1540 : i32 to index
        %get3A_1590 = arith.constant 64 : index
        %get3A_1591 = tpu.vector_load %arg9[%get3A_1589, %get3A_1590] {strides = array<i32>} : memref<328x128xf32, #tpu.memory_space<vmem>>, vector<16xf32>,
        %add3A_1592 = arith.constant 15 : i32
        %add3A_1593 = arith.addi %mul3A_70, %add3A_1592 : i32
        %get3A_1594 = arith.index_cast %add3A_1593 : i32 to index
        %get3A_1595 = arith.constant 64 : index
        %get3A_1596 = tpu.vector_load %arg8[%get3A_1594, %get3A_1595] {strides = array<i32>} : memref<128x128xf32, #tpu.memory_space<vmem>>, vector<16xf32>,
        %max3A_1597 = arith.maximumf %get3A_1591, %get3A_1596 : vector<16xf32>
        %swap3A_1598 = arith.index_cast %squeeze3A_1540 : i32 to index
        %swap3A_1599 = arith.constant 64 : index
        %swap3A_1600 = tpu.vector_load %arg9[%swap3A_1598, %swap3A_1599] {strides = array<i32>} : memref<328x128xf32, #tpu.memory_space<vmem>>, vector<16xf32>,
        tpu.vector_store %arg9[%swap3A_1598, %swap3A_1599], %max3A_1597 {strides = array<i32>} : memref<328x128xf32, #tpu.memory_space<vmem>>, vector<16xf32>,
        %get3A_1601 = arith.index_cast %squeeze3A_1540 : i32 to index
        %get3A_1602 = arith.constant 80 : index
        %get3A_1603 = tpu.vector_load %arg9[%get3A_1601, %get3A_1602] {strides = array<i32>} : memref<328x128xf32, #tpu.memory_space<vmem>>, vector<16xf32>,
        %add3A_1604 = arith.constant 15 : i32
        %add3A_1605 = arith.addi %mul3A_70, %add3A_1604 : i32
        %get3A_1606 = arith.index_cast %add3A_1605 : i32 to index
        %get3A_1607 = arith.constant 80 : index
        %get3A_1608 = tpu.vector_load %arg8[%get3A_1606, %get3A_1607] {strides = array<i32>} : memref<128x128xf32, #tpu.memory_space<vmem>>, vector<16xf32>,
        %max3A_1609 = arith.maximumf %get3A_1603, %get3A_1608 : vector<16xf32>
        %swap3A_1610 = arith.index_cast %squeeze3A_1540 : i32 to index
        %swap3A_1611 = arith.constant 80 : index
        %swap3A_1612 = tpu.vector_load %arg9[%swap3A_1610, %swap3A_1611] {strides = array<i32>} : memref<328x128xf32, #tpu.memory_space<vmem>>, vector<16xf32>,
        tpu.vector_store %arg9[%swap3A_1610, %swap3A_1611], %max3A_1609 {strides = array<i32>} : memref<328x128xf32, #tpu.memory_space<vmem>>, vector<16xf32>,
        %get3A_1613 = arith.index_cast %squeeze3A_1540 : i32 to index
        %get3A_1614 = arith.constant 96 : index
        %get3A_1615 = tpu.vector_load %arg9[%get3A_1613, %get3A_1614] {strides = array<i32>} : memref<328x128xf32, #tpu.memory_space<vmem>>, vector<16xf32>,
        %add3A_1616 = arith.constant 15 : i32
        %add3A_1617 = arith.addi %mul3A_70, %add3A_1616 : i32
        %get3A_1618 = arith.index_cast %add3A_1617 : i32 to index
        %get3A_1619 = arith.constant 96 : index
        %get3A_1620 = tpu.vector_load %arg8[%get3A_1618, %get3A_1619] {strides = array<i32>} : memref<128x128xf32, #tpu.memory_space<vmem>>, vector<16xf32>,
        %max3A_1621 = arith.maximumf %get3A_1615, %get3A_1620 : vector<16xf32>
        %swap3A_1622 = arith.index_cast %squeeze3A_1540 : i32 to index
        %swap3A_1623 = arith.constant 96 : index
        %swap3A_1624 = tpu.vector_load %arg9[%swap3A_1622, %swap3A_1623] {strides = array<i32>} : memref<328x128xf32, #tpu.memory_space<vmem>>, vector<16xf32>,
        tpu.vector_store %arg9[%swap3A_1622, %swap3A_1623], %max3A_1621 {strides = array<i32>} : memref<328x128xf32, #tpu.memory_space<vmem>>, vector<16xf32>,
        %get3A_1625 = arith.index_cast %squeeze3A_1540 : i32 to index
        %get3A_1626 = arith.constant 112 : index
        %get3A_1627 = tpu.vector_load %arg9[%get3A_1625, %get3A_1626] {strides = array<i32>} : memref<328x128xf32, #tpu.memory_space<vmem>>, vector<16xf32>,
        %add3A_1628 = arith.constant 15 : i32
        %add3A_1629 = arith.addi %mul3A_70, %add3A_1628 : i32
        %get3A_1630 = arith.index_cast %add3A_1629 : i32 to index
        %get3A_1631 = arith.constant 112 : index
        %get3A_1632 = tpu.vector_load %arg8[%get3A_1630, %get3A_1631] {strides = array<i32>} : memref<128x128xf32, #tpu.memory_space<vmem>>, vector<16xf32>,
        %max3A_1633 = arith.maximumf %get3A_1627, %get3A_1632 : vector<16xf32>
        %swap3A_1634 = arith.index_cast %squeeze3A_1540 : i32 to index
        %swap3A_1635 = arith.constant 112 : index
        %swap3A_1636 = tpu.vector_load %arg9[%swap3A_1634, %swap3A_1635] {strides = array<i32>} : memref<328x128xf32, #tpu.memory_space<vmem>>, vector<16xf32>,
        tpu.vector_store %arg9[%swap3A_1634, %swap3A_1635], %max3A_1633 {strides = array<i32>} : memref<328x128xf32, #tpu.memory_space<vmem>>, vector<16xf32>,
      }
      %scan3A_67 = arith.constant 8 : i32
    } else {
    }
    "tpu.region"() ({
      %run_scoped3A = tpu.sem_alloc : memref<!tpu.dma_semaphore, #tpu.memory_space<semaphore_mem>>
      %dma_start3A = arith.constant 0 : i32
      %dma_start3A_58 = arith.constant 0 : i32
      %dma_start3A_59 = tpu.memref_slice %arg9[%dma_start3A, %dma_start3A_58] : memref<328x128xf32, #tpu.memory_space<vmem>> -> memref<320x128xf32, #tpu.memory_space<vmem>>
      %dma_start3A_60 = arith.constant 0 : i32
      %dma_start3A_61 = tpu.memref_slice %arg4[%mul3A_2, %dma_start3A_60] : memref<10240x128xf32, #tpu.memory_space<hbm>> -> memref<320x128xf32, #tpu.memory_space<hbm>>
      %dma_start3A_62 = arith.constant 0 : i32
      %dma_start3A_63 = tpu.memref_slice %arg4[%mul3A_2, %dma_start3A_62] : memref<10240x128xf32, #tpu.memory_space<hbm>> -> memref<320x128xf32, #tpu.memory_space<hbm>>
      %dma_start3A_64 = arith.constant 0 : i32
      %dma_start3A_65 = arith.constant 0 : i32
      %dma_start3A_66 = tpu.memref_slice %arg9[%dma_start3A_64, %dma_start3A_65] : memref<328x128xf32, #tpu.memory_space<vmem>> -> memref<320x128xf32, #tpu.memory_space<vmem>>
      tpu.enqueue_dma source(%dma_start3A_66 : memref<320x128xf32, #tpu.memory_space<vmem>>) target(%dma_start3A_63 : memref<320x128xf32, #tpu.memory_space<hbm>>) target_semaphore(%run_scoped3A : memref<!tpu.dma_semaphore, #tpu.memory_space<semaphore_mem>>)
      %dma_wait3A = arith.constant 0 : i32
      %dma_wait3A_67 = arith.constant 0 : i32
      %dma_wait3A_68 = tpu.memref_slice %arg9[%dma_wait3A, %dma_wait3A_67] : memref<328x128xf32, #tpu.memory_space<vmem>> -> memref<320x128xf32, #tpu.memory_space<vmem>>
      %dma_wait3A_69 = arith.constant 0 : i32
      %dma_wait3A_70 = tpu.memref_slice %arg4[%mul3A_2, %dma_wait3A_69] : memref<10240x128xf32, #tpu.memory_space<hbm>> -> memref<320x128xf32, #tpu.memory_space<hbm>>
      %dma_wait3A_71 = arith.constant 0 : i32
      %dma_wait3A_72 = tpu.memref_slice %arg4[%mul3A_2, %dma_wait3A_71] : memref<10240x128xf32, #tpu.memory_space<hbm>> -> memref<320x128xf32, #tpu.memory_space<hbm>>
      %dma_wait3A_73 = arith.constant 0 : i32
      %dma_wait3A_74 = arith.constant 0 : i32
      %dma_wait3A_75 = tpu.memref_slice %arg9[%dma_wait3A_73, %dma_wait3A_74] : memref<328x128xf32, #tpu.memory_space<vmem>> -> memref<320x128xf32, #tpu.memory_space<vmem>>
      tpu.wait_dma2 semaphore(%run_scoped3A : memref<!tpu.dma_semaphore, #tpu.memory_space<semaphore_mem>>) src(%dma_wait3A_75 : memref<320x128xf32, #tpu.memory_space<vmem>>) dst(%dma_wait3A_72 : memref<320x128xf32, #tpu.memory_space<hbm>>)
      tpu.yield
    }) : () -> ()
    return
  }
}

#map = affine_map<(d0, d1) -> (0, 0)>
#map1 = affine_map<(d0, d1) -> (0)>
module attributes {stable_mosaic.version = 14 : i64} {
  func.func @_k2(%arg0: i32, %arg1: i32, %arg2: memref<10000x128xf32, #tpu.memory_space<hbm>>, %arg3: memref<10000x128xf32, #tpu.memory_space<hbm>>, %arg4: memref<320000xi32, #tpu.memory_space<hbm>>, %arg5: memref<320000xi32, #tpu.memory_space<hbm>>, %arg6: memref<320000x128xf32, #tpu.memory_space<hbm>>, %arg7: memref<10000xi32, #tpu.memory_space<vmem>>, %arg8: memref<10000xi32, #tpu.memory_space<vmem>>, %arg9: memref<80x128xf32, #tpu.memory_space<vmem>>, %arg10: memref<80x128xf32, #tpu.memory_space<vmem>>, %arg11: memref<80x128xf32, #tpu.memory_space<vmem>>, %arg12: memref<80x128xf32, #tpu.memory_space<vmem>>, %arg13: memref<!tpu.dma_semaphore, #tpu.memory_space<semaphore_mem>>, %arg14: memref<!tpu.dma_semaphore, #tpu.memory_space<semaphore_mem>>, %arg15: memref<!tpu.dma_semaphore, #tpu.memory_space<semaphore_mem>>, %arg16: memref<!tpu.dma_semaphore, #tpu.memory_space<semaphore_mem>>) attributes {dimension_semantics = [#tpu.dimension_semantics<core_parallel>, #tpu.dimension_semantics<subcore_parallel>], iteration_bounds = array<i64: 2, 16>, scalar_prefetch = 0 : i64, scratch_operands = 10 : i64, tpu.core_type = #tpu.core_type<sc_vector_subcore>, window_params = [{transform_indices = #map}, {transform_indices = #map}, {transform_indices = #map1}, {transform_indices = #map1}, {transform_indices = #map}]} {
    %mul3A = arith.constant 2 : i32
    %mul3A_0 = arith.muli %arg1, %mul3A : i32
    %add3A = arith.addi %mul3A_0, %arg0 : i32
    %mul3A_1 = arith.constant 10000 : i32
    %mul3A_2 = arith.muli %add3A, %mul3A_1 : i32
    "tpu.region"() ({
      %run_scoped3A = tpu.sem_alloc : memref<!tpu.dma_semaphore, #tpu.memory_space<semaphore_mem>>
      %dma_start3A_34 = tpu.memref_slice %arg4[%mul3A_2] : memref<320000xi32, #tpu.memory_space<hbm>> -> memref<10000xi32, #tpu.memory_space<hbm>>
      %dma_start3A_35 = tpu.memref_slice %arg4[%mul3A_2] : memref<320000xi32, #tpu.memory_space<hbm>> -> memref<10000xi32, #tpu.memory_space<hbm>>
      tpu.enqueue_dma source(%dma_start3A_35 : memref<10000xi32, #tpu.memory_space<hbm>>) target(%arg7 : memref<10000xi32, #tpu.memory_space<vmem>>) target_semaphore(%run_scoped3A : memref<!tpu.dma_semaphore, #tpu.memory_space<semaphore_mem>>)
      %dma_wait3A_36 = tpu.memref_slice %arg4[%mul3A_2] : memref<320000xi32, #tpu.memory_space<hbm>> -> memref<10000xi32, #tpu.memory_space<hbm>>
      %dma_wait3A_37 = tpu.memref_slice %arg4[%mul3A_2] : memref<320000xi32, #tpu.memory_space<hbm>> -> memref<10000xi32, #tpu.memory_space<hbm>>
      tpu.wait_dma2 semaphore(%run_scoped3A : memref<!tpu.dma_semaphore, #tpu.memory_space<semaphore_mem>>) src(%dma_wait3A_37 : memref<10000xi32, #tpu.memory_space<hbm>>) dst(%arg7 : memref<10000xi32, #tpu.memory_space<vmem>>)
      tpu.yield
    }) : () -> ()
    "tpu.region"() ({
      %run_scoped3A = tpu.sem_alloc : memref<!tpu.dma_semaphore, #tpu.memory_space<semaphore_mem>>
      %dma_start3A_34 = tpu.memref_slice %arg5[%mul3A_2] : memref<320000xi32, #tpu.memory_space<hbm>> -> memref<10000xi32, #tpu.memory_space<hbm>>
      %dma_start3A_35 = tpu.memref_slice %arg5[%mul3A_2] : memref<320000xi32, #tpu.memory_space<hbm>> -> memref<10000xi32, #tpu.memory_space<hbm>>
      tpu.enqueue_dma source(%dma_start3A_35 : memref<10000xi32, #tpu.memory_space<hbm>>) target(%arg8 : memref<10000xi32, #tpu.memory_space<vmem>>) target_semaphore(%run_scoped3A : memref<!tpu.dma_semaphore, #tpu.memory_space<semaphore_mem>>)
      %dma_wait3A_36 = tpu.memref_slice %arg5[%mul3A_2] : memref<320000xi32, #tpu.memory_space<hbm>> -> memref<10000xi32, #tpu.memory_space<hbm>>
      %dma_wait3A_37 = tpu.memref_slice %arg5[%mul3A_2] : memref<320000xi32, #tpu.memory_space<hbm>> -> memref<10000xi32, #tpu.memory_space<hbm>>
      tpu.wait_dma2 semaphore(%run_scoped3A : memref<!tpu.dma_semaphore, #tpu.memory_space<semaphore_mem>>) src(%dma_wait3A_37 : memref<10000xi32, #tpu.memory_space<hbm>>) dst(%arg8 : memref<10000xi32, #tpu.memory_space<vmem>>)
      tpu.yield
    }) : () -> ()
    %scan3A = arith.constant 0 : i32
    %scan3A_3 = arith.constant 0 : i32
    %scan3A_4 = arith.constant 62 : i32
    %scan3A_5 = arith.addi %scan3A_3, %scan3A_4 : i32
    %scan3A_6 = arith.constant 1 : i32
    scf.for %scan3A_34 = %scan3A_3 to %scan3A_5 step %scan3A_6  : i32 {
      %mul3A_35 = arith.constant 2 : i32
      %mul3A_36 = arith.muli %scan3A_34, %mul3A_35 : i32
      %add3A_37 = arith.constant 1 : i32
      %add3A_38 = arith.addi %mul3A_36, %add3A_37 : i32
      %mul3A_39 = arith.constant 80 : i32
      %mul3A_40 = arith.muli %mul3A_36, %mul3A_39 : i32
      %dma_start3A_41 = tpu.memref_slice %arg7[%mul3A_40] : memref<10000xi32, #tpu.memory_space<vmem>> -> memref<80xi32, #tpu.memory_space<vmem>>
      %dma_start3A_42 = arith.constant 0 : i32
      %dma_start3A_43 = arith.constant 0 : i32
      %dma_start3A_44 = tpu.memref_slice %arg2[%dma_start3A_42, %dma_start3A_43] : memref<10000x128xf32, #tpu.memory_space<hbm>> -> memref<10000x128xf32, #tpu.memory_space<hbm>>
      tpu.enqueue_indirect_dma source(%dma_start3A_44 : memref<10000x128xf32, #tpu.memory_space<hbm>>) target(%arg9 : memref<80x128xf32, #tpu.memory_space<vmem>>) offsets(%dma_start3A_41 : memref<80xi32, #tpu.memory_space<vmem>>) semaphore(%arg13 : memref<!tpu.dma_semaphore, #tpu.memory_space<semaphore_mem>>)
      %mul3A_45 = arith.constant 80 : i32
      %mul3A_46 = arith.muli %mul3A_36, %mul3A_45 : i32
      %dma_start3A_47 = tpu.memref_slice %arg8[%mul3A_46] : memref<10000xi32, #tpu.memory_space<vmem>> -> memref<80xi32, #tpu.memory_space<vmem>>
      %dma_start3A_48 = arith.constant 0 : i32
      %dma_start3A_49 = arith.constant 0 : i32
      %dma_start3A_50 = tpu.memref_slice %arg3[%dma_start3A_48, %dma_start3A_49] : memref<10000x128xf32, #tpu.memory_space<hbm>> -> memref<10000x128xf32, #tpu.memory_space<hbm>>
      tpu.enqueue_indirect_dma source(%dma_start3A_50 : memref<10000x128xf32, #tpu.memory_space<hbm>>) target(%arg10 : memref<80x128xf32, #tpu.memory_space<vmem>>) offsets(%dma_start3A_47 : memref<80xi32, #tpu.memory_space<vmem>>) semaphore(%arg14 : memref<!tpu.dma_semaphore, #tpu.memory_space<semaphore_mem>>)
      %mul3A_51 = arith.constant 80 : i32
      %mul3A_52 = arith.muli %add3A_38, %mul3A_51 : i32
      %dma_start3A_53 = tpu.memref_slice %arg7[%mul3A_52] : memref<10000xi32, #tpu.memory_space<vmem>> -> memref<80xi32, #tpu.memory_space<vmem>>
      %dma_start3A_54 = arith.constant 0 : i32
      %dma_start3A_55 = arith.constant 0 : i32
      %dma_start3A_56 = tpu.memref_slice %arg2[%dma_start3A_54, %dma_start3A_55] : memref<10000x128xf32, #tpu.memory_space<hbm>> -> memref<10000x128xf32, #tpu.memory_space<hbm>>
      tpu.enqueue_indirect_dma source(%dma_start3A_56 : memref<10000x128xf32, #tpu.memory_space<hbm>>) target(%arg11 : memref<80x128xf32, #tpu.memory_space<vmem>>) offsets(%dma_start3A_53 : memref<80xi32, #tpu.memory_space<vmem>>) semaphore(%arg15 : memref<!tpu.dma_semaphore, #tpu.memory_space<semaphore_mem>>)
      %mul3A_57 = arith.constant 80 : i32
      %mul3A_58 = arith.muli %add3A_38, %mul3A_57 : i32
      %dma_start3A_59 = tpu.memref_slice %arg8[%mul3A_58] : memref<10000xi32, #tpu.memory_space<vmem>> -> memref<80xi32, #tpu.memory_space<vmem>>
      %dma_start3A_60 = arith.constant 0 : i32
      %dma_start3A_61 = arith.constant 0 : i32
      %dma_start3A_62 = tpu.memref_slice %arg3[%dma_start3A_60, %dma_start3A_61] : memref<10000x128xf32, #tpu.memory_space<hbm>> -> memref<10000x128xf32, #tpu.memory_space<hbm>>
      tpu.enqueue_indirect_dma source(%dma_start3A_62 : memref<10000x128xf32, #tpu.memory_space<hbm>>) target(%arg12 : memref<80x128xf32, #tpu.memory_space<vmem>>) offsets(%dma_start3A_59 : memref<80xi32, #tpu.memory_space<vmem>>) semaphore(%arg16 : memref<!tpu.dma_semaphore, #tpu.memory_space<semaphore_mem>>)
      %dma_wait3A_63 = tpu.memref_slice %arg7[%mul3A_40] : memref<10000xi32, #tpu.memory_space<vmem>> -> memref<80xi32, #tpu.memory_space<vmem>>
      %dma_wait3A_64 = arith.constant 0 : i32
      %dma_wait3A_65 = arith.constant 0 : i32
      %dma_wait3A_66 = tpu.memref_slice %arg2[%dma_wait3A_64, %dma_wait3A_65] : memref<10000x128xf32, #tpu.memory_space<hbm>> -> memref<10000x128xf32, #tpu.memory_space<hbm>>
      tpu.wait_indirect_dma semaphore(%arg13 : memref<!tpu.dma_semaphore, #tpu.memory_space<semaphore_mem>>) src(%dma_wait3A_66 : memref<10000x128xf32, #tpu.memory_space<hbm>>) dst(%arg9 : memref<80x128xf32, #tpu.memory_space<vmem>>)
      %dma_wait3A_67 = tpu.memref_slice %arg8[%mul3A_46] : memref<10000xi32, #tpu.memory_space<vmem>> -> memref<80xi32, #tpu.memory_space<vmem>>
      %dma_wait3A_68 = arith.constant 0 : i32
      %dma_wait3A_69 = arith.constant 0 : i32
      %dma_wait3A_70 = tpu.memref_slice %arg3[%dma_wait3A_68, %dma_wait3A_69] : memref<10000x128xf32, #tpu.memory_space<hbm>> -> memref<10000x128xf32, #tpu.memory_space<hbm>>
      tpu.wait_indirect_dma semaphore(%arg14 : memref<!tpu.dma_semaphore, #tpu.memory_space<semaphore_mem>>) src(%dma_wait3A_70 : memref<10000x128xf32, #tpu.memory_space<hbm>>) dst(%arg10 : memref<80x128xf32, #tpu.memory_space<vmem>>)
      %scan3A_71 = arith.constant 0 : i32
      %scan3A_72 = arith.constant 0 : i32
      %scan3A_73 = arith.constant 80 : i32
      %scan3A_74 = arith.addi %scan3A_72, %scan3A_73 : i32
      %scan3A_75 = arith.constant 1 : i32
      scf.for %scan3A_97 = %scan3A_72 to %scan3A_74 step %scan3A_75  : i32 {
        %get3A = arith.index_cast %scan3A_97 : i32 to index
        %get3A_98 = arith.constant 0 : index
        %get3A_99 = tpu.vector_load %arg9[%get3A, %get3A_98] {strides = array<i32>} : memref<80x128xf32, #tpu.memory_space<vmem>>, vector<16xf32>,
        %get3A_100 = arith.index_cast %scan3A_97 : i32 to index
        %get3A_101 = arith.constant 0 : index
        %get3A_102 = tpu.vector_load %arg10[%get3A_100, %get3A_101] {strides = array<i32>} : memref<80x128xf32, #tpu.memory_space<vmem>>, vector<16xf32>,
        %add3A_103 = arith.addf %get3A_99, %get3A_102 : vector<16xf32>
        %swap3A = arith.index_cast %scan3A_97 : i32 to index
        %swap3A_104 = arith.constant 0 : index
        %swap3A_105 = tpu.vector_load %arg9[%swap3A, %swap3A_104] {strides = array<i32>} : memref<80x128xf32, #tpu.memory_space<vmem>>, vector<16xf32>,
        tpu.vector_store %arg9[%swap3A, %swap3A_104], %add3A_103 {strides = array<i32>} : memref<80x128xf32, #tpu.memory_space<vmem>>, vector<16xf32>,
        %get3A_106 = arith.index_cast %scan3A_97 : i32 to index
        %get3A_107 = arith.constant 16 : index
        %get3A_108 = tpu.vector_load %arg9[%get3A_106, %get3A_107] {strides = array<i32>} : memref<80x128xf32, #tpu.memory_space<vmem>>, vector<16xf32>,
        %get3A_109 = arith.index_cast %scan3A_97 : i32 to index
        %get3A_110 = arith.constant 16 : index
        %get3A_111 = tpu.vector_load %arg10[%get3A_109, %get3A_110] {strides = array<i32>} : memref<80x128xf32, #tpu.memory_space<vmem>>, vector<16xf32>,
        %add3A_112 = arith.addf %get3A_108, %get3A_111 : vector<16xf32>
        %swap3A_113 = arith.index_cast %scan3A_97 : i32 to index
        %swap3A_114 = arith.constant 16 : index
        %swap3A_115 = tpu.vector_load %arg9[%swap3A_113, %swap3A_114] {strides = array<i32>} : memref<80x128xf32, #tpu.memory_space<vmem>>, vector<16xf32>,
        tpu.vector_store %arg9[%swap3A_113, %swap3A_114], %add3A_112 {strides = array<i32>} : memref<80x128xf32, #tpu.memory_space<vmem>>, vector<16xf32>,
        %get3A_116 = arith.index_cast %scan3A_97 : i32 to index
        %get3A_117 = arith.constant 32 : index
        %get3A_118 = tpu.vector_load %arg9[%get3A_116, %get3A_117] {strides = array<i32>} : memref<80x128xf32, #tpu.memory_space<vmem>>, vector<16xf32>,
        %get3A_119 = arith.index_cast %scan3A_97 : i32 to index
        %get3A_120 = arith.constant 32 : index
        %get3A_121 = tpu.vector_load %arg10[%get3A_119, %get3A_120] {strides = array<i32>} : memref<80x128xf32, #tpu.memory_space<vmem>>, vector<16xf32>,
        %add3A_122 = arith.addf %get3A_118, %get3A_121 : vector<16xf32>
        %swap3A_123 = arith.index_cast %scan3A_97 : i32 to index
        %swap3A_124 = arith.constant 32 : index
        %swap3A_125 = tpu.vector_load %arg9[%swap3A_123, %swap3A_124] {strides = array<i32>} : memref<80x128xf32, #tpu.memory_space<vmem>>, vector<16xf32>,
        tpu.vector_store %arg9[%swap3A_123, %swap3A_124], %add3A_122 {strides = array<i32>} : memref<80x128xf32, #tpu.memory_space<vmem>>, vector<16xf32>,
        %get3A_126 = arith.index_cast %scan3A_97 : i32 to index
        %get3A_127 = arith.constant 48 : index
        %get3A_128 = tpu.vector_load %arg9[%get3A_126, %get3A_127] {strides = array<i32>} : memref<80x128xf32, #tpu.memory_space<vmem>>, vector<16xf32>,
        %get3A_129 = arith.index_cast %scan3A_97 : i32 to index
        %get3A_130 = arith.constant 48 : index
        %get3A_131 = tpu.vector_load %arg10[%get3A_129, %get3A_130] {strides = array<i32>} : memref<80x128xf32, #tpu.memory_space<vmem>>, vector<16xf32>,
        %add3A_132 = arith.addf %get3A_128, %get3A_131 : vector<16xf32>
        %swap3A_133 = arith.index_cast %scan3A_97 : i32 to index
        %swap3A_134 = arith.constant 48 : index
        %swap3A_135 = tpu.vector_load %arg9[%swap3A_133, %swap3A_134] {strides = array<i32>} : memref<80x128xf32, #tpu.memory_space<vmem>>, vector<16xf32>,
        tpu.vector_store %arg9[%swap3A_133, %swap3A_134], %add3A_132 {strides = array<i32>} : memref<80x128xf32, #tpu.memory_space<vmem>>, vector<16xf32>,
        %get3A_136 = arith.index_cast %scan3A_97 : i32 to index
        %get3A_137 = arith.constant 64 : index
        %get3A_138 = tpu.vector_load %arg9[%get3A_136, %get3A_137] {strides = array<i32>} : memref<80x128xf32, #tpu.memory_space<vmem>>, vector<16xf32>,
        %get3A_139 = arith.index_cast %scan3A_97 : i32 to index
        %get3A_140 = arith.constant 64 : index
        %get3A_141 = tpu.vector_load %arg10[%get3A_139, %get3A_140] {strides = array<i32>} : memref<80x128xf32, #tpu.memory_space<vmem>>, vector<16xf32>,
        %add3A_142 = arith.addf %get3A_138, %get3A_141 : vector<16xf32>
        %swap3A_143 = arith.index_cast %scan3A_97 : i32 to index
        %swap3A_144 = arith.constant 64 : index
        %swap3A_145 = tpu.vector_load %arg9[%swap3A_143, %swap3A_144] {strides = array<i32>} : memref<80x128xf32, #tpu.memory_space<vmem>>, vector<16xf32>,
        tpu.vector_store %arg9[%swap3A_143, %swap3A_144], %add3A_142 {strides = array<i32>} : memref<80x128xf32, #tpu.memory_space<vmem>>, vector<16xf32>,
        %get3A_146 = arith.index_cast %scan3A_97 : i32 to index
        %get3A_147 = arith.constant 80 : index
        %get3A_148 = tpu.vector_load %arg9[%get3A_146, %get3A_147] {strides = array<i32>} : memref<80x128xf32, #tpu.memory_space<vmem>>, vector<16xf32>,
        %get3A_149 = arith.index_cast %scan3A_97 : i32 to index
        %get3A_150 = arith.constant 80 : index
        %get3A_151 = tpu.vector_load %arg10[%get3A_149, %get3A_150] {strides = array<i32>} : memref<80x128xf32, #tpu.memory_space<vmem>>, vector<16xf32>,
        %add3A_152 = arith.addf %get3A_148, %get3A_151 : vector<16xf32>
        %swap3A_153 = arith.index_cast %scan3A_97 : i32 to index
        %swap3A_154 = arith.constant 80 : index
        %swap3A_155 = tpu.vector_load %arg9[%swap3A_153, %swap3A_154] {strides = array<i32>} : memref<80x128xf32, #tpu.memory_space<vmem>>, vector<16xf32>,
        tpu.vector_store %arg9[%swap3A_153, %swap3A_154], %add3A_152 {strides = array<i32>} : memref<80x128xf32, #tpu.memory_space<vmem>>, vector<16xf32>,
        %get3A_156 = arith.index_cast %scan3A_97 : i32 to index
        %get3A_157 = arith.constant 96 : index
        %get3A_158 = tpu.vector_load %arg9[%get3A_156, %get3A_157] {strides = array<i32>} : memref<80x128xf32, #tpu.memory_space<vmem>>, vector<16xf32>,
        %get3A_159 = arith.index_cast %scan3A_97 : i32 to index
        %get3A_160 = arith.constant 96 : index
        %get3A_161 = tpu.vector_load %arg10[%get3A_159, %get3A_160] {strides = array<i32>} : memref<80x128xf32, #tpu.memory_space<vmem>>, vector<16xf32>,
        %add3A_162 = arith.addf %get3A_158, %get3A_161 : vector<16xf32>
        %swap3A_163 = arith.index_cast %scan3A_97 : i32 to index
        %swap3A_164 = arith.constant 96 : index
        %swap3A_165 = tpu.vector_load %arg9[%swap3A_163, %swap3A_164] {strides = array<i32>} : memref<80x128xf32, #tpu.memory_space<vmem>>, vector<16xf32>,
        tpu.vector_store %arg9[%swap3A_163, %swap3A_164], %add3A_162 {strides = array<i32>} : memref<80x128xf32, #tpu.memory_space<vmem>>, vector<16xf32>,
        %get3A_166 = arith.index_cast %scan3A_97 : i32 to index
        %get3A_167 = arith.constant 112 : index
        %get3A_168 = tpu.vector_load %arg9[%get3A_166, %get3A_167] {strides = array<i32>} : memref<80x128xf32, #tpu.memory_space<vmem>>, vector<16xf32>,
        %get3A_169 = arith.index_cast %scan3A_97 : i32 to index
        %get3A_170 = arith.constant 112 : index
        %get3A_171 = tpu.vector_load %arg10[%get3A_169, %get3A_170] {strides = array<i32>} : memref<80x128xf32, #tpu.memory_space<vmem>>, vector<16xf32>,
        %add3A_172 = arith.addf %get3A_168, %get3A_171 : vector<16xf32>
        %swap3A_173 = arith.index_cast %scan3A_97 : i32 to index
        %swap3A_174 = arith.constant 112 : index
        %swap3A_175 = tpu.vector_load %arg9[%swap3A_173, %swap3A_174] {strides = array<i32>} : memref<80x128xf32, #tpu.memory_space<vmem>>, vector<16xf32>,
        tpu.vector_store %arg9[%swap3A_173, %swap3A_174], %add3A_172 {strides = array<i32>} : memref<80x128xf32, #tpu.memory_space<vmem>>, vector<16xf32>,
      }
      %scan3A_76 = arith.constant 80 : i32
      %mul3A_77 = arith.constant 80 : i32
      %mul3A_78 = arith.muli %mul3A_36, %mul3A_77 : i32
      %add3A_79 = arith.addi %mul3A_2, %mul3A_78 : i32
      "tpu.region"() ({
        %run_scoped3A = tpu.sem_alloc : memref<!tpu.dma_semaphore, #tpu.memory_space<semaphore_mem>>
        %dma_start3A_97 = arith.constant 0 : i32
        %dma_start3A_98 = tpu.memref_slice %arg6[%add3A_79, %dma_start3A_97] : memref<320000x128xf32, #tpu.memory_space<hbm>> -> memref<80x128xf32, #tpu.memory_space<hbm>>
        %dma_start3A_99 = arith.constant 0 : i32
        %dma_start3A_100 = tpu.memref_slice %arg6[%add3A_79, %dma_start3A_99] : memref<320000x128xf32, #tpu.memory_space<hbm>> -> memref<80x128xf32, #tpu.memory_space<hbm>>
        tpu.enqueue_dma source(%arg9 : memref<80x128xf32, #tpu.memory_space<vmem>>) target(%dma_start3A_100 : memref<80x128xf32, #tpu.memory_space<hbm>>) target_semaphore(%run_scoped3A : memref<!tpu.dma_semaphore, #tpu.memory_space<semaphore_mem>>)
        %dma_wait3A_101 = arith.constant 0 : i32
        %dma_wait3A_102 = tpu.memref_slice %arg6[%add3A_79, %dma_wait3A_101] : memref<320000x128xf32, #tpu.memory_space<hbm>> -> memref<80x128xf32, #tpu.memory_space<hbm>>
        %dma_wait3A_103 = arith.constant 0 : i32
        %dma_wait3A_104 = tpu.memref_slice %arg6[%add3A_79, %dma_wait3A_103] : memref<320000x128xf32, #tpu.memory_space<hbm>> -> memref<80x128xf32, #tpu.memory_space<hbm>>
        tpu.wait_dma2 semaphore(%run_scoped3A : memref<!tpu.dma_semaphore, #tpu.memory_space<semaphore_mem>>) src(%arg9 : memref<80x128xf32, #tpu.memory_space<vmem>>) dst(%dma_wait3A_104 : memref<80x128xf32, #tpu.memory_space<hbm>>)
        tpu.yield
      }) : () -> ()
      %dma_wait3A_80 = tpu.memref_slice %arg7[%mul3A_52] : memref<10000xi32, #tpu.memory_space<vmem>> -> memref<80xi32, #tpu.memory_space<vmem>>
      %dma_wait3A_81 = arith.constant 0 : i32
      %dma_wait3A_82 = arith.constant 0 : i32
      %dma_wait3A_83 = tpu.memref_slice %arg2[%dma_wait3A_81, %dma_wait3A_82] : memref<10000x128xf32, #tpu.memory_space<hbm>> -> memref<10000x128xf32, #tpu.memory_space<hbm>>
      tpu.wait_indirect_dma semaphore(%arg15 : memref<!tpu.dma_semaphore, #tpu.memory_space<semaphore_mem>>) src(%dma_wait3A_83 : memref<10000x128xf32, #tpu.memory_space<hbm>>) dst(%arg11 : memref<80x128xf32, #tpu.memory_space<vmem>>)
      %dma_wait3A_84 = tpu.memref_slice %arg8[%mul3A_58] : memref<10000xi32, #tpu.memory_space<vmem>> -> memref<80xi32, #tpu.memory_space<vmem>>
      %dma_wait3A_85 = arith.constant 0 : i32
      %dma_wait3A_86 = arith.constant 0 : i32
      %dma_wait3A_87 = tpu.memref_slice %arg3[%dma_wait3A_85, %dma_wait3A_86] : memref<10000x128xf32, #tpu.memory_space<hbm>> -> memref<10000x128xf32, #tpu.memory_space<hbm>>
      tpu.wait_indirect_dma semaphore(%arg16 : memref<!tpu.dma_semaphore, #tpu.memory_space<semaphore_mem>>) src(%dma_wait3A_87 : memref<10000x128xf32, #tpu.memory_space<hbm>>) dst(%arg12 : memref<80x128xf32, #tpu.memory_space<vmem>>)
      %scan3A_88 = arith.constant 0 : i32
      %scan3A_89 = arith.constant 0 : i32
      %scan3A_90 = arith.constant 80 : i32
      %scan3A_91 = arith.addi %scan3A_89, %scan3A_90 : i32
      %scan3A_92 = arith.constant 1 : i32
      scf.for %scan3A_97 = %scan3A_89 to %scan3A_91 step %scan3A_92  : i32 {
        %get3A = arith.index_cast %scan3A_97 : i32 to index
        %get3A_98 = arith.constant 0 : index
        %get3A_99 = tpu.vector_load %arg11[%get3A, %get3A_98] {strides = array<i32>} : memref<80x128xf32, #tpu.memory_space<vmem>>, vector<16xf32>,
        %get3A_100 = arith.index_cast %scan3A_97 : i32 to index
        %get3A_101 = arith.constant 0 : index
        %get3A_102 = tpu.vector_load %arg12[%get3A_100, %get3A_101] {strides = array<i32>} : memref<80x128xf32, #tpu.memory_space<vmem>>, vector<16xf32>,
        %add3A_103 = arith.addf %get3A_99, %get3A_102 : vector<16xf32>
        %swap3A = arith.index_cast %scan3A_97 : i32 to index
        %swap3A_104 = arith.constant 0 : index
        %swap3A_105 = tpu.vector_load %arg11[%swap3A, %swap3A_104] {strides = array<i32>} : memref<80x128xf32, #tpu.memory_space<vmem>>, vector<16xf32>,
        tpu.vector_store %arg11[%swap3A, %swap3A_104], %add3A_103 {strides = array<i32>} : memref<80x128xf32, #tpu.memory_space<vmem>>, vector<16xf32>,
        %get3A_106 = arith.index_cast %scan3A_97 : i32 to index
        %get3A_107 = arith.constant 16 : index
        %get3A_108 = tpu.vector_load %arg11[%get3A_106, %get3A_107] {strides = array<i32>} : memref<80x128xf32, #tpu.memory_space<vmem>>, vector<16xf32>,
        %get3A_109 = arith.index_cast %scan3A_97 : i32 to index
        %get3A_110 = arith.constant 16 : index
        %get3A_111 = tpu.vector_load %arg12[%get3A_109, %get3A_110] {strides = array<i32>} : memref<80x128xf32, #tpu.memory_space<vmem>>, vector<16xf32>,
        %add3A_112 = arith.addf %get3A_108, %get3A_111 : vector<16xf32>
        %swap3A_113 = arith.index_cast %scan3A_97 : i32 to index
        %swap3A_114 = arith.constant 16 : index
        %swap3A_115 = tpu.vector_load %arg11[%swap3A_113, %swap3A_114] {strides = array<i32>} : memref<80x128xf32, #tpu.memory_space<vmem>>, vector<16xf32>,
        tpu.vector_store %arg11[%swap3A_113, %swap3A_114], %add3A_112 {strides = array<i32>} : memref<80x128xf32, #tpu.memory_space<vmem>>, vector<16xf32>,
        %get3A_116 = arith.index_cast %scan3A_97 : i32 to index
        %get3A_117 = arith.constant 32 : index
        %get3A_118 = tpu.vector_load %arg11[%get3A_116, %get3A_117] {strides = array<i32>} : memref<80x128xf32, #tpu.memory_space<vmem>>, vector<16xf32>,
        %get3A_119 = arith.index_cast %scan3A_97 : i32 to index
        %get3A_120 = arith.constant 32 : index
        %get3A_121 = tpu.vector_load %arg12[%get3A_119, %get3A_120] {strides = array<i32>} : memref<80x128xf32, #tpu.memory_space<vmem>>, vector<16xf32>,
        %add3A_122 = arith.addf %get3A_118, %get3A_121 : vector<16xf32>
        %swap3A_123 = arith.index_cast %scan3A_97 : i32 to index
        %swap3A_124 = arith.constant 32 : index
        %swap3A_125 = tpu.vector_load %arg11[%swap3A_123, %swap3A_124] {strides = array<i32>} : memref<80x128xf32, #tpu.memory_space<vmem>>, vector<16xf32>,
        tpu.vector_store %arg11[%swap3A_123, %swap3A_124], %add3A_122 {strides = array<i32>} : memref<80x128xf32, #tpu.memory_space<vmem>>, vector<16xf32>,
        %get3A_126 = arith.index_cast %scan3A_97 : i32 to index
        %get3A_127 = arith.constant 48 : index
        %get3A_128 = tpu.vector_load %arg11[%get3A_126, %get3A_127] {strides = array<i32>} : memref<80x128xf32, #tpu.memory_space<vmem>>, vector<16xf32>,
        %get3A_129 = arith.index_cast %scan3A_97 : i32 to index
        %get3A_130 = arith.constant 48 : index
        %get3A_131 = tpu.vector_load %arg12[%get3A_129, %get3A_130] {strides = array<i32>} : memref<80x128xf32, #tpu.memory_space<vmem>>, vector<16xf32>,
        %add3A_132 = arith.addf %get3A_128, %get3A_131 : vector<16xf32>
        %swap3A_133 = arith.index_cast %scan3A_97 : i32 to index
        %swap3A_134 = arith.constant 48 : index
        %swap3A_135 = tpu.vector_load %arg11[%swap3A_133, %swap3A_134] {strides = array<i32>} : memref<80x128xf32, #tpu.memory_space<vmem>>, vector<16xf32>,
        tpu.vector_store %arg11[%swap3A_133, %swap3A_134], %add3A_132 {strides = array<i32>} : memref<80x128xf32, #tpu.memory_space<vmem>>, vector<16xf32>,
        %get3A_136 = arith.index_cast %scan3A_97 : i32 to index
        %get3A_137 = arith.constant 64 : index
        %get3A_138 = tpu.vector_load %arg11[%get3A_136, %get3A_137] {strides = array<i32>} : memref<80x128xf32, #tpu.memory_space<vmem>>, vector<16xf32>,
        %get3A_139 = arith.index_cast %scan3A_97 : i32 to index
        %get3A_140 = arith.constant 64 : index
        %get3A_141 = tpu.vector_load %arg12[%get3A_139, %get3A_140] {strides = array<i32>} : memref<80x128xf32, #tpu.memory_space<vmem>>, vector<16xf32>,
        %add3A_142 = arith.addf %get3A_138, %get3A_141 : vector<16xf32>
        %swap3A_143 = arith.index_cast %scan3A_97 : i32 to index
        %swap3A_144 = arith.constant 64 : index
        %swap3A_145 = tpu.vector_load %arg11[%swap3A_143, %swap3A_144] {strides = array<i32>} : memref<80x128xf32, #tpu.memory_space<vmem>>, vector<16xf32>,
        tpu.vector_store %arg11[%swap3A_143, %swap3A_144], %add3A_142 {strides = array<i32>} : memref<80x128xf32, #tpu.memory_space<vmem>>, vector<16xf32>,
        %get3A_146 = arith.index_cast %scan3A_97 : i32 to index
        %get3A_147 = arith.constant 80 : index
        %get3A_148 = tpu.vector_load %arg11[%get3A_146, %get3A_147] {strides = array<i32>} : memref<80x128xf32, #tpu.memory_space<vmem>>, vector<16xf32>,
        %get3A_149 = arith.index_cast %scan3A_97 : i32 to index
        %get3A_150 = arith.constant 80 : index
        %get3A_151 = tpu.vector_load %arg12[%get3A_149, %get3A_150] {strides = array<i32>} : memref<80x128xf32, #tpu.memory_space<vmem>>, vector<16xf32>,
        %add3A_152 = arith.addf %get3A_148, %get3A_151 : vector<16xf32>
        %swap3A_153 = arith.index_cast %scan3A_97 : i32 to index
        %swap3A_154 = arith.constant 80 : index
        %swap3A_155 = tpu.vector_load %arg11[%swap3A_153, %swap3A_154] {strides = array<i32>} : memref<80x128xf32, #tpu.memory_space<vmem>>, vector<16xf32>,
        tpu.vector_store %arg11[%swap3A_153, %swap3A_154], %add3A_152 {strides = array<i32>} : memref<80x128xf32, #tpu.memory_space<vmem>>, vector<16xf32>,
        %get3A_156 = arith.index_cast %scan3A_97 : i32 to index
        %get3A_157 = arith.constant 96 : index
        %get3A_158 = tpu.vector_load %arg11[%get3A_156, %get3A_157] {strides = array<i32>} : memref<80x128xf32, #tpu.memory_space<vmem>>, vector<16xf32>,
        %get3A_159 = arith.index_cast %scan3A_97 : i32 to index
        %get3A_160 = arith.constant 96 : index
        %get3A_161 = tpu.vector_load %arg12[%get3A_159, %get3A_160] {strides = array<i32>} : memref<80x128xf32, #tpu.memory_space<vmem>>, vector<16xf32>,
        %add3A_162 = arith.addf %get3A_158, %get3A_161 : vector<16xf32>
        %swap3A_163 = arith.index_cast %scan3A_97 : i32 to index
        %swap3A_164 = arith.constant 96 : index
        %swap3A_165 = tpu.vector_load %arg11[%swap3A_163, %swap3A_164] {strides = array<i32>} : memref<80x128xf32, #tpu.memory_space<vmem>>, vector<16xf32>,
        tpu.vector_store %arg11[%swap3A_163, %swap3A_164], %add3A_162 {strides = array<i32>} : memref<80x128xf32, #tpu.memory_space<vmem>>, vector<16xf32>,
        %get3A_166 = arith.index_cast %scan3A_97 : i32 to index
        %get3A_167 = arith.constant 112 : index
        %get3A_168 = tpu.vector_load %arg11[%get3A_166, %get3A_167] {strides = array<i32>} : memref<80x128xf32, #tpu.memory_space<vmem>>, vector<16xf32>,
        %get3A_169 = arith.index_cast %scan3A_97 : i32 to index
        %get3A_170 = arith.constant 112 : index
        %get3A_171 = tpu.vector_load %arg12[%get3A_169, %get3A_170] {strides = array<i32>} : memref<80x128xf32, #tpu.memory_space<vmem>>, vector<16xf32>,
        %add3A_172 = arith.addf %get3A_168, %get3A_171 : vector<16xf32>
        %swap3A_173 = arith.index_cast %scan3A_97 : i32 to index
        %swap3A_174 = arith.constant 112 : index
        %swap3A_175 = tpu.vector_load %arg11[%swap3A_173, %swap3A_174] {strides = array<i32>} : memref<80x128xf32, #tpu.memory_space<vmem>>, vector<16xf32>,
        tpu.vector_store %arg11[%swap3A_173, %swap3A_174], %add3A_172 {strides = array<i32>} : memref<80x128xf32, #tpu.memory_space<vmem>>, vector<16xf32>,
      }
      %scan3A_93 = arith.constant 80 : i32
      %mul3A_94 = arith.constant 80 : i32
      %mul3A_95 = arith.muli %add3A_38, %mul3A_94 : i32
      %add3A_96 = arith.addi %mul3A_2, %mul3A_95 : i32
      "tpu.region"() ({
        %run_scoped3A = tpu.sem_alloc : memref<!tpu.dma_semaphore, #tpu.memory_space<semaphore_mem>>
        %dma_start3A_97 = arith.constant 0 : i32
        %dma_start3A_98 = tpu.memref_slice %arg6[%add3A_96, %dma_start3A_97] : memref<320000x128xf32, #tpu.memory_space<hbm>> -> memref<80x128xf32, #tpu.memory_space<hbm>>
        %dma_start3A_99 = arith.constant 0 : i32
        %dma_start3A_100 = tpu.memref_slice %arg6[%add3A_96, %dma_start3A_99] : memref<320000x128xf32, #tpu.memory_space<hbm>> -> memref<80x128xf32, #tpu.memory_space<hbm>>
        tpu.enqueue_dma source(%arg11 : memref<80x128xf32, #tpu.memory_space<vmem>>) target(%dma_start3A_100 : memref<80x128xf32, #tpu.memory_space<hbm>>) target_semaphore(%run_scoped3A : memref<!tpu.dma_semaphore, #tpu.memory_space<semaphore_mem>>)
        %dma_wait3A_101 = arith.constant 0 : i32
        %dma_wait3A_102 = tpu.memref_slice %arg6[%add3A_96, %dma_wait3A_101] : memref<320000x128xf32, #tpu.memory_space<hbm>> -> memref<80x128xf32, #tpu.memory_space<hbm>>
        %dma_wait3A_103 = arith.constant 0 : i32
        %dma_wait3A_104 = tpu.memref_slice %arg6[%add3A_96, %dma_wait3A_103] : memref<320000x128xf32, #tpu.memory_space<hbm>> -> memref<80x128xf32, #tpu.memory_space<hbm>>
        tpu.wait_dma2 semaphore(%run_scoped3A : memref<!tpu.dma_semaphore, #tpu.memory_space<semaphore_mem>>) src(%arg11 : memref<80x128xf32, #tpu.memory_space<vmem>>) dst(%dma_wait3A_104 : memref<80x128xf32, #tpu.memory_space<hbm>>)
        tpu.yield
      }) : () -> ()
    }
    %scan3A_7 = arith.constant 62 : i32
    %dma_start3A = arith.constant 9920 : i32
    %dma_start3A_8 = tpu.memref_slice %arg7[%dma_start3A] : memref<10000xi32, #tpu.memory_space<vmem>> -> memref<80xi32, #tpu.memory_space<vmem>>
    %dma_start3A_9 = arith.constant 0 : i32
    %dma_start3A_10 = arith.constant 0 : i32
    %dma_start3A_11 = tpu.memref_slice %arg2[%dma_start3A_9, %dma_start3A_10] : memref<10000x128xf32, #tpu.memory_space<hbm>> -> memref<10000x128xf32, #tpu.memory_space<hbm>>
    tpu.enqueue_indirect_dma source(%dma_start3A_11 : memref<10000x128xf32, #tpu.memory_space<hbm>>) target(%arg9 : memref<80x128xf32, #tpu.memory_space<vmem>>) offsets(%dma_start3A_8 : memref<80xi32, #tpu.memory_space<vmem>>) semaphore(%arg13 : memref<!tpu.dma_semaphore, #tpu.memory_space<semaphore_mem>>)
    %dma_start3A_12 = arith.constant 9920 : i32
    %dma_start3A_13 = tpu.memref_slice %arg8[%dma_start3A_12] : memref<10000xi32, #tpu.memory_space<vmem>> -> memref<80xi32, #tpu.memory_space<vmem>>
    %dma_start3A_14 = arith.constant 0 : i32
    %dma_start3A_15 = arith.constant 0 : i32
    %dma_start3A_16 = tpu.memref_slice %arg3[%dma_start3A_14, %dma_start3A_15] : memref<10000x128xf32, #tpu.memory_space<hbm>> -> memref<10000x128xf32, #tpu.memory_space<hbm>>
    tpu.enqueue_indirect_dma source(%dma_start3A_16 : memref<10000x128xf32, #tpu.memory_space<hbm>>) target(%arg10 : memref<80x128xf32, #tpu.memory_space<vmem>>) offsets(%dma_start3A_13 : memref<80xi32, #tpu.memory_space<vmem>>) semaphore(%arg14 : memref<!tpu.dma_semaphore, #tpu.memory_space<semaphore_mem>>)
    %dma_wait3A = arith.constant 9920 : i32
    %dma_wait3A_17 = tpu.memref_slice %arg7[%dma_wait3A] : memref<10000xi32, #tpu.memory_space<vmem>> -> memref<80xi32, #tpu.memory_space<vmem>>
    %dma_wait3A_18 = arith.constant 0 : i32
    %dma_wait3A_19 = arith.constant 0 : i32
    %dma_wait3A_20 = tpu.memref_slice %arg2[%dma_wait3A_18, %dma_wait3A_19] : memref<10000x128xf32, #tpu.memory_space<hbm>> -> memref<10000x128xf32, #tpu.memory_space<hbm>>
    tpu.wait_indirect_dma semaphore(%arg13 : memref<!tpu.dma_semaphore, #tpu.memory_space<semaphore_mem>>) src(%dma_wait3A_20 : memref<10000x128xf32, #tpu.memory_space<hbm>>) dst(%arg9 : memref<80x128xf32, #tpu.memory_space<vmem>>)
    %dma_wait3A_21 = arith.constant 9920 : i32
    %dma_wait3A_22 = tpu.memref_slice %arg8[%dma_wait3A_21] : memref<10000xi32, #tpu.memory_space<vmem>> -> memref<80xi32, #tpu.memory_space<vmem>>
    %dma_wait3A_23 = arith.constant 0 : i32
    %dma_wait3A_24 = arith.constant 0 : i32
    %dma_wait3A_25 = tpu.memref_slice %arg3[%dma_wait3A_23, %dma_wait3A_24] : memref<10000x128xf32, #tpu.memory_space<hbm>> -> memref<10000x128xf32, #tpu.memory_space<hbm>>
    tpu.wait_indirect_dma semaphore(%arg14 : memref<!tpu.dma_semaphore, #tpu.memory_space<semaphore_mem>>) src(%dma_wait3A_25 : memref<10000x128xf32, #tpu.memory_space<hbm>>) dst(%arg10 : memref<80x128xf32, #tpu.memory_space<vmem>>)
    %scan3A_26 = arith.constant 0 : i32
    %scan3A_27 = arith.constant 0 : i32
    %scan3A_28 = arith.constant 80 : i32
    %scan3A_29 = arith.addi %scan3A_27, %scan3A_28 : i32
    %scan3A_30 = arith.constant 1 : i32
    scf.for %scan3A_34 = %scan3A_27 to %scan3A_29 step %scan3A_30  : i32 {
      %get3A = arith.index_cast %scan3A_34 : i32 to index
      %get3A_35 = arith.constant 0 : index
      %get3A_36 = tpu.vector_load %arg9[%get3A, %get3A_35] {strides = array<i32>} : memref<80x128xf32, #tpu.memory_space<vmem>>, vector<16xf32>,
      %get3A_37 = arith.index_cast %scan3A_34 : i32 to index
      %get3A_38 = arith.constant 0 : index
      %get3A_39 = tpu.vector_load %arg10[%get3A_37, %get3A_38] {strides = array<i32>} : memref<80x128xf32, #tpu.memory_space<vmem>>, vector<16xf32>,
      %add3A_40 = arith.addf %get3A_36, %get3A_39 : vector<16xf32>
      %swap3A = arith.index_cast %scan3A_34 : i32 to index
      %swap3A_41 = arith.constant 0 : index
      %swap3A_42 = tpu.vector_load %arg9[%swap3A, %swap3A_41] {strides = array<i32>} : memref<80x128xf32, #tpu.memory_space<vmem>>, vector<16xf32>,
      tpu.vector_store %arg9[%swap3A, %swap3A_41], %add3A_40 {strides = array<i32>} : memref<80x128xf32, #tpu.memory_space<vmem>>, vector<16xf32>,
      %get3A_43 = arith.index_cast %scan3A_34 : i32 to index
      %get3A_44 = arith.constant 16 : index
      %get3A_45 = tpu.vector_load %arg9[%get3A_43, %get3A_44] {strides = array<i32>} : memref<80x128xf32, #tpu.memory_space<vmem>>, vector<16xf32>,
      %get3A_46 = arith.index_cast %scan3A_34 : i32 to index
      %get3A_47 = arith.constant 16 : index
      %get3A_48 = tpu.vector_load %arg10[%get3A_46, %get3A_47] {strides = array<i32>} : memref<80x128xf32, #tpu.memory_space<vmem>>, vector<16xf32>,
      %add3A_49 = arith.addf %get3A_45, %get3A_48 : vector<16xf32>
      %swap3A_50 = arith.index_cast %scan3A_34 : i32 to index
      %swap3A_51 = arith.constant 16 : index
      %swap3A_52 = tpu.vector_load %arg9[%swap3A_50, %swap3A_51] {strides = array<i32>} : memref<80x128xf32, #tpu.memory_space<vmem>>, vector<16xf32>,
      tpu.vector_store %arg9[%swap3A_50, %swap3A_51], %add3A_49 {strides = array<i32>} : memref<80x128xf32, #tpu.memory_space<vmem>>, vector<16xf32>,
      %get3A_53 = arith.index_cast %scan3A_34 : i32 to index
      %get3A_54 = arith.constant 32 : index
      %get3A_55 = tpu.vector_load %arg9[%get3A_53, %get3A_54] {strides = array<i32>} : memref<80x128xf32, #tpu.memory_space<vmem>>, vector<16xf32>,
      %get3A_56 = arith.index_cast %scan3A_34 : i32 to index
      %get3A_57 = arith.constant 32 : index
      %get3A_58 = tpu.vector_load %arg10[%get3A_56, %get3A_57] {strides = array<i32>} : memref<80x128xf32, #tpu.memory_space<vmem>>, vector<16xf32>,
      %add3A_59 = arith.addf %get3A_55, %get3A_58 : vector<16xf32>
      %swap3A_60 = arith.index_cast %scan3A_34 : i32 to index
      %swap3A_61 = arith.constant 32 : index
      %swap3A_62 = tpu.vector_load %arg9[%swap3A_60, %swap3A_61] {strides = array<i32>} : memref<80x128xf32, #tpu.memory_space<vmem>>, vector<16xf32>,
      tpu.vector_store %arg9[%swap3A_60, %swap3A_61], %add3A_59 {strides = array<i32>} : memref<80x128xf32, #tpu.memory_space<vmem>>, vector<16xf32>,
      %get3A_63 = arith.index_cast %scan3A_34 : i32 to index
      %get3A_64 = arith.constant 48 : index
      %get3A_65 = tpu.vector_load %arg9[%get3A_63, %get3A_64] {strides = array<i32>} : memref<80x128xf32, #tpu.memory_space<vmem>>, vector<16xf32>,
      %get3A_66 = arith.index_cast %scan3A_34 : i32 to index
      %get3A_67 = arith.constant 48 : index
      %get3A_68 = tpu.vector_load %arg10[%get3A_66, %get3A_67] {strides = array<i32>} : memref<80x128xf32, #tpu.memory_space<vmem>>, vector<16xf32>,
      %add3A_69 = arith.addf %get3A_65, %get3A_68 : vector<16xf32>
      %swap3A_70 = arith.index_cast %scan3A_34 : i32 to index
      %swap3A_71 = arith.constant 48 : index
      %swap3A_72 = tpu.vector_load %arg9[%swap3A_70, %swap3A_71] {strides = array<i32>} : memref<80x128xf32, #tpu.memory_space<vmem>>, vector<16xf32>,
      tpu.vector_store %arg9[%swap3A_70, %swap3A_71], %add3A_69 {strides = array<i32>} : memref<80x128xf32, #tpu.memory_space<vmem>>, vector<16xf32>,
      %get3A_73 = arith.index_cast %scan3A_34 : i32 to index
      %get3A_74 = arith.constant 64 : index
      %get3A_75 = tpu.vector_load %arg9[%get3A_73, %get3A_74] {strides = array<i32>} : memref<80x128xf32, #tpu.memory_space<vmem>>, vector<16xf32>,
      %get3A_76 = arith.index_cast %scan3A_34 : i32 to index
      %get3A_77 = arith.constant 64 : index
      %get3A_78 = tpu.vector_load %arg10[%get3A_76, %get3A_77] {strides = array<i32>} : memref<80x128xf32, #tpu.memory_space<vmem>>, vector<16xf32>,
      %add3A_79 = arith.addf %get3A_75, %get3A_78 : vector<16xf32>
      %swap3A_80 = arith.index_cast %scan3A_34 : i32 to index
      %swap3A_81 = arith.constant 64 : index
      %swap3A_82 = tpu.vector_load %arg9[%swap3A_80, %swap3A_81] {strides = array<i32>} : memref<80x128xf32, #tpu.memory_space<vmem>>, vector<16xf32>,
      tpu.vector_store %arg9[%swap3A_80, %swap3A_81], %add3A_79 {strides = array<i32>} : memref<80x128xf32, #tpu.memory_space<vmem>>, vector<16xf32>,
      %get3A_83 = arith.index_cast %scan3A_34 : i32 to index
      %get3A_84 = arith.constant 80 : index
      %get3A_85 = tpu.vector_load %arg9[%get3A_83, %get3A_84] {strides = array<i32>} : memref<80x128xf32, #tpu.memory_space<vmem>>, vector<16xf32>,
      %get3A_86 = arith.index_cast %scan3A_34 : i32 to index
      %get3A_87 = arith.constant 80 : index
      %get3A_88 = tpu.vector_load %arg10[%get3A_86, %get3A_87] {strides = array<i32>} : memref<80x128xf32, #tpu.memory_space<vmem>>, vector<16xf32>,
      %add3A_89 = arith.addf %get3A_85, %get3A_88 : vector<16xf32>
      %swap3A_90 = arith.index_cast %scan3A_34 : i32 to index
      %swap3A_91 = arith.constant 80 : index
      %swap3A_92 = tpu.vector_load %arg9[%swap3A_90, %swap3A_91] {strides = array<i32>} : memref<80x128xf32, #tpu.memory_space<vmem>>, vector<16xf32>,
      tpu.vector_store %arg9[%swap3A_90, %swap3A_91], %add3A_89 {strides = array<i32>} : memref<80x128xf32, #tpu.memory_space<vmem>>, vector<16xf32>,
      %get3A_93 = arith.index_cast %scan3A_34 : i32 to index
      %get3A_94 = arith.constant 96 : index
      %get3A_95 = tpu.vector_load %arg9[%get3A_93, %get3A_94] {strides = array<i32>} : memref<80x128xf32, #tpu.memory_space<vmem>>, vector<16xf32>,
      %get3A_96 = arith.index_cast %scan3A_34 : i32 to index
      %get3A_97 = arith.constant 96 : index
      %get3A_98 = tpu.vector_load %arg10[%get3A_96, %get3A_97] {strides = array<i32>} : memref<80x128xf32, #tpu.memory_space<vmem>>, vector<16xf32>,
      %add3A_99 = arith.addf %get3A_95, %get3A_98 : vector<16xf32>
      %swap3A_100 = arith.index_cast %scan3A_34 : i32 to index
      %swap3A_101 = arith.constant 96 : index
      %swap3A_102 = tpu.vector_load %arg9[%swap3A_100, %swap3A_101] {strides = array<i32>} : memref<80x128xf32, #tpu.memory_space<vmem>>, vector<16xf32>,
      tpu.vector_store %arg9[%swap3A_100, %swap3A_101], %add3A_99 {strides = array<i32>} : memref<80x128xf32, #tpu.memory_space<vmem>>, vector<16xf32>,
      %get3A_103 = arith.index_cast %scan3A_34 : i32 to index
      %get3A_104 = arith.constant 112 : index
      %get3A_105 = tpu.vector_load %arg9[%get3A_103, %get3A_104] {strides = array<i32>} : memref<80x128xf32, #tpu.memory_space<vmem>>, vector<16xf32>,
      %get3A_106 = arith.index_cast %scan3A_34 : i32 to index
      %get3A_107 = arith.constant 112 : index
      %get3A_108 = tpu.vector_load %arg10[%get3A_106, %get3A_107] {strides = array<i32>} : memref<80x128xf32, #tpu.memory_space<vmem>>, vector<16xf32>,
      %add3A_109 = arith.addf %get3A_105, %get3A_108 : vector<16xf32>
      %swap3A_110 = arith.index_cast %scan3A_34 : i32 to index
      %swap3A_111 = arith.constant 112 : index
      %swap3A_112 = tpu.vector_load %arg9[%swap3A_110, %swap3A_111] {strides = array<i32>} : memref<80x128xf32, #tpu.memory_space<vmem>>, vector<16xf32>,
      tpu.vector_store %arg9[%swap3A_110, %swap3A_111], %add3A_109 {strides = array<i32>} : memref<80x128xf32, #tpu.memory_space<vmem>>, vector<16xf32>,
    }
    %scan3A_31 = arith.constant 80 : i32
    %add3A_32 = arith.constant 9920 : i32
    %add3A_33 = arith.addi %mul3A_2, %add3A_32 : i32
    "tpu.region"() ({
      %run_scoped3A = tpu.sem_alloc : memref<!tpu.dma_semaphore, #tpu.memory_space<semaphore_mem>>
      %dma_start3A_34 = arith.constant 0 : i32
      %dma_start3A_35 = tpu.memref_slice %arg6[%add3A_33, %dma_start3A_34] : memref<320000x128xf32, #tpu.memory_space<hbm>> -> memref<80x128xf32, #tpu.memory_space<hbm>>
      %dma_start3A_36 = arith.constant 0 : i32
      %dma_start3A_37 = tpu.memref_slice %arg6[%add3A_33, %dma_start3A_36] : memref<320000x128xf32, #tpu.memory_space<hbm>> -> memref<80x128xf32, #tpu.memory_space<hbm>>
      tpu.enqueue_dma source(%arg9 : memref<80x128xf32, #tpu.memory_space<vmem>>) target(%dma_start3A_37 : memref<80x128xf32, #tpu.memory_space<hbm>>) target_semaphore(%run_scoped3A : memref<!tpu.dma_semaphore, #tpu.memory_space<semaphore_mem>>)
      %dma_wait3A_38 = arith.constant 0 : i32
      %dma_wait3A_39 = tpu.memref_slice %arg6[%add3A_33, %dma_wait3A_38] : memref<320000x128xf32, #tpu.memory_space<hbm>> -> memref<80x128xf32, #tpu.memory_space<hbm>>
      %dma_wait3A_40 = arith.constant 0 : i32
      %dma_wait3A_41 = tpu.memref_slice %arg6[%add3A_33, %dma_wait3A_40] : memref<320000x128xf32, #tpu.memory_space<hbm>> -> memref<80x128xf32, #tpu.memory_space<hbm>>
      tpu.wait_dma2 semaphore(%run_scoped3A : memref<!tpu.dma_semaphore, #tpu.memory_space<semaphore_mem>>) src(%arg9 : memref<80x128xf32, #tpu.memory_space<vmem>>) dst(%dma_wait3A_41 : memref<80x128xf32, #tpu.memory_space<hbm>>)
      tpu.yield
    }) : () -> ()
    return
  }
}

module attributes {stable_mosaic.version = 14 : i64} {
  func.func @_k1_body(%arg0: i32, %arg1: memref<1000x128xf32, #tpu.memory_space<vmem>>, %arg2: memref<128x128xf32, #tpu.memory_space<vmem>>, %arg3: memref<128x128xf32, #tpu.memory_space<vmem>>, %arg4: memref<1x128xf32, #tpu.memory_space<vmem>>, %arg5: memref<1000x128xf32, #tpu.memory_space<vmem>>, %arg6: memref<1000x128xf32, #tpu.memory_space<vmem>>) attributes {dimension_semantics = [#tpu.dimension_semantics<arbitrary>], iteration_bounds = array<i64: 10>, scalar_prefetch = 0 : i64, scratch_operands = 0 : i64, tpu.core_type = #tpu.core_type<tc>, window_params = [{transform_indices = @transform_0, window_bounds = array<i64: 1000, 128>}, {pipeline_mode = #tpu.pipeline_mode<synchronous>, transform_indices = @transform_1, window_bounds = array<i64: 128, 128>}, {pipeline_mode = #tpu.pipeline_mode<synchronous>, transform_indices = @transform_2, window_bounds = array<i64: 128, 128>}, {pipeline_mode = #tpu.pipeline_mode<synchronous>, transform_indices = @transform_3, window_bounds = array<i64: 1, 128>}, {transform_indices = @transform_4, window_bounds = array<i64: 1000, 128>}, {transform_indices = @transform_5, window_bounds = array<i64: 1000, 128>}]} {
    %get3A = arith.constant 0 : index
    %get3A_0 = arith.constant 0 : index
    %get3A_1 = vector.load %arg1[%get3A, %get3A_0] : memref<1000x128xf32, #tpu.memory_space<vmem>>, vector<1000x128xf32>
    %get3A_2 = arith.constant 0 : index
    %get3A_3 = arith.constant 0 : index
    %get3A_4 = vector.load %arg2[%get3A_2, %get3A_3] : memref<128x128xf32, #tpu.memory_space<vmem>>, vector<128x128xf32>
    %dot_general3A = arith.constant dense<0.000000e+00> : vector<1000x128xf32>
    %dot_general3A_5 = tpu.matmul %get3A_1, %get3A_4, %dot_general3A {dimension_numbers = #tpu.dot_dimension_numbers<[1], [0], [0], [1], [0, 0, 1, 1], [], []>, transpose_lhs_hint = false} : vector<1000x128xf32>, vector<128x128xf32>, vector<1000x128xf32> -> vector<1000x128xf32>
    %get3A_6 = arith.constant 0 : index
    %get3A_7 = arith.constant 0 : index
    %get3A_8 = vector.load %arg4[%get3A_6, %get3A_7] : memref<1x128xf32, #tpu.memory_space<vmem>>, vector<1x128xf32>
    %add3A = vector.broadcast %get3A_8 : vector<1x128xf32> to vector<1000x128xf32>
    %add3A_9 = arith.addf %dot_general3A_5, %add3A : vector<1000x128xf32>
    %swap3A = arith.constant 0 : index
    %swap3A_10 = arith.constant 0 : index
    %swap3A_11 = vector.load %arg5[%swap3A, %swap3A_10] : memref<1000x128xf32, #tpu.memory_space<vmem>>, vector<1000x128xf32>
    tpu.vector_store %arg5[%swap3A, %swap3A_10], %add3A_9 {strides = array<i32>} : memref<1000x128xf32, #tpu.memory_space<vmem>>, vector<1000x128xf32>,
    %get3A_12 = arith.constant 0 : index
    %get3A_13 = arith.constant 0 : index
    %get3A_14 = vector.load %arg3[%get3A_12, %get3A_13] : memref<128x128xf32, #tpu.memory_space<vmem>>, vector<128x128xf32>
    %dot_general3A_15 = arith.constant dense<0.000000e+00> : vector<1000x128xf32>
    %dot_general3A_16 = tpu.matmul %get3A_1, %get3A_14, %dot_general3A_15 {dimension_numbers = #tpu.dot_dimension_numbers<[1], [0], [0], [1], [0, 0, 1, 1], [], []>, transpose_lhs_hint = false} : vector<1000x128xf32>, vector<128x128xf32>, vector<1000x128xf32> -> vector<1000x128xf32>
    %swap3A_17 = arith.constant 0 : index
    %swap3A_18 = arith.constant 0 : index
    %swap3A_19 = vector.load %arg6[%swap3A_17, %swap3A_18] : memref<1000x128xf32, #tpu.memory_space<vmem>>, vector<1000x128xf32>
    tpu.vector_store %arg6[%swap3A_17, %swap3A_18], %dot_general3A_16 {strides = array<i32>} : memref<1000x128xf32, #tpu.memory_space<vmem>>, vector<1000x128xf32>,
    return
  }
  func.func @transform_0(%arg0: i32) -> (i32, i32) {
    %c0_i32 = arith.constant 0 : i32
    %c0_i32_0 = arith.constant 0 : i32
    return %arg0, %c0_i32 : i32, i32
  }
  func.func @transform_1(%arg0: i32) -> (i32, i32) {
    %c0_i32 = arith.constant 0 : i32
    %c0_i32_0 = arith.constant 0 : i32
    %c0_i32_1 = arith.constant 0 : i32
    return %c0_i32, %c0_i32_0 : i32, i32
  }
  func.func @transform_2(%arg0: i32) -> (i32, i32) {
    %c0_i32 = arith.constant 0 : i32
    %c0_i32_0 = arith.constant 0 : i32
    %c0_i32_1 = arith.constant 0 : i32
    return %c0_i32, %c0_i32_0 : i32, i32
  }
  func.func @transform_3(%arg0: i32) -> (i32, i32) {
    %c0_i32 = arith.constant 0 : i32
    %c0_i32_0 = arith.constant 0 : i32
    %c0_i32_1 = arith.constant 0 : i32
    return %c0_i32, %c0_i32_0 : i32, i32
  }
  func.func @transform_4(%arg0: i32) -> (i32, i32) {
    %c0_i32 = arith.constant 0 : i32
    %c0_i32_0 = arith.constant 0 : i32
    return %arg0, %c0_i32 : i32, i32
  }
  func.func @transform_5(%arg0: i32) -> (i32, i32) {
    %c0_i32 = arith.constant 0 : i32
    %c0_i32_0 = arith.constant 0 : i32
    return %arg0, %c0_i32 : i32, i32
  }
}

module attributes {stable_mosaic.version = 14 : i64} {
  func.func @_k3_body(%arg0: i32, %arg1: memref<3200x128xf32, #tpu.memory_space<vmem>>, %arg2: memref<128x128xf32, #tpu.memory_space<vmem>>, %arg3: memref<1x128xf32, #tpu.memory_space<vmem>>, %arg4: memref<3200x128xf32, #tpu.memory_space<vmem>>) attributes {dimension_semantics = [#tpu.dimension_semantics<arbitrary>], iteration_bounds = array<i64: 100>, scalar_prefetch = 0 : i64, scratch_operands = 0 : i64, tpu.core_type = #tpu.core_type<tc>, window_params = [{transform_indices = @transform_0, window_bounds = array<i64: 3200, 128>}, {pipeline_mode = #tpu.pipeline_mode<synchronous>, transform_indices = @transform_1, window_bounds = array<i64: 128, 128>}, {pipeline_mode = #tpu.pipeline_mode<synchronous>, transform_indices = @transform_2, window_bounds = array<i64: 1, 128>}, {transform_indices = @transform_3, window_bounds = array<i64: 3200, 128>}]} {
    %get3A = arith.constant 0 : index
    %get3A_0 = arith.constant 0 : index
    %get3A_1 = vector.load %arg1[%get3A, %get3A_0] : memref<3200x128xf32, #tpu.memory_space<vmem>>, vector<3200x128xf32>
    %custom_jvp_call3A = arith.constant 0.000000e+00 : f32
    %max3A = vector.broadcast %custom_jvp_call3A : f32 to vector<3200x128xf32>
    %max3A_2 = arith.maximumf %get3A_1, %max3A : vector<3200x128xf32>
    %sub3A = vector.broadcast %custom_jvp_call3A : f32 to vector<3200x128xf32>
    %sub3A_3 = arith.subf %get3A_1, %sub3A : vector<3200x128xf32>
    %ne3A = arith.cmpf one, %sub3A_3, %sub3A_3 : vector<3200x128xf32>
    %add3A = vector.broadcast %custom_jvp_call3A : f32 to vector<3200x128xf32>
    %add3A_4 = arith.addf %get3A_1, %add3A : vector<3200x128xf32>
    %abs3A = math.absf %sub3A_3 : vector<3200x128xf32>
    %neg3A = arith.constant 0.000000e+00 : f32
    %neg3A_5 = vector.broadcast %neg3A : f32 to vector<3200x128xf32>
    %neg3A_6 = arith.subf %neg3A_5, %abs3A : vector<3200x128xf32>
    %exp3A = math.exp %neg3A_6 : vector<3200x128xf32>
    %log1p3A = math.log1p %exp3A : vector<3200x128xf32>
    %add3A_7 = arith.addf %max3A_2, %log1p3A : vector<3200x128xf32>
    %select_n3A = arith.select %ne3A, %add3A_4, %add3A_7 : vector<3200x128xi1>, vector<3200x128xf32>
    %tanh3A = math.tanh %select_n3A : vector<3200x128xf32>
    %mul3A = arith.mulf %get3A_1, %tanh3A : vector<3200x128xf32>
    %get3A_8 = arith.constant 0 : index
    %get3A_9 = arith.constant 0 : index
    %get3A_10 = vector.load %arg2[%get3A_8, %get3A_9] : memref<128x128xf32, #tpu.memory_space<vmem>>, vector<128x128xf32>
    %dot_general3A = arith.constant dense<0.000000e+00> : vector<3200x128xf32>
    %dot_general3A_11 = tpu.matmul %mul3A, %get3A_10, %dot_general3A {dimension_numbers = #tpu.dot_dimension_numbers<[1], [0], [0], [1], [0, 0, 1, 1], [], []>, transpose_lhs_hint = false} : vector<3200x128xf32>, vector<128x128xf32>, vector<3200x128xf32> -> vector<3200x128xf32>
    %get3A_12 = arith.constant 0 : index
    %get3A_13 = arith.constant 0 : index
    %get3A_14 = vector.load %arg3[%get3A_12, %get3A_13] : memref<1x128xf32, #tpu.memory_space<vmem>>, vector<1x128xf32>
    %add3A_15 = vector.broadcast %get3A_14 : vector<1x128xf32> to vector<3200x128xf32>
    %add3A_16 = arith.addf %dot_general3A_11, %add3A_15 : vector<3200x128xf32>
    %swap3A = arith.constant 0 : index
    %swap3A_17 = arith.constant 0 : index
    %swap3A_18 = vector.load %arg4[%swap3A, %swap3A_17] : memref<3200x128xf32, #tpu.memory_space<vmem>>, vector<3200x128xf32>
    tpu.vector_store %arg4[%swap3A, %swap3A_17], %add3A_16 {strides = array<i32>} : memref<3200x128xf32, #tpu.memory_space<vmem>>, vector<3200x128xf32>,
    return
  }
  func.func @transform_0(%arg0: i32) -> (i32, i32) {
    %c0_i32 = arith.constant 0 : i32
    %c0_i32_0 = arith.constant 0 : i32
    return %arg0, %c0_i32 : i32, i32
  }
  func.func @transform_1(%arg0: i32) -> (i32, i32) {
    %c0_i32 = arith.constant 0 : i32
    %c0_i32_0 = arith.constant 0 : i32
    %c0_i32_1 = arith.constant 0 : i32
    return %c0_i32, %c0_i32_0 : i32, i32
  }
  func.func @transform_2(%arg0: i32) -> (i32, i32) {
    %c0_i32 = arith.constant 0 : i32
    %c0_i32_0 = arith.constant 0 : i32
    %c0_i32_1 = arith.constant 0 : i32
    return %c0_i32, %c0_i32_0 : i32, i32
  }
  func.func @transform_3(%arg0: i32) -> (i32, i32) {
    %c0_i32 = arith.constant 0 : i32
    %c0_i32_0 = arith.constant 0 : i32
    return %arg0, %c0_i32 : i32, i32
  }
}

module attributes {stable_mosaic.version = 14 : i64} {
  func.func @_k5_body(%arg0: memref<10240x128xf32, #tpu.memory_space<vmem>>, %arg1: memref<1x128xf32, #tpu.memory_space<vmem>>, %arg2: memref<1x128xf32, #tpu.memory_space<vmem>>, %arg3: memref<10000x128xf32, #tpu.memory_space<vmem>>) attributes {dimension_semantics = [], scalar_prefetch = 0 : i64, scratch_operands = 0 : i64, tpu.core_type = #tpu.core_type<tc>} {
    %get3A = arith.constant 0 : index
    %get3A_0 = arith.constant 0 : index
    %get3A_1 = vector.load %arg0[%get3A, %get3A_0] : memref<10240x128xf32, #tpu.memory_space<vmem>>, vector<10240x128xf32>
    %iota3A = tpu.iota {dimensions = array<i32: 0>} : vector<10240x1xi32>
    %lt3A = arith.constant 10000 : i32
    %lt3A_2 = vector.broadcast %lt3A : i32 to vector<10240x1xi32>
    %lt3A_3 = arith.cmpi slt, %iota3A, %lt3A_2 : vector<10240x1xi32>
    %is_finite3A = tpu.weird %get3A_1 : vector<10240x128xf32> -> vector<10240x128xi1>
    %is_finite3A_4 = arith.constant dense<true> : vector<10240x128xi1>
    %is_finite3A_5 = arith.xori %is_finite3A, %is_finite3A_4 : vector<10240x128xi1>
    %jit3A = arith.constant 0.000000e+00 : f32
    %broadcast_in_dim3A = vector.broadcast %jit3A : f32 to vector<10240x128xf32>
    %select_n3A = arith.select %is_finite3A_5, %get3A_1, %broadcast_in_dim3A : vector<10240x128xi1>, vector<10240x128xf32>
    %jit3A_6 = arith.constant 0.000000e+00 : f32
    %broadcast_in_dim3A_7 = vector.shape_cast %lt3A_3 : vector<10240x1xi1> to vector<10240x1xi1>
    %broadcast_in_dim3A_8 = vector.broadcast %broadcast_in_dim3A_7 : vector<10240x1xi1> to vector<10240x128xi1>
    %broadcast_in_dim3A_9 = vector.broadcast %jit3A_6 : f32 to vector<10240x128xf32>
    %select_n3A_10 = arith.select %broadcast_in_dim3A_8, %select_n3A, %broadcast_in_dim3A_9 : vector<10240x128xi1>, vector<10240x128xf32>
    %reduce_sum3A = arith.constant dense<0.000000e+00> : vector<128xf32>
    %reduce_sum3A_11 = vector.multi_reduction <add>, %select_n3A_10, %reduce_sum3A [0] : vector<10240x128xf32> to vector<128xf32>
    %broadcast_in_dim3A_12 = vector.shape_cast %reduce_sum3A_11 : vector<128xf32> to vector<1x128xf32>
    %mul3A = arith.constant 9.99999974E-5 : f32
    %mul3A_13 = vector.broadcast %mul3A : f32 to vector<1x128xf32>
    %mul3A_14 = arith.mulf %broadcast_in_dim3A_12, %mul3A_13 : vector<1x128xf32>
    %sub3A = vector.broadcast %mul3A_14 : vector<1x128xf32> to vector<10240x128xf32>
    %sub3A_15 = arith.subf %select_n3A_10, %sub3A : vector<10240x128xf32>
    %jit3A_16 = arith.constant 0.000000e+00 : f32
    %broadcast_in_dim3A_17 = vector.shape_cast %lt3A_3 : vector<10240x1xi1> to vector<10240x1xi1>
    %broadcast_in_dim3A_18 = vector.broadcast %broadcast_in_dim3A_17 : vector<10240x1xi1> to vector<10240x128xi1>
    %broadcast_in_dim3A_19 = vector.broadcast %jit3A_16 : f32 to vector<10240x128xf32>
    %select_n3A_20 = arith.select %broadcast_in_dim3A_18, %sub3A_15, %broadcast_in_dim3A_19 : vector<10240x128xi1>, vector<10240x128xf32>
    %mul3A_21 = arith.mulf %select_n3A_20, %select_n3A_20 : vector<10240x128xf32>
    %reduce_sum3A_22 = arith.constant dense<0.000000e+00> : vector<128xf32>
    %reduce_sum3A_23 = vector.multi_reduction <add>, %mul3A_21, %reduce_sum3A_22 [0] : vector<10240x128xf32> to vector<128xf32>
    %broadcast_in_dim3A_24 = vector.shape_cast %reduce_sum3A_23 : vector<128xf32> to vector<1x128xf32>
    %mul3A_25 = arith.constant 9.99999974E-5 : f32
    %mul3A_26 = vector.broadcast %mul3A_25 : f32 to vector<1x128xf32>
    %mul3A_27 = arith.mulf %broadcast_in_dim3A_24, %mul3A_26 : vector<1x128xf32>
    %get3A_28 = arith.constant 0 : index
    %get3A_29 = arith.constant 0 : index
    %get3A_30 = vector.load %arg1[%get3A_28, %get3A_29] : memref<1x128xf32, #tpu.memory_space<vmem>>, vector<1x128xf32>
    %add3A = arith.constant 9.99999974E-6 : f32
    %add3A_31 = vector.broadcast %add3A : f32 to vector<1x128xf32>
    %add3A_32 = arith.addf %mul3A_27, %add3A_31 : vector<1x128xf32>
    %rsqrt3A = math.rsqrt %add3A_32 : vector<1x128xf32>
    %mul3A_33 = arith.mulf %get3A_30, %rsqrt3A : vector<1x128xf32>
    %slice3A = vector.extract_strided_slice %select_n3A_10 {offsets = [0, 0], sizes = [10000, 128], strides = [1, 1]} : vector<10240x128xf32> to vector<10000x128xf32>
    %sub3A_34 = vector.broadcast %mul3A_14 : vector<1x128xf32> to vector<10000x128xf32>
    %sub3A_35 = arith.subf %slice3A, %sub3A_34 : vector<10000x128xf32>
    %mul3A_36 = vector.broadcast %mul3A_33 : vector<1x128xf32> to vector<10000x128xf32>
    %mul3A_37 = arith.mulf %sub3A_35, %mul3A_36 : vector<10000x128xf32>
    %get3A_38 = arith.constant 0 : index
    %get3A_39 = arith.constant 0 : index
    %get3A_40 = vector.load %arg2[%get3A_38, %get3A_39] : memref<1x128xf32, #tpu.memory_space<vmem>>, vector<1x128xf32>
    %add3A_41 = vector.broadcast %get3A_40 : vector<1x128xf32> to vector<10000x128xf32>
    %add3A_42 = arith.addf %mul3A_37, %add3A_41 : vector<10000x128xf32>
    %swap3A = arith.constant 0 : index
    %swap3A_43 = arith.constant 0 : index
    %swap3A_44 = vector.load %arg3[%swap3A, %swap3A_43] : memref<10000x128xf32, #tpu.memory_space<vmem>>, vector<10000x128xf32>
    tpu.vector_store %arg3[%swap3A, %swap3A_43], %add3A_42 {strides = array<i32>} : memref<10000x128xf32, #tpu.memory_space<vmem>>, vector<10000x128xf32>,
    return
  }
}

</mosaic_0001>

<sc_bundles>
// kernel: kernel.10.cloned.1.call-start
scs
__scs_entry_jumppad:
0x0: {  	(pc) =	sbr.rel $0x88, $3  }
0x1: {  	(tag) =	ssettag $0x0;
	lr =	simm.s32 $0x1  }
0x2: {  	[smem:$0x3F98] =	sst lr;
	_ =	strace $0xD0000000  }
0x3: {  	_ = 	snop  }
0x4: {  	_ = 	snop  }
0x5: {  	_ = 	snop  }
0x6: {  	_ = 	snop  }
0x7: {  	_ = 	snop  }
__scs_overlays_trampoline_lowered:
0x8: {  	[smem:$0x3FA7] =	sst s0  }
0x9: {  	[smem:$0x3FA8] =	sst s1  }
0xa: {  	[smem:$0x3FA9] =	sst s2  }
0xb: {  	[smem:$0x3FAA] =	sst s3  }
0xc: {  	[smem:$0x3FAB] =	sst s4  }
0xd: {  	[smem:$0x3FAC] =	sst s5  }
0xe: {  	[smem:$0x3FAD] =	sst s6  }
0xf: {  	[smem:$0x3FAE] =	sst s7  }
0x10: {  	[smem:$0x3FAF] =	sst s8  }
0x11: {  	[smem:$0x3FB0] =	sst s9;
	s0 =	simm.s32 @!p0 $0x0  }
0x12: {  	s1 =	sld [smem:$0x3F96];
	s0 =	simm.s32 @p0 $0x1  }
0x13: {  	[smem:$0x3FB1] =	sst s0;
	s0 =	simm.s32 @!p1 $0x0  }
0x14: {  	s2 =	sld [smem:$0x3F95];
	s0 =	simm.s32 @p1 $0x1  }
0x15: {  	[smem:$0x3FB2] =	sst s0;
	s0 =	simm.s32 @!p2 $0x0  }
0x16: {  	s3 =	sld [smem:$0x3FDB];
	s0 =	simm.s32 @p2 $0x1  }
0x17: {  	s4 =	simm.s32 $0x1BF5;
	[smem:$0x3FB4] =	sst s0  }
0x18: {  	s0 =	sld [smem:$0x3F97];
	_ =	swait.ge [sflag:s4], $0x0  }
0x19: {  	s7 =	sld [smem:$0x3F98]  }
0x1a: {  	s8 =	sadd.s32 $0xFFFFE003, lr  }
0x1b: {  	s9 =	sadd.s32 $0xFFFFFEF7, lr;
	s5 =	simm.s32 $0xFFFFFFFF;
	p2 =	slt.u32 s8, $0xFFFFF086  }
0x1c: {  	p1 =	slt.u32 s9, $0xF7A;
	s5 =	simm.s32 @!p2 $0x0  }
0x1d: {  	s5 =	simm.s32 @p1 $0x1;
	p0 =	seq.s32 s7, s2  }
0x1e: {  	s7 =	smul.u32 @!p0 $0xF7A, s2;
	p2 =	seq.s32 @!p0 s5, $0x0  }
0x1f: {  	s9 =	smul.u32 $0xF7A, s1;
	s8 =	simm.s32 @!p0 $0x1BF5;
	p2 =	por !p2, p0  }
0x20: {  	[sflag:s8] =	ssyncset.s32 @!p0 $0xFFFFF086;
	s6 =	sadd.s32 @!p0 s3, s7;
	s7 =	simm.s32 @!p0 $0x108  }
0x21: {  	s3 =	sadd.s32 s3, s9;
	s6 =	sadd.s32 @!p0 $0x88, s6;
	s7 =	simm.s32 @p2 $0x1082  }
0x22: {  	[simem:s7], [sflag:s8] =	dma.local @!p0 [hbm:s6], $0xF7A  }
0x23: {  	s9 =	sor.u32 $0xD0000000, s2;
	s6 =	simm.s32 $0x108;
	_ =	swait.ge @!p0 [sflag:s8], $0x0  }
0x24: {  	s3 =	sadd.s32 $0x88, s3;
	s6 =	simm.s32 @!p1 $0x1082;
	[sflag:s4] =	ssyncset.s32 $0xFFFFF086  }
0x25: {  	[simem:s6], [sflag:s4] =	dma.local [hbm:s3], $0xF7A  }
0x26: {  	[smem:$0x3F98] =	sst s1;
	(tag) =	ssettag s2;
	_ =	strace s9  }
0x27: {  	s1 =	sld [smem:$0x3FA8]  }
0x28: {  	s2 =	sld [smem:$0x3FA9]  }
0x29: {  	s4 =	sld [smem:$0x3FAB]  }
0x2a: {  	p0 =	seq.s32 s5, $0x0;
	s5 =	sld [smem:$0x3FAC]  }
0x2b: {  	s6 =	sld [smem:$0x3FAD]  }
0x2c: {  	s7 =	sld [smem:$0x3FAE]  }
0x2d: {  	s3 =	simm.s32 $0x108;
	s8 =	sld [smem:$0x3FAF]  }
0x2e: {  	s3 =	simm.s32 @!p0 $0x1082;
	s9 =	sld [smem:$0x3FB0]  }
0x2f: {  	lr =	sadd.s32 s0, s3;
	s0 =	sld [smem:$0x3FA7]  }
0x30: {  	s3 =	sld [smem:$0x3FAA]  }
0x31: {  	[smem:$0x3FB3] =	sst s10  }
0x32: {  	s10 =	sld [smem:$0x3FB1];
	_ =	sdelay $0x3  }
0x33: {  	p0 =	seq.s32 s10, $0x1;
	s10 =	sld [smem:$0x3FB3];
	_ =	sdelay $0x3  }
0x34: {  	[smem:$0x3FB3] =	sst s10  }
0x35: {  	s10 =	sld [smem:$0x3FB2];
	_ =	sdelay $0x3  }
0x36: {  	p1 =	seq.s32 s10, $0x1;
	s10 =	sld [smem:$0x3FB3];
	_ =	sdelay $0x3  }
0x37: {  	[smem:$0x3FB3] =	sst s10  }
0x38: {  	s10 =	sld [smem:$0x3FB4]  }
0x39: {  	_ = 	snop;
	(pc) =	sbr.ind lr, $3  }
0x3a: {  	_ = 	snop  }
0x3b: {  	_ = 	snop  }
0x3c: {  	p2 =	seq.s32 s10, $0x1;
	s10 =	sld [smem:$0x3FB3]  }
0x3d: {  	_ =	shalt  }
0x3e: {  	_ =	shalt  }
0x3f: {  	_ =	shalt  }
0x40: {  	_ =	shalt  }
0x41: {  	_ =	shalt  }
0x42: {  	_ =	shalt  }
0x43: {  	_ =	shalt  }
0x44: {  	_ =	shalt  }
0x45: {  	_ =	shalt  }
0x46: {  	_ =	shalt  }
0x47: {  	_ =	shalt  }
0x48: {  	_ =	shalt  }
0x49: {  	_ =	shalt  }
0x4a: {  	_ =	shalt  }
0x4b: {  	_ =	shalt  }
0x4c: {  	_ =	shalt  }
0x4d: {  	_ =	shalt  }
0x4e: {  	_ =	shalt  }
0x4f: {  	_ =	shalt  }
0x50: {  	_ =	shalt  }
0x51: {  	_ =	shalt  }
0x52: {  	_ =	shalt  }
0x53: {  	_ =	shalt  }
0x54: {  	_ =	shalt  }
0x55: {  	_ =	shalt  }
0x56: {  	_ =	shalt  }
0x57: {  	_ =	shalt  }
0x58: {  	_ =	shalt  }
0x59: {  	_ =	shalt  }
0x5a: {  	_ =	shalt  }
0x5b: {  	_ =	shalt  }
0x5c: {  	_ =	shalt  }
0x5d: {  	_ =	shalt  }
0x5e: {  	_ =	shalt  }
0x5f: {  	_ =	shalt  }
0x60: {  	_ =	shalt  }
0x61: {  	_ =	shalt  }
0x62: {  	_ =	shalt  }
0x63: {  	_ =	shalt  }
0x64: {  	_ =	shalt  }
0x65: {  	_ =	shalt  }
0x66: {  	_ =	shalt  }
0x67: {  	_ =	shalt  }
0x68: {  	_ =	shalt  }
0x69: {  	_ =	shalt  }
0x6a: {  	_ =	shalt  }
0x6b: {  	_ =	shalt  }
0x6c: {  	_ =	shalt  }
0x6d: {  	_ =	shalt  }
0x6e: {  	_ =	shalt  }
0x6f: {  	_ =	shalt  }
0x70: {  	_ =	shalt  }
0x71: {  	_ =	shalt  }
0x72: {  	_ =	shalt  }
0x73: {  	_ =	shalt  }
0x74: {  	_ =	shalt  }
0x75: {  	_ =	shalt  }
0x76: {  	_ =	shalt  }
0x77: {  	_ =	shalt  }
0x78: {  	_ =	shalt  }
0x79: {  	_ =	shalt  }
0x7a: {  	_ =	shalt  }
0x7b: {  	_ =	shalt  }
0x7c: {  	_ =	shalt  }
0x7d: {  	_ =	shalt  }
0x7e: {  	_ =	shalt  }
0x7f: {  	_ =	shalt  }
0x80: {  	_ =	shalt  }
0x81: {  	_ =	shalt  }
0x82: {  	_ =	shalt  }
0x83: {  	_ =	shalt  }
0x84: {  	_ =	shalt  }
0x85: {  	_ =	shalt  }
0x86: {  	_ =	shalt  }
0x87: {  	_ =	shalt  }
.Lfunc_end0:
.L_simem_size_0:
called_computation.1_lowered:
.L_overlay_start_0:
0x88: {  	s2 =	sld [smem:$0x3FD9]  }
0x89: {  	s3 =	sld [smem:$0x3FFE];
	_ =	sdelay $0x1  }
0x8a: {  	s1 =	srdreg.scid  }
0x8b: {  	s0 =	sand.u32 $0x1, s1  }
0x8c: {  	s16 =	sshll.u32 s0, $0xA;
	s2 =	sadd.s32 s3, s2  }
0x8d: {  	s2 =	sadd.s32 s2, s16  }
0x8e: {  	[smem:$0x3FBF] =	sst s2  }
0x8f: {  	_ = 	snop  }
0x90: {  	(tm) =	ssettm $0x1  }
0x91: {  	s17 =	sld [smem:$0x3FFB];
	_ =	sdelay $0x3  }
0x92: {  	_ =	strace s17  }
0x93: {  	s2 =	sld [smem:$0x3FFC];
	_ =	sdelay $0x3  }
0x94: {  	_ =	strace s2  }
0x95: {  	s2 =	sld [smem:$0x3FFD];
	_ =	sdelay $0x3  }
0x96: {  	_ =	strace s2  }
0x97: {  	_ =	strace $0x8FFFFFFF  }
0x98: {  	s18 =	sld [smem:$0x3FDB];
	_ =	sdelay $0x1  }
0x99: {  	s19 =	simm.s32 $_scs_section_size  }
0x9a: {  	s4 =	simm.s32 $_size__tile_overlayer_lowered;
	s5 =	simm.s32 $_tile_overlayer_lowered  }
0x9b: {  	s22 =	simm.s32 $0x1BFF;
	s21 =	sshll.u32 s5, $0x1;
	s2 =	sadd.s32 s19, s18  }
0x9c: {  	s6 =	simm.s32 $0x0;
	s20 =	sshll.u32 s4, $0x1;
	s4 =	sadd.s32 s21, s2  }
0x9d: {  	[timem:s6], [sflag:s22] =	dma.local [hbm:s4], s20  }
0x9e: {  	_ =	swait.ge [sflag:s22], s20  }
0x9f: {  	s3 =	ssub.s32 $0x0, s20;
	[sflag:s22] =	ssyncset.done $0x0  }
0xa0: {  	[sflag:s22] =	ssyncadd.s32 s3;
	_ =	sdelay $0x1  }
0xa1: {  	s23 =	simm.s32 $0x1B8B  }
0xa2: {  	_ =	swait.ge [sflag:s23], $0x1  }
0xa3: {  	[sflag:s23] =	ssyncset.done $0x0  }
0xa4: {  	s25 =	simm.s32 $0x1B8E;
	s24 =	sld [smem:$0x3FFE];
	[sflag:s23] =	ssyncadd.s32 $0xFFFFFFFF  }
0xa5: {  	s26 =	simm.s32 $execute0_lowered;
	[smem:$0x3FD2] =	sst s25  }
0xa6: {  	s4 =	sshll.u32 s26, $0x1;
	_ =	strace $0x80000049;
	[dreg:$0x1] =	wrdreg $0xFFFFFFFF  }
0xa7: {  	s28 =	simm.s32 $_size_execute0_lowered;
	s2 =	sadd.s32 s2, s4;
	[dreg:$0x0] =	wrdreg $0x0  }
0xa8: {  	s4 =	sshll.u32 s28, $0x1;
	[dreg:$0x2] =	wrdreg s2  }
0xa9: {  	[dreg:$0x3] =	wrdreg s4  }
0xaa: {  	[dreg:$0x4] =	wrdreg $0xC0  }
0xab: {  	_ =	task [dreg:s6], $0x5FFFF  }
0xac: {  	[dreg:$0x1] =	wrdreg $0xFFFFFFFF  }
0xad: {  	[dreg:$0x0] =	wrdreg $0x60  }
0xae: {  	[dreg:$0x2] =	wrdreg s24  }
0xaf: {  	[dreg:$0x3] =	wrdreg $0x9  }
0xb0: {  	_ =	task.clear_ibuf [dreg:s6], $0x4FFFF;
	_ =	strace $0x90000049  }
0xb1: {  	s29 =	simm.s32 $0x9;
	_ =	strace $0x8000004B  }
0xb2: {  	_ =	swait.ge [sflag:s29], $0x1  }
0xb3: {  	[sflag:s29] =	ssyncadd.s32 $0xFFFFFFFF  }
0xb4: {  	_ =	strace $0x9000004B  }
0xb5: {  	_ =	sfence  }
0xb6: {  	s30 =	sld [smem:$0x0];
	_ =	sdelay $0x2  }
0xb7: {  	s31 =	sshll.u32 s1, $0xD;
	s1 =	sshrl.u32 s1, $0x2  }
0xb8: {  	s3 =	sand.u32 $0x4000, s31;
	s1 =	sadd.s32 s1, s30  }
0xb9: {  	s0 =	sor.u32 s3, s0;
	s1 =	sshll.u32 s1, $0x11  }
0xba: {  	s0 =	sor.u32 s1, s0  }
0xbb: {  	s0 =	sadd.s32 $0x8F2B, s0  }
0xbc: {  	[sflag:s0] =	ssyncadd.remote.s32 $0x1  }
0xbd: {  	_ =	sfence.sel $0xFFFF  }
0xbe: {  	[dreg:$0x0] =	wrdreg $0xFFFFFFFF;
	(pc) =	sbr.abs _section_cstart, $3  }
0xbf: {  	[dreg:$0x1] =	wrdreg $0xFFFFFFFF  }
0xc0: {  	_ =	task.clear_ibuf [dreg:s6], $0x2FFFF;
	_ =	strace $0x9FFFFFFF  }
0xc1: {  	(tm) =	ssettm $0x7FFFFFFF  }
tec
execute0_lowered:
.L_overlay_start_1:
0x0: {  	(tag) =	ssettag $0x1  }
0x1: {  	s1 =	srdreg.scid;
	s0 =	stileid.u32  }
0x2: {  	s5 =	rddreg [dreg:$0x0];
	s2 =	simm.s32 $0x0;
	s10 =	simm.s32 $0x80  }
0x3: {  	s11 =	simm.s32 $0x1100;
	s4 =	sand.u32 $0x1, s1;
	s3 =	sshll.u32 s0, $0x1  }
0x4: {  	s12 =	simm.s32 $0x1;
	s13 =	simm.s32 $0x5100;
	s6 =	sor.u32 s4, s3  }
0x5: {  	s14 =	simm.s32 $0x0;
	[smem:$0x7FF] =	sst s2;
	s7 =	smul.u32 $0x1400, s6  }
.Ltmp0:
0x6: {  	s1 =	rddreg [dreg:$0x1];
	_ =	strace $0x8000004A;
	(pc) =	sbr.rel .LBB2_1-.Ltmp0, $4  }
0x7: {  	s3 =	sadd.s32 $0x4ED800, s5;
	s8 =	ssub.s32 $0x2, s4;
	s9 =	smul.u32 $0xFFFFFEC0, s6  }
0x8: {  	s4 =	sadd.s32 $0x1A00, s5;
	s31 =	sshrl.u32 s8, $0x1;
	s5 =	sadd.s32 s7, s5  }
0x9: {  	v1 =	vimm.f32 $-Inf;
	s7 =	ssub.s32 s8, s31;
	s8 =	simm.s32 $0x1000;
	v0 =	vmov s9;
	s9 =	simm.s32 $0x1080  }
0xa: {  	v2 =	vimm.s32 $0x0;
	v3 =	vimm.s32 $0x140;
	v4 =	vlaneseq.u32;
	s5 =	sadd.s32 $0xB800, s5;
	s6 =	smax.u32 s7, $0x1;
	s7 =	simm.s32 $0x2  }
.LBB2_13:
0xb: {  	s14 =	sadd.s32 $0x1, s14  }
0xc: {  	p0 =	sne.s32 s14, s6  }
.Ltmp1:
0xd: {  	_ = 	snop;
	(pc) =	sbr.rel @!p0 .LBB2_14-.Ltmp1, $4  }
0xe: {  	[hbm4b:s5+s2] =	stream.linear.scatter [tilespmem:s13], [sflag:$0x2], $0xA000, $0x38;
	[tilespmem:$0xF500] =	vst v63  }
0xf: {  	_ =	swait.ge [sflag:s7], $0xA000  }
0x10: {  	[sflag:s7] =	ssyncset.done $0x0  }
0x11: {  	[sflag:s7] =	ssyncadd.s32 $0xFFFF6000  }
.LBB2_1:
0x12: {  	s15 =	simm.s32 $0x0;
	s16 =	simm.s32 $0x200  }
.LBB2_2:
0x13: {  	p0 =	sne.s32 s16, $0x28E00;
	[tilespmem:s15+$0x5170] =	vst v1  }
0x14: {  	[tilespmem:s15+$0x5100] =	vst v1  }
0x15: {  	[tilespmem:s15+$0x5110] =	vst v1  }
.Ltmp2:
0x16: {  	[tilespmem:s15+$0x5120] =	vst v1;
	(pc) =	sbr.rel @p0 .LBB2_2-.Ltmp2, $4  }
0x17: {  	[tilespmem:s15+$0x5130] =	vst v1  }
0x18: {  	[tilespmem:s15+$0x5140] =	vst v1  }
0x19: {  	[tilespmem:s15+$0x5150] =	vst v1  }
0x1a: {  	[tilespmem:s15+$0x5160] =	vst v1;
	s15 =	sshra.s32 s16, $0x2;
	s16 =	sadd.s32 $0x200, s16  }
0x1b: {  	[tilespmem:s15+$0x5170] =	vst v1  }
0x1c: {  	[tilespmem:s15+$0x5100] =	vst v1  }
0x1d: {  	[tilespmem:s15+$0x5110] =	vst v1  }
0x1e: {  	[tilespmem:s15+$0x5120] =	vst v1  }
0x1f: {  	[tilespmem:s15+$0x5130] =	vst v1  }
0x20: {  	[tilespmem:s15+$0x5140] =	vst v1  }
0x21: {  	[tilespmem:s15+$0x5150] =	vst v1  }
0x22: {  	[tilespmem:s15+$0x5160] =	vst v1  }
0x23: {  	[tilespmem:$0x1000] =	vst v2  }
0x24: {  	[tilespmem:$0x1080] =	vst v3  }
0x25: {  	[tilespmem:$0x1010] =	vst v2  }
0x26: {  	[tilespmem:$0x1090] =	vst v3  }
0x27: {  	[tilespmem:$0x1020] =	vst v2  }
0x28: {  	[tilespmem:$0x10A0] =	vst v3  }
0x29: {  	[tilespmem:$0x1030] =	vst v2  }
0x2a: {  	[tilespmem:$0x10B0] =	vst v3  }
0x2b: {  	[tilespmem:$0x1040] =	vst v2  }
0x2c: {  	[tilespmem:$0x10C0] =	vst v3  }
0x2d: {  	[tilespmem:$0x1050] =	vst v2  }
.Ltmp3:
0x2e: {  	[tilespmem:$0x10D0] =	vst v3;
	(pc) =	sbr.rel .LBB2_4-.Ltmp3, $4  }
0x2f: {  	[tilespmem:$0x1060] =	vst v2  }
0x30: {  	[tilespmem:$0x10E0] =	vst v3  }
0x31: {  	[tilespmem:$0x1070] =	vst v2  }
0x32: {  	s15 =	simm.s32 $0x0;
	s17 =	simm.s32 $0x0;
	s16 =	simm.s32 $0x0;
	[tilespmem:$0x10F0] =	vst v3  }
.LBB2_9:
0x33: {  	s16 =	sadd.s32 $0x1, s16  }
0x34: {  	p0 =	sne.s32 s16, $0x50  }
.Ltmp4:
0x35: {  	_ = 	snop;
	(pc) =	sbr.rel @!p0 .LBB2_10-.Ltmp4, $1  }
0x36: {  	_ =	sdelay $0x3  }
.LBB2_4:
0x37: {  	s18 =	smul.u32 $0xFA0, s16;
	_ =	sdelay $0x1  }
0x38: {  	s19 =	sshrl.u32 s18, $0x3  }
.Ltmp5:
0x39: {  	s19 =	sadd.s32 s4, s19;
	(pc) =	sbr.rel .LBB2_5-.Ltmp5, $4  }
0x3a: {  	[tilespmem:s15], [sflag:$0x2] =	stream.linear.gather [hbm4b:s19+s15], $0xFA0, $0x38;
	[tilespmem:$0xF500] =	vst v63  }
0x3b: {  	_ =	swait.ge [sflag:s7], $0xFA0  }
0x3c: {  	[sflag:s7] =	ssyncset.done $0x0  }
0x3d: {  	s19 =	simm.s32 $0x0;
	[sflag:s7] =	ssyncadd.s32 $0xFFFFF060  }
.LBB2_8:
0x3e: {  	s19 =	sadd.s32 $0x1, s19  }
0x3f: {  	p0 =	sne.s32 s19, $0xFA  }
.Ltmp6:
0x40: {  	_ = 	snop;
	(pc) =	sbr.rel @!p0 .LBB2_9-.Ltmp6, $1  }
0x41: {  	_ =	sdelay $0x3  }
.LBB2_5:
0x42: {  	s20 =	sshll.u32 s19, $0x4  }
0x43: {  	v5 =	vld [tilespmem:s20+$0x0];
	_ =	sdelay $0x4  }
0x44: {  	v5 =	vadd.s32 v0, v5  }
0x45: {  	vm0 =	vlt.u32 v5, $0x140  }
0x46: {  	v6 =	vsel vm0, $0x1, v2  }
0x47: {  	(xrf0) =	vadd.scan.msk.s32 $0xffff, v6;
	_ =	sdelay $0x5  }
0x48: {  	v6, _, _ =	vpop (xrf0)  }
0x49: {  	(v2sf) =	vpush v6, $0xF;
	_ =	sdelay $0xe  }
0x4a: {  	s21 =	sadd.s32 $0xFFFFFFFF, s17;
	s31 =	spop (v2sf)  }
0x4b: {  	v6 =	vadd.s32 s21, v6;
	s17 =	sadd.s32 s17, s31  }
0x4c: {  	p0 =	slt.s32 s17, $0x70  }
.Ltmp7:
0x4d: {  	_ = 	snop;
	(pc) =	sbr.rel @p0 .LBB2_8-.Ltmp7, $4  }
0x4e: {  	s20 =	sadd.s32 s18, s20  }
0x4f: {  	v7 =	vor.u32 s20, v4  }
0x50: {  	[tilespmem:v6+s8+$0x0] =	vst.idx.msk vm0, v7  }
0x51: {  	[tilespmem:v6+s9+$0x0] =	vst.idx.msk vm0, v5  }
0x52: {  	[tilespmem:s11], [sflag:$0x1] =	stream.indirect.gather [hbm4b:s3+s10], $0x80, s8, s10, $0xb8;
	[tilespmem:$0xF500] =	vst v63  }
0x53: {  	_ =	swait.ge [sflag:s12], $0x4000  }
0x54: {  	s17 =	simm.s32 $0x0;
	[sflag:s12] =	ssyncset.done $0x0  }
0x55: {  	s20 =	simm.s32 $0x1500;
	s21 =	simm.s32 $0x0;
	[sflag:s12] =	ssyncadd.s32 $0xFFFFC000  }
.LBB2_7:
0x56: {  	s22 =	sshra.s32 s21, $0x2  }
0x57: {  	v5 =	vld [tilespmem:s22+$0x1080];
	_ =	sdelay $0x4  }
0x58: {  	v5 =	vshll.u32 v5, $0x9  }
0x59: {  	v5 =	vshra.s32 v5, $0x2  }
0x5a: {  	(v2sf) =	vpush v5, $0x0;
	_ =	sdelay $0xe  }
0x5b: {  	v7 =	vld [tilespmem:s20+$0xFFFFFC00];
	s23 =	spop (v2sf)  }
0x5c: {  	v6 =	vld [tilespmem:s23+$0x5100];
	_ =	sdelay $0x4  }
0x5d: {  	v6 =	vmax.f32 v6, v7  }
0x5e: {  	[tilespmem:s23+$0x5100] =	vst v6;
	v6 =	vld [tilespmem:s23+$0x5110]  }
0x5f: {  	v7 =	vld [tilespmem:s20+$0xFFFFFC10];
	_ =	sdelay $0x4  }
0x60: {  	v6 =	vmax.f32 v6, v7  }
0x61: {  	[tilespmem:s23+$0x5110] =	vst v6;
	v6 =	vld [tilespmem:s23+$0x5120]  }
0x62: {  	v7 =	vld [tilespmem:s20+$0xFFFFFC20];
	_ =	sdelay $0x4  }
0x63: {  	v6 =	vmax.f32 v6, v7  }
0x64: {  	[tilespmem:s23+$0x5120] =	vst v6;
	v6 =	vld [tilespmem:s23+$0x5130]  }
0x65: {  	v7 =	vld [tilespmem:s20+$0xFFFFFC30];
	_ =	sdelay $0x4  }
0x66: {  	v6 =	vmax.f32 v6, v7  }
0x67: {  	[tilespmem:s23+$0x5130] =	vst v6;
	v6 =	vld [tilespmem:s23+$0x5140]  }
0x68: {  	v7 =	vld [tilespmem:s20+$0xFFFFFC40];
	_ =	sdelay $0x4  }
0x69: {  	v6 =	vmax.f32 v6, v7  }
0x6a: {  	[tilespmem:s23+$0x5140] =	vst v6;
	v6 =	vld [tilespmem:s23+$0x5150]  }
0x6b: {  	v7 =	vld [tilespmem:s20+$0xFFFFFC50];
	_ =	sdelay $0x4  }
0x6c: {  	(v2sf) =	vpush v5, $0x1;
	v6 =	vmax.f32 v6, v7  }
0x6d: {  	[tilespmem:s23+$0x5150] =	vst v6;
	v6 =	vld [tilespmem:s23+$0x5160]  }
0x6e: {  	v7 =	vld [tilespmem:s20+$0xFFFFFC60];
	_ =	sdelay $0x4  }
0x6f: {  	v6 =	vmax.f32 v6, v7  }
0x70: {  	[tilespmem:s23+$0x5160] =	vst v6;
	v6 =	vld [tilespmem:s23+$0x5170]  }
0x71: {  	v7 =	vld [tilespmem:s20+$0xFFFFFC70];
	_ =	sdelay $0x4  }
0x72: {  	v6 =	vmax.f32 v6, v7  }
0x73: {  	s24 =	spop (v2sf);
	[tilespmem:s23+$0x5170] =	vst v6  }
0x74: {  	v6 =	vld [tilespmem:s24+$0x5100]  }
0x75: {  	v7 =	vld [tilespmem:s20+$0xFFFFFC80];
	_ =	sdelay $0x4  }
0x76: {  	v6 =	vmax.f32 v6, v7  }
0x77: {  	[tilespmem:s24+$0x5100] =	vst v6;
	v6 =	vld [tilespmem:s24+$0x5110]  }
0x78: {  	v7 =	vld [tilespmem:s20+$0xFFFFFC90];
	_ =	sdelay $0x4  }
0x79: {  	v6 =	vmax.f32 v6, v7  }
0x7a: {  	[tilespmem:s24+$0x5110] =	vst v6;
	v6 =	vld [tilespmem:s24+$0x5120]  }
0x7b: {  	v7 =	vld [tilespmem:s20+$0xFFFFFCA0];
	_ =	sdelay $0x4  }
0x7c: {  	v6 =	vmax.f32 v6, v7  }
0x7d: {  	[tilespmem:s24+$0x5120] =	vst v6;
	v6 =	vld [tilespmem:s24+$0x5130]  }
0x7e: {  	v7 =	vld [tilespmem:s20+$0xFFFFFCB0];
	_ =	sdelay $0x4  }
0x7f: {  	v6 =	vmax.f32 v6, v7  }
0x80: {  	[tilespmem:s24+$0x5130] =	vst v6;
	v6 =	vld [tilespmem:s24+$0x5140]  }
0x81: {  	v7 =	vld [tilespmem:s20+$0xFFFFFCC0];
	_ =	sdelay $0x4  }
0x82: {  	v6 =	vmax.f32 v6, v7  }
0x83: {  	[tilespmem:s24+$0x5140] =	vst v6;
	v6 =	vld [tilespmem:s24+$0x5150]  }
0x84: {  	v7 =	vld [tilespmem:s20+$0xFFFFFCD0];
	_ =	sdelay $0x4  }
0x85: {  	(v2sf) =	vpush v5, $0x2;
	v6 =	vmax.f32 v6, v7  }
0x86: {  	[tilespmem:s24+$0x5150] =	vst v6;
	v6 =	vld [tilespmem:s24+$0x5160]  }
0x87: {  	v7 =	vld [tilespmem:s20+$0xFFFFFCE0];
	_ =	sdelay $0x4  }
0x88: {  	v6 =	vmax.f32 v6, v7  }
0x89: {  	[tilespmem:s24+$0x5160] =	vst v6;
	v6 =	vld [tilespmem:s24+$0x5170]  }
0x8a: {  	v7 =	vld [tilespmem:s20+$0xFFFFFCF0];
	_ =	sdelay $0x4  }
0x8b: {  	v6 =	vmax.f32 v6, v7  }
0x8c: {  	s25 =	spop (v2sf);
	[tilespmem:s24+$0x5170] =	vst v6  }
0x8d: {  	v6 =	vld [tilespmem:s25+$0x5100]  }
0x8e: {  	v7 =	vld [tilespmem:s20+$0xFFFFFD00];
	_ =	sdelay $0x4  }
0x8f: {  	v6 =	vmax.f32 v6, v7  }
0x90: {  	[tilespmem:s25+$0x5100] =	vst v6;
	v6 =	vld [tilespmem:s25+$0x5110]  }
0x91: {  	v7 =	vld [tilespmem:s20+$0xFFFFFD10];
	_ =	sdelay $0x4  }
0x92: {  	v6 =	vmax.f32 v6, v7  }
0x93: {  	[tilespmem:s25+$0x5110] =	vst v6;
	v6 =	vld [tilespmem:s25+$0x5120]  }
0x94: {  	v7 =	vld [tilespmem:s20+$0xFFFFFD20];
	_ =	sdelay $0x4  }
0x95: {  	v6 =	vmax.f32 v6, v7  }
0x96: {  	[tilespmem:s25+$0x5120] =	vst v6;
	v6 =	vld [tilespmem:s25+$0x5130]  }
0x97: {  	v7 =	vld [tilespmem:s20+$0xFFFFFD30];
	_ =	sdelay $0x4  }
0x98: {  	v6 =	vmax.f32 v6, v7  }
0x99: {  	[tilespmem:s25+$0x5130] =	vst v6;
	v6 =	vld [tilespmem:s25+$0x5140]  }
0x9a: {  	v7 =	vld [tilespmem:s20+$0xFFFFFD40];
	_ =	sdelay $0x4  }
0x9b: {  	v6 =	vmax.f32 v6, v7  }
0x9c: {  	[tilespmem:s25+$0x5140] =	vst v6;
	v6 =	vld [tilespmem:s25+$0x5150]  }
0x9d: {  	v7 =	vld [tilespmem:s20+$0xFFFFFD50];
	_ =	sdelay $0x4  }
0x9e: {  	(v2sf) =	vpush v5, $0x3;
	v6 =	vmax.f32 v6, v7  }
0x9f: {  	[tilespmem:s25+$0x5150] =	vst v6;
	v6 =	vld [tilespmem:s25+$0x5160]  }
0xa0: {  	v7 =	vld [tilespmem:s20+$0xFFFFFD60];
	_ =	sdelay $0x4  }
0xa1: {  	v6 =	vmax.f32 v6, v7  }
0xa2: {  	[tilespmem:s25+$0x5160] =	vst v6;
	v6 =	vld [tilespmem:s25+$0x5170]  }
0xa3: {  	v7 =	vld [tilespmem:s20+$0xFFFFFD70];
	_ =	sdelay $0x4  }
0xa4: {  	v6 =	vmax.f32 v6, v7  }
0xa5: {  	s26 =	spop (v2sf);
	[tilespmem:s25+$0x5170] =	vst v6  }
0xa6: {  	v6 =	vld [tilespmem:s26+$0x5100]  }
0xa7: {  	v7 =	vld [tilespmem:s20+$0xFFFFFD80];
	_ =	sdelay $0x4  }
0xa8: {  	v6 =	vmax.f32 v6, v7  }
0xa9: {  	[tilespmem:s26+$0x5100] =	vst v6;
	v6 =	vld [tilespmem:s26+$0x5110]  }
0xaa: {  	v7 =	vld [tilespmem:s20+$0xFFFFFD90];
	_ =	sdelay $0x4  }
0xab: {  	v6 =	vmax.f32 v6, v7  }
0xac: {  	[tilespmem:s26+$0x5110] =	vst v6;
	v6 =	vld [tilespmem:s26+$0x5120]  }
0xad: {  	v7 =	vld [tilespmem:s20+$0xFFFFFDA0];
	_ =	sdelay $0x4  }
0xae: {  	v6 =	vmax.f32 v6, v7  }
0xaf: {  	[tilespmem:s26+$0x5120] =	vst v6;
	v6 =	vld [tilespmem:s26+$0x5130]  }
0xb0: {  	v7 =	vld [tilespmem:s20+$0xFFFFFDB0];
	_ =	sdelay $0x4  }
0xb1: {  	v6 =	vmax.f32 v6, v7  }
0xb2: {  	[tilespmem:s26+$0x5130] =	vst v6;
	v6 =	vld [tilespmem:s26+$0x5140]  }
0xb3: {  	v7 =	vld [tilespmem:s20+$0xFFFFFDC0];
	_ =	sdelay $0x4  }
0xb4: {  	v6 =	vmax.f32 v6, v7  }
0xb5: {  	[tilespmem:s26+$0x5140] =	vst v6;
	v6 =	vld [tilespmem:s26+$0x5150]  }
0xb6: {  	v7 =	vld [tilespmem:s20+$0xFFFFFDD0];
	_ =	sdelay $0x4  }
0xb7: {  	(v2sf) =	vpush v5, $0x4;
	v6 =	vmax.f32 v6, v7  }
0xb8: {  	[tilespmem:s26+$0x5150] =	vst v6;
	v6 =	vld [tilespmem:s26+$0x5160]  }
0xb9: {  	v7 =	vld [tilespmem:s20+$0xFFFFFDE0];
	_ =	sdelay $0x4  }
0xba: {  	v6 =	vmax.f32 v6, v7  }
0xbb: {  	[tilespmem:s26+$0x5160] =	vst v6;
	v6 =	vld [tilespmem:s26+$0x5170]  }
0xbc: {  	v7 =	vld [tilespmem:s20+$0xFFFFFDF0];
	_ =	sdelay $0x4  }
0xbd: {  	v6 =	vmax.f32 v6, v7  }
0xbe: {  	s28 =	spop (v2sf);
	[tilespmem:s26+$0x5170] =	vst v6  }
0xbf: {  	v6 =	vld [tilespmem:s28+$0x5100]  }
0xc0: {  	v7 =	vld [tilespmem:s20+$0xFFFFFE00];
	_ =	sdelay $0x4  }
0xc1: {  	v6 =	vmax.f32 v6, v7  }
0xc2: {  	[tilespmem:s28+$0x5100] =	vst v6;
	v6 =	vld [tilespmem:s28+$0x5110]  }
0xc3: {  	v7 =	vld [tilespmem:s20+$0xFFFFFE10];
	_ =	sdelay $0x4  }
0xc4: {  	v6 =	vmax.f32 v6, v7  }
0xc5: {  	[tilespmem:s28+$0x5110] =	vst v6;
	v6 =	vld [tilespmem:s28+$0x5120]  }
0xc6: {  	v7 =	vld [tilespmem:s20+$0xFFFFFE20];
	_ =	sdelay $0x4  }
0xc7: {  	v6 =	vmax.f32 v6, v7  }
0xc8: {  	[tilespmem:s28+$0x5120] =	vst v6;
	v6 =	vld [tilespmem:s28+$0x5130]  }
0xc9: {  	v7 =	vld [tilespmem:s20+$0xFFFFFE30];
	_ =	sdelay $0x4  }
0xca: {  	v6 =	vmax.f32 v6, v7  }
0xcb: {  	[tilespmem:s28+$0x5130] =	vst v6;
	v6 =	vld [tilespmem:s28+$0x5140]  }
0xcc: {  	v7 =	vld [tilespmem:s20+$0xFFFFFE40];
	_ =	sdelay $0x4  }
0xcd: {  	v6 =	vmax.f32 v6, v7  }
0xce: {  	[tilespmem:s28+$0x5140] =	vst v6;
	v6 =	vld [tilespmem:s28+$0x5150]  }
0xcf: {  	v7 =	vld [tilespmem:s20+$0xFFFFFE50];
	_ =	sdelay $0x4  }
0xd0: {  	(v2sf) =	vpush v5, $0x5;
	v6 =	vmax.f32 v6, v7  }
0xd1: {  	[tilespmem:s28+$0x5150] =	vst v6;
	v6 =	vld [tilespmem:s28+$0x5160]  }
0xd2: {  	v7 =	vld [tilespmem:s20+$0xFFFFFE60];
	_ =	sdelay $0x4  }
0xd3: {  	v6 =	vmax.f32 v6, v7  }
0xd4: {  	[tilespmem:s28+$0x5160] =	vst v6;
	v6 =	vld [tilespmem:s28+$0x5170]  }
0xd5: {  	v7 =	vld [tilespmem:s20+$0xFFFFFE70];
	_ =	sdelay $0x4  }
0xd6: {  	v6 =	vmax.f32 v6, v7  }
0xd7: {  	s29 =	spop (v2sf);
	[tilespmem:s28+$0x5170] =	vst v6  }
0xd8: {  	v6 =	vld [tilespmem:s29+$0x5100]  }
0xd9: {  	v7 =	vld [tilespmem:s20+$0xFFFFFE80];
	_ =	sdelay $0x4  }
0xda: {  	v6 =	vmax.f32 v6, v7  }
0xdb: {  	[tilespmem:s29+$0x5100] =	vst v6;
	v6 =	vld [tilespmem:s29+$0x5110]  }
0xdc: {  	v7 =	vld [tilespmem:s20+$0xFFFFFE90];
	_ =	sdelay $0x4  }
0xdd: {  	v6 =	vmax.f32 v6, v7  }
0xde: {  	[tilespmem:s29+$0x5110] =	vst v6;
	v6 =	vld [tilespmem:s29+$0x5120]  }
0xdf: {  	v7 =	vld [tilespmem:s20+$0xFFFFFEA0];
	_ =	sdelay $0x4  }
0xe0: {  	v6 =	vmax.f32 v6, v7  }
0xe1: {  	[tilespmem:s29+$0x5120] =	vst v6;
	v6 =	vld [tilespmem:s29+$0x5130]  }
0xe2: {  	v7 =	vld [tilespmem:s20+$0xFFFFFEB0];
	_ =	sdelay $0x4  }
0xe3: {  	v6 =	vmax.f32 v6, v7  }
0xe4: {  	[tilespmem:s29+$0x5130] =	vst v6;
	v6 =	vld [tilespmem:s29+$0x5140]  }
0xe5: {  	v7 =	vld [tilespmem:s20+$0xFFFFFEC0];
	_ =	sdelay $0x4  }
0xe6: {  	v6 =	vmax.f32 v6, v7  }
0xe7: {  	[tilespmem:s29+$0x5140] =	vst v6;
	v6 =	vld [tilespmem:s29+$0x5150]  }
0xe8: {  	v7 =	vld [tilespmem:s20+$0xFFFFFED0];
	_ =	sdelay $0x4  }
0xe9: {  	(v2sf) =	vpush v5, $0x6;
	v6 =	vmax.f32 v6, v7  }
0xea: {  	[tilespmem:s29+$0x5150] =	vst v6;
	v6 =	vld [tilespmem:s29+$0x5160]  }
0xeb: {  	v7 =	vld [tilespmem:s20+$0xFFFFFEE0];
	_ =	sdelay $0x4  }
0xec: {  	v6 =	vmax.f32 v6, v7  }
0xed: {  	[tilespmem:s29+$0x5160] =	vst v6;
	v6 =	vld [tilespmem:s29+$0x5170]  }
0xee: {  	v7 =	vld [tilespmem:s20+$0xFFFFFEF0];
	_ =	sdelay $0x4  }
0xef: {  	v6 =	vmax.f32 v6, v7  }
0xf0: {  	s30 =	spop (v2sf);
	[tilespmem:s29+$0x5170] =	vst v6  }
0xf1: {  	v6 =	vld [tilespmem:s30+$0x5100]  }
0xf2: {  	v7 =	vld [tilespmem:s20+$0xFFFFFF00];
	_ =	sdelay $0x4  }
0xf3: {  	v6 =	vmax.f32 v6, v7  }
0xf4: {  	[tilespmem:s30+$0x5100] =	vst v6;
	v6 =	vld [tilespmem:s30+$0x5110]  }
0xf5: {  	v7 =	vld [tilespmem:s20+$0xFFFFFF10];
	_ =	sdelay $0x4  }
0xf6: {  	v6 =	vmax.f32 v6, v7  }
0xf7: {  	[tilespmem:s30+$0x5110] =	vst v6;
	v6 =	vld [tilespmem:s30+$0x5120]  }
0xf8: {  	v7 =	vld [tilespmem:s20+$0xFFFFFF20];
	_ =	sdelay $0x4  }
0xf9: {  	v6 =	vmax.f32 v6, v7  }
0xfa: {  	[tilespmem:s30+$0x5120] =	vst v6;
	v6 =	vld [tilespmem:s30+$0x5130]  }
0xfb: {  	v7 =	vld [tilespmem:s20+$0xFFFFFF30];
	_ =	sdelay $0x4  }
0xfc: {  	v6 =	vmax.f32 v6, v7  }
0xfd: {  	[tilespmem:s30+$0x5130] =	vst v6;
	v6 =	vld [tilespmem:s30+$0x5140]  }
0xfe: {  	v7 =	vld [tilespmem:s20+$0xFFFFFF40];
	_ =	sdelay $0x4  }
0xff: {  	v6 =	vmax.f32 v6, v7  }
0x100: {  	[tilespmem:s30+$0x5140] =	vst v6;
	v6 =	vld [tilespmem:s30+$0x5150]  }
0x101: {  	v7 =	vld [tilespmem:s20+$0xFFFFFF50];
	_ =	sdelay $0x4  }
0x102: {  	(v2sf) =	vpush v5, $0x7;
	v6 =	vmax.f32 v6, v7  }
0x103: {  	[tilespmem:s30+$0x5150] =	vst v6;
	v6 =	vld [tilespmem:s30+$0x5160]  }
0x104: {  	v7 =	vld [tilespmem:s20+$0xFFFFFF60];
	_ =	sdelay $0x4  }
0x105: {  	v6 =	vmax.f32 v6, v7  }
0x106: {  	[tilespmem:s30+$0x5160] =	vst v6;
	v6 =	vld [tilespmem:s30+$0x5170]  }
0x107: {  	v7 =	vld [tilespmem:s20+$0xFFFFFF70];
	_ =	sdelay $0x4  }
0x108: {  	v6 =	vmax.f32 v6, v7  }
0x109: {  	s31 =	spop (v2sf);
	[tilespmem:s30+$0x5170] =	vst v6  }
0x10a: {  	v6 =	vld [tilespmem:s31+$0x5100]  }
0x10b: {  	v7 =	vld [tilespmem:s20+$0xFFFFFF80];
	_ =	sdelay $0x4  }
0x10c: {  	v6 =	vmax.f32 v6, v7  }
0x10d: {  	[tilespmem:s31+$0x5100] =	vst v6;
	v6 =	vld [tilespmem:s31+$0x5110]  }
0x10e: {  	v7 =	vld [tilespmem:s20+$0xFFFFFF90];
	_ =	sdelay $0x4  }
0x10f: {  	v6 =	vmax.f32 v6, v7  }
0x110: {  	[tilespmem:s31+$0x5110] =	vst v6;
	v6 =	vld [tilespmem:s31+$0x5120]  }
0x111: {  	v7 =	vld [tilespmem:s20+$0xFFFFFFA0];
	_ =	sdelay $0x4  }
0x112: {  	v6 =	vmax.f32 v6, v7  }
0x113: {  	[tilespmem:s31+$0x5120] =	vst v6;
	v6 =	vld [tilespmem:s31+$0x5130]  }
0x114: {  	v7 =	vld [tilespmem:s20+$0xFFFFFFB0];
	_ =	sdelay $0x4  }
0x115: {  	v6 =	vmax.f32 v6, v7  }
0x116: {  	[tilespmem:s31+$0x5130] =	vst v6;
	v6 =	vld [tilespmem:s31+$0x5140]  }
0x117: {  	v7 =	vld [tilespmem:s20+$0xFFFFFFC0];
	_ =	sdelay $0x4  }
0x118: {  	v6 =	vmax.f32 v6, v7  }
0x119: {  	[tilespmem:s31+$0x5140] =	vst v6;
	v6 =	vld [tilespmem:s31+$0x5150]  }
0x11a: {  	v7 =	vld [tilespmem:s20+$0xFFFFFFD0];
	_ =	sdelay $0x4  }
0x11b: {  	(v2sf) =	vpush v5, $0x8;
	v6 =	vmax.f32 v6, v7  }
0x11c: {  	[tilespmem:s31+$0x5150] =	vst v6;
	v6 =	vld [tilespmem:s31+$0x5160]  }
0x11d: {  	v7 =	vld [tilespmem:s20+$0xFFFFFFE0];
	_ =	sdelay $0x4  }
0x11e: {  	v6 =	vmax.f32 v6, v7  }
0x11f: {  	[tilespmem:s31+$0x5160] =	vst v6;
	v6 =	vld [tilespmem:s31+$0x5170]  }
0x120: {  	v7 =	vld [tilespmem:s20+$0xFFFFFFF0];
	_ =	sdelay $0x4  }
0x121: {  	v6 =	vmax.f32 v6, v7  }
0x122: {  	s23 =	spop (v2sf);
	[tilespmem:s31+$0x5170] =	vst v6  }
0x123: {  	v6 =	vld [tilespmem:s23+$0x5100]  }
0x124: {  	v7 =	vld [tilespmem:s20+$0x0];
	_ =	sdelay $0x4  }
0x125: {  	v6 =	vmax.f32 v6, v7  }
0x126: {  	[tilespmem:s23+$0x5100] =	vst v6;
	v6 =	vld [tilespmem:s23+$0x5110]  }
0x127: {  	v7 =	vld [tilespmem:s20+$0x10];
	_ =	sdelay $0x4  }
0x128: {  	v6 =	vmax.f32 v6, v7  }
0x129: {  	[tilespmem:s23+$0x5110] =	vst v6;
	v6 =	vld [tilespmem:s23+$0x5120]  }
0x12a: {  	v7 =	vld [tilespmem:s20+$0x20];
	_ =	sdelay $0x4  }
0x12b: {  	v6 =	vmax.f32 v6, v7  }
0x12c: {  	[tilespmem:s23+$0x5120] =	vst v6;
	v6 =	vld [tilespmem:s23+$0x5130]  }
0x12d: {  	v7 =	vld [tilespmem:s20+$0x30];
	_ =	sdelay $0x4  }
0x12e: {  	v6 =	vmax.f32 v6, v7  }
0x12f: {  	[tilespmem:s23+$0x5130] =	vst v6;
	v6 =	vld [tilespmem:s23+$0x5140]  }
0x130: {  	v7 =	vld [tilespmem:s20+$0x40];
	_ =	sdelay $0x4  }
0x131: {  	v6 =	vmax.f32 v6, v7  }
0x132: {  	[tilespmem:s23+$0x5140] =	vst v6;
	v6 =	vld [tilespmem:s23+$0x5150]  }
0x133: {  	v7 =	vld [tilespmem:s20+$0x50];
	_ =	sdelay $0x4  }
0x134: {  	(v2sf) =	vpush v5, $0x9;
	v6 =	vmax.f32 v6, v7  }
0x135: {  	[tilespmem:s23+$0x5150] =	vst v6;
	v6 =	vld [tilespmem:s23+$0x5160]  }
0x136: {  	v7 =	vld [tilespmem:s20+$0x60];
	_ =	sdelay $0x4  }
0x137: {  	v6 =	vmax.f32 v6, v7  }
0x138: {  	[tilespmem:s23+$0x5160] =	vst v6;
	v6 =	vld [tilespmem:s23+$0x5170]  }
0x139: {  	v7 =	vld [tilespmem:s20+$0x70];
	_ =	sdelay $0x4  }
0x13a: {  	v6 =	vmax.f32 v6, v7  }
0x13b: {  	s24 =	spop (v2sf);
	[tilespmem:s23+$0x5170] =	vst v6  }
0x13c: {  	v6 =	vld [tilespmem:s24+$0x5100]  }
0x13d: {  	v7 =	vld [tilespmem:s20+$0x80];
	_ =	sdelay $0x4  }
0x13e: {  	v6 =	vmax.f32 v6, v7  }
0x13f: {  	[tilespmem:s24+$0x5100] =	vst v6;
	v6 =	vld [tilespmem:s24+$0x5110]  }
0x140: {  	v7 =	vld [tilespmem:s20+$0x90];
	_ =	sdelay $0x4  }
0x141: {  	v6 =	vmax.f32 v6, v7  }
0x142: {  	[tilespmem:s24+$0x5110] =	vst v6;
	v6 =	vld [tilespmem:s24+$0x5120]  }
0x143: {  	v7 =	vld [tilespmem:s20+$0xA0];
	_ =	sdelay $0x4  }
0x144: {  	v6 =	vmax.f32 v6, v7  }
0x145: {  	[tilespmem:s24+$0x5120] =	vst v6;
	v6 =	vld [tilespmem:s24+$0x5130]  }
0x146: {  	v7 =	vld [tilespmem:s20+$0xB0];
	_ =	sdelay $0x4  }
0x147: {  	v6 =	vmax.f32 v6, v7  }
0x148: {  	[tilespmem:s24+$0x5130] =	vst v6;
	v6 =	vld [tilespmem:s24+$0x5140]  }
0x149: {  	v7 =	vld [tilespmem:s20+$0xC0];
	_ =	sdelay $0x4  }
0x14a: {  	v6 =	vmax.f32 v6, v7  }
0x14b: {  	[tilespmem:s24+$0x5140] =	vst v6;
	v6 =	vld [tilespmem:s24+$0x5150]  }
0x14c: {  	v7 =	vld [tilespmem:s20+$0xD0];
	_ =	sdelay $0x4  }
0x14d: {  	(v2sf) =	vpush v5, $0xA;
	v6 =	vmax.f32 v6, v7  }
0x14e: {  	[tilespmem:s24+$0x5150] =	vst v6;
	v6 =	vld [tilespmem:s24+$0x5160]  }
0x14f: {  	v7 =	vld [tilespmem:s20+$0xE0];
	_ =	sdelay $0x4  }
0x150: {  	v6 =	vmax.f32 v6, v7  }
0x151: {  	[tilespmem:s24+$0x5160] =	vst v6;
	v6 =	vld [tilespmem:s24+$0x5170]  }
0x152: {  	v7 =	vld [tilespmem:s20+$0xF0];
	_ =	sdelay $0x4  }
0x153: {  	v6 =	vmax.f32 v6, v7  }
0x154: {  	s25 =	spop (v2sf);
	[tilespmem:s24+$0x5170] =	vst v6  }
0x155: {  	v6 =	vld [tilespmem:s25+$0x5100]  }
0x156: {  	v7 =	vld [tilespmem:s20+$0x100];
	_ =	sdelay $0x4  }
0x157: {  	v6 =	vmax.f32 v6, v7  }
0x158: {  	[tilespmem:s25+$0x5100] =	vst v6;
	v6 =	vld [tilespmem:s25+$0x5110]  }
0x159: {  	v7 =	vld [tilespmem:s20+$0x110];
	_ =	sdelay $0x4  }
0x15a: {  	v6 =	vmax.f32 v6, v7  }
0x15b: {  	[tilespmem:s25+$0x5110] =	vst v6;
	v6 =	vld [tilespmem:s25+$0x5120]  }
0x15c: {  	v7 =	vld [tilespmem:s20+$0x120];
	_ =	sdelay $0x4  }
0x15d: {  	v6 =	vmax.f32 v6, v7  }
0x15e: {  	[tilespmem:s25+$0x5120] =	vst v6;
	v6 =	vld [tilespmem:s25+$0x5130]  }
0x15f: {  	v7 =	vld [tilespmem:s20+$0x130];
	_ =	sdelay $0x4  }
0x160: {  	v6 =	vmax.f32 v6, v7  }
0x161: {  	[tilespmem:s25+$0x5130] =	vst v6;
	v6 =	vld [tilespmem:s25+$0x5140]  }
0x162: {  	v7 =	vld [tilespmem:s20+$0x140];
	_ =	sdelay $0x4  }
0x163: {  	v6 =	vmax.f32 v6, v7  }
0x164: {  	[tilespmem:s25+$0x5140] =	vst v6;
	v6 =	vld [tilespmem:s25+$0x5150]  }
0x165: {  	v7 =	vld [tilespmem:s20+$0x150];
	_ =	sdelay $0x4  }
0x166: {  	(v2sf) =	vpush v5, $0xB;
	v6 =	vmax.f32 v6, v7  }
0x167: {  	[tilespmem:s25+$0x5150] =	vst v6;
	v6 =	vld [tilespmem:s25+$0x5160]  }
0x168: {  	v7 =	vld [tilespmem:s20+$0x160];
	_ =	sdelay $0x4  }
0x169: {  	v6 =	vmax.f32 v6, v7  }
0x16a: {  	[tilespmem:s25+$0x5160] =	vst v6;
	v6 =	vld [tilespmem:s25+$0x5170]  }
0x16b: {  	v7 =	vld [tilespmem:s20+$0x170];
	_ =	sdelay $0x4  }
0x16c: {  	v6 =	vmax.f32 v6, v7  }
0x16d: {  	s26 =	spop (v2sf);
	[tilespmem:s25+$0x5170] =	vst v6  }
0x16e: {  	v6 =	vld [tilespmem:s26+$0x5100]  }
0x16f: {  	v7 =	vld [tilespmem:s20+$0x180];
	_ =	sdelay $0x4  }
0x170: {  	v6 =	vmax.f32 v6, v7  }
0x171: {  	[tilespmem:s26+$0x5100] =	vst v6;
	v6 =	vld [tilespmem:s26+$0x5110]  }
0x172: {  	v7 =	vld [tilespmem:s20+$0x190];
	_ =	sdelay $0x4  }
0x173: {  	v6 =	vmax.f32 v6, v7  }
0x174: {  	[tilespmem:s26+$0x5110] =	vst v6;
	v6 =	vld [tilespmem:s26+$0x5120]  }
0x175: {  	v7 =	vld [tilespmem:s20+$0x1A0];
	_ =	sdelay $0x4  }
0x176: {  	v6 =	vmax.f32 v6, v7  }
0x177: {  	[tilespmem:s26+$0x5120] =	vst v6;
	v6 =	vld [tilespmem:s26+$0x5130]  }
0x178: {  	v7 =	vld [tilespmem:s20+$0x1B0];
	_ =	sdelay $0x4  }
0x179: {  	v6 =	vmax.f32 v6, v7  }
0x17a: {  	[tilespmem:s26+$0x5130] =	vst v6;
	v6 =	vld [tilespmem:s26+$0x5140]  }
0x17b: {  	v7 =	vld [tilespmem:s20+$0x1C0];
	_ =	sdelay $0x4  }
0x17c: {  	v6 =	vmax.f32 v6, v7  }
0x17d: {  	[tilespmem:s26+$0x5140] =	vst v6;
	v6 =	vld [tilespmem:s26+$0x5150]  }
0x17e: {  	v7 =	vld [tilespmem:s20+$0x1D0];
	_ =	sdelay $0x4  }
0x17f: {  	(v2sf) =	vpush v5, $0xC;
	v6 =	vmax.f32 v6, v7  }
0x180: {  	[tilespmem:s26+$0x5150] =	vst v6;
	v6 =	vld [tilespmem:s26+$0x5160]  }
0x181: {  	v7 =	vld [tilespmem:s20+$0x1E0];
	_ =	sdelay $0x4  }
0x182: {  	v6 =	vmax.f32 v6, v7  }
0x183: {  	[tilespmem:s26+$0x5160] =	vst v6;
	v6 =	vld [tilespmem:s26+$0x5170]  }
0x184: {  	v7 =	vld [tilespmem:s20+$0x1F0];
	_ =	sdelay $0x4  }
0x185: {  	v6 =	vmax.f32 v6, v7  }
0x186: {  	s28 =	spop (v2sf);
	[tilespmem:s26+$0x5170] =	vst v6  }
0x187: {  	v6 =	vld [tilespmem:s28+$0x5100]  }
0x188: {  	v7 =	vld [tilespmem:s20+$0x200];
	_ =	sdelay $0x4  }
0x189: {  	v6 =	vmax.f32 v6, v7  }
0x18a: {  	[tilespmem:s28+$0x5100] =	vst v6;
	v6 =	vld [tilespmem:s28+$0x5110]  }
0x18b: {  	v7 =	vld [tilespmem:s20+$0x210];
	_ =	sdelay $0x4  }
0x18c: {  	v6 =	vmax.f32 v6, v7  }
0x18d: {  	[tilespmem:s28+$0x5110] =	vst v6;
	v6 =	vld [tilespmem:s28+$0x5120]  }
0x18e: {  	v7 =	vld [tilespmem:s20+$0x220];
	_ =	sdelay $0x4  }
0x18f: {  	v6 =	vmax.f32 v6, v7  }
0x190: {  	[tilespmem:s28+$0x5120] =	vst v6;
	v6 =	vld [tilespmem:s28+$0x5130]  }
0x191: {  	v7 =	vld [tilespmem:s20+$0x230];
	_ =	sdelay $0x4  }
0x192: {  	v6 =	vmax.f32 v6, v7  }
0x193: {  	[tilespmem:s28+$0x5130] =	vst v6;
	v6 =	vld [tilespmem:s28+$0x5140]  }
0x194: {  	v7 =	vld [tilespmem:s20+$0x240];
	_ =	sdelay $0x4  }
0x195: {  	v6 =	vmax.f32 v6, v7  }
0x196: {  	[tilespmem:s28+$0x5140] =	vst v6;
	v6 =	vld [tilespmem:s28+$0x5150]  }
0x197: {  	v7 =	vld [tilespmem:s20+$0x250];
	_ =	sdelay $0x4  }
0x198: {  	(v2sf) =	vpush v5, $0xD;
	v6 =	vmax.f32 v6, v7  }
0x199: {  	[tilespmem:s28+$0x5150] =	vst v6;
	v6 =	vld [tilespmem:s28+$0x5160]  }
0x19a: {  	v7 =	vld [tilespmem:s20+$0x260];
	_ =	sdelay $0x4  }
0x19b: {  	v6 =	vmax.f32 v6, v7  }
0x19c: {  	[tilespmem:s28+$0x5160] =	vst v6;
	v6 =	vld [tilespmem:s28+$0x5170]  }
0x19d: {  	v7 =	vld [tilespmem:s20+$0x270];
	_ =	sdelay $0x4  }
0x19e: {  	v6 =	vmax.f32 v6, v7  }
0x19f: {  	s29 =	spop (v2sf);
	[tilespmem:s28+$0x5170] =	vst v6  }
0x1a0: {  	v6 =	vld [tilespmem:s29+$0x5100]  }
0x1a1: {  	v7 =	vld [tilespmem:s20+$0x280];
	_ =	sdelay $0x4  }
0x1a2: {  	v6 =	vmax.f32 v6, v7  }
0x1a3: {  	[tilespmem:s29+$0x5100] =	vst v6;
	v6 =	vld [tilespmem:s29+$0x5110]  }
0x1a4: {  	v7 =	vld [tilespmem:s20+$0x290];
	_ =	sdelay $0x4  }
0x1a5: {  	v6 =	vmax.f32 v6, v7  }
0x1a6: {  	[tilespmem:s29+$0x5110] =	vst v6;
	v6 =	vld [tilespmem:s29+$0x5120]  }
0x1a7: {  	v7 =	vld [tilespmem:s20+$0x2A0];
	_ =	sdelay $0x4  }
0x1a8: {  	v6 =	vmax.f32 v6, v7  }
0x1a9: {  	[tilespmem:s29+$0x5120] =	vst v6;
	v6 =	vld [tilespmem:s29+$0x5130]  }
0x1aa: {  	v7 =	vld [tilespmem:s20+$0x2B0];
	_ =	sdelay $0x4  }
0x1ab: {  	v6 =	vmax.f32 v6, v7  }
0x1ac: {  	[tilespmem:s29+$0x5130] =	vst v6;
	v6 =	vld [tilespmem:s29+$0x5140]  }
0x1ad: {  	v7 =	vld [tilespmem:s20+$0x2C0];
	_ =	sdelay $0x4  }
0x1ae: {  	v6 =	vmax.f32 v6, v7  }
0x1af: {  	[tilespmem:s29+$0x5140] =	vst v6;
	v6 =	vld [tilespmem:s29+$0x5150]  }
0x1b0: {  	v7 =	vld [tilespmem:s20+$0x2D0];
	_ =	sdelay $0x4  }
0x1b1: {  	(v2sf) =	vpush v5, $0xE;
	v6 =	vmax.f32 v6, v7  }
0x1b2: {  	[tilespmem:s29+$0x5150] =	vst v6;
	v6 =	vld [tilespmem:s29+$0x5160]  }
0x1b3: {  	v7 =	vld [tilespmem:s20+$0x2E0];
	_ =	sdelay $0x4  }
0x1b4: {  	v6 =	vmax.f32 v6, v7  }
0x1b5: {  	[tilespmem:s29+$0x5160] =	vst v6;
	v6 =	vld [tilespmem:s29+$0x5170]  }
0x1b6: {  	v7 =	vld [tilespmem:s20+$0x2F0];
	_ =	sdelay $0x4  }
0x1b7: {  	v6 =	vmax.f32 v6, v7  }
0x1b8: {  	s30 =	spop (v2sf);
	[tilespmem:s29+$0x5170] =	vst v6  }
0x1b9: {  	v6 =	vld [tilespmem:s30+$0x5100]  }
0x1ba: {  	v7 =	vld [tilespmem:s20+$0x300];
	_ =	sdelay $0x4  }
0x1bb: {  	v6 =	vmax.f32 v6, v7  }
0x1bc: {  	[tilespmem:s30+$0x5100] =	vst v6;
	v6 =	vld [tilespmem:s30+$0x5110]  }
0x1bd: {  	v7 =	vld [tilespmem:s20+$0x310];
	_ =	sdelay $0x4  }
0x1be: {  	v6 =	vmax.f32 v6, v7  }
0x1bf: {  	[tilespmem:s30+$0x5110] =	vst v6;
	v6 =	vld [tilespmem:s30+$0x5120]  }
0x1c0: {  	v7 =	vld [tilespmem:s20+$0x320];
	_ =	sdelay $0x4  }
0x1c1: {  	v6 =	vmax.f32 v6, v7  }
0x1c2: {  	[tilespmem:s30+$0x5120] =	vst v6;
	v6 =	vld [tilespmem:s30+$0x5130]  }
0x1c3: {  	v7 =	vld [tilespmem:s20+$0x330];
	_ =	sdelay $0x4  }
0x1c4: {  	v6 =	vmax.f32 v6, v7  }
0x1c5: {  	[tilespmem:s30+$0x5130] =	vst v6;
	v6 =	vld [tilespmem:s30+$0x5140]  }
0x1c6: {  	v7 =	vld [tilespmem:s20+$0x340];
	_ =	sdelay $0x4  }
0x1c7: {  	v6 =	vmax.f32 v6, v7  }
0x1c8: {  	[tilespmem:s30+$0x5140] =	vst v6;
	v6 =	vld [tilespmem:s30+$0x5150]  }
0x1c9: {  	v7 =	vld [tilespmem:s20+$0x350];
	_ =	sdelay $0x4  }
0x1ca: {  	(v2sf) =	vpush v5, $0xF;
	v6 =	vmax.f32 v6, v7  }
0x1cb: {  	v5 =	vld [tilespmem:s30+$0x5160];
	[tilespmem:s30+$0x5150] =	vst v6  }
0x1cc: {  	v6 =	vld [tilespmem:s20+$0x360];
	_ =	sdelay $0x4  }
0x1cd: {  	v5 =	vmax.f32 v5, v6  }
0x1ce: {  	[tilespmem:s30+$0x5160] =	vst v5;
	v5 =	vld [tilespmem:s30+$0x5170]  }
0x1cf: {  	v6 =	vld [tilespmem:s20+$0x370];
	_ =	sdelay $0x4  }
0x1d0: {  	v5 =	vmax.f32 v5, v6  }
0x1d1: {  	s31 =	spop (v2sf);
	[tilespmem:s30+$0x5170] =	vst v5  }
0x1d2: {  	v5 =	vld [tilespmem:s31+$0x5100]  }
0x1d3: {  	v6 =	vld [tilespmem:s20+$0x380];
	_ =	sdelay $0x4  }
0x1d4: {  	v5 =	vmax.f32 v5, v6  }
0x1d5: {  	[tilespmem:s31+$0x5100] =	vst v5;
	v5 =	vld [tilespmem:s31+$0x5110]  }
0x1d6: {  	v6 =	vld [tilespmem:s20+$0x390];
	_ =	sdelay $0x4  }
0x1d7: {  	v5 =	vmax.f32 v5, v6  }
0x1d8: {  	[tilespmem:s31+$0x5110] =	vst v5;
	v5 =	vld [tilespmem:s31+$0x5120]  }
0x1d9: {  	v6 =	vld [tilespmem:s20+$0x3A0];
	_ =	sdelay $0x4  }
0x1da: {  	v5 =	vmax.f32 v5, v6  }
0x1db: {  	[tilespmem:s31+$0x5120] =	vst v5;
	v5 =	vld [tilespmem:s31+$0x5130]  }
0x1dc: {  	v6 =	vld [tilespmem:s20+$0x3B0];
	_ =	sdelay $0x4  }
0x1dd: {  	v5 =	vmax.f32 v5, v6  }
0x1de: {  	[tilespmem:s31+$0x5130] =	vst v5;
	v5 =	vld [tilespmem:s31+$0x5140]  }
0x1df: {  	v6 =	vld [tilespmem:s20+$0x3C0];
	_ =	sdelay $0x4  }
0x1e0: {  	v5 =	vmax.f32 v5, v6  }
0x1e1: {  	[tilespmem:s31+$0x5140] =	vst v5;
	v5 =	vld [tilespmem:s31+$0x5150]  }
0x1e2: {  	v6 =	vld [tilespmem:s20+$0x3D0];
	_ =	sdelay $0x4  }
0x1e3: {  	v5 =	vmax.f32 v5, v6  }
0x1e4: {  	[tilespmem:s31+$0x5150] =	vst v5;
	v5 =	vld [tilespmem:s31+$0x5160]  }
0x1e5: {  	v6 =	vld [tilespmem:s20+$0x3E0];
	_ =	sdelay $0x4  }
0x1e6: {  	v5 =	vmax.f32 v5, v6  }
0x1e7: {  	[tilespmem:s31+$0x5160] =	vst v5;
	v5 =	vld [tilespmem:s31+$0x5170]  }
0x1e8: {  	v6 =	vld [tilespmem:s20+$0x3F0]  }
0x1e9: {  	p0 =	sne.s32 s21, $0x1C0  }
.Ltmp8:
0x1ea: {  	_ = 	snop;
	(pc) =	sbr.rel @p0 .LBB2_7-.Ltmp8, $3  }
0x1eb: {  	_ =	sdelay $0x1  }
0x1ec: {  	v5 =	vmax.f32 v5, v6  }
0x1ed: {  	s21 =	sadd.s32 $0x40, s21;
	s20 =	sadd.s32 $0x800, s20;
	[tilespmem:s31+$0x5170] =	vst v5  }
.Ltmp9:
0x1ee: {  	_ = 	snop;
	(pc) =	sbr.rel .LBB2_8-.Ltmp9, $1  }
0x1ef: {  	_ =	sdelay $0x3  }
.LBB2_10:
0x1f0: {  	p0 =	slt.s32 s17, $0x1  }
.Ltmp10:
0x1f1: {  	_ = 	snop;
	(pc) =	sbr.rel @p0 .LBB2_13-.Ltmp10, $1  }
0x1f2: {  	_ =	sdelay $0x3  }
0x1f3: {  	[tilespmem:s11], [sflag:$0x1] =	stream.indirect.gather [hbm4b:s3+s10], $0x80, s8, s10, $0xb8;
	[tilespmem:$0xF500] =	vst v63  }
0x1f4: {  	_ =	swait.ge [sflag:s12], $0x4000  }
0x1f5: {  	[sflag:s12] =	ssyncset.done $0x0  }
0x1f6: {  	s15 =	simm.s32 $0x0;
	s16 =	simm.s32 $0x1500;
	[sflag:s12] =	ssyncadd.s32 $0xFFFFC000  }
.LBB2_12:
0x1f7: {  	s17 =	sshra.s32 s15, $0x2  }
0x1f8: {  	v5 =	vld [tilespmem:s17+$0x1080];
	_ =	sdelay $0x4  }
0x1f9: {  	v5 =	vshll.u32 v5, $0x9  }
0x1fa: {  	v5 =	vshra.s32 v5, $0x2  }
0x1fb: {  	(v2sf) =	vpush v5, $0x0;
	_ =	sdelay $0xe  }
0x1fc: {  	v7 =	vld [tilespmem:s16+$0xFFFFFC00];
	s29 =	spop (v2sf)  }
0x1fd: {  	v6 =	vld [tilespmem:s29+$0x5100];
	_ =	sdelay $0x4  }
0x1fe: {  	v6 =	vmax.f32 v6, v7  }
0x1ff: {  	[tilespmem:s29+$0x5100] =	vst v6;
	v6 =	vld [tilespmem:s29+$0x5110]  }
0x200: {  	v7 =	vld [tilespmem:s16+$0xFFFFFC10];
	_ =	sdelay $0x4  }
0x201: {  	v6 =	vmax.f32 v6, v7  }
0x202: {  	[tilespmem:s29+$0x5110] =	vst v6;
	v6 =	vld [tilespmem:s29+$0x5120]  }
0x203: {  	v7 =	vld [tilespmem:s16+$0xFFFFFC20];
	_ =	sdelay $0x4  }
0x204: {  	v6 =	vmax.f32 v6, v7  }
0x205: {  	[tilespmem:s29+$0x5120] =	vst v6;
	v6 =	vld [tilespmem:s29+$0x5130]  }
0x206: {  	v7 =	vld [tilespmem:s16+$0xFFFFFC30];
	_ =	sdelay $0x4  }
0x207: {  	v6 =	vmax.f32 v6, v7  }
0x208: {  	[tilespmem:s29+$0x5130] =	vst v6;
	v6 =	vld [tilespmem:s29+$0x5140]  }
0x209: {  	v7 =	vld [tilespmem:s16+$0xFFFFFC40];
	_ =	sdelay $0x4  }
0x20a: {  	v6 =	vmax.f32 v6, v7  }
0x20b: {  	[tilespmem:s29+$0x5140] =	vst v6;
	v6 =	vld [tilespmem:s29+$0x5150]  }
0x20c: {  	v7 =	vld [tilespmem:s16+$0xFFFFFC50];
	_ =	sdelay $0x4  }
0x20d: {  	(v2sf) =	vpush v5, $0x1;
	v6 =	vmax.f32 v6, v7  }
0x20e: {  	[tilespmem:s29+$0x5150] =	vst v6;
	v6 =	vld [tilespmem:s29+$0x5160]  }
0x20f: {  	v7 =	vld [tilespmem:s16+$0xFFFFFC60];
	_ =	sdelay $0x4  }
0x210: {  	v6 =	vmax.f32 v6, v7  }
0x211: {  	[tilespmem:s29+$0x5160] =	vst v6;
	v6 =	vld [tilespmem:s29+$0x5170]  }
0x212: {  	v7 =	vld [tilespmem:s16+$0xFFFFFC70];
	_ =	sdelay $0x4  }
0x213: {  	v6 =	vmax.f32 v6, v7  }
0x214: {  	s30 =	spop (v2sf);
	[tilespmem:s29+$0x5170] =	vst v6  }
0x215: {  	v6 =	vld [tilespmem:s30+$0x5100]  }
0x216: {  	v7 =	vld [tilespmem:s16+$0xFFFFFC80];
	_ =	sdelay $0x4  }
0x217: {  	v6 =	vmax.f32 v6, v7  }
0x218: {  	[tilespmem:s30+$0x5100] =	vst v6;
	v6 =	vld [tilespmem:s30+$0x5110]  }
0x219: {  	v7 =	vld [tilespmem:s16+$0xFFFFFC90];
	_ =	sdelay $0x4  }
0x21a: {  	v6 =	vmax.f32 v6, v7  }
0x21b: {  	[tilespmem:s30+$0x5110] =	vst v6;
	v6 =	vld [tilespmem:s30+$0x5120]  }
0x21c: {  	v7 =	vld [tilespmem:s16+$0xFFFFFCA0];
	_ =	sdelay $0x4  }
0x21d: {  	v6 =	vmax.f32 v6, v7  }
0x21e: {  	[tilespmem:s30+$0x5120] =	vst v6;
	v6 =	vld [tilespmem:s30+$0x5130]  }
0x21f: {  	v7 =	vld [tilespmem:s16+$0xFFFFFCB0];
	_ =	sdelay $0x4  }
0x220: {  	v6 =	vmax.f32 v6, v7  }
0x221: {  	[tilespmem:s30+$0x5130] =	vst v6;
	v6 =	vld [tilespmem:s30+$0x5140]  }
0x222: {  	v7 =	vld [tilespmem:s16+$0xFFFFFCC0];
	_ =	sdelay $0x4  }
0x223: {  	v6 =	vmax.f32 v6, v7  }
0x224: {  	[tilespmem:s30+$0x5140] =	vst v6;
	v6 =	vld [tilespmem:s30+$0x5150]  }
0x225: {  	v7 =	vld [tilespmem:s16+$0xFFFFFCD0];
	_ =	sdelay $0x4  }
0x226: {  	(v2sf) =	vpush v5, $0x2;
	v6 =	vmax.f32 v6, v7  }
0x227: {  	[tilespmem:s30+$0x5150] =	vst v6;
	v6 =	vld [tilespmem:s30+$0x5160]  }
0x228: {  	v7 =	vld [tilespmem:s16+$0xFFFFFCE0];
	_ =	sdelay $0x4  }
0x229: {  	v6 =	vmax.f32 v6, v7  }
0x22a: {  	[tilespmem:s30+$0x5160] =	vst v6;
	v6 =	vld [tilespmem:s30+$0x5170]  }
0x22b: {  	v7 =	vld [tilespmem:s16+$0xFFFFFCF0];
	_ =	sdelay $0x4  }
0x22c: {  	v6 =	vmax.f32 v6, v7  }
0x22d: {  	s31 =	spop (v2sf);
	[tilespmem:s30+$0x5170] =	vst v6  }
0x22e: {  	v6 =	vld [tilespmem:s31+$0x5100]  }
0x22f: {  	v7 =	vld [tilespmem:s16+$0xFFFFFD00];
	_ =	sdelay $0x4  }
0x230: {  	v6 =	vmax.f32 v6, v7  }
0x231: {  	[tilespmem:s31+$0x5100] =	vst v6;
	v6 =	vld [tilespmem:s31+$0x5110]  }
0x232: {  	v7 =	vld [tilespmem:s16+$0xFFFFFD10];
	_ =	sdelay $0x4  }
0x233: {  	v6 =	vmax.f32 v6, v7  }
0x234: {  	[tilespmem:s31+$0x5110] =	vst v6;
	v6 =	vld [tilespmem:s31+$0x5120]  }
0x235: {  	v7 =	vld [tilespmem:s16+$0xFFFFFD20];
	_ =	sdelay $0x4  }
0x236: {  	v6 =	vmax.f32 v6, v7  }
0x237: {  	[tilespmem:s31+$0x5120] =	vst v6;
	v6 =	vld [tilespmem:s31+$0x5130]  }
0x238: {  	v7 =	vld [tilespmem:s16+$0xFFFFFD30];
	_ =	sdelay $0x4  }
0x239: {  	v6 =	vmax.f32 v6, v7  }
0x23a: {  	[tilespmem:s31+$0x5130] =	vst v6;
	v6 =	vld [tilespmem:s31+$0x5140]  }
0x23b: {  	v7 =	vld [tilespmem:s16+$0xFFFFFD40];
	_ =	sdelay $0x4  }
0x23c: {  	v6 =	vmax.f32 v6, v7  }
0x23d: {  	[tilespmem:s31+$0x5140] =	vst v6;
	v6 =	vld [tilespmem:s31+$0x5150]  }
0x23e: {  	v7 =	vld [tilespmem:s16+$0xFFFFFD50];
	_ =	sdelay $0x4  }
0x23f: {  	(v2sf) =	vpush v5, $0x3;
	v6 =	vmax.f32 v6, v7  }
0x240: {  	[tilespmem:s31+$0x5150] =	vst v6;
	v6 =	vld [tilespmem:s31+$0x5160]  }
0x241: {  	v7 =	vld [tilespmem:s16+$0xFFFFFD60];
	_ =	sdelay $0x4  }
0x242: {  	v6 =	vmax.f32 v6, v7  }
0x243: {  	[tilespmem:s31+$0x5160] =	vst v6;
	v6 =	vld [tilespmem:s31+$0x5170]  }
0x244: {  	v7 =	vld [tilespmem:s16+$0xFFFFFD70];
	_ =	sdelay $0x4  }
0x245: {  	v6 =	vmax.f32 v6, v7  }
0x246: {  	s18 =	spop (v2sf);
	[tilespmem:s31+$0x5170] =	vst v6  }
0x247: {  	v6 =	vld [tilespmem:s18+$0x5100]  }
0x248: {  	v7 =	vld [tilespmem:s16+$0xFFFFFD80];
	_ =	sdelay $0x4  }
0x249: {  	v6 =	vmax.f32 v6, v7  }
0x24a: {  	[tilespmem:s18+$0x5100] =	vst v6;
	v6 =	vld [tilespmem:s18+$0x5110]  }
0x24b: {  	v7 =	vld [tilespmem:s16+$0xFFFFFD90];
	_ =	sdelay $0x4  }
0x24c: {  	v6 =	vmax.f32 v6, v7  }
0x24d: {  	[tilespmem:s18+$0x5110] =	vst v6;
	v6 =	vld [tilespmem:s18+$0x5120]  }
0x24e: {  	v7 =	vld [tilespmem:s16+$0xFFFFFDA0];
	_ =	sdelay $0x4  }
0x24f: {  	v6 =	vmax.f32 v6, v7  }
0x250: {  	[tilespmem:s18+$0x5120] =	vst v6;
	v6 =	vld [tilespmem:s18+$0x5130]  }
0x251: {  	v7 =	vld [tilespmem:s16+$0xFFFFFDB0];
	_ =	sdelay $0x4  }
0x252: {  	v6 =	vmax.f32 v6, v7  }
0x253: {  	[tilespmem:s18+$0x5130] =	vst v6;
	v6 =	vld [tilespmem:s18+$0x5140]  }
0x254: {  	v7 =	vld [tilespmem:s16+$0xFFFFFDC0];
	_ =	sdelay $0x4  }
0x255: {  	v6 =	vmax.f32 v6, v7  }
0x256: {  	[tilespmem:s18+$0x5140] =	vst v6;
	v6 =	vld [tilespmem:s18+$0x5150]  }
0x257: {  	v7 =	vld [tilespmem:s16+$0xFFFFFDD0];
	_ =	sdelay $0x4  }
0x258: {  	(v2sf) =	vpush v5, $0x4;
	v6 =	vmax.f32 v6, v7  }
0x259: {  	[tilespmem:s18+$0x5150] =	vst v6;
	v6 =	vld [tilespmem:s18+$0x5160]  }
0x25a: {  	v7 =	vld [tilespmem:s16+$0xFFFFFDE0];
	_ =	sdelay $0x4  }
0x25b: {  	v6 =	vmax.f32 v6, v7  }
0x25c: {  	[tilespmem:s18+$0x5160] =	vst v6;
	v6 =	vld [tilespmem:s18+$0x5170]  }
0x25d: {  	v7 =	vld [tilespmem:s16+$0xFFFFFDF0];
	_ =	sdelay $0x4  }
0x25e: {  	v6 =	vmax.f32 v6, v7  }
0x25f: {  	s19 =	spop (v2sf);
	[tilespmem:s18+$0x5170] =	vst v6  }
0x260: {  	v6 =	vld [tilespmem:s19+$0x5100]  }
0x261: {  	v7 =	vld [tilespmem:s16+$0xFFFFFE00];
	_ =	sdelay $0x4  }
0x262: {  	v6 =	vmax.f32 v6, v7  }
0x263: {  	[tilespmem:s19+$0x5100] =	vst v6;
	v6 =	vld [tilespmem:s19+$0x5110]  }
0x264: {  	v7 =	vld [tilespmem:s16+$0xFFFFFE10];
	_ =	sdelay $0x4  }
0x265: {  	v6 =	vmax.f32 v6, v7  }
0x266: {  	[tilespmem:s19+$0x5110] =	vst v6;
	v6 =	vld [tilespmem:s19+$0x5120]  }
0x267: {  	v7 =	vld [tilespmem:s16+$0xFFFFFE20];
	_ =	sdelay $0x4  }
0x268: {  	v6 =	vmax.f32 v6, v7  }
0x269: {  	[tilespmem:s19+$0x5120] =	vst v6;
	v6 =	vld [tilespmem:s19+$0x5130]  }
0x26a: {  	v7 =	vld [tilespmem:s16+$0xFFFFFE30];
	_ =	sdelay $0x4  }
0x26b: {  	v6 =	vmax.f32 v6, v7  }
0x26c: {  	[tilespmem:s19+$0x5130] =	vst v6;
	v6 =	vld [tilespmem:s19+$0x5140]  }
0x26d: {  	v7 =	vld [tilespmem:s16+$0xFFFFFE40];
	_ =	sdelay $0x4  }
0x26e: {  	v6 =	vmax.f32 v6, v7  }
0x26f: {  	[tilespmem:s19+$0x5140] =	vst v6;
	v6 =	vld [tilespmem:s19+$0x5150]  }
0x270: {  	v7 =	vld [tilespmem:s16+$0xFFFFFE50];
	_ =	sdelay $0x4  }
0x271: {  	(v2sf) =	vpush v5, $0x5;
	v6 =	vmax.f32 v6, v7  }
0x272: {  	[tilespmem:s19+$0x5150] =	vst v6;
	v6 =	vld [tilespmem:s19+$0x5160]  }
0x273: {  	v7 =	vld [tilespmem:s16+$0xFFFFFE60];
	_ =	sdelay $0x4  }
0x274: {  	v6 =	vmax.f32 v6, v7  }
0x275: {  	[tilespmem:s19+$0x5160] =	vst v6;
	v6 =	vld [tilespmem:s19+$0x5170]  }
0x276: {  	v7 =	vld [tilespmem:s16+$0xFFFFFE70];
	_ =	sdelay $0x4  }
0x277: {  	v6 =	vmax.f32 v6, v7  }
0x278: {  	s20 =	spop (v2sf);
	[tilespmem:s19+$0x5170] =	vst v6  }
0x279: {  	v6 =	vld [tilespmem:s20+$0x5100]  }
0x27a: {  	v7 =	vld [tilespmem:s16+$0xFFFFFE80];
	_ =	sdelay $0x4  }
0x27b: {  	v6 =	vmax.f32 v6, v7  }
0x27c: {  	[tilespmem:s20+$0x5100] =	vst v6;
	v6 =	vld [tilespmem:s20+$0x5110]  }
0x27d: {  	v7 =	vld [tilespmem:s16+$0xFFFFFE90];
	_ =	sdelay $0x4  }
0x27e: {  	v6 =	vmax.f32 v6, v7  }
0x27f: {  	[tilespmem:s20+$0x5110] =	vst v6;
	v6 =	vld [tilespmem:s20+$0x5120]  }
0x280: {  	v7 =	vld [tilespmem:s16+$0xFFFFFEA0];
	_ =	sdelay $0x4  }
0x281: {  	v6 =	vmax.f32 v6, v7  }
0x282: {  	[tilespmem:s20+$0x5120] =	vst v6;
	v6 =	vld [tilespmem:s20+$0x5130]  }
0x283: {  	v7 =	vld [tilespmem:s16+$0xFFFFFEB0];
	_ =	sdelay $0x4  }
0x284: {  	v6 =	vmax.f32 v6, v7  }
0x285: {  	[tilespmem:s20+$0x5130] =	vst v6;
	v6 =	vld [tilespmem:s20+$0x5140]  }
0x286: {  	v7 =	vld [tilespmem:s16+$0xFFFFFEC0];
	_ =	sdelay $0x4  }
0x287: {  	v6 =	vmax.f32 v6, v7  }
0x288: {  	[tilespmem:s20+$0x5140] =	vst v6;
	v6 =	vld [tilespmem:s20+$0x5150]  }
0x289: {  	v7 =	vld [tilespmem:s16+$0xFFFFFED0];
	_ =	sdelay $0x4  }
0x28a: {  	(v2sf) =	vpush v5, $0x6;
	v6 =	vmax.f32 v6, v7  }
0x28b: {  	[tilespmem:s20+$0x5150] =	vst v6;
	v6 =	vld [tilespmem:s20+$0x5160]  }
0x28c: {  	v7 =	vld [tilespmem:s16+$0xFFFFFEE0];
	_ =	sdelay $0x4  }
0x28d: {  	v6 =	vmax.f32 v6, v7  }
0x28e: {  	[tilespmem:s20+$0x5160] =	vst v6;
	v6 =	vld [tilespmem:s20+$0x5170]  }
0x28f: {  	v7 =	vld [tilespmem:s16+$0xFFFFFEF0];
	_ =	sdelay $0x4  }
0x290: {  	v6 =	vmax.f32 v6, v7  }
0x291: {  	s21 =	spop (v2sf);
	[tilespmem:s20+$0x5170] =	vst v6  }
0x292: {  	v6 =	vld [tilespmem:s21+$0x5100]  }
0x293: {  	v7 =	vld [tilespmem:s16+$0xFFFFFF00];
	_ =	sdelay $0x4  }
0x294: {  	v6 =	vmax.f32 v6, v7  }
0x295: {  	[tilespmem:s21+$0x5100] =	vst v6;
	v6 =	vld [tilespmem:s21+$0x5110]  }
0x296: {  	v7 =	vld [tilespmem:s16+$0xFFFFFF10];
	_ =	sdelay $0x4  }
0x297: {  	v6 =	vmax.f32 v6, v7  }
0x298: {  	[tilespmem:s21+$0x5110] =	vst v6;
	v6 =	vld [tilespmem:s21+$0x5120]  }
0x299: {  	v7 =	vld [tilespmem:s16+$0xFFFFFF20];
	_ =	sdelay $0x4  }
0x29a: {  	v6 =	vmax.f32 v6, v7  }
0x29b: {  	[tilespmem:s21+$0x5120] =	vst v6;
	v6 =	vld [tilespmem:s21+$0x5130]  }
0x29c: {  	v7 =	vld [tilespmem:s16+$0xFFFFFF30];
	_ =	sdelay $0x4  }
0x29d: {  	v6 =	vmax.f32 v6, v7  }
0x29e: {  	[tilespmem:s21+$0x5130] =	vst v6;
	v6 =	vld [tilespmem:s21+$0x5140]  }
0x29f: {  	v7 =	vld [tilespmem:s16+$0xFFFFFF40];
	_ =	sdelay $0x4  }
0x2a0: {  	v6 =	vmax.f32 v6, v7  }
0x2a1: {  	[tilespmem:s21+$0x5140] =	vst v6;
	v6 =	vld [tilespmem:s21+$0x5150]  }
0x2a2: {  	v7 =	vld [tilespmem:s16+$0xFFFFFF50];
	_ =	sdelay $0x4  }
0x2a3: {  	(v2sf) =	vpush v5, $0x7;
	v6 =	vmax.f32 v6, v7  }
0x2a4: {  	[tilespmem:s21+$0x5150] =	vst v6;
	v6 =	vld [tilespmem:s21+$0x5160]  }
0x2a5: {  	v7 =	vld [tilespmem:s16+$0xFFFFFF60];
	_ =	sdelay $0x4  }
0x2a6: {  	v6 =	vmax.f32 v6, v7  }
0x2a7: {  	[tilespmem:s21+$0x5160] =	vst v6;
	v6 =	vld [tilespmem:s21+$0x5170]  }
0x2a8: {  	v7 =	vld [tilespmem:s16+$0xFFFFFF70];
	_ =	sdelay $0x4  }
0x2a9: {  	v6 =	vmax.f32 v6, v7  }
0x2aa: {  	s22 =	spop (v2sf);
	[tilespmem:s21+$0x5170] =	vst v6  }
0x2ab: {  	v6 =	vld [tilespmem:s22+$0x5100]  }
0x2ac: {  	v7 =	vld [tilespmem:s16+$0xFFFFFF80];
	_ =	sdelay $0x4  }
0x2ad: {  	v6 =	vmax.f32 v6, v7  }
0x2ae: {  	[tilespmem:s22+$0x5100] =	vst v6;
	v6 =	vld [tilespmem:s22+$0x5110]  }
0x2af: {  	v7 =	vld [tilespmem:s16+$0xFFFFFF90];
	_ =	sdelay $0x4  }
0x2b0: {  	v6 =	vmax.f32 v6, v7  }
0x2b1: {  	[tilespmem:s22+$0x5110] =	vst v6;
	v6 =	vld [tilespmem:s22+$0x5120]  }
0x2b2: {  	v7 =	vld [tilespmem:s16+$0xFFFFFFA0];
	_ =	sdelay $0x4  }
0x2b3: {  	v6 =	vmax.f32 v6, v7  }
0x2b4: {  	[tilespmem:s22+$0x5120] =	vst v6;
	v6 =	vld [tilespmem:s22+$0x5130]  }
0x2b5: {  	v7 =	vld [tilespmem:s16+$0xFFFFFFB0];
	_ =	sdelay $0x4  }
0x2b6: {  	v6 =	vmax.f32 v6, v7  }
0x2b7: {  	[tilespmem:s22+$0x5130] =	vst v6;
	v6 =	vld [tilespmem:s22+$0x5140]  }
0x2b8: {  	v7 =	vld [tilespmem:s16+$0xFFFFFFC0];
	_ =	sdelay $0x4  }
0x2b9: {  	v6 =	vmax.f32 v6, v7  }
0x2ba: {  	[tilespmem:s22+$0x5140] =	vst v6;
	v6 =	vld [tilespmem:s22+$0x5150]  }
0x2bb: {  	v7 =	vld [tilespmem:s16+$0xFFFFFFD0];
	_ =	sdelay $0x4  }
0x2bc: {  	(v2sf) =	vpush v5, $0x8;
	v6 =	vmax.f32 v6, v7  }
0x2bd: {  	[tilespmem:s22+$0x5150] =	vst v6;
	v6 =	vld [tilespmem:s22+$0x5160]  }
0x2be: {  	v7 =	vld [tilespmem:s16+$0xFFFFFFE0];
	_ =	sdelay $0x4  }
0x2bf: {  	v6 =	vmax.f32 v6, v7  }
0x2c0: {  	[tilespmem:s22+$0x5160] =	vst v6;
	v6 =	vld [tilespmem:s22+$0x5170]  }
0x2c1: {  	v7 =	vld [tilespmem:s16+$0xFFFFFFF0];
	_ =	sdelay $0x4  }
0x2c2: {  	v6 =	vmax.f32 v6, v7  }
0x2c3: {  	s23 =	spop (v2sf);
	[tilespmem:s22+$0x5170] =	vst v6  }
0x2c4: {  	v6 =	vld [tilespmem:s23+$0x5100]  }
0x2c5: {  	v7 =	vld [tilespmem:s16+$0x0];
	_ =	sdelay $0x4  }
0x2c6: {  	v6 =	vmax.f32 v6, v7  }
0x2c7: {  	[tilespmem:s23+$0x5100] =	vst v6;
	v6 =	vld [tilespmem:s23+$0x5110]  }
0x2c8: {  	v7 =	vld [tilespmem:s16+$0x10];
	_ =	sdelay $0x4  }
0x2c9: {  	v6 =	vmax.f32 v6, v7  }
0x2ca: {  	[tilespmem:s23+$0x5110] =	vst v6;
	v6 =	vld [tilespmem:s23+$0x5120]  }
0x2cb: {  	v7 =	vld [tilespmem:s16+$0x20];
	_ =	sdelay $0x4  }
0x2cc: {  	v6 =	vmax.f32 v6, v7  }
0x2cd: {  	[tilespmem:s23+$0x5120] =	vst v6;
	v6 =	vld [tilespmem:s23+$0x5130]  }
0x2ce: {  	v7 =	vld [tilespmem:s16+$0x30];
	_ =	sdelay $0x4  }
0x2cf: {  	v6 =	vmax.f32 v6, v7  }
0x2d0: {  	[tilespmem:s23+$0x5130] =	vst v6;
	v6 =	vld [tilespmem:s23+$0x5140]  }
0x2d1: {  	v7 =	vld [tilespmem:s16+$0x40];
	_ =	sdelay $0x4  }
0x2d2: {  	v6 =	vmax.f32 v6, v7  }
0x2d3: {  	[tilespmem:s23+$0x5140] =	vst v6;
	v6 =	vld [tilespmem:s23+$0x5150]  }
0x2d4: {  	v7 =	vld [tilespmem:s16+$0x50];
	_ =	sdelay $0x4  }
0x2d5: {  	(v2sf) =	vpush v5, $0x9;
	v6 =	vmax.f32 v6, v7  }
0x2d6: {  	[tilespmem:s23+$0x5150] =	vst v6;
	v6 =	vld [tilespmem:s23+$0x5160]  }
0x2d7: {  	v7 =	vld [tilespmem:s16+$0x60];
	_ =	sdelay $0x4  }
0x2d8: {  	v6 =	vmax.f32 v6, v7  }
0x2d9: {  	[tilespmem:s23+$0x5160] =	vst v6;
	v6 =	vld [tilespmem:s23+$0x5170]  }
0x2da: {  	v7 =	vld [tilespmem:s16+$0x70];
	_ =	sdelay $0x4  }
0x2db: {  	v6 =	vmax.f32 v6, v7  }
0x2dc: {  	s24 =	spop (v2sf);
	[tilespmem:s23+$0x5170] =	vst v6  }
0x2dd: {  	v6 =	vld [tilespmem:s24+$0x5100]  }
0x2de: {  	v7 =	vld [tilespmem:s16+$0x80];
	_ =	sdelay $0x4  }
0x2df: {  	v6 =	vmax.f32 v6, v7  }
0x2e0: {  	[tilespmem:s24+$0x5100] =	vst v6;
	v6 =	vld [tilespmem:s24+$0x5110]  }
0x2e1: {  	v7 =	vld [tilespmem:s16+$0x90];
	_ =	sdelay $0x4  }
0x2e2: {  	v6 =	vmax.f32 v6, v7  }
0x2e3: {  	[tilespmem:s24+$0x5110] =	vst v6;
	v6 =	vld [tilespmem:s24+$0x5120]  }
0x2e4: {  	v7 =	vld [tilespmem:s16+$0xA0];
	_ =	sdelay $0x4  }
0x2e5: {  	v6 =	vmax.f32 v6, v7  }
0x2e6: {  	[tilespmem:s24+$0x5120] =	vst v6;
	v6 =	vld [tilespmem:s24+$0x5130]  }
0x2e7: {  	v7 =	vld [tilespmem:s16+$0xB0];
	_ =	sdelay $0x4  }
0x2e8: {  	v6 =	vmax.f32 v6, v7  }
0x2e9: {  	[tilespmem:s24+$0x5130] =	vst v6;
	v6 =	vld [tilespmem:s24+$0x5140]  }
0x2ea: {  	v7 =	vld [tilespmem:s16+$0xC0];
	_ =	sdelay $0x4  }
0x2eb: {  	v6 =	vmax.f32 v6, v7  }
0x2ec: {  	[tilespmem:s24+$0x5140] =	vst v6;
	v6 =	vld [tilespmem:s24+$0x5150]  }
0x2ed: {  	v7 =	vld [tilespmem:s16+$0xD0];
	_ =	sdelay $0x4  }
0x2ee: {  	(v2sf) =	vpush v5, $0xA;
	v6 =	vmax.f32 v6, v7  }
0x2ef: {  	[tilespmem:s24+$0x5150] =	vst v6;
	v6 =	vld [tilespmem:s24+$0x5160]  }
0x2f0: {  	v7 =	vld [tilespmem:s16+$0xE0];
	_ =	sdelay $0x4  }
0x2f1: {  	v6 =	vmax.f32 v6, v7  }
0x2f2: {  	[tilespmem:s24+$0x5160] =	vst v6;
	v6 =	vld [tilespmem:s24+$0x5170]  }
0x2f3: {  	v7 =	vld [tilespmem:s16+$0xF0];
	_ =	sdelay $0x4  }
0x2f4: {  	v6 =	vmax.f32 v6, v7  }
0x2f5: {  	s25 =	spop (v2sf);
	[tilespmem:s24+$0x5170] =	vst v6  }
0x2f6: {  	v6 =	vld [tilespmem:s25+$0x5100]  }
0x2f7: {  	v7 =	vld [tilespmem:s16+$0x100];
	_ =	sdelay $0x4  }
0x2f8: {  	v6 =	vmax.f32 v6, v7  }
0x2f9: {  	[tilespmem:s25+$0x5100] =	vst v6;
	v6 =	vld [tilespmem:s25+$0x5110]  }
0x2fa: {  	v7 =	vld [tilespmem:s16+$0x110];
	_ =	sdelay $0x4  }
0x2fb: {  	v6 =	vmax.f32 v6, v7  }
0x2fc: {  	[tilespmem:s25+$0x5110] =	vst v6;
	v6 =	vld [tilespmem:s25+$0x5120]  }
0x2fd: {  	v7 =	vld [tilespmem:s16+$0x120];
	_ =	sdelay $0x4  }
0x2fe: {  	v6 =	vmax.f32 v6, v7  }
0x2ff: {  	[tilespmem:s25+$0x5120] =	vst v6;
	v6 =	vld [tilespmem:s25+$0x5130]  }
0x300: {  	v7 =	vld [tilespmem:s16+$0x130];
	_ =	sdelay $0x4  }
0x301: {  	v6 =	vmax.f32 v6, v7  }
0x302: {  	[tilespmem:s25+$0x5130] =	vst v6;
	v6 =	vld [tilespmem:s25+$0x5140]  }
0x303: {  	v7 =	vld [tilespmem:s16+$0x140];
	_ =	sdelay $0x4  }
0x304: {  	v6 =	vmax.f32 v6, v7  }
0x305: {  	[tilespmem:s25+$0x5140] =	vst v6;
	v6 =	vld [tilespmem:s25+$0x5150]  }
0x306: {  	v7 =	vld [tilespmem:s16+$0x150];
	_ =	sdelay $0x4  }
0x307: {  	(v2sf) =	vpush v5, $0xB;
	v6 =	vmax.f32 v6, v7  }
0x308: {  	[tilespmem:s25+$0x5150] =	vst v6;
	v6 =	vld [tilespmem:s25+$0x5160]  }
0x309: {  	v7 =	vld [tilespmem:s16+$0x160];
	_ =	sdelay $0x4  }
0x30a: {  	v6 =	vmax.f32 v6, v7  }
0x30b: {  	[tilespmem:s25+$0x5160] =	vst v6;
	v6 =	vld [tilespmem:s25+$0x5170]  }
0x30c: {  	v7 =	vld [tilespmem:s16+$0x170];
	_ =	sdelay $0x4  }
0x30d: {  	v6 =	vmax.f32 v6, v7  }
0x30e: {  	s26 =	spop (v2sf);
	[tilespmem:s25+$0x5170] =	vst v6  }
0x30f: {  	v6 =	vld [tilespmem:s26+$0x5100]  }
0x310: {  	v7 =	vld [tilespmem:s16+$0x180];
	_ =	sdelay $0x4  }
0x311: {  	v6 =	vmax.f32 v6, v7  }
0x312: {  	[tilespmem:s26+$0x5100] =	vst v6;
	v6 =	vld [tilespmem:s26+$0x5110]  }
0x313: {  	v7 =	vld [tilespmem:s16+$0x190];
	_ =	sdelay $0x4  }
0x314: {  	v6 =	vmax.f32 v6, v7  }
0x315: {  	[tilespmem:s26+$0x5110] =	vst v6;
	v6 =	vld [tilespmem:s26+$0x5120]  }
0x316: {  	v7 =	vld [tilespmem:s16+$0x1A0];
	_ =	sdelay $0x4  }
0x317: {  	v6 =	vmax.f32 v6, v7  }
0x318: {  	[tilespmem:s26+$0x5120] =	vst v6;
	v6 =	vld [tilespmem:s26+$0x5130]  }
0x319: {  	v7 =	vld [tilespmem:s16+$0x1B0];
	_ =	sdelay $0x4  }
0x31a: {  	v6 =	vmax.f32 v6, v7  }
0x31b: {  	[tilespmem:s26+$0x5130] =	vst v6;
	v6 =	vld [tilespmem:s26+$0x5140]  }
0x31c: {  	v7 =	vld [tilespmem:s16+$0x1C0];
	_ =	sdelay $0x4  }
0x31d: {  	v6 =	vmax.f32 v6, v7  }
0x31e: {  	[tilespmem:s26+$0x5140] =	vst v6;
	v6 =	vld [tilespmem:s26+$0x5150]  }
0x31f: {  	v7 =	vld [tilespmem:s16+$0x1D0];
	_ =	sdelay $0x4  }
0x320: {  	(v2sf) =	vpush v5, $0xC;
	v6 =	vmax.f32 v6, v7  }
0x321: {  	[tilespmem:s26+$0x5150] =	vst v6;
	v6 =	vld [tilespmem:s26+$0x5160]  }
0x322: {  	v7 =	vld [tilespmem:s16+$0x1E0];
	_ =	sdelay $0x4  }
0x323: {  	v6 =	vmax.f32 v6, v7  }
0x324: {  	[tilespmem:s26+$0x5160] =	vst v6;
	v6 =	vld [tilespmem:s26+$0x5170]  }
0x325: {  	v7 =	vld [tilespmem:s16+$0x1F0];
	_ =	sdelay $0x4  }
0x326: {  	v6 =	vmax.f32 v6, v7  }
0x327: {  	s28 =	spop (v2sf);
	[tilespmem:s26+$0x5170] =	vst v6  }
0x328: {  	v6 =	vld [tilespmem:s28+$0x5100]  }
0x329: {  	v7 =	vld [tilespmem:s16+$0x200];
	_ =	sdelay $0x4  }
0x32a: {  	v6 =	vmax.f32 v6, v7  }
0x32b: {  	[tilespmem:s28+$0x5100] =	vst v6;
	v6 =	vld [tilespmem:s28+$0x5110]  }
0x32c: {  	v7 =	vld [tilespmem:s16+$0x210];
	_ =	sdelay $0x4  }
0x32d: {  	v6 =	vmax.f32 v6, v7  }
0x32e: {  	[tilespmem:s28+$0x5110] =	vst v6;
	v6 =	vld [tilespmem:s28+$0x5120]  }
0x32f: {  	v7 =	vld [tilespmem:s16+$0x220];
	_ =	sdelay $0x4  }
0x330: {  	v6 =	vmax.f32 v6, v7  }
0x331: {  	[tilespmem:s28+$0x5120] =	vst v6;
	v6 =	vld [tilespmem:s28+$0x5130]  }
0x332: {  	v7 =	vld [tilespmem:s16+$0x230];
	_ =	sdelay $0x4  }
0x333: {  	v6 =	vmax.f32 v6, v7  }
0x334: {  	[tilespmem:s28+$0x5130] =	vst v6;
	v6 =	vld [tilespmem:s28+$0x5140]  }
0x335: {  	v7 =	vld [tilespmem:s16+$0x240];
	_ =	sdelay $0x4  }
0x336: {  	v6 =	vmax.f32 v6, v7  }
0x337: {  	[tilespmem:s28+$0x5140] =	vst v6;
	v6 =	vld [tilespmem:s28+$0x5150]  }
0x338: {  	v7 =	vld [tilespmem:s16+$0x250];
	_ =	sdelay $0x4  }
0x339: {  	(v2sf) =	vpush v5, $0xD;
	v6 =	vmax.f32 v6, v7  }
0x33a: {  	[tilespmem:s28+$0x5150] =	vst v6;
	v6 =	vld [tilespmem:s28+$0x5160]  }
0x33b: {  	v7 =	vld [tilespmem:s16+$0x260];
	_ =	sdelay $0x4  }
0x33c: {  	v6 =	vmax.f32 v6, v7  }
0x33d: {  	[tilespmem:s28+$0x5160] =	vst v6;
	v6 =	vld [tilespmem:s28+$0x5170]  }
0x33e: {  	v7 =	vld [tilespmem:s16+$0x270];
	_ =	sdelay $0x4  }
0x33f: {  	v6 =	vmax.f32 v6, v7  }
0x340: {  	s29 =	spop (v2sf);
	[tilespmem:s28+$0x5170] =	vst v6  }
0x341: {  	v6 =	vld [tilespmem:s29+$0x5100]  }
0x342: {  	v7 =	vld [tilespmem:s16+$0x280];
	_ =	sdelay $0x4  }
0x343: {  	v6 =	vmax.f32 v6, v7  }
0x344: {  	[tilespmem:s29+$0x5100] =	vst v6;
	v6 =	vld [tilespmem:s29+$0x5110]  }
0x345: {  	v7 =	vld [tilespmem:s16+$0x290];
	_ =	sdelay $0x4  }
0x346: {  	v6 =	vmax.f32 v6, v7  }
0x347: {  	[tilespmem:s29+$0x5110] =	vst v6;
	v6 =	vld [tilespmem:s29+$0x5120]  }
0x348: {  	v7 =	vld [tilespmem:s16+$0x2A0];
	_ =	sdelay $0x4  }
0x349: {  	v6 =	vmax.f32 v6, v7  }
0x34a: {  	[tilespmem:s29+$0x5120] =	vst v6;
	v6 =	vld [tilespmem:s29+$0x5130]  }
0x34b: {  	v7 =	vld [tilespmem:s16+$0x2B0];
	_ =	sdelay $0x4  }
0x34c: {  	v6 =	vmax.f32 v6, v7  }
0x34d: {  	[tilespmem:s29+$0x5130] =	vst v6;
	v6 =	vld [tilespmem:s29+$0x5140]  }
0x34e: {  	v7 =	vld [tilespmem:s16+$0x2C0];
	_ =	sdelay $0x4  }
0x34f: {  	v6 =	vmax.f32 v6, v7  }
0x350: {  	[tilespmem:s29+$0x5140] =	vst v6;
	v6 =	vld [tilespmem:s29+$0x5150]  }
0x351: {  	v7 =	vld [tilespmem:s16+$0x2D0];
	_ =	sdelay $0x4  }
0x352: {  	(v2sf) =	vpush v5, $0xE;
	v6 =	vmax.f32 v6, v7  }
0x353: {  	[tilespmem:s29+$0x5150] =	vst v6;
	v6 =	vld [tilespmem:s29+$0x5160]  }
0x354: {  	v7 =	vld [tilespmem:s16+$0x2E0];
	_ =	sdelay $0x4  }
0x355: {  	v6 =	vmax.f32 v6, v7  }
0x356: {  	[tilespmem:s29+$0x5160] =	vst v6;
	v6 =	vld [tilespmem:s29+$0x5170]  }
0x357: {  	v7 =	vld [tilespmem:s16+$0x2F0];
	_ =	sdelay $0x4  }
0x358: {  	v6 =	vmax.f32 v6, v7  }
0x359: {  	s30 =	spop (v2sf);
	[tilespmem:s29+$0x5170] =	vst v6  }
0x35a: {  	v6 =	vld [tilespmem:s30+$0x5100]  }
0x35b: {  	v7 =	vld [tilespmem:s16+$0x300];
	_ =	sdelay $0x4  }
0x35c: {  	v6 =	vmax.f32 v6, v7  }
0x35d: {  	[tilespmem:s30+$0x5100] =	vst v6;
	v6 =	vld [tilespmem:s30+$0x5110]  }
0x35e: {  	v7 =	vld [tilespmem:s16+$0x310];
	_ =	sdelay $0x4  }
0x35f: {  	v6 =	vmax.f32 v6, v7  }
0x360: {  	[tilespmem:s30+$0x5110] =	vst v6;
	v6 =	vld [tilespmem:s30+$0x5120]  }
0x361: {  	v7 =	vld [tilespmem:s16+$0x320];
	_ =	sdelay $0x4  }
0x362: {  	v6 =	vmax.f32 v6, v7  }
0x363: {  	[tilespmem:s30+$0x5120] =	vst v6;
	v6 =	vld [tilespmem:s30+$0x5130]  }
0x364: {  	v7 =	vld [tilespmem:s16+$0x330];
	_ =	sdelay $0x4  }
0x365: {  	v6 =	vmax.f32 v6, v7  }
0x366: {  	[tilespmem:s30+$0x5130] =	vst v6;
	v6 =	vld [tilespmem:s30+$0x5140]  }
0x367: {  	v7 =	vld [tilespmem:s16+$0x340];
	_ =	sdelay $0x4  }
0x368: {  	v6 =	vmax.f32 v6, v7  }
0x369: {  	[tilespmem:s30+$0x5140] =	vst v6;
	v6 =	vld [tilespmem:s30+$0x5150]  }
0x36a: {  	v7 =	vld [tilespmem:s16+$0x350];
	_ =	sdelay $0x4  }
0x36b: {  	(v2sf) =	vpush v5, $0xF;
	v6 =	vmax.f32 v6, v7  }
0x36c: {  	v5 =	vld [tilespmem:s30+$0x5160];
	[tilespmem:s30+$0x5150] =	vst v6  }
0x36d: {  	v6 =	vld [tilespmem:s16+$0x360];
	_ =	sdelay $0x4  }
0x36e: {  	v5 =	vmax.f32 v5, v6  }
0x36f: {  	[tilespmem:s30+$0x5160] =	vst v5;
	v5 =	vld [tilespmem:s30+$0x5170]  }
0x370: {  	v6 =	vld [tilespmem:s16+$0x370];
	_ =	sdelay $0x4  }
0x371: {  	v5 =	vmax.f32 v5, v6  }
0x372: {  	s31 =	spop (v2sf);
	[tilespmem:s30+$0x5170] =	vst v5  }
0x373: {  	v5 =	vld [tilespmem:s31+$0x5100]  }
0x374: {  	v6 =	vld [tilespmem:s16+$0x380];
	_ =	sdelay $0x4  }
0x375: {  	v5 =	vmax.f32 v5, v6  }
0x376: {  	[tilespmem:s31+$0x5100] =	vst v5;
	v5 =	vld [tilespmem:s31+$0x5110]  }
0x377: {  	v6 =	vld [tilespmem:s16+$0x390];
	_ =	sdelay $0x4  }
0x378: {  	v5 =	vmax.f32 v5, v6  }
0x379: {  	[tilespmem:s31+$0x5110] =	vst v5;
	v5 =	vld [tilespmem:s31+$0x5120]  }
0x37a: {  	v6 =	vld [tilespmem:s16+$0x3A0];
	_ =	sdelay $0x4  }
0x37b: {  	v5 =	vmax.f32 v5, v6  }
0x37c: {  	[tilespmem:s31+$0x5120] =	vst v5;
	v5 =	vld [tilespmem:s31+$0x5130]  }
0x37d: {  	v6 =	vld [tilespmem:s16+$0x3B0];
	_ =	sdelay $0x4  }
0x37e: {  	v5 =	vmax.f32 v5, v6  }
0x37f: {  	[tilespmem:s31+$0x5130] =	vst v5;
	v5 =	vld [tilespmem:s31+$0x5140]  }
0x380: {  	v6 =	vld [tilespmem:s16+$0x3C0];
	_ =	sdelay $0x4  }
0x381: {  	v5 =	vmax.f32 v5, v6  }
0x382: {  	[tilespmem:s31+$0x5140] =	vst v5;
	v5 =	vld [tilespmem:s31+$0x5150]  }
0x383: {  	v6 =	vld [tilespmem:s16+$0x3D0];
	_ =	sdelay $0x4  }
0x384: {  	v5 =	vmax.f32 v5, v6  }
0x385: {  	[tilespmem:s31+$0x5150] =	vst v5;
	v5 =	vld [tilespmem:s31+$0x5160]  }
0x386: {  	v6 =	vld [tilespmem:s16+$0x3E0];
	_ =	sdelay $0x4  }
0x387: {  	v5 =	vmax.f32 v5, v6  }
0x388: {  	[tilespmem:s31+$0x5160] =	vst v5;
	v5 =	vld [tilespmem:s31+$0x5170]  }
0x389: {  	v6 =	vld [tilespmem:s16+$0x3F0]  }
0x38a: {  	p0 =	sne.s32 s15, $0x1C0  }
.Ltmp11:
0x38b: {  	_ = 	snop;
	(pc) =	sbr.rel @p0 .LBB2_12-.Ltmp11, $3  }
0x38c: {  	_ =	sdelay $0x1  }
0x38d: {  	v5 =	vmax.f32 v5, v6  }
0x38e: {  	s15 =	sadd.s32 $0x40, s15;
	s16 =	sadd.s32 $0x800, s16;
	[tilespmem:s31+$0x5170] =	vst v5  }
.Ltmp12:
0x38f: {  	_ = 	snop;
	(pc) =	sbr.rel .LBB2_13-.Ltmp12, $1  }
0x390: {  	_ =	sdelay $0x3  }
.LBB2_14:
0x391: {  	_ =	sfence.sel $0x180000  }
0x392: {  	[bflag:$0x0] =	sbarrier.arrive $0xFFFF  }
0x393: {  	p0 =	sne.s32 s0, $0x0;
	_ =	strace $0x9000004A  }
0x394: {  	s0 =	sadd.s32 @!p0 $0x100000, s1;
	[bflag:$0x2] =	sbarrier.arrive $0xFFFF  }
0x395: {  	[sflag:s0] =	ssyncadd.tile.s32 @!p0 $0x1;
	_ =	shalt  }
.Lfunc_end2:
_tile_overlayer_lowered:
.L_overlay_start_2:
0x396: {  	(tag) =	ssettag $0x2  }
0x397: {  	s0 =	rddreg [dreg:$0x0];
	s2 =	stileid.u32  }
0x398: {  	s1 =	rddreg [dreg:$0x1];
	p0 =	sne.s32 s2, $0x0  }
0x399: {  	s3 =	rddreg [dreg:$0x2];
	[bflag:$0x3] =	sbarrier.arrive $0xFFFF;
	s2 =	simm.s32 @!p0 $0x1C02  }
0x39a: {  	[timem:s3], [sflag:s2] =	dma.local @!p0 [hbm:s0], s1  }
0x39b: {  	s0 =	simm.s32 @!p0 $0x2  }
0x39c: {  	_ =	swait.ge @!p0 [sflag:s0], s1  }
0x39d: {  	s1 =	ssub.s32 @!p0 $0x0, s1;
	[sflag:s0] =	ssyncset.done @!p0 $0x0  }
0x39e: {  	[sflag:s0] =	ssyncadd.s32 @!p0 s1  }
0x39f: {  	[bflag:$0x3] =	sbarrier.arrive $0xFFFF  }
0x3a0: {  	_ =	shalt  }

// kernel: kernel.7.cloned.1.call-start
scs
__scs_entry_jumppad:
0x0: {  	(pc) =	sbr.rel $0x88, $3  }
0x1: {  	(tag) =	ssettag $0x0;
	lr =	simm.s32 $0x1  }
0x2: {  	[smem:$0x3F98] =	sst lr;
	_ =	strace $0xD0000000  }
0x3: {  	_ = 	snop  }
0x4: {  	_ = 	snop  }
0x5: {  	_ = 	snop  }
0x6: {  	_ = 	snop  }
0x7: {  	_ = 	snop  }
__scs_overlays_trampoline_lowered:
0x8: {  	[smem:$0x3FA7] =	sst s0  }
0x9: {  	[smem:$0x3FA8] =	sst s1  }
0xa: {  	[smem:$0x3FA9] =	sst s2  }
0xb: {  	[smem:$0x3FAA] =	sst s3  }
0xc: {  	[smem:$0x3FAB] =	sst s4  }
0xd: {  	[smem:$0x3FAC] =	sst s5  }
0xe: {  	[smem:$0x3FAD] =	sst s6  }
0xf: {  	[smem:$0x3FAE] =	sst s7  }
0x10: {  	[smem:$0x3FAF] =	sst s8  }
0x11: {  	[smem:$0x3FB0] =	sst s9;
	s0 =	simm.s32 @!p0 $0x0  }
0x12: {  	s1 =	sld [smem:$0x3F96];
	s0 =	simm.s32 @p0 $0x1  }
0x13: {  	[smem:$0x3FB1] =	sst s0;
	s0 =	simm.s32 @!p1 $0x0  }
0x14: {  	s2 =	sld [smem:$0x3F95];
	s0 =	simm.s32 @p1 $0x1  }
0x15: {  	[smem:$0x3FB2] =	sst s0;
	s0 =	simm.s32 @!p2 $0x0  }
0x16: {  	s3 =	sld [smem:$0x3FDB];
	s0 =	simm.s32 @p2 $0x1  }
0x17: {  	s4 =	simm.s32 $0x1BF5;
	[smem:$0x3FB4] =	sst s0  }
0x18: {  	s0 =	sld [smem:$0x3F97];
	_ =	swait.ge [sflag:s4], $0x0  }
0x19: {  	s7 =	sld [smem:$0x3F98]  }
0x1a: {  	s8 =	sadd.s32 $0xFFFFE003, lr  }
0x1b: {  	s9 =	sadd.s32 $0xFFFFFEF7, lr;
	s5 =	simm.s32 $0xFFFFFFFF;
	p2 =	slt.u32 s8, $0xFFFFF086  }
0x1c: {  	p1 =	slt.u32 s9, $0xF7A;
	s5 =	simm.s32 @!p2 $0x0  }
0x1d: {  	s5 =	simm.s32 @p1 $0x1;
	p0 =	seq.s32 s7, s2  }
0x1e: {  	s7 =	smul.u32 @!p0 $0xF7A, s2;
	p2 =	seq.s32 @!p0 s5, $0x0  }
0x1f: {  	s9 =	smul.u32 $0xF7A, s1;
	s8 =	simm.s32 @!p0 $0x1BF5;
	p2 =	por !p2, p0  }
0x20: {  	[sflag:s8] =	ssyncset.s32 @!p0 $0xFFFFF086;
	s6 =	sadd.s32 @!p0 s3, s7;
	s7 =	simm.s32 @!p0 $0x108  }
0x21: {  	s3 =	sadd.s32 s3, s9;
	s6 =	sadd.s32 @!p0 $0x88, s6;
	s7 =	simm.s32 @p2 $0x1082  }
0x22: {  	[simem:s7], [sflag:s8] =	dma.local @!p0 [hbm:s6], $0xF7A  }
0x23: {  	s9 =	sor.u32 $0xD0000000, s2;
	s6 =	simm.s32 $0x108;
	_ =	swait.ge @!p0 [sflag:s8], $0x0  }
0x24: {  	s3 =	sadd.s32 $0x88, s3;
	s6 =	simm.s32 @!p1 $0x1082;
	[sflag:s4] =	ssyncset.s32 $0xFFFFF086  }
0x25: {  	[simem:s6], [sflag:s4] =	dma.local [hbm:s3], $0xF7A  }
0x26: {  	[smem:$0x3F98] =	sst s1;
	(tag) =	ssettag s2;
	_ =	strace s9  }
0x27: {  	s1 =	sld [smem:$0x3FA8]  }
0x28: {  	s2 =	sld [smem:$0x3FA9]  }
0x29: {  	s4 =	sld [smem:$0x3FAB]  }
0x2a: {  	p0 =	seq.s32 s5, $0x0;
	s5 =	sld [smem:$0x3FAC]  }
0x2b: {  	s6 =	sld [smem:$0x3FAD]  }
0x2c: {  	s7 =	sld [smem:$0x3FAE]  }
0x2d: {  	s3 =	simm.s32 $0x108;
	s8 =	sld [smem:$0x3FAF]  }
0x2e: {  	s3 =	simm.s32 @!p0 $0x1082;
	s9 =	sld [smem:$0x3FB0]  }
0x2f: {  	lr =	sadd.s32 s0, s3;
	s0 =	sld [smem:$0x3FA7]  }
0x30: {  	s3 =	sld [smem:$0x3FAA]  }
0x31: {  	[smem:$0x3FB3] =	sst s10  }
0x32: {  	s10 =	sld [smem:$0x3FB1];
	_ =	sdelay $0x3  }
0x33: {  	p0 =	seq.s32 s10, $0x1;
	s10 =	sld [smem:$0x3FB3];
	_ =	sdelay $0x3  }
0x34: {  	[smem:$0x3FB3] =	sst s10  }
0x35: {  	s10 =	sld [smem:$0x3FB2];
	_ =	sdelay $0x3  }
0x36: {  	p1 =	seq.s32 s10, $0x1;
	s10 =	sld [smem:$0x3FB3];
	_ =	sdelay $0x3  }
0x37: {  	[smem:$0x3FB3] =	sst s10  }
0x38: {  	s10 =	sld [smem:$0x3FB4]  }
0x39: {  	_ = 	snop;
	(pc) =	sbr.ind lr, $3  }
0x3a: {  	_ = 	snop  }
0x3b: {  	_ = 	snop  }
0x3c: {  	p2 =	seq.s32 s10, $0x1;
	s10 =	sld [smem:$0x3FB3]  }
0x3d: {  	_ =	shalt  }
0x3e: {  	_ =	shalt  }
0x3f: {  	_ =	shalt  }
0x40: {  	_ =	shalt  }
0x41: {  	_ =	shalt  }
0x42: {  	_ =	shalt  }
0x43: {  	_ =	shalt  }
0x44: {  	_ =	shalt  }
0x45: {  	_ =	shalt  }
0x46: {  	_ =	shalt  }
0x47: {  	_ =	shalt  }
0x48: {  	_ =	shalt  }
0x49: {  	_ =	shalt  }
0x4a: {  	_ =	shalt  }
0x4b: {  	_ =	shalt  }
0x4c: {  	_ =	shalt  }
0x4d: {  	_ =	shalt  }
0x4e: {  	_ =	shalt  }
0x4f: {  	_ =	shalt  }
0x50: {  	_ =	shalt  }
0x51: {  	_ =	shalt  }
0x52: {  	_ =	shalt  }
0x53: {  	_ =	shalt  }
0x54: {  	_ =	shalt  }
0x55: {  	_ =	shalt  }
0x56: {  	_ =	shalt  }
0x57: {  	_ =	shalt  }
0x58: {  	_ =	shalt  }
0x59: {  	_ =	shalt  }
0x5a: {  	_ =	shalt  }
0x5b: {  	_ =	shalt  }
0x5c: {  	_ =	shalt  }
0x5d: {  	_ =	shalt  }
0x5e: {  	_ =	shalt  }
0x5f: {  	_ =	shalt  }
0x60: {  	_ =	shalt  }
0x61: {  	_ =	shalt  }
0x62: {  	_ =	shalt  }
0x63: {  	_ =	shalt  }
0x64: {  	_ =	shalt  }
0x65: {  	_ =	shalt  }
0x66: {  	_ =	shalt  }
0x67: {  	_ =	shalt  }
0x68: {  	_ =	shalt  }
0x69: {  	_ =	shalt  }
0x6a: {  	_ =	shalt  }
0x6b: {  	_ =	shalt  }
0x6c: {  	_ =	shalt  }
0x6d: {  	_ =	shalt  }
0x6e: {  	_ =	shalt  }
0x6f: {  	_ =	shalt  }
0x70: {  	_ =	shalt  }
0x71: {  	_ =	shalt  }
0x72: {  	_ =	shalt  }
0x73: {  	_ =	shalt  }
0x74: {  	_ =	shalt  }
0x75: {  	_ =	shalt  }
0x76: {  	_ =	shalt  }
0x77: {  	_ =	shalt  }
0x78: {  	_ =	shalt  }
0x79: {  	_ =	shalt  }
0x7a: {  	_ =	shalt  }
0x7b: {  	_ =	shalt  }
0x7c: {  	_ =	shalt  }
0x7d: {  	_ =	shalt  }
0x7e: {  	_ =	shalt  }
0x7f: {  	_ =	shalt  }
0x80: {  	_ =	shalt  }
0x81: {  	_ =	shalt  }
0x82: {  	_ =	shalt  }
0x83: {  	_ =	shalt  }
0x84: {  	_ =	shalt  }
0x85: {  	_ =	shalt  }
0x86: {  	_ =	shalt  }
0x87: {  	_ =	shalt  }
.Lfunc_end0:
.L_simem_size_0:
called_computation_lowered:
.L_overlay_start_0:
0x88: {  	s2 =	sld [smem:$0x3FD9]  }
0x89: {  	s3 =	sld [smem:$0x3FFE];
	_ =	sdelay $0x1  }
0x8a: {  	s1 =	srdreg.scid  }
0x8b: {  	s0 =	sand.u32 $0x1, s1  }
0x8c: {  	s14 =	sshll.u32 s0, $0xA;
	s2 =	sadd.s32 s3, s2  }
0x8d: {  	s2 =	sadd.s32 s2, s14  }
0x8e: {  	[smem:$0x3FBF] =	sst s2  }
0x8f: {  	_ = 	snop  }
0x90: {  	s2 =	sld [smem:$0x3FD0];
	_ =	sdelay $0x2  }
0x91: {  	s15 =	simm.s32 $0xA;
	s4 =	simm.s32 $0x10  }
0x92: {  	[smem:s4], [sflag:s15] =	dma.local [hbm:s2], $0x1  }
0x93: {  	_ =	swait.eq [sflag:s15], $0x1  }
0x94: {  	s16 =	sld [smem:$0x10];
	[sflag:s15] =	ssyncset.done $0x0  }
0x95: {  	s17 =	sld [smem:$0x11];
	[sflag:s15] =	ssyncadd.s32 $0xFFFFFFFF  }
0x96: {  	s18 =	sld [smem:$0x12];
	(tm) =	ssettm $0x1  }
0x97: {  	s5 =	sld [smem:$0x3FFB];
	_ =	sdelay $0x3  }
0x98: {  	_ =	strace s5  }
0x99: {  	s5 =	sld [smem:$0x3FFC];
	_ =	sdelay $0x3  }
0x9a: {  	_ =	strace s5  }
0x9b: {  	s5 =	sld [smem:$0x3FFD];
	_ =	sdelay $0x3  }
0x9c: {  	_ =	strace s5  }
0x9d: {  	_ =	strace $0x8FFFFFFF  }
0x9e: {  	s19 =	sld [smem:$0x3FDB];
	_ =	sdelay $0x1  }
0x9f: {  	s6 =	simm.s32 $_scs_section_size  }
0xa0: {  	s7 =	simm.s32 $_size__tile_overlayer_lowered;
	s8 =	simm.s32 $_tile_overlayer_lowered  }
0xa1: {  	s22 =	simm.s32 $0x1BFF;
	s21 =	sshll.u32 s8, $0x1;
	s5 =	sadd.s32 s6, s19  }
0xa2: {  	s9 =	simm.s32 $0x0;
	s20 =	sshll.u32 s7, $0x1;
	s7 =	sadd.s32 s21, s5  }
0xa3: {  	[timem:s9], [sflag:s22] =	dma.local [hbm:s7], s20  }
0xa4: {  	_ =	swait.ge [sflag:s22], s20  }
0xa5: {  	s6 =	ssub.s32 $0x0, s20;
	[sflag:s22] =	ssyncset.done $0x0  }
0xa6: {  	[sflag:s22] =	ssyncadd.s32 s6;
	_ =	sdelay $0x1  }
0xa7: {  	s23 =	simm.s32 $0x1B8B  }
0xa8: {  	_ =	swait.ge [sflag:s23], $0x1  }
0xa9: {  	[sflag:s23] =	ssyncset.done $0x0  }
0xaa: {  	s25 =	simm.s32 $0x1B8E;
	s24 =	sld [smem:$0x3FFE];
	[sflag:s23] =	ssyncadd.s32 $0xFFFFFFFF  }
0xab: {  	s26 =	simm.s32 $execute0_lowered;
	[smem:$0x3FD2] =	sst s25  }
0xac: {  	s7 =	sshll.u32 s26, $0x1;
	_ =	strace $0x80000046;
	[dreg:$0x1] =	wrdreg $0xFFFFFFFF  }
0xad: {  	s28 =	simm.s32 $_size_execute0_lowered;
	s5 =	sadd.s32 s5, s7;
	[dreg:$0x0] =	wrdreg $0x0  }
0xae: {  	s7 =	sshll.u32 s28, $0x1;
	[dreg:$0x2] =	wrdreg s5  }
0xaf: {  	[dreg:$0x3] =	wrdreg s7  }
0xb0: {  	[dreg:$0x4] =	wrdreg $0xC0  }
0xb1: {  	_ =	task [dreg:s9], $0x5FFFF  }
0xb2: {  	[dreg:$0x1] =	wrdreg $0xFFFFFFFF  }
0xb3: {  	[dreg:$0x0] =	wrdreg $0x60  }
0xb4: {  	[dreg:$0x2] =	wrdreg s18  }
0xb5: {  	[dreg:$0x3] =	wrdreg s16  }
0xb6: {  	[dreg:$0x4] =	wrdreg s24  }
0xb7: {  	[dreg:$0x5] =	wrdreg s17  }
0xb8: {  	[dreg:$0x6] =	wrdreg $0x9  }
0xb9: {  	_ =	task.clear_ibuf [dreg:s9], $0x7FFFF;
	_ =	strace $0x90000046  }
0xba: {  	s29 =	simm.s32 $0x9;
	_ =	strace $0x80000048  }
0xbb: {  	_ =	swait.ge [sflag:s29], $0x1  }
0xbc: {  	[sflag:s29] =	ssyncadd.s32 $0xFFFFFFFF  }
0xbd: {  	_ =	strace $0x90000048  }
0xbe: {  	_ =	sfence  }
0xbf: {  	s30 =	sld [smem:$0x0];
	_ =	sdelay $0x2  }
0xc0: {  	s31 =	sshll.u32 s1, $0xD;
	s1 =	sshrl.u32 s1, $0x2  }
0xc1: {  	s3 =	sand.u32 $0x4000, s31;
	s1 =	sadd.s32 s1, s30  }
0xc2: {  	s0 =	sor.u32 s3, s0;
	s1 =	sshll.u32 s1, $0x11  }
0xc3: {  	s0 =	sor.u32 s1, s0  }
0xc4: {  	s0 =	sadd.s32 $0x8F2B, s0  }
0xc5: {  	[sflag:s0] =	ssyncadd.remote.s32 $0x1  }
0xc6: {  	_ =	sfence.sel $0xFFFF  }
0xc7: {  	[dreg:$0x0] =	wrdreg $0xFFFFFFFF;
	(pc) =	sbr.abs _section_cstart, $3  }
0xc8: {  	[dreg:$0x1] =	wrdreg $0xFFFFFFFF  }
0xc9: {  	_ =	task.clear_ibuf [dreg:s9], $0x2FFFF;
	_ =	strace $0x9FFFFFFF  }
0xca: {  	(tm) =	ssettm $0x7FFFFFFF  }
0xcb: {  	_ =	shalt  }
tec
execute0_lowered:
.L_overlay_start_1:
0x0: {  	(tag) =	ssettag $0x1  }
0x1: {  	s1 =	rddreg [dreg:$0x0]  }
0x2: {  	s2 =	rddreg [dreg:$0x1];
	s3 =	srdreg.scid  }
0x3: {  	s0 =	stileid.u32;
	s7 =	rddreg [dreg:$0x2]  }
0x4: {  	s8 =	rddreg [dreg:$0x3];
	s4 =	simm.s32 $0x0;
	s13 =	simm.s32 $0x50  }
0x5: {  	s14 =	simm.s32 $0x4F00;
	s15 =	simm.s32 $0x7700;
	s16 =	simm.s32 $0x9F00  }
0x6: {  	s17 =	simm.s32 $0xC700;
	s18 =	simm.s32 $0x1;
	s19 =	simm.s32 $0x2  }
0x7: {  	s20 =	simm.s32 $0x3;
	s21 =	simm.s32 $0x4;
	s22 =	simm.s32 $0x26C0  }
0x8: {  	s23 =	simm.s32 $0x4E40;
	s6 =	sand.u32 $0x1, s3;
	s31 =	sshll.u32 s0, $0x1  }
0x9: {  	s24 =	simm.s32 $0x0;
	s3 =	rddreg [dreg:$0x4];
	s9 =	sor.u32 s6, s31  }
0xa: {  	[smem:$0x7FF] =	sst s4;
	s11 =	ssub.s32 $0x2, s6;
	s5 =	smul.u32 $0x2710, s9  }
0xb: {  	_ =	strace $0x80000047;
	s9 =	smul.u32 $0x138800, s9;
	s12 =	sshrl.u32 s11, $0x1  }
0xc: {  	s6 =	sadd.s32 $0xB800, s7;
	s11 =	ssub.s32 s11, s12;
	s10 =	sshrl.u32 s5, $0x3  }
0xd: {  	s12 =	simm.s32 $0x2780;
	s9 =	sshrl.u32 s9, $0x3;
	s7 =	sadd.s32 s10, s7  }
0xe: {  	s9 =	sadd.s32 s6, s9;
	s8 =	sadd.s32 s8, s10;
	s10 =	smax.u32 s11, $0x1  }
0xf: {  	s11 =	simm.s32 $0x5;
	s7 =	sadd.s32 $0x1A00, s7;
	s9 =	sadd.s32 $0x26C00, s9  }
.LBB2_1:
0x10: {  	[tilespmem:s4], [sflag:$0x5] =	stream.linear.gather [hbm4b:s7+s4], $0x2710, $0x38;
	[tilespmem:$0xEF00] =	vst v63  }
0x11: {  	_ =	swait.ge [sflag:s11], $0x2710  }
0x12: {  	[sflag:s11] =	ssyncset.done $0x0  }
0x13: {  	[sflag:s11] =	ssyncadd.s32 $0xFFFFD8F0  }
0x14: {  	[tilespmem:s12], [sflag:$0x5] =	stream.linear.gather [hbm4b:s8+s4], $0x2710, $0x38;
	[tilespmem:$0xEF00] =	vst v63  }
0x15: {  	_ =	swait.ge [sflag:s11], $0x2710  }
0x16: {  	[sflag:s11] =	ssyncset.done $0x0  }
0x17: {  	s25 =	simm.s32 $0x0;
	[sflag:s11] =	ssyncadd.s32 $0xFFFFD8F0  }
.LBB2_2:
0x18: {  	s28 =	smul.u32 $0xA0, s25;
	_ =	sdelay $0x1  }
0x19: {  	[tilespmem:s14], [sflag:$0x1] =	stream.indirect.gather [hbm4b:s1+s13], $0x80, s28, s13, $0xb8;
	[tilespmem:$0xEF00] =	vst v63  }
0x1a: {  	s26 =	sadd.s32 $0x2780, s28  }
0x1b: {  	[tilespmem:s15], [sflag:$0x2] =	stream.indirect.gather [hbm4b:s2+s13], $0x80, s26, s13, $0xb8;
	[tilespmem:$0xEF00] =	vst v63  }
0x1c: {  	s26 =	sadd.s32 $0x50, s28  }
0x1d: {  	[tilespmem:s16], [sflag:$0x3] =	stream.indirect.gather [hbm4b:s1+s13], $0x80, s26, s13, $0xb8;
	[tilespmem:$0xEF00] =	vst v63  }
0x1e: {  	s29 =	sadd.s32 $0x27D0, s28  }
0x1f: {  	[tilespmem:s17], [sflag:$0x4] =	stream.indirect.gather [hbm4b:s2+s13], $0x80, s29, s13, $0xb8;
	[tilespmem:$0xEF00] =	vst v63  }
0x20: {  	_ =	swait.ge [sflag:s18], $0x2800  }
0x21: {  	[sflag:s18] =	ssyncset.done $0x0  }
0x22: {  	[sflag:s18] =	ssyncadd.s32 $0xFFFFD800  }
0x23: {  	_ =	swait.ge [sflag:s19], $0x2800  }
0x24: {  	[sflag:s19] =	ssyncset.done $0x0  }
0x25: {  	s29 =	simm.s32 $0x0;
	[sflag:s19] =	ssyncadd.s32 $0xFFFFD800  }
0x26: {  	v7 =	vld [tilespmem:s29+$0x7700]  }
0x27: {  	v11 =	vld [tilespmem:s29+$0x7710]  }
0x28: {  	v5 =	vld [tilespmem:s29+$0x7720]  }
0x29: {  	v4 =	vld [tilespmem:s29+$0x7730]  }
0x2a: {  	v3 =	vld [tilespmem:s29+$0x7740]  }
0x2b: {  	v2 =	vld [tilespmem:s29+$0x7750]  }
0x2c: {  	v1 =	vld [tilespmem:s29+$0x7760]  }
0x2d: {  	v0 =	vld [tilespmem:s29+$0x7770]  }
0x2e: {  	v12 =	vld [tilespmem:s29+$0x4F00]  }
0x2f: {  	v13 =	vld [tilespmem:s29+$0x4F10]  }
0x30: {  	v10 =	vld [tilespmem:s29+$0x4F20]  }
0x31: {  	v9 =	vld [tilespmem:s29+$0x4F30]  }
0x32: {  	v8 =	vld [tilespmem:s29+$0x4F40]  }
0x33: {  	v6 =	vld [tilespmem:s29+$0x4F50];
	v12 =	vadd.f32 v7, v12  }
0x34: {  	s30 =	simm.s32 $0x200;
	v11 =	vadd.f32 v11, v13;
	v7 =	vld [tilespmem:s29+$0x4F60]  }
.LBB2_3:
0x35: {  	s31 =	sshra.s32 s30, $0x2;
	p0 =	sne.s32 s30, $0x9E00;
	[tilespmem:s29+$0x4F00] =	vst v12;
	v5 =	vadd.f32 v5, v10;
	v10 =	vld [tilespmem:s29+$0x4F70]  }
0x36: {  	v12 =	vld [tilespmem:s31+$0x7700];
	[tilespmem:s29+$0x4F10] =	vst v11;
	v4 =	vadd.f32 v4, v9  }
0x37: {  	v11 =	vld [tilespmem:s31+$0x7710];
	[tilespmem:s29+$0x4F20] =	vst v5;
	v3 =	vadd.f32 v3, v8  }
0x38: {  	v5 =	vld [tilespmem:s31+$0x7720];
	[tilespmem:s29+$0x4F30] =	vst v4;
	v2 =	vadd.f32 v2, v6  }
0x39: {  	v4 =	vld [tilespmem:s31+$0x7730];
	[tilespmem:s29+$0x4F40] =	vst v3;
	v1 =	vadd.f32 v1, v7  }
0x3a: {  	v3 =	vld [tilespmem:s31+$0x7740];
	[tilespmem:s29+$0x4F50] =	vst v2;
	v0 =	vadd.f32 v0, v10  }
0x3b: {  	v2 =	vld [tilespmem:s31+$0x7750];
	[tilespmem:s29+$0x4F60] =	vst v1  }
0x3c: {  	v1 =	vld [tilespmem:s31+$0x7760];
	[tilespmem:s29+$0x4F70] =	vst v0;
	s29 =	smov.u32 s31  }
0x3d: {  	v0 =	vld [tilespmem:s29+$0x7770]  }
0x3e: {  	v6 =	vld [tilespmem:s29+$0x4F00]  }
0x3f: {  	v7 =	vld [tilespmem:s29+$0x4F10]  }
.Ltmp0:
0x40: {  	v10 =	vld [tilespmem:s29+$0x4F20];
	(pc) =	sbr.rel @p0 .LBB2_3-.Ltmp0, $4  }
0x41: {  	v9 =	vld [tilespmem:s29+$0x4F30]  }
0x42: {  	v8 =	vld [tilespmem:s29+$0x4F40]  }
0x43: {  	v12 =	vadd.f32 v12, v6;
	v6 =	vld [tilespmem:s29+$0x4F50]  }
0x44: {  	s30 =	sadd.s32 $0x200, s30;
	v11 =	vadd.f32 v11, v7;
	v7 =	vld [tilespmem:s29+$0x4F60]  }
0x45: {  	[tilespmem:s29+$0x4F00] =	vst v12;
	v5 =	vadd.f32 v5, v10;
	v10 =	vld [tilespmem:s29+$0x4F70]  }
0x46: {  	[tilespmem:s29+$0x4F10] =	vst v11;
	v4 =	vadd.f32 v4, v9  }
0x47: {  	[tilespmem:s29+$0x4F20] =	vst v5;
	v3 =	vadd.f32 v3, v8  }
0x48: {  	[tilespmem:s29+$0x4F30] =	vst v4;
	v2 =	vadd.f32 v2, v6  }
0x49: {  	[tilespmem:s29+$0x4F40] =	vst v3;
	v1 =	vadd.f32 v1, v7  }
0x4a: {  	s28 =	sadd.s32 s5, s28;
	[tilespmem:s29+$0x4F50] =	vst v2;
	v0 =	vadd.f32 v0, v10  }
0x4b: {  	s28 =	sshll.u32 s28, $0x4;
	[tilespmem:s29+$0x4F60] =	vst v1  }
0x4c: {  	s28 =	sadd.s32 s6, s28;
	[tilespmem:s29+$0x4F70] =	vst v0;
	s29 =	simm.s32 $0x0  }
0x4d: {  	[hbm4b:s28+s29] =	stream.linear.scatter [tilespmem:s14], [sflag:$0x5], $0x2800, $0x38;
	[tilespmem:$0xEF00] =	vst v63  }
0x4e: {  	_ =	swait.ge [sflag:s11], $0x2800  }
0x4f: {  	[sflag:s11] =	ssyncset.done $0x0  }
0x50: {  	[sflag:s11] =	ssyncadd.s32 $0xFFFFD800  }
0x51: {  	_ =	swait.ge [sflag:s20], $0x2800  }
0x52: {  	[sflag:s20] =	ssyncset.done $0x0  }
0x53: {  	[sflag:s20] =	ssyncadd.s32 $0xFFFFD800  }
0x54: {  	_ =	swait.ge [sflag:s21], $0x2800  }
0x55: {  	[sflag:s21] =	ssyncset.done $0x0  }
0x56: {  	s28 =	simm.s32 $0x0;
	[sflag:s21] =	ssyncadd.s32 $0xFFFFD800  }
0x57: {  	v7 =	vld [tilespmem:s28+$0xC700]  }
0x58: {  	v11 =	vld [tilespmem:s28+$0xC710]  }
0x59: {  	v5 =	vld [tilespmem:s28+$0xC720]  }
0x5a: {  	v4 =	vld [tilespmem:s28+$0xC730]  }
0x5b: {  	v3 =	vld [tilespmem:s28+$0xC740]  }
0x5c: {  	v2 =	vld [tilespmem:s28+$0xC750]  }
0x5d: {  	v1 =	vld [tilespmem:s28+$0xC760]  }
0x5e: {  	v0 =	vld [tilespmem:s28+$0xC770]  }
0x5f: {  	v12 =	vld [tilespmem:s28+$0x9F00]  }
0x60: {  	v13 =	vld [tilespmem:s28+$0x9F10]  }
0x61: {  	v10 =	vld [tilespmem:s28+$0x9F20]  }
0x62: {  	v9 =	vld [tilespmem:s28+$0x9F30]  }
0x63: {  	v8 =	vld [tilespmem:s28+$0x9F40]  }
0x64: {  	v6 =	vld [tilespmem:s28+$0x9F50];
	v12 =	vadd.f32 v7, v12  }
0x65: {  	s29 =	simm.s32 $0x200;
	v11 =	vadd.f32 v11, v13;
	v7 =	vld [tilespmem:s28+$0x9F60]  }
.LBB2_5:
0x66: {  	s30 =	sshra.s32 s29, $0x2;
	p0 =	sne.s32 s29, $0x9E00;
	[tilespmem:s28+$0x9F00] =	vst v12;
	v5 =	vadd.f32 v5, v10;
	v10 =	vld [tilespmem:s28+$0x9F70]  }
0x67: {  	v12 =	vld [tilespmem:s30+$0xC700];
	[tilespmem:s28+$0x9F10] =	vst v11;
	v4 =	vadd.f32 v4, v9  }
0x68: {  	v11 =	vld [tilespmem:s30+$0xC710];
	[tilespmem:s28+$0x9F20] =	vst v5;
	v3 =	vadd.f32 v3, v8  }
0x69: {  	v5 =	vld [tilespmem:s30+$0xC720];
	[tilespmem:s28+$0x9F30] =	vst v4;
	v2 =	vadd.f32 v2, v6  }
0x6a: {  	v4 =	vld [tilespmem:s30+$0xC730];
	[tilespmem:s28+$0x9F40] =	vst v3;
	v1 =	vadd.f32 v1, v7  }
0x6b: {  	v3 =	vld [tilespmem:s30+$0xC740];
	[tilespmem:s28+$0x9F50] =	vst v2;
	v0 =	vadd.f32 v0, v10  }
0x6c: {  	v2 =	vld [tilespmem:s30+$0xC750];
	[tilespmem:s28+$0x9F60] =	vst v1  }
0x6d: {  	v1 =	vld [tilespmem:s30+$0xC760];
	[tilespmem:s28+$0x9F70] =	vst v0;
	s28 =	smov.u32 s30  }
0x6e: {  	v0 =	vld [tilespmem:s28+$0xC770]  }
0x6f: {  	v6 =	vld [tilespmem:s28+$0x9F00]  }
0x70: {  	v7 =	vld [tilespmem:s28+$0x9F10]  }
.Ltmp1:
0x71: {  	v10 =	vld [tilespmem:s28+$0x9F20];
	(pc) =	sbr.rel @p0 .LBB2_5-.Ltmp1, $4  }
0x72: {  	v9 =	vld [tilespmem:s28+$0x9F30]  }
0x73: {  	v8 =	vld [tilespmem:s28+$0x9F40]  }
0x74: {  	v12 =	vadd.f32 v12, v6;
	v6 =	vld [tilespmem:s28+$0x9F50]  }
0x75: {  	s29 =	sadd.s32 $0x200, s29;
	v11 =	vadd.f32 v11, v7;
	v7 =	vld [tilespmem:s28+$0x9F60]  }
0x76: {  	[tilespmem:s28+$0x9F00] =	vst v12;
	v5 =	vadd.f32 v5, v10;
	v63 =	vld [tilespmem:s28+$0x9F70]  }
0x77: {  	[tilespmem:s28+$0x9F10] =	vst v11;
	v4 =	vadd.f32 v4, v9  }
0x78: {  	[tilespmem:s28+$0x9F20] =	vst v5;
	v3 =	vadd.f32 v3, v8  }
0x79: {  	[tilespmem:s28+$0x9F30] =	vst v4;
	v2 =	vadd.f32 v2, v6  }
0x7a: {  	[tilespmem:s28+$0x9F40] =	vst v3;
	v1 =	vadd.f32 v1, v7  }
0x7b: {  	s26 =	sadd.s32 s5, s26;
	s25 =	sadd.s32 $0x1, s25;
	[tilespmem:s28+$0x9F50] =	vst v2;
	v0 =	vadd.f32 v0, v63  }
0x7c: {  	s26 =	sshll.u32 s26, $0x4;
	p0 =	sne.s32 s25, $0x3E;
	[tilespmem:s28+$0x9F60] =	vst v1  }
.Ltmp2:
0x7d: {  	s26 =	sadd.s32 s6, s26;
	[tilespmem:s28+$0x9F70] =	vst v0;
	(pc) =	sbr.rel @p0 .LBB2_2-.Ltmp2, $4  }
0x7e: {  	[hbm4b:s26+s4] =	stream.linear.scatter [tilespmem:s16], [sflag:$0x5], $0x2800, $0x38;
	[tilespmem:$0xEF00] =	vst v63  }
0x7f: {  	_ =	swait.ge [sflag:s11], $0x2800  }
0x80: {  	[sflag:s11] =	ssyncset.done $0x0  }
0x81: {  	[sflag:s11] =	ssyncadd.s32 $0xFFFFD800  }
0x82: {  	[tilespmem:s14], [sflag:$0x1] =	stream.indirect.gather [hbm4b:s1+s13], $0x80, s22, s13, $0xb8;
	[tilespmem:$0xEF00] =	vst v63  }
0x83: {  	_ = 	snop  }
0x84: {  	[tilespmem:s15], [sflag:$0x2] =	stream.indirect.gather [hbm4b:s2+s13], $0x80, s23, s13, $0xb8;
	[tilespmem:$0xEF00] =	vst v63  }
0x85: {  	_ =	swait.ge [sflag:s18], $0x2800  }
0x86: {  	[sflag:s18] =	ssyncset.done $0x0  }
0x87: {  	[sflag:s18] =	ssyncadd.s32 $0xFFFFD800  }
0x88: {  	_ =	swait.ge [sflag:s19], $0x2800  }
0x89: {  	[sflag:s19] =	ssyncset.done $0x0  }
0x8a: {  	s25 =	simm.s32 $0x0;
	[sflag:s19] =	ssyncadd.s32 $0xFFFFD800  }
0x8b: {  	v7 =	vld [tilespmem:s25+$0x7700]  }
0x8c: {  	v11 =	vld [tilespmem:s25+$0x7710]  }
0x8d: {  	v5 =	vld [tilespmem:s25+$0x7720]  }
0x8e: {  	v4 =	vld [tilespmem:s25+$0x7730]  }
0x8f: {  	v3 =	vld [tilespmem:s25+$0x7740]  }
0x90: {  	v2 =	vld [tilespmem:s25+$0x7750]  }
0x91: {  	v1 =	vld [tilespmem:s25+$0x7760]  }
0x92: {  	v0 =	vld [tilespmem:s25+$0x7770]  }
0x93: {  	v12 =	vld [tilespmem:s25+$0x4F00]  }
0x94: {  	v13 =	vld [tilespmem:s25+$0x4F10]  }
0x95: {  	v10 =	vld [tilespmem:s25+$0x4F20]  }
0x96: {  	v9 =	vld [tilespmem:s25+$0x4F30]  }
0x97: {  	v8 =	vld [tilespmem:s25+$0x4F40]  }
0x98: {  	v6 =	vld [tilespmem:s25+$0x4F50];
	v12 =	vadd.f32 v7, v12  }
0x99: {  	s26 =	simm.s32 $0x200;
	v11 =	vadd.f32 v11, v13;
	v7 =	vld [tilespmem:s25+$0x4F60]  }
.LBB2_8:
0x9a: {  	s28 =	sshra.s32 s26, $0x2;
	p0 =	sne.s32 s26, $0x9E00;
	[tilespmem:s25+$0x4F00] =	vst v12;
	v5 =	vadd.f32 v5, v10;
	v10 =	vld [tilespmem:s25+$0x4F70]  }
0x9b: {  	v12 =	vld [tilespmem:s28+$0x7700];
	[tilespmem:s25+$0x4F10] =	vst v11;
	v4 =	vadd.f32 v4, v9  }
0x9c: {  	v11 =	vld [tilespmem:s28+$0x7710];
	[tilespmem:s25+$0x4F20] =	vst v5;
	v3 =	vadd.f32 v3, v8  }
0x9d: {  	v5 =	vld [tilespmem:s28+$0x7720];
	[tilespmem:s25+$0x4F30] =	vst v4;
	v2 =	vadd.f32 v2, v6  }
0x9e: {  	v4 =	vld [tilespmem:s28+$0x7730];
	[tilespmem:s25+$0x4F40] =	vst v3;
	v1 =	vadd.f32 v1, v7  }
0x9f: {  	v3 =	vld [tilespmem:s28+$0x7740];
	[tilespmem:s25+$0x4F50] =	vst v2;
	v0 =	vadd.f32 v0, v10  }
0xa0: {  	v2 =	vld [tilespmem:s28+$0x7750];
	[tilespmem:s25+$0x4F60] =	vst v1  }
0xa1: {  	v1 =	vld [tilespmem:s28+$0x7760];
	[tilespmem:s25+$0x4F70] =	vst v0;
	s25 =	smov.u32 s28  }
0xa2: {  	v0 =	vld [tilespmem:s25+$0x7770]  }
0xa3: {  	v6 =	vld [tilespmem:s25+$0x4F00]  }
0xa4: {  	v7 =	vld [tilespmem:s25+$0x4F10]  }
.Ltmp3:
0xa5: {  	v10 =	vld [tilespmem:s25+$0x4F20];
	(pc) =	sbr.rel @p0 .LBB2_8-.Ltmp3, $4  }
0xa6: {  	v9 =	vld [tilespmem:s25+$0x4F30]  }
0xa7: {  	v8 =	vld [tilespmem:s25+$0x4F40]  }
0xa8: {  	v12 =	vadd.f32 v12, v6;
	v6 =	vld [tilespmem:s25+$0x4F50]  }
0xa9: {  	s26 =	sadd.s32 $0x200, s26;
	v11 =	vadd.f32 v11, v7;
	v7 =	vld [tilespmem:s25+$0x4F60]  }
0xaa: {  	[tilespmem:s25+$0x4F00] =	vst v12;
	v5 =	vadd.f32 v5, v10;
	v63 =	vld [tilespmem:s25+$0x4F70]  }
0xab: {  	[tilespmem:s25+$0x4F10] =	vst v11;
	v4 =	vadd.f32 v4, v9  }
0xac: {  	[tilespmem:s25+$0x4F20] =	vst v5;
	v3 =	vadd.f32 v3, v8  }
0xad: {  	[tilespmem:s25+$0x4F30] =	vst v4;
	v2 =	vadd.f32 v2, v6  }
0xae: {  	[tilespmem:s25+$0x4F40] =	vst v3;
	v1 =	vadd.f32 v1, v7  }
0xaf: {  	s24 =	sadd.s32 $0x1, s24;
	[tilespmem:s25+$0x4F50] =	vst v2;
	v0 =	vadd.f32 v0, v63  }
0xb0: {  	p0 =	sne.s32 s24, s10;
	[tilespmem:s25+$0x4F60] =	vst v1  }
.Ltmp4:
0xb1: {  	[tilespmem:s25+$0x4F70] =	vst v0;
	(pc) =	sbr.rel @p0 .LBB2_1-.Ltmp4, $4  }
0xb2: {  	[hbm4b:s9+s4] =	stream.linear.scatter [tilespmem:s14], [sflag:$0x5], $0x2800, $0x38;
	[tilespmem:$0xEF00] =	vst v63  }
0xb3: {  	_ =	swait.ge [sflag:s11], $0x2800  }
0xb4: {  	[sflag:s11] =	ssyncset.done $0x0  }
0xb5: {  	[sflag:s11] =	ssyncadd.s32 $0xFFFFD800  }
0xb6: {  	_ =	sfence.sel $0x180000  }
0xb7: {  	[bflag:$0x0] =	sbarrier.arrive $0xFFFF  }
0xb8: {  	p0 =	sne.s32 s0, $0x0;
	_ =	strace $0x90000047  }
0xb9: {  	s0 =	sadd.s32 @!p0 $0x100000, s3;
	[bflag:$0x2] =	sbarrier.arrive $0xFFFF  }
0xba: {  	[sflag:s0] =	ssyncadd.tile.s32 @!p0 $0x1;
	_ =	shalt  }
.Lfunc_end2:
_tile_overlayer_lowered:
.L_overlay_start_2:
0xbb: {  	(tag) =	ssettag $0x2  }
0xbc: {  	s0 =	rddreg [dreg:$0x0];
	s2 =	stileid.u32  }
0xbd: {  	s1 =	rddreg [dreg:$0x1];
	p0 =	sne.s32 s2, $0x0  }
0xbe: {  	s3 =	rddreg [dreg:$0x2];
	[bflag:$0x3] =	sbarrier.arrive $0xFFFF;
	s2 =	simm.s32 @!p0 $0x1C05  }
0xbf: {  	[timem:s3], [sflag:s2] =	dma.local @!p0 [hbm:s0], s1  }
0xc0: {  	s0 =	simm.s32 @!p0 $0x5  }
0xc1: {  	_ =	swait.ge @!p0 [sflag:s0], s1  }
0xc2: {  	s1 =	ssub.s32 @!p0 $0x0, s1;
	[sflag:s0] =	ssyncset.done @!p0 $0x0  }
0xc3: {  	[sflag:s0] =	ssyncadd.s32 @!p0 s1  }
0xc4: {  	[bflag:$0x3] =	sbarrier.arrive $0xFFFF  }
0xc5: {  	_ =	shalt  }

</sc_bundles>
